<compile_context>
chip_gen: v7x
topology: tpu7x:2x2x1
jax: 0.10.2.dev20260603
libtpu: 0.0.44.dev20260713+nightly
codegen_flags: <defaults>
</compile_context>

<pallas_src>
import functools

import jax
import jax.numpy as jnp
from jax import lax
from jax.experimental import pallas as pl
from jax.experimental.pallas import tpu as pltpu
from jax.experimental.pallas import tpu_sc as plsc

_D = 32
_H = 4
_HD = 8
_BE = 512
_BN = 512
_CH = 10000


def _chunks(e):
    out, off = [], 0
    while off < e:
        sz = min(_CH, e - off)
        out.append((off, sz))
        off += sz
    return out


def _edge_body(wsk, wdk, wsv, wdv, bk, bv, fut, fvt, qt, v_out, e_out):
    be = fut.shape[1]
    fu = fut[...]
    fv = fvt[...]
    k3 = (wsk[...].reshape(_D, _D, be) * fu[None, :, :]
          + wdk[...].reshape(_D, _D, be) * fv[None, :, :]).sum(axis=1)
    k = jnp.maximum(k3 + bk[...], 0.0)
    v3 = (wsv[...].reshape(_D, _D, be) * fu[None, :, :]
          + wdv[...].reshape(_D, _D, be) * fv[None, :, :]).sum(axis=1)
    v = jnp.maximum(v3 + bv[...], 0.0)
    attn = (k.reshape(_H, _HD, be) * qt[...].reshape(_H, _HD, be)).sum(axis=1)
    v_out[...] = v
    e_out[...] = jnp.exp(attn)


def _node_body(nw, nb, ut, st, ft, lnw, lnb, out):
    bn = nw.shape[1]
    s32 = jnp.broadcast_to(st[...][:, None, :], (_H, _HD, bn)).reshape(_D, bn)
    pre = ut[...] / (s32 + 1e-9)
    lin = (nw[...].reshape(_D, _D, bn) * pre[None, :, :]).sum(axis=1)
    node = jnp.maximum(lin + nb[...], 0.0) + ft[...]
    mu = jnp.mean(node, axis=0, keepdims=True)
    xc = node - mu
    var = jnp.mean(xc * xc, axis=0, keepdims=True)
    y = xc / jnp.sqrt(var + 1e-5)
    out[...] = y * lnw[...] + lnb[...]


def _wid():
    return lax.axis_index("s") * 2 + lax.axis_index("c")


@functools.cache
def _make_sc_gather(n, e):
    mesh = plsc.VectorSubcoreMesh(core_axis_name="c", subcore_axis_name="s")

    @functools.partial(
        pl.kernel,
        mesh=mesh,
        compiler_params=pltpu.CompilerParams(needs_layout_passes=False),
        out_type=[
            jax.ShapeDtypeStruct((_D * e,), jnp.float32),
            jax.ShapeDtypeStruct((_D * e,), jnp.float32),
            jax.ShapeDtypeStruct((_D * e,), jnp.float32),
        ],
        scratch_types=[
            pltpu.VMEM((n,), jnp.float32),
            pltpu.VMEM((n,), jnp.float32),
            pltpu.VMEM((_CH,), jnp.int32),
            pltpu.VMEM((_CH,), jnp.int32),
            pltpu.VMEM((_CH,), jnp.float32),
            pltpu.VMEM((_CH,), jnp.float32),
            pltpu.VMEM((_CH,), jnp.float32),
        ],
    )
    def gather_k(featT, qT, src, dst, fuT, fvT, qdT,
                 tab_f, tab_q, src_v, dst_v, fu_v, fv_v, qd_v):
        t = _wid()
        pltpu.sync_copy(featT.at[pl.ds(t * n, n)], tab_f)
        pltpu.sync_copy(qT.at[pl.ds(t * n, n)], tab_q)

        for base, sz in _chunks(e):
            pltpu.sync_copy(src.at[pl.ds(base, sz)], src_v.at[pl.ds(0, sz)])
            pltpu.sync_copy(dst.at[pl.ds(base, sz)], dst_v.at[pl.ds(0, sz)])

            @plsc.parallel_loop(0, sz // 16, unroll=8)
            def gloop(i):
                o = i * 16
                si = src_v[pl.ds(o, 16)]
                di = dst_v[pl.ds(o, 16)]
                fu_v[pl.ds(o, 16)] = plsc.load_gather(tab_f, [si])
                fv_v[pl.ds(o, 16)] = plsc.load_gather(tab_f, [di])
                qd_v[pl.ds(o, 16)] = plsc.load_gather(tab_q, [di])

            pltpu.sync_copy(fu_v.at[pl.ds(0, sz)],
                            fuT.at[pl.ds(t * e + base, sz)])
            pltpu.sync_copy(fv_v.at[pl.ds(0, sz)],
                            fvT.at[pl.ds(t * e + base, sz)])
            pltpu.sync_copy(qd_v.at[pl.ds(0, sz)],
                            qdT.at[pl.ds(t * e + base, sz)])

    return gather_k


@functools.cache
def _make_sc_scatter(n, e):
    mesh = plsc.VectorSubcoreMesh(core_axis_name="c", subcore_axis_name="s")

    @functools.partial(
        pl.kernel,
        mesh=mesh,
        compiler_params=pltpu.CompilerParams(needs_layout_passes=False),
        out_type=[
            jax.ShapeDtypeStruct((_D * n,), jnp.float32),
            jax.ShapeDtypeStruct((_H * n,), jnp.float32),
        ],
        scratch_types=[
            pltpu.VMEM((n,), jnp.float32),
            pltpu.VMEM((n,), jnp.float32),
            pltpu.VMEM((_CH,), jnp.int32),
            pltpu.VMEM((_CH,), jnp.float32),
            pltpu.VMEM((_CH,), jnp.float32),
            pltpu.VMEM((_CH,), jnp.float32),
        ],
    )
    def scatter_k(vT, eT, dst, uT, sT,
                  acc_u, acc_s, dst_v, v_v, e_v, e2_v):
        t = _wid()
        h = t // _HD
        zero = jnp.zeros((16,), jnp.float32)

        @plsc.parallel_loop(0, n // 16, unroll=8)
        def zloop(i):
            acc_u[pl.ds(i * 16, 16)] = zero
            acc_s[pl.ds(i * 16, 16)] = zero

        for base, sz in _chunks(e):
            pltpu.sync_copy(dst.at[pl.ds(base, sz)], dst_v.at[pl.ds(0, sz)])
            pltpu.sync_copy(vT.at[pl.ds(t * e + base, sz)],
                            v_v.at[pl.ds(0, sz)])
            pltpu.sync_copy(eT.at[pl.ds(h * e + base, sz)],
                            e_v.at[pl.ds(0, sz)])

            @plsc.parallel_loop(0, sz // 16, unroll=8)
            def sloop(i):
                o = i * 16
                di = dst_v[pl.ds(o, 16)]
                plsc.addupdate_scatter(
                    acc_u, [di], v_v[pl.ds(o, 16)] * e_v[pl.ds(o, 16)])

            @pl.when(t < _H)
            def _s_scatter():
                pltpu.sync_copy(eT.at[pl.ds(t * e + base, sz)],
                                e2_v.at[pl.ds(0, sz)])

                @plsc.parallel_loop(0, sz // 16, unroll=8)
                def sloop2(i):
                    o = i * 16
                    di = dst_v[pl.ds(o, 16)]
                    plsc.addupdate_scatter(acc_s, [di], e2_v[pl.ds(o, 16)])

        pltpu.sync_copy(acc_u, uT.at[pl.ds(t * n, n)])

        @pl.when(t < _H)
        def _emit_s():
            pltpu.sync_copy(acc_s, sT.at[pl.ds(t * n, n)])

    return scatter_k


@functools.cache
def _make_sc_aemit(n, ep, rs):
    mesh = plsc.VectorSubcoreMesh(core_axis_name="c", subcore_axis_name="s")

    @functools.partial(
        pl.kernel,
        mesh=mesh,
        compiler_params=pltpu.CompilerParams(needs_layout_passes=False),
        out_type=jax.ShapeDtypeStruct((_H * ep,), jnp.float32),
        scratch_types=[
            pltpu.VMEM((n,), jnp.float32),
            pltpu.VMEM((rs,), jnp.int32),
            pltpu.VMEM((rs,), jnp.float32),
            pltpu.VMEM((rs,), jnp.float32),
        ],
    )
    def aemit_k(eTp, dstp, sflat, aT, tab_s, dst_v, e_v, a_v):
        t = _wid()
        hh = t % _H
        start = (t // _H) * rs
        pltpu.sync_copy(sflat.at[pl.ds(hh * n, n)], tab_s)
        pltpu.sync_copy(dstp.at[pl.ds(start, rs)], dst_v)
        pltpu.sync_copy(eTp.at[pl.ds(hh * ep + start, rs)], e_v)

        @plsc.parallel_loop(0, rs // 16, unroll=8)
        def gloop(i):
            o = i * 16
            di = dst_v[pl.ds(o, 16)]
            s16 = plsc.load_gather(tab_s, [di])
            a_v[pl.ds(o, 16)] = e_v[pl.ds(o, 16)] / (s16 + 1e-9)

        pltpu.sync_copy(a_v, aT.at[pl.ds(hh * ep + start, rs)])

    return aemit_k


def _edge_call(block_off, n_blocks, ep, wskT, wdkT, wsvT, wdvT, bkT, bvT,
               fuT, fvT, qdT):
    wspec = pl.BlockSpec((_D * _D, _BE), lambda j: (0, j + block_off))
    espec = pl.BlockSpec((_D, _BE), lambda j: (0, j + block_off))
    pspec = pl.BlockSpec((_D, _BE), lambda j: (0, j))
    hspec = pl.BlockSpec((_H, _BE), lambda j: (0, j))
    return pl.pallas_call(
        _edge_body,
        grid=(n_blocks,),
        in_specs=[wspec, wspec, wspec, wspec, espec, espec, pspec, pspec,
                  pspec],
        out_specs=[pspec, hspec],
        out_shape=[
            jax.ShapeDtypeStruct((_D, ep), jnp.float32),
            jax.ShapeDtypeStruct((_H, ep), jnp.float32),
        ],
    )(wskT, wdkT, wsvT, wdvT, bkT, bvT, fuT, fvT, qdT)


def kernel(feat, edge_index, query, node_weight, node_bias, src_key_weight,
           dst_key_weight, src_key_bias, dst_key_bias, src_value_weight,
           dst_value_weight, src_value_bias, dst_value_bias, ln_weight, ln_bias):
    n = feat.shape[0]
    e_cnt = edge_index.shape[1]
    src = edge_index[0]
    dst = edge_index[1]

    nb = pl.cdiv(e_cnt, _BE)
    nb1 = (2 * nb) // 3
    ep1 = nb1 * _BE
    ep2 = e_cnt - ep1
    nb2 = nb - nb1

    wskT = jnp.transpose(src_key_weight, (1, 2, 3, 0)).reshape(_D * _D, e_cnt)
    wdkT = jnp.transpose(dst_key_weight, (1, 2, 3, 0)).reshape(_D * _D, e_cnt)
    wsvT = jnp.transpose(src_value_weight, (1, 2, 3, 0)).reshape(_D * _D, e_cnt)
    wdvT = jnp.transpose(dst_value_weight, (1, 2, 3, 0)).reshape(_D * _D, e_cnt)
    bkT = (jnp.transpose(src_key_bias, (1, 2, 0))
           + jnp.transpose(dst_key_bias, (1, 2, 0))).reshape(_D, e_cnt)
    bvT = (jnp.transpose(src_value_bias, (1, 2, 0))
           + jnp.transpose(dst_value_bias, (1, 2, 0))).reshape(_D, e_cnt)

    featT_flat = jnp.transpose(feat, (1, 0)).reshape(_D * n)
    qT_flat = jnp.transpose(query.reshape(n, _D), (1, 0)).reshape(_D * n)

    parts = []
    for (e_off, b_off, nbp, ep) in ((0, 0, nb1, ep1), (ep1, nb1, nb2, ep2)):
        srcp = lax.slice(src, (e_off,), (e_off + ep,))
        dstp = lax.slice(dst, (e_off,), (e_off + ep,))
        fuT_f, fvT_f, qdT_f = _make_sc_gather(n, ep)(
            featT_flat, qT_flat, srcp, dstp)
        vT, eT = _edge_call(
            b_off, nbp, ep, wskT, wdkT, wsvT, wdvT, bkT, bvT,
            fuT_f.reshape(_D, ep), fvT_f.reshape(_D, ep),
            qdT_f.reshape(_D, ep))
        uT_f, sT_f = _make_sc_scatter(n, ep)(
            vT.reshape(_D * ep), eT.reshape(_H * ep), dstp)
        parts.append((vT, eT, uT_f, sT_f))

    (vT1, eT1, uT1, sT1), (vT2, eT2, uT2, sT2) = parts
    uT = (uT1 + uT2).reshape(_D, n)
    sflat = sT1 + sT2

    rs = 16 * pl.cdiv(e_cnt, 8 * 16)
    ep_pad = 8 * rs
    eT_full = jnp.concatenate([eT1, eT2], axis=1)
    eT_pad = jnp.pad(eT_full, ((0, 0), (0, ep_pad - e_cnt))).reshape(-1)
    dst_pad = jnp.pad(dst, (0, ep_pad - e_cnt))
    aT_f = _make_sc_aemit(n, ep_pad, rs)(eT_pad, dst_pad, sflat)
    attn_weight = aT_f.reshape(_H, ep_pad)[:, :e_cnt].T

    nwT = jnp.transpose(node_weight, (1, 2, 0)).reshape(_D * _D, n)
    nbT = jnp.transpose(node_bias, (1, 0))
    featT = jnp.transpose(feat, (1, 0))

    grid_n = pl.cdiv(n, _BN)
    nodeT = pl.pallas_call(
        _node_body,
        grid=(grid_n,),
        in_specs=[
            pl.BlockSpec((_D * _D, _BN), lambda j: (0, j)),
            pl.BlockSpec((_D, _BN), lambda j: (0, j)),
            pl.BlockSpec((_D, _BN), lambda j: (0, j)),
            pl.BlockSpec((_H, _BN), lambda j: (0, j)),
            pl.BlockSpec((_D, _BN), lambda j: (0, j)),
            pl.BlockSpec((_D, 1), lambda j: (0, 0)),
            pl.BlockSpec((_D, 1), lambda j: (0, 0)),
        ],
        out_specs=pl.BlockSpec((_D, _BN), lambda j: (0, j)),
        out_shape=jax.ShapeDtypeStruct((_D, n), jnp.float32),
    )(nwT, nbT, uT, sflat.reshape(_H, n), featT, ln_weight.reshape(_D, 1),
      ln_bias.reshape(_D, 1))

    edge_feat = jnp.concatenate([vT1, vT2], axis=1).T
    return nodeT.T, edge_feat, attn_weight

# --- scband reference (transcript-rebuilt; emitter-appended) ---
"""Pipeline reference for scband-hetero-attn-conv-40956808134667 (READ-ONLY COPY).

The authoritative reference and input builder live on the scoring server;
editing this copy changes nothing except your own understanding.
"""

import jax, jax.numpy as jnp
import numpy as np

N = 10000
E = 50000
D = 32
H = 4
HD = 8


def setup_inputs(seed: int = 0) -> dict:
    key = jax.random.key(seed)
    ks = jax.random.split(key, 16)
    s = 0.1
    inp = {}
    inp["feat"] = jax.random.normal(ks[0], (N, D), dtype=jnp.float32)
    inp["edge_index"] = jax.random.randint(ks[1], (2, E), 0, N, dtype=jnp.int32)
    inp["query"] = jax.random.normal(ks[2], (N, H, HD), dtype=jnp.float32) * s
    inp["node_weight"] = jax.random.normal(ks[3], (N, D, D), dtype=jnp.float32) * s
    inp["node_bias"] = jax.random.normal(ks[4], (N, D), dtype=jnp.float32) * s
    inp["src_key_weight"] = jax.random.normal(ks[5], (E, H, HD, D), dtype=jnp.float32) * s
    inp["dst_key_weight"] = jax.random.normal(ks[6], (E, H, HD, D), dtype=jnp.float32) * s
    inp["src_key_bias"] = jax.random.normal(ks[7], (E, H, HD), dtype=jnp.float32) * s
    inp["dst_key_bias"] = jax.random.normal(ks[8], (E, H, HD), dtype=jnp.float32) * s
    inp["src_value_weight"] = jax.random.normal(ks[9], (E, H, HD, D), dtype=jnp.float32) * s
    inp["dst_value_weight"] = jax.random.normal(ks[10], (E, H, HD, D), dtype=jnp.float32) * s
    inp["src_value_bias"] = jax.random.normal(ks[11], (E, H, HD), dtype=jnp.float32) * s
    inp["dst_value_bias"] = jax.random.normal(ks[12], (E, H, HD), dtype=jnp.float32) * s
    inp["ln_weight"] = jnp.ones((D,), dtype=jnp.float32)
    inp["ln_bias"] = jnp.zeros((D,), dtype=jnp.float32)
    return inp


def _edge_softmax(attn, dst, n):
    m = jax.ops.segment_max(attn, dst, num_segments=n)
    m = jnp.where(jnp.isfinite(m), m, 0.0)
    e = jnp.exp(attn - m[dst])
    s = jax.ops.segment_sum(e, dst, num_segments=n)
    return e / (s[dst] + 1e-9)


def reference(feat, edge_index, query, node_weight, node_bias,
              src_key_weight, dst_key_weight, src_key_bias, dst_key_bias,
              src_value_weight, dst_value_weight, src_value_bias, dst_value_bias,
              ln_weight, ln_bias):
    n = feat.shape[0]
    src = edge_index[0]
    dst = edge_index[1]
    fu = feat[src]
    fv = feat[dst]
    # edgewise_linear for KEY: per-edge linear on src and dst feats, relu (dropout=0)
    k = jax.nn.relu(
        jnp.einsum('ehdi,ei->ehd', src_key_weight, fu) + src_key_bias
        + jnp.einsum('ehdi,ei->ehd', dst_key_weight, fv) + dst_key_bias)
    # edgewise_linear for VALUE
    v = jax.nn.relu(
        jnp.einsum('ehdi,ei->ehd', src_value_weight, fu) + src_value_bias
        + jnp.einsum('ehdi,ei->ehd', dst_value_weight, fv) + dst_value_bias)
    # e_dot_v(KEY, QUERY): per-head dot with dst-node query -> (E, H, 1)
    attn = jnp.sum(k * query[dst], axis=-1, keepdims=True)
    a = _edge_softmax(attn, dst, n)
    msg = v * a
    node = jax.ops.segment_sum(msg, dst, num_segments=n).reshape(n, -1)
    # nodewise_linear with per-node weight/bias + relu
    node = jax.nn.relu(jnp.einsum('noi,ni->no', node_weight, node) + node_bias)
    # residual
    node = feat + node
    # LayerNorm
    mu = jnp.mean(node, axis=-1, keepdims=True)
    var = jnp.var(node, axis=-1, keepdims=True)
    node = (node - mu) / jnp.sqrt(var + 1e-5) * ln_weight + ln_bias
    edge_feat = v.reshape(v.shape[0], -1)
    attn_weight = a.reshape(a.shape[0], -1)
    return node, edge_feat, attn_weight

if __name__ == "__main__":
    import jax
    _d = setup_inputs()
    print(jax.jit(kernel)(*tuple(_d.values())))

</pallas_src>

<mosaic_0001>
#map = affine_map<(d0, d1) -> (0)>
module attributes {stable_mosaic.version = 14 : i64} {
  func.func @gather_k(%arg0: i32, %arg1: i32, %arg2: memref<320000xf32, #tpu.memory_space<hbm>>, %arg3: memref<320000xf32, #tpu.memory_space<hbm>>, %arg4: memref<16720xi32, #tpu.memory_space<hbm>>, %arg5: memref<16720xi32, #tpu.memory_space<hbm>>, %arg6: memref<535040xf32, #tpu.memory_space<hbm>>, %arg7: memref<535040xf32, #tpu.memory_space<hbm>>, %arg8: memref<535040xf32, #tpu.memory_space<hbm>>, %arg9: memref<10000xf32, #tpu.memory_space<vmem>>, %arg10: memref<10000xf32, #tpu.memory_space<vmem>>, %arg11: memref<10000xi32, #tpu.memory_space<vmem>>, %arg12: memref<10000xi32, #tpu.memory_space<vmem>>, %arg13: memref<10000xf32, #tpu.memory_space<vmem>>, %arg14: memref<10000xf32, #tpu.memory_space<vmem>>, %arg15: memref<10000xf32, #tpu.memory_space<vmem>>) attributes {dimension_semantics = [#tpu.dimension_semantics<core_parallel>, #tpu.dimension_semantics<subcore_parallel>], iteration_bounds = array<i64: 2, 16>, scalar_prefetch = 0 : i64, scratch_operands = 7 : i64, tpu.core_type = #tpu.core_type<sc_vector_subcore>, window_params = [{transform_indices = #map}, {transform_indices = #map}, {transform_indices = #map}, {transform_indices = #map}, {transform_indices = #map}, {transform_indices = #map}, {transform_indices = #map}]} {
    %mul3A = arith.constant 2 : i32
    %mul3A_0 = arith.muli %arg1, %mul3A : i32
    %add3A = arith.addi %mul3A_0, %arg0 : i32
    %mul3A_1 = arith.constant 10000 : i32
    %mul3A_2 = arith.muli %add3A, %mul3A_1 : i32
    "tpu.region"() ({
      %run_scoped3A = tpu.sem_alloc : memref<!tpu.dma_semaphore, #tpu.memory_space<semaphore_mem>>
      %dma_start3A = tpu.memref_slice %arg2[%mul3A_2] : memref<320000xf32, #tpu.memory_space<hbm>> -> memref<10000xf32, #tpu.memory_space<hbm>>
      %dma_start3A_34 = tpu.memref_slice %arg2[%mul3A_2] : memref<320000xf32, #tpu.memory_space<hbm>> -> memref<10000xf32, #tpu.memory_space<hbm>>
      tpu.enqueue_dma source(%dma_start3A_34 : memref<10000xf32, #tpu.memory_space<hbm>>) target(%arg9 : memref<10000xf32, #tpu.memory_space<vmem>>) target_semaphore(%run_scoped3A : memref<!tpu.dma_semaphore, #tpu.memory_space<semaphore_mem>>)
      %dma_wait3A = tpu.memref_slice %arg2[%mul3A_2] : memref<320000xf32, #tpu.memory_space<hbm>> -> memref<10000xf32, #tpu.memory_space<hbm>>
      %dma_wait3A_35 = tpu.memref_slice %arg2[%mul3A_2] : memref<320000xf32, #tpu.memory_space<hbm>> -> memref<10000xf32, #tpu.memory_space<hbm>>
      tpu.wait_dma2 semaphore(%run_scoped3A : memref<!tpu.dma_semaphore, #tpu.memory_space<semaphore_mem>>) src(%dma_wait3A_35 : memref<10000xf32, #tpu.memory_space<hbm>>) dst(%arg9 : memref<10000xf32, #tpu.memory_space<vmem>>)
      tpu.yield
    }) : () -> ()
    %mul3A_3 = arith.constant 10000 : i32
    %mul3A_4 = arith.muli %add3A, %mul3A_3 : i32
    "tpu.region"() ({
      %run_scoped3A = tpu.sem_alloc : memref<!tpu.dma_semaphore, #tpu.memory_space<semaphore_mem>>
      %dma_start3A = tpu.memref_slice %arg3[%mul3A_4] : memref<320000xf32, #tpu.memory_space<hbm>> -> memref<10000xf32, #tpu.memory_space<hbm>>
      %dma_start3A_34 = tpu.memref_slice %arg3[%mul3A_4] : memref<320000xf32, #tpu.memory_space<hbm>> -> memref<10000xf32, #tpu.memory_space<hbm>>
      tpu.enqueue_dma source(%dma_start3A_34 : memref<10000xf32, #tpu.memory_space<hbm>>) target(%arg10 : memref<10000xf32, #tpu.memory_space<vmem>>) target_semaphore(%run_scoped3A : memref<!tpu.dma_semaphore, #tpu.memory_space<semaphore_mem>>)
      %dma_wait3A = tpu.memref_slice %arg3[%mul3A_4] : memref<320000xf32, #tpu.memory_space<hbm>> -> memref<10000xf32, #tpu.memory_space<hbm>>
      %dma_wait3A_35 = tpu.memref_slice %arg3[%mul3A_4] : memref<320000xf32, #tpu.memory_space<hbm>> -> memref<10000xf32, #tpu.memory_space<hbm>>
      tpu.wait_dma2 semaphore(%run_scoped3A : memref<!tpu.dma_semaphore, #tpu.memory_space<semaphore_mem>>) src(%dma_wait3A_35 : memref<10000xf32, #tpu.memory_space<hbm>>) dst(%arg10 : memref<10000xf32, #tpu.memory_space<vmem>>)
      tpu.yield
    }) : () -> ()
    "tpu.region"() ({
      %run_scoped3A = tpu.sem_alloc : memref<!tpu.dma_semaphore, #tpu.memory_space<semaphore_mem>>
      %dma_start3A = arith.constant 0 : i32
      %dma_start3A_34 = tpu.memref_slice %arg11[%dma_start3A] : memref<10000xi32, #tpu.memory_space<vmem>> -> memref<10000xi32, #tpu.memory_space<vmem>>
      %dma_start3A_35 = arith.constant 0 : i32
      %dma_start3A_36 = tpu.memref_slice %arg4[%dma_start3A_35] : memref<16720xi32, #tpu.memory_space<hbm>> -> memref<10000xi32, #tpu.memory_space<hbm>>
      %dma_start3A_37 = arith.constant 0 : i32
      %dma_start3A_38 = tpu.memref_slice %arg11[%dma_start3A_37] : memref<10000xi32, #tpu.memory_space<vmem>> -> memref<10000xi32, #tpu.memory_space<vmem>>
      %dma_start3A_39 = arith.constant 0 : i32
      %dma_start3A_40 = tpu.memref_slice %arg4[%dma_start3A_39] : memref<16720xi32, #tpu.memory_space<hbm>> -> memref<10000xi32, #tpu.memory_space<hbm>>
      tpu.enqueue_dma source(%dma_start3A_40 : memref<10000xi32, #tpu.memory_space<hbm>>) target(%dma_start3A_38 : memref<10000xi32, #tpu.memory_space<vmem>>) target_semaphore(%run_scoped3A : memref<!tpu.dma_semaphore, #tpu.memory_space<semaphore_mem>>)
      %dma_wait3A = arith.constant 0 : i32
      %dma_wait3A_41 = tpu.memref_slice %arg11[%dma_wait3A] : memref<10000xi32, #tpu.memory_space<vmem>> -> memref<10000xi32, #tpu.memory_space<vmem>>
      %dma_wait3A_42 = arith.constant 0 : i32
      %dma_wait3A_43 = tpu.memref_slice %arg4[%dma_wait3A_42] : memref<16720xi32, #tpu.memory_space<hbm>> -> memref<10000xi32, #tpu.memory_space<hbm>>
      %dma_wait3A_44 = arith.constant 0 : i32
      %dma_wait3A_45 = tpu.memref_slice %arg11[%dma_wait3A_44] : memref<10000xi32, #tpu.memory_space<vmem>> -> memref<10000xi32, #tpu.memory_space<vmem>>
      %dma_wait3A_46 = arith.constant 0 : i32
      %dma_wait3A_47 = tpu.memref_slice %arg4[%dma_wait3A_46] : memref<16720xi32, #tpu.memory_space<hbm>> -> memref<10000xi32, #tpu.memory_space<hbm>>
      tpu.wait_dma2 semaphore(%run_scoped3A : memref<!tpu.dma_semaphore, #tpu.memory_space<semaphore_mem>>) src(%dma_wait3A_47 : memref<10000xi32, #tpu.memory_space<hbm>>) dst(%dma_wait3A_45 : memref<10000xi32, #tpu.memory_space<vmem>>)
      tpu.yield
    }) : () -> ()
    "tpu.region"() ({
      %run_scoped3A = tpu.sem_alloc : memref<!tpu.dma_semaphore, #tpu.memory_space<semaphore_mem>>
      %dma_start3A = arith.constant 0 : i32
      %dma_start3A_34 = tpu.memref_slice %arg12[%dma_start3A] : memref<10000xi32, #tpu.memory_space<vmem>> -> memref<10000xi32, #tpu.memory_space<vmem>>
      %dma_start3A_35 = arith.constant 0 : i32
      %dma_start3A_36 = tpu.memref_slice %arg5[%dma_start3A_35] : memref<16720xi32, #tpu.memory_space<hbm>> -> memref<10000xi32, #tpu.memory_space<hbm>>
      %dma_start3A_37 = arith.constant 0 : i32
      %dma_start3A_38 = tpu.memref_slice %arg12[%dma_start3A_37] : memref<10000xi32, #tpu.memory_space<vmem>> -> memref<10000xi32, #tpu.memory_space<vmem>>
      %dma_start3A_39 = arith.constant 0 : i32
      %dma_start3A_40 = tpu.memref_slice %arg5[%dma_start3A_39] : memref<16720xi32, #tpu.memory_space<hbm>> -> memref<10000xi32, #tpu.memory_space<hbm>>
      tpu.enqueue_dma source(%dma_start3A_40 : memref<10000xi32, #tpu.memory_space<hbm>>) target(%dma_start3A_38 : memref<10000xi32, #tpu.memory_space<vmem>>) target_semaphore(%run_scoped3A : memref<!tpu.dma_semaphore, #tpu.memory_space<semaphore_mem>>)
      %dma_wait3A = arith.constant 0 : i32
      %dma_wait3A_41 = tpu.memref_slice %arg12[%dma_wait3A] : memref<10000xi32, #tpu.memory_space<vmem>> -> memref<10000xi32, #tpu.memory_space<vmem>>
      %dma_wait3A_42 = arith.constant 0 : i32
      %dma_wait3A_43 = tpu.memref_slice %arg5[%dma_wait3A_42] : memref<16720xi32, #tpu.memory_space<hbm>> -> memref<10000xi32, #tpu.memory_space<hbm>>
      %dma_wait3A_44 = arith.constant 0 : i32
      %dma_wait3A_45 = tpu.memref_slice %arg12[%dma_wait3A_44] : memref<10000xi32, #tpu.memory_space<vmem>> -> memref<10000xi32, #tpu.memory_space<vmem>>
      %dma_wait3A_46 = arith.constant 0 : i32
      %dma_wait3A_47 = tpu.memref_slice %arg5[%dma_wait3A_46] : memref<16720xi32, #tpu.memory_space<hbm>> -> memref<10000xi32, #tpu.memory_space<hbm>>
      tpu.wait_dma2 semaphore(%run_scoped3A : memref<!tpu.dma_semaphore, #tpu.memory_space<semaphore_mem>>) src(%dma_wait3A_47 : memref<10000xi32, #tpu.memory_space<hbm>>) dst(%dma_wait3A_45 : memref<10000xi32, #tpu.memory_space<vmem>>)
      tpu.yield
    }) : () -> ()
    %parallel_loop3A = arith.constant 0 : i32
    %parallel_loop3A_5 = arith.constant 625 : i32
    %parallel_loop3A_6 = arith.constant 1 : i32
    scf.for %parallel_loop3A_34 = %parallel_loop3A to %parallel_loop3A_5 step %parallel_loop3A_6  : i32 {
      %parallel_loop3A_35 = arith.constant 16 : i32
      %parallel_loop3A_36 = arith.muli %parallel_loop3A_34, %parallel_loop3A_35 : i32
      %parallel_loop3A_37 = arith.index_cast %parallel_loop3A_36 : i32 to index
      %parallel_loop3A_38 = tpu.vector_load %arg11[%parallel_loop3A_37] {strides = array<i32>} : memref<10000xi32, #tpu.memory_space<vmem>>, vector<16xi32>,
      %parallel_loop3A_39 = arith.index_cast %parallel_loop3A_36 : i32 to index
      %parallel_loop3A_40 = tpu.vector_load %arg12[%parallel_loop3A_39] {strides = array<i32>} : memref<10000xi32, #tpu.memory_space<vmem>>, vector<16xi32>,
      %parallel_loop3A_41 = tpu.vector_load_idx %arg9[%parallel_loop3A_38] : memref<10000xf32, #tpu.memory_space<vmem>>[vector<16xi32>], vector<16xf32>,
      %parallel_loop3A_42 = arith.index_cast %parallel_loop3A_36 : i32 to index
      %parallel_loop3A_43 = tpu.vector_load %arg13[%parallel_loop3A_42] {strides = array<i32>} : memref<10000xf32, #tpu.memory_space<vmem>>, vector<16xf32>,
      tpu.vector_store %arg13[%parallel_loop3A_42], %parallel_loop3A_41 {strides = array<i32>} : memref<10000xf32, #tpu.memory_space<vmem>>, vector<16xf32>,
      %parallel_loop3A_44 = tpu.vector_load_idx %arg9[%parallel_loop3A_40] : memref<10000xf32, #tpu.memory_space<vmem>>[vector<16xi32>], vector<16xf32>,
      %parallel_loop3A_45 = arith.index_cast %parallel_loop3A_36 : i32 to index
      %parallel_loop3A_46 = tpu.vector_load %arg14[%parallel_loop3A_45] {strides = array<i32>} : memref<10000xf32, #tpu.memory_space<vmem>>, vector<16xf32>,
      tpu.vector_store %arg14[%parallel_loop3A_45], %parallel_loop3A_44 {strides = array<i32>} : memref<10000xf32, #tpu.memory_space<vmem>>, vector<16xf32>,
      %parallel_loop3A_47 = tpu.vector_load_idx %arg10[%parallel_loop3A_40] : memref<10000xf32, #tpu.memory_space<vmem>>[vector<16xi32>], vector<16xf32>,
      %parallel_loop3A_48 = arith.index_cast %parallel_loop3A_36 : i32 to index
      %parallel_loop3A_49 = tpu.vector_load %arg15[%parallel_loop3A_48] {strides = array<i32>} : memref<10000xf32, #tpu.memory_space<vmem>>, vector<16xf32>,
      tpu.vector_store %arg15[%parallel_loop3A_48], %parallel_loop3A_47 {strides = array<i32>} : memref<10000xf32, #tpu.memory_space<vmem>>, vector<16xf32>,
    } {sc.loop_unroll_factor = 8 : i64, sc.parallel_access}
    %mul3A_7 = arith.constant 16720 : i32
    %mul3A_8 = arith.muli %add3A, %mul3A_7 : i32
    %add3A_9 = arith.constant 0 : i32
    %add3A_10 = arith.addi %mul3A_8, %add3A_9 : i32
    "tpu.region"() ({
      %run_scoped3A = tpu.sem_alloc : memref<!tpu.dma_semaphore, #tpu.memory_space<semaphore_mem>>
      %dma_start3A = arith.constant 0 : i32
      %dma_start3A_34 = tpu.memref_slice %arg13[%dma_start3A] : memref<10000xf32, #tpu.memory_space<vmem>> -> memref<10000xf32, #tpu.memory_space<vmem>>
      %dma_start3A_35 = tpu.memref_slice %arg6[%add3A_10] : memref<535040xf32, #tpu.memory_space<hbm>> -> memref<10000xf32, #tpu.memory_space<hbm>>
      %dma_start3A_36 = tpu.memref_slice %arg6[%add3A_10] : memref<535040xf32, #tpu.memory_space<hbm>> -> memref<10000xf32, #tpu.memory_space<hbm>>
      %dma_start3A_37 = arith.constant 0 : i32
      %dma_start3A_38 = tpu.memref_slice %arg13[%dma_start3A_37] : memref<10000xf32, #tpu.memory_space<vmem>> -> memref<10000xf32, #tpu.memory_space<vmem>>
      tpu.enqueue_dma source(%dma_start3A_38 : memref<10000xf32, #tpu.memory_space<vmem>>) target(%dma_start3A_36 : memref<10000xf32, #tpu.memory_space<hbm>>) target_semaphore(%run_scoped3A : memref<!tpu.dma_semaphore, #tpu.memory_space<semaphore_mem>>)
      %dma_wait3A = arith.constant 0 : i32
      %dma_wait3A_39 = tpu.memref_slice %arg13[%dma_wait3A] : memref<10000xf32, #tpu.memory_space<vmem>> -> memref<10000xf32, #tpu.memory_space<vmem>>
      %dma_wait3A_40 = tpu.memref_slice %arg6[%add3A_10] : memref<535040xf32, #tpu.memory_space<hbm>> -> memref<10000xf32, #tpu.memory_space<hbm>>
      %dma_wait3A_41 = tpu.memref_slice %arg6[%add3A_10] : memref<535040xf32, #tpu.memory_space<hbm>> -> memref<10000xf32, #tpu.memory_space<hbm>>
      %dma_wait3A_42 = arith.constant 0 : i32
      %dma_wait3A_43 = tpu.memref_slice %arg13[%dma_wait3A_42] : memref<10000xf32, #tpu.memory_space<vmem>> -> memref<10000xf32, #tpu.memory_space<vmem>>
      tpu.wait_dma2 semaphore(%run_scoped3A : memref<!tpu.dma_semaphore, #tpu.memory_space<semaphore_mem>>) src(%dma_wait3A_43 : memref<10000xf32, #tpu.memory_space<vmem>>) dst(%dma_wait3A_41 : memref<10000xf32, #tpu.memory_space<hbm>>)
      tpu.yield
    }) : () -> ()
    %mul3A_11 = arith.constant 16720 : i32
    %mul3A_12 = arith.muli %add3A, %mul3A_11 : i32
    %add3A_13 = arith.constant 0 : i32
    %add3A_14 = arith.addi %mul3A_12, %add3A_13 : i32
    "tpu.region"() ({
      %run_scoped3A = tpu.sem_alloc : memref<!tpu.dma_semaphore, #tpu.memory_space<semaphore_mem>>
      %dma_start3A = arith.constant 0 : i32
      %dma_start3A_34 = tpu.memref_slice %arg14[%dma_start3A] : memref<10000xf32, #tpu.memory_space<vmem>> -> memref<10000xf32, #tpu.memory_space<vmem>>
      %dma_start3A_35 = tpu.memref_slice %arg7[%add3A_14] : memref<535040xf32, #tpu.memory_space<hbm>> -> memref<10000xf32, #tpu.memory_space<hbm>>
      %dma_start3A_36 = tpu.memref_slice %arg7[%add3A_14] : memref<535040xf32, #tpu.memory_space<hbm>> -> memref<10000xf32, #tpu.memory_space<hbm>>
      %dma_start3A_37 = arith.constant 0 : i32
      %dma_start3A_38 = tpu.memref_slice %arg14[%dma_start3A_37] : memref<10000xf32, #tpu.memory_space<vmem>> -> memref<10000xf32, #tpu.memory_space<vmem>>
      tpu.enqueue_dma source(%dma_start3A_38 : memref<10000xf32, #tpu.memory_space<vmem>>) target(%dma_start3A_36 : memref<10000xf32, #tpu.memory_space<hbm>>) target_semaphore(%run_scoped3A : memref<!tpu.dma_semaphore, #tpu.memory_space<semaphore_mem>>)
      %dma_wait3A = arith.constant 0 : i32
      %dma_wait3A_39 = tpu.memref_slice %arg14[%dma_wait3A] : memref<10000xf32, #tpu.memory_space<vmem>> -> memref<10000xf32, #tpu.memory_space<vmem>>
      %dma_wait3A_40 = tpu.memref_slice %arg7[%add3A_14] : memref<535040xf32, #tpu.memory_space<hbm>> -> memref<10000xf32, #tpu.memory_space<hbm>>
      %dma_wait3A_41 = tpu.memref_slice %arg7[%add3A_14] : memref<535040xf32, #tpu.memory_space<hbm>> -> memref<10000xf32, #tpu.memory_space<hbm>>
      %dma_wait3A_42 = arith.constant 0 : i32
      %dma_wait3A_43 = tpu.memref_slice %arg14[%dma_wait3A_42] : memref<10000xf32, #tpu.memory_space<vmem>> -> memref<10000xf32, #tpu.memory_space<vmem>>
      tpu.wait_dma2 semaphore(%run_scoped3A : memref<!tpu.dma_semaphore, #tpu.memory_space<semaphore_mem>>) src(%dma_wait3A_43 : memref<10000xf32, #tpu.memory_space<vmem>>) dst(%dma_wait3A_41 : memref<10000xf32, #tpu.memory_space<hbm>>)
      tpu.yield
    }) : () -> ()
    %mul3A_15 = arith.constant 16720 : i32
    %mul3A_16 = arith.muli %add3A, %mul3A_15 : i32
    %add3A_17 = arith.constant 0 : i32
    %add3A_18 = arith.addi %mul3A_16, %add3A_17 : i32
    "tpu.region"() ({
      %run_scoped3A = tpu.sem_alloc : memref<!tpu.dma_semaphore, #tpu.memory_space<semaphore_mem>>
      %dma_start3A = arith.constant 0 : i32
      %dma_start3A_34 = tpu.memref_slice %arg15[%dma_start3A] : memref<10000xf32, #tpu.memory_space<vmem>> -> memref<10000xf32, #tpu.memory_space<vmem>>
      %dma_start3A_35 = tpu.memref_slice %arg8[%add3A_18] : memref<535040xf32, #tpu.memory_space<hbm>> -> memref<10000xf32, #tpu.memory_space<hbm>>
      %dma_start3A_36 = tpu.memref_slice %arg8[%add3A_18] : memref<535040xf32, #tpu.memory_space<hbm>> -> memref<10000xf32, #tpu.memory_space<hbm>>
      %dma_start3A_37 = arith.constant 0 : i32
      %dma_start3A_38 = tpu.memref_slice %arg15[%dma_start3A_37] : memref<10000xf32, #tpu.memory_space<vmem>> -> memref<10000xf32, #tpu.memory_space<vmem>>
      tpu.enqueue_dma source(%dma_start3A_38 : memref<10000xf32, #tpu.memory_space<vmem>>) target(%dma_start3A_36 : memref<10000xf32, #tpu.memory_space<hbm>>) target_semaphore(%run_scoped3A : memref<!tpu.dma_semaphore, #tpu.memory_space<semaphore_mem>>)
      %dma_wait3A = arith.constant 0 : i32
      %dma_wait3A_39 = tpu.memref_slice %arg15[%dma_wait3A] : memref<10000xf32, #tpu.memory_space<vmem>> -> memref<10000xf32, #tpu.memory_space<vmem>>
      %dma_wait3A_40 = tpu.memref_slice %arg8[%add3A_18] : memref<535040xf32, #tpu.memory_space<hbm>> -> memref<10000xf32, #tpu.memory_space<hbm>>
      %dma_wait3A_41 = tpu.memref_slice %arg8[%add3A_18] : memref<535040xf32, #tpu.memory_space<hbm>> -> memref<10000xf32, #tpu.memory_space<hbm>>
      %dma_wait3A_42 = arith.constant 0 : i32
      %dma_wait3A_43 = tpu.memref_slice %arg15[%dma_wait3A_42] : memref<10000xf32, #tpu.memory_space<vmem>> -> memref<10000xf32, #tpu.memory_space<vmem>>
      tpu.wait_dma2 semaphore(%run_scoped3A : memref<!tpu.dma_semaphore, #tpu.memory_space<semaphore_mem>>) src(%dma_wait3A_43 : memref<10000xf32, #tpu.memory_space<vmem>>) dst(%dma_wait3A_41 : memref<10000xf32, #tpu.memory_space<hbm>>)
      tpu.yield
    }) : () -> ()
    "tpu.region"() ({
      %run_scoped3A = tpu.sem_alloc : memref<!tpu.dma_semaphore, #tpu.memory_space<semaphore_mem>>
      %dma_start3A = arith.constant 0 : i32
      %dma_start3A_34 = tpu.memref_slice %arg11[%dma_start3A] : memref<10000xi32, #tpu.memory_space<vmem>> -> memref<6720xi32, #tpu.memory_space<vmem>>
      %dma_start3A_35 = arith.constant 10000 : i32
      %dma_start3A_36 = tpu.memref_slice %arg4[%dma_start3A_35] : memref<16720xi32, #tpu.memory_space<hbm>> -> memref<6720xi32, #tpu.memory_space<hbm>>
      %dma_start3A_37 = arith.constant 0 : i32
      %dma_start3A_38 = tpu.memref_slice %arg11[%dma_start3A_37] : memref<10000xi32, #tpu.memory_space<vmem>> -> memref<6720xi32, #tpu.memory_space<vmem>>
      %dma_start3A_39 = arith.constant 10000 : i32
      %dma_start3A_40 = tpu.memref_slice %arg4[%dma_start3A_39] : memref<16720xi32, #tpu.memory_space<hbm>> -> memref<6720xi32, #tpu.memory_space<hbm>>
      tpu.enqueue_dma source(%dma_start3A_40 : memref<6720xi32, #tpu.memory_space<hbm>>) target(%dma_start3A_38 : memref<6720xi32, #tpu.memory_space<vmem>>) target_semaphore(%run_scoped3A : memref<!tpu.dma_semaphore, #tpu.memory_space<semaphore_mem>>)
      %dma_wait3A = arith.constant 0 : i32
      %dma_wait3A_41 = tpu.memref_slice %arg11[%dma_wait3A] : memref<10000xi32, #tpu.memory_space<vmem>> -> memref<6720xi32, #tpu.memory_space<vmem>>
      %dma_wait3A_42 = arith.constant 10000 : i32
      %dma_wait3A_43 = tpu.memref_slice %arg4[%dma_wait3A_42] : memref<16720xi32, #tpu.memory_space<hbm>> -> memref<6720xi32, #tpu.memory_space<hbm>>
      %dma_wait3A_44 = arith.constant 0 : i32
      %dma_wait3A_45 = tpu.memref_slice %arg11[%dma_wait3A_44] : memref<10000xi32, #tpu.memory_space<vmem>> -> memref<6720xi32, #tpu.memory_space<vmem>>
      %dma_wait3A_46 = arith.constant 10000 : i32
      %dma_wait3A_47 = tpu.memref_slice %arg4[%dma_wait3A_46] : memref<16720xi32, #tpu.memory_space<hbm>> -> memref<6720xi32, #tpu.memory_space<hbm>>
      tpu.wait_dma2 semaphore(%run_scoped3A : memref<!tpu.dma_semaphore, #tpu.memory_space<semaphore_mem>>) src(%dma_wait3A_47 : memref<6720xi32, #tpu.memory_space<hbm>>) dst(%dma_wait3A_45 : memref<6720xi32, #tpu.memory_space<vmem>>)
      tpu.yield
    }) : () -> ()
    "tpu.region"() ({
      %run_scoped3A = tpu.sem_alloc : memref<!tpu.dma_semaphore, #tpu.memory_space<semaphore_mem>>
      %dma_start3A = arith.constant 0 : i32
      %dma_start3A_34 = tpu.memref_slice %arg12[%dma_start3A] : memref<10000xi32, #tpu.memory_space<vmem>> -> memref<6720xi32, #tpu.memory_space<vmem>>
      %dma_start3A_35 = arith.constant 10000 : i32
      %dma_start3A_36 = tpu.memref_slice %arg5[%dma_start3A_35] : memref<16720xi32, #tpu.memory_space<hbm>> -> memref<6720xi32, #tpu.memory_space<hbm>>
      %dma_start3A_37 = arith.constant 0 : i32
      %dma_start3A_38 = tpu.memref_slice %arg12[%dma_start3A_37] : memref<10000xi32, #tpu.memory_space<vmem>> -> memref<6720xi32, #tpu.memory_space<vmem>>
      %dma_start3A_39 = arith.constant 10000 : i32
      %dma_start3A_40 = tpu.memref_slice %arg5[%dma_start3A_39] : memref<16720xi32, #tpu.memory_space<hbm>> -> memref<6720xi32, #tpu.memory_space<hbm>>
      tpu.enqueue_dma source(%dma_start3A_40 : memref<6720xi32, #tpu.memory_space<hbm>>) target(%dma_start3A_38 : memref<6720xi32, #tpu.memory_space<vmem>>) target_semaphore(%run_scoped3A : memref<!tpu.dma_semaphore, #tpu.memory_space<semaphore_mem>>)
      %dma_wait3A = arith.constant 0 : i32
      %dma_wait3A_41 = tpu.memref_slice %arg12[%dma_wait3A] : memref<10000xi32, #tpu.memory_space<vmem>> -> memref<6720xi32, #tpu.memory_space<vmem>>
      %dma_wait3A_42 = arith.constant 10000 : i32
      %dma_wait3A_43 = tpu.memref_slice %arg5[%dma_wait3A_42] : memref<16720xi32, #tpu.memory_space<hbm>> -> memref<6720xi32, #tpu.memory_space<hbm>>
      %dma_wait3A_44 = arith.constant 0 : i32
      %dma_wait3A_45 = tpu.memref_slice %arg12[%dma_wait3A_44] : memref<10000xi32, #tpu.memory_space<vmem>> -> memref<6720xi32, #tpu.memory_space<vmem>>
      %dma_wait3A_46 = arith.constant 10000 : i32
      %dma_wait3A_47 = tpu.memref_slice %arg5[%dma_wait3A_46] : memref<16720xi32, #tpu.memory_space<hbm>> -> memref<6720xi32, #tpu.memory_space<hbm>>
      tpu.wait_dma2 semaphore(%run_scoped3A : memref<!tpu.dma_semaphore, #tpu.memory_space<semaphore_mem>>) src(%dma_wait3A_47 : memref<6720xi32, #tpu.memory_space<hbm>>) dst(%dma_wait3A_45 : memref<6720xi32, #tpu.memory_space<vmem>>)
      tpu.yield
    }) : () -> ()
    %parallel_loop3A_19 = arith.constant 0 : i32
    %parallel_loop3A_20 = arith.constant 420 : i32
    %parallel_loop3A_21 = arith.constant 1 : i32
    scf.for %parallel_loop3A_34 = %parallel_loop3A_19 to %parallel_loop3A_20 step %parallel_loop3A_21  : i32 {
      %parallel_loop3A_35 = arith.constant 16 : i32
      %parallel_loop3A_36 = arith.muli %parallel_loop3A_34, %parallel_loop3A_35 : i32
      %parallel_loop3A_37 = arith.index_cast %parallel_loop3A_36 : i32 to index
      %parallel_loop3A_38 = tpu.vector_load %arg11[%parallel_loop3A_37] {strides = array<i32>} : memref<10000xi32, #tpu.memory_space<vmem>>, vector<16xi32>,
      %parallel_loop3A_39 = arith.index_cast %parallel_loop3A_36 : i32 to index
      %parallel_loop3A_40 = tpu.vector_load %arg12[%parallel_loop3A_39] {strides = array<i32>} : memref<10000xi32, #tpu.memory_space<vmem>>, vector<16xi32>,
      %parallel_loop3A_41 = tpu.vector_load_idx %arg9[%parallel_loop3A_38] : memref<10000xf32, #tpu.memory_space<vmem>>[vector<16xi32>], vector<16xf32>,
      %parallel_loop3A_42 = arith.index_cast %parallel_loop3A_36 : i32 to index
      %parallel_loop3A_43 = tpu.vector_load %arg13[%parallel_loop3A_42] {strides = array<i32>} : memref<10000xf32, #tpu.memory_space<vmem>>, vector<16xf32>,
      tpu.vector_store %arg13[%parallel_loop3A_42], %parallel_loop3A_41 {strides = array<i32>} : memref<10000xf32, #tpu.memory_space<vmem>>, vector<16xf32>,
      %parallel_loop3A_44 = tpu.vector_load_idx %arg9[%parallel_loop3A_40] : memref<10000xf32, #tpu.memory_space<vmem>>[vector<16xi32>], vector<16xf32>,
      %parallel_loop3A_45 = arith.index_cast %parallel_loop3A_36 : i32 to index
      %parallel_loop3A_46 = tpu.vector_load %arg14[%parallel_loop3A_45] {strides = array<i32>} : memref<10000xf32, #tpu.memory_space<vmem>>, vector<16xf32>,
      tpu.vector_store %arg14[%parallel_loop3A_45], %parallel_loop3A_44 {strides = array<i32>} : memref<10000xf32, #tpu.memory_space<vmem>>, vector<16xf32>,
      %parallel_loop3A_47 = tpu.vector_load_idx %arg10[%parallel_loop3A_40] : memref<10000xf32, #tpu.memory_space<vmem>>[vector<16xi32>], vector<16xf32>,
      %parallel_loop3A_48 = arith.index_cast %parallel_loop3A_36 : i32 to index
      %parallel_loop3A_49 = tpu.vector_load %arg15[%parallel_loop3A_48] {strides = array<i32>} : memref<10000xf32, #tpu.memory_space<vmem>>, vector<16xf32>,
      tpu.vector_store %arg15[%parallel_loop3A_48], %parallel_loop3A_47 {strides = array<i32>} : memref<10000xf32, #tpu.memory_space<vmem>>, vector<16xf32>,
    } {sc.loop_unroll_factor = 8 : i64, sc.parallel_access}
    %mul3A_22 = arith.constant 16720 : i32
    %mul3A_23 = arith.muli %add3A, %mul3A_22 : i32
    %add3A_24 = arith.constant 10000 : i32
    %add3A_25 = arith.addi %mul3A_23, %add3A_24 : i32
    "tpu.region"() ({
      %run_scoped3A = tpu.sem_alloc : memref<!tpu.dma_semaphore, #tpu.memory_space<semaphore_mem>>
      %dma_start3A = arith.constant 0 : i32
      %dma_start3A_34 = tpu.memref_slice %arg13[%dma_start3A] : memref<10000xf32, #tpu.memory_space<vmem>> -> memref<6720xf32, #tpu.memory_space<vmem>>
      %dma_start3A_35 = tpu.memref_slice %arg6[%add3A_25] : memref<535040xf32, #tpu.memory_space<hbm>> -> memref<6720xf32, #tpu.memory_space<hbm>>
      %dma_start3A_36 = tpu.memref_slice %arg6[%add3A_25] : memref<535040xf32, #tpu.memory_space<hbm>> -> memref<6720xf32, #tpu.memory_space<hbm>>
      %dma_start3A_37 = arith.constant 0 : i32
      %dma_start3A_38 = tpu.memref_slice %arg13[%dma_start3A_37] : memref<10000xf32, #tpu.memory_space<vmem>> -> memref<6720xf32, #tpu.memory_space<vmem>>
      tpu.enqueue_dma source(%dma_start3A_38 : memref<6720xf32, #tpu.memory_space<vmem>>) target(%dma_start3A_36 : memref<6720xf32, #tpu.memory_space<hbm>>) target_semaphore(%run_scoped3A : memref<!tpu.dma_semaphore, #tpu.memory_space<semaphore_mem>>)
      %dma_wait3A = arith.constant 0 : i32
      %dma_wait3A_39 = tpu.memref_slice %arg13[%dma_wait3A] : memref<10000xf32, #tpu.memory_space<vmem>> -> memref<6720xf32, #tpu.memory_space<vmem>>
      %dma_wait3A_40 = tpu.memref_slice %arg6[%add3A_25] : memref<535040xf32, #tpu.memory_space<hbm>> -> memref<6720xf32, #tpu.memory_space<hbm>>
      %dma_wait3A_41 = tpu.memref_slice %arg6[%add3A_25] : memref<535040xf32, #tpu.memory_space<hbm>> -> memref<6720xf32, #tpu.memory_space<hbm>>
      %dma_wait3A_42 = arith.constant 0 : i32
      %dma_wait3A_43 = tpu.memref_slice %arg13[%dma_wait3A_42] : memref<10000xf32, #tpu.memory_space<vmem>> -> memref<6720xf32, #tpu.memory_space<vmem>>
      tpu.wait_dma2 semaphore(%run_scoped3A : memref<!tpu.dma_semaphore, #tpu.memory_space<semaphore_mem>>) src(%dma_wait3A_43 : memref<6720xf32, #tpu.memory_space<vmem>>) dst(%dma_wait3A_41 : memref<6720xf32, #tpu.memory_space<hbm>>)
      tpu.yield
    }) : () -> ()
    %mul3A_26 = arith.constant 16720 : i32
    %mul3A_27 = arith.muli %add3A, %mul3A_26 : i32
    %add3A_28 = arith.constant 10000 : i32
    %add3A_29 = arith.addi %mul3A_27, %add3A_28 : i32
    "tpu.region"() ({
      %run_scoped3A = tpu.sem_alloc : memref<!tpu.dma_semaphore, #tpu.memory_space<semaphore_mem>>
      %dma_start3A = arith.constant 0 : i32
      %dma_start3A_34 = tpu.memref_slice %arg14[%dma_start3A] : memref<10000xf32, #tpu.memory_space<vmem>> -> memref<6720xf32, #tpu.memory_space<vmem>>
      %dma_start3A_35 = tpu.memref_slice %arg7[%add3A_29] : memref<535040xf32, #tpu.memory_space<hbm>> -> memref<6720xf32, #tpu.memory_space<hbm>>
      %dma_start3A_36 = tpu.memref_slice %arg7[%add3A_29] : memref<535040xf32, #tpu.memory_space<hbm>> -> memref<6720xf32, #tpu.memory_space<hbm>>
      %dma_start3A_37 = arith.constant 0 : i32
      %dma_start3A_38 = tpu.memref_slice %arg14[%dma_start3A_37] : memref<10000xf32, #tpu.memory_space<vmem>> -> memref<6720xf32, #tpu.memory_space<vmem>>
      tpu.enqueue_dma source(%dma_start3A_38 : memref<6720xf32, #tpu.memory_space<vmem>>) target(%dma_start3A_36 : memref<6720xf32, #tpu.memory_space<hbm>>) target_semaphore(%run_scoped3A : memref<!tpu.dma_semaphore, #tpu.memory_space<semaphore_mem>>)
      %dma_wait3A = arith.constant 0 : i32
      %dma_wait3A_39 = tpu.memref_slice %arg14[%dma_wait3A] : memref<10000xf32, #tpu.memory_space<vmem>> -> memref<6720xf32, #tpu.memory_space<vmem>>
      %dma_wait3A_40 = tpu.memref_slice %arg7[%add3A_29] : memref<535040xf32, #tpu.memory_space<hbm>> -> memref<6720xf32, #tpu.memory_space<hbm>>
      %dma_wait3A_41 = tpu.memref_slice %arg7[%add3A_29] : memref<535040xf32, #tpu.memory_space<hbm>> -> memref<6720xf32, #tpu.memory_space<hbm>>
      %dma_wait3A_42 = arith.constant 0 : i32
      %dma_wait3A_43 = tpu.memref_slice %arg14[%dma_wait3A_42] : memref<10000xf32, #tpu.memory_space<vmem>> -> memref<6720xf32, #tpu.memory_space<vmem>>
      tpu.wait_dma2 semaphore(%run_scoped3A : memref<!tpu.dma_semaphore, #tpu.memory_space<semaphore_mem>>) src(%dma_wait3A_43 : memref<6720xf32, #tpu.memory_space<vmem>>) dst(%dma_wait3A_41 : memref<6720xf32, #tpu.memory_space<hbm>>)
      tpu.yield
    }) : () -> ()
    %mul3A_30 = arith.constant 16720 : i32
    %mul3A_31 = arith.muli %add3A, %mul3A_30 : i32
    %add3A_32 = arith.constant 10000 : i32
    %add3A_33 = arith.addi %mul3A_31, %add3A_32 : i32
    "tpu.region"() ({
      %run_scoped3A = tpu.sem_alloc : memref<!tpu.dma_semaphore, #tpu.memory_space<semaphore_mem>>
      %dma_start3A = arith.constant 0 : i32
      %dma_start3A_34 = tpu.memref_slice %arg15[%dma_start3A] : memref<10000xf32, #tpu.memory_space<vmem>> -> memref<6720xf32, #tpu.memory_space<vmem>>
      %dma_start3A_35 = tpu.memref_slice %arg8[%add3A_33] : memref<535040xf32, #tpu.memory_space<hbm>> -> memref<6720xf32, #tpu.memory_space<hbm>>
      %dma_start3A_36 = tpu.memref_slice %arg8[%add3A_33] : memref<535040xf32, #tpu.memory_space<hbm>> -> memref<6720xf32, #tpu.memory_space<hbm>>
      %dma_start3A_37 = arith.constant 0 : i32
      %dma_start3A_38 = tpu.memref_slice %arg15[%dma_start3A_37] : memref<10000xf32, #tpu.memory_space<vmem>> -> memref<6720xf32, #tpu.memory_space<vmem>>
      tpu.enqueue_dma source(%dma_start3A_38 : memref<6720xf32, #tpu.memory_space<vmem>>) target(%dma_start3A_36 : memref<6720xf32, #tpu.memory_space<hbm>>) target_semaphore(%run_scoped3A : memref<!tpu.dma_semaphore, #tpu.memory_space<semaphore_mem>>)
      %dma_wait3A = arith.constant 0 : i32
      %dma_wait3A_39 = tpu.memref_slice %arg15[%dma_wait3A] : memref<10000xf32, #tpu.memory_space<vmem>> -> memref<6720xf32, #tpu.memory_space<vmem>>
      %dma_wait3A_40 = tpu.memref_slice %arg8[%add3A_33] : memref<535040xf32, #tpu.memory_space<hbm>> -> memref<6720xf32, #tpu.memory_space<hbm>>
      %dma_wait3A_41 = tpu.memref_slice %arg8[%add3A_33] : memref<535040xf32, #tpu.memory_space<hbm>> -> memref<6720xf32, #tpu.memory_space<hbm>>
      %dma_wait3A_42 = arith.constant 0 : i32
      %dma_wait3A_43 = tpu.memref_slice %arg15[%dma_wait3A_42] : memref<10000xf32, #tpu.memory_space<vmem>> -> memref<6720xf32, #tpu.memory_space<vmem>>
      tpu.wait_dma2 semaphore(%run_scoped3A : memref<!tpu.dma_semaphore, #tpu.memory_space<semaphore_mem>>) src(%dma_wait3A_43 : memref<6720xf32, #tpu.memory_space<vmem>>) dst(%dma_wait3A_41 : memref<6720xf32, #tpu.memory_space<hbm>>)
      tpu.yield
    }) : () -> ()
    return
  }
}

#map = affine_map<(d0, d1) -> (0)>
module attributes {stable_mosaic.version = 14 : i64} {
  func.func @gather_k(%arg0: i32, %arg1: i32, %arg2: memref<320000xf32, #tpu.memory_space<hbm>>, %arg3: memref<320000xf32, #tpu.memory_space<hbm>>, %arg4: memref<33280xi32, #tpu.memory_space<hbm>>, %arg5: memref<33280xi32, #tpu.memory_space<hbm>>, %arg6: memref<1064960xf32, #tpu.memory_space<hbm>>, %arg7: memref<1064960xf32, #tpu.memory_space<hbm>>, %arg8: memref<1064960xf32, #tpu.memory_space<hbm>>, %arg9: memref<10000xf32, #tpu.memory_space<vmem>>, %arg10: memref<10000xf32, #tpu.memory_space<vmem>>, %arg11: memref<10000xi32, #tpu.memory_space<vmem>>, %arg12: memref<10000xi32, #tpu.memory_space<vmem>>, %arg13: memref<10000xf32, #tpu.memory_space<vmem>>, %arg14: memref<10000xf32, #tpu.memory_space<vmem>>, %arg15: memref<10000xf32, #tpu.memory_space<vmem>>) attributes {dimension_semantics = [#tpu.dimension_semantics<core_parallel>, #tpu.dimension_semantics<subcore_parallel>], iteration_bounds = array<i64: 2, 16>, scalar_prefetch = 0 : i64, scratch_operands = 7 : i64, tpu.core_type = #tpu.core_type<sc_vector_subcore>, window_params = [{transform_indices = #map}, {transform_indices = #map}, {transform_indices = #map}, {transform_indices = #map}, {transform_indices = #map}, {transform_indices = #map}, {transform_indices = #map}]} {
    %mul3A = arith.constant 2 : i32
    %mul3A_0 = arith.muli %arg1, %mul3A : i32
    %add3A = arith.addi %mul3A_0, %arg0 : i32
    %mul3A_1 = arith.constant 10000 : i32
    %mul3A_2 = arith.muli %add3A, %mul3A_1 : i32
    "tpu.region"() ({
      %run_scoped3A = tpu.sem_alloc : memref<!tpu.dma_semaphore, #tpu.memory_space<semaphore_mem>>
      %dma_start3A = tpu.memref_slice %arg2[%mul3A_2] : memref<320000xf32, #tpu.memory_space<hbm>> -> memref<10000xf32, #tpu.memory_space<hbm>>
      %dma_start3A_64 = tpu.memref_slice %arg2[%mul3A_2] : memref<320000xf32, #tpu.memory_space<hbm>> -> memref<10000xf32, #tpu.memory_space<hbm>>
      tpu.enqueue_dma source(%dma_start3A_64 : memref<10000xf32, #tpu.memory_space<hbm>>) target(%arg9 : memref<10000xf32, #tpu.memory_space<vmem>>) target_semaphore(%run_scoped3A : memref<!tpu.dma_semaphore, #tpu.memory_space<semaphore_mem>>)
      %dma_wait3A = tpu.memref_slice %arg2[%mul3A_2] : memref<320000xf32, #tpu.memory_space<hbm>> -> memref<10000xf32, #tpu.memory_space<hbm>>
      %dma_wait3A_65 = tpu.memref_slice %arg2[%mul3A_2] : memref<320000xf32, #tpu.memory_space<hbm>> -> memref<10000xf32, #tpu.memory_space<hbm>>
      tpu.wait_dma2 semaphore(%run_scoped3A : memref<!tpu.dma_semaphore, #tpu.memory_space<semaphore_mem>>) src(%dma_wait3A_65 : memref<10000xf32, #tpu.memory_space<hbm>>) dst(%arg9 : memref<10000xf32, #tpu.memory_space<vmem>>)
      tpu.yield
    }) : () -> ()
    %mul3A_3 = arith.constant 10000 : i32
    %mul3A_4 = arith.muli %add3A, %mul3A_3 : i32
    "tpu.region"() ({
      %run_scoped3A = tpu.sem_alloc : memref<!tpu.dma_semaphore, #tpu.memory_space<semaphore_mem>>
      %dma_start3A = tpu.memref_slice %arg3[%mul3A_4] : memref<320000xf32, #tpu.memory_space<hbm>> -> memref<10000xf32, #tpu.memory_space<hbm>>
      %dma_start3A_64 = tpu.memref_slice %arg3[%mul3A_4] : memref<320000xf32, #tpu.memory_space<hbm>> -> memref<10000xf32, #tpu.memory_space<hbm>>
      tpu.enqueue_dma source(%dma_start3A_64 : memref<10000xf32, #tpu.memory_space<hbm>>) target(%arg10 : memref<10000xf32, #tpu.memory_space<vmem>>) target_semaphore(%run_scoped3A : memref<!tpu.dma_semaphore, #tpu.memory_space<semaphore_mem>>)
      %dma_wait3A = tpu.memref_slice %arg3[%mul3A_4] : memref<320000xf32, #tpu.memory_space<hbm>> -> memref<10000xf32, #tpu.memory_space<hbm>>
      %dma_wait3A_65 = tpu.memref_slice %arg3[%mul3A_4] : memref<320000xf32, #tpu.memory_space<hbm>> -> memref<10000xf32, #tpu.memory_space<hbm>>
      tpu.wait_dma2 semaphore(%run_scoped3A : memref<!tpu.dma_semaphore, #tpu.memory_space<semaphore_mem>>) src(%dma_wait3A_65 : memref<10000xf32, #tpu.memory_space<hbm>>) dst(%arg10 : memref<10000xf32, #tpu.memory_space<vmem>>)
      tpu.yield
    }) : () -> ()
    "tpu.region"() ({
      %run_scoped3A = tpu.sem_alloc : memref<!tpu.dma_semaphore, #tpu.memory_space<semaphore_mem>>
      %dma_start3A = arith.constant 0 : i32
      %dma_start3A_64 = tpu.memref_slice %arg11[%dma_start3A] : memref<10000xi32, #tpu.memory_space<vmem>> -> memref<10000xi32, #tpu.memory_space<vmem>>
      %dma_start3A_65 = arith.constant 0 : i32
      %dma_start3A_66 = tpu.memref_slice %arg4[%dma_start3A_65] : memref<33280xi32, #tpu.memory_space<hbm>> -> memref<10000xi32, #tpu.memory_space<hbm>>
      %dma_start3A_67 = arith.constant 0 : i32
      %dma_start3A_68 = tpu.memref_slice %arg11[%dma_start3A_67] : memref<10000xi32, #tpu.memory_space<vmem>> -> memref<10000xi32, #tpu.memory_space<vmem>>
      %dma_start3A_69 = arith.constant 0 : i32
      %dma_start3A_70 = tpu.memref_slice %arg4[%dma_start3A_69] : memref<33280xi32, #tpu.memory_space<hbm>> -> memref<10000xi32, #tpu.memory_space<hbm>>
      tpu.enqueue_dma source(%dma_start3A_70 : memref<10000xi32, #tpu.memory_space<hbm>>) target(%dma_start3A_68 : memref<10000xi32, #tpu.memory_space<vmem>>) target_semaphore(%run_scoped3A : memref<!tpu.dma_semaphore, #tpu.memory_space<semaphore_mem>>)
      %dma_wait3A = arith.constant 0 : i32
      %dma_wait3A_71 = tpu.memref_slice %arg11[%dma_wait3A] : memref<10000xi32, #tpu.memory_space<vmem>> -> memref<10000xi32, #tpu.memory_space<vmem>>
      %dma_wait3A_72 = arith.constant 0 : i32
      %dma_wait3A_73 = tpu.memref_slice %arg4[%dma_wait3A_72] : memref<33280xi32, #tpu.memory_space<hbm>> -> memref<10000xi32, #tpu.memory_space<hbm>>
      %dma_wait3A_74 = arith.constant 0 : i32
      %dma_wait3A_75 = tpu.memref_slice %arg11[%dma_wait3A_74] : memref<10000xi32, #tpu.memory_space<vmem>> -> memref<10000xi32, #tpu.memory_space<vmem>>
      %dma_wait3A_76 = arith.constant 0 : i32
      %dma_wait3A_77 = tpu.memref_slice %arg4[%dma_wait3A_76] : memref<33280xi32, #tpu.memory_space<hbm>> -> memref<10000xi32, #tpu.memory_space<hbm>>
      tpu.wait_dma2 semaphore(%run_scoped3A : memref<!tpu.dma_semaphore, #tpu.memory_space<semaphore_mem>>) src(%dma_wait3A_77 : memref<10000xi32, #tpu.memory_space<hbm>>) dst(%dma_wait3A_75 : memref<10000xi32, #tpu.memory_space<vmem>>)
      tpu.yield
    }) : () -> ()
    "tpu.region"() ({
      %run_scoped3A = tpu.sem_alloc : memref<!tpu.dma_semaphore, #tpu.memory_space<semaphore_mem>>
      %dma_start3A = arith.constant 0 : i32
      %dma_start3A_64 = tpu.memref_slice %arg12[%dma_start3A] : memref<10000xi32, #tpu.memory_space<vmem>> -> memref<10000xi32, #tpu.memory_space<vmem>>
      %dma_start3A_65 = arith.constant 0 : i32
      %dma_start3A_66 = tpu.memref_slice %arg5[%dma_start3A_65] : memref<33280xi32, #tpu.memory_space<hbm>> -> memref<10000xi32, #tpu.memory_space<hbm>>
      %dma_start3A_67 = arith.constant 0 : i32
      %dma_start3A_68 = tpu.memref_slice %arg12[%dma_start3A_67] : memref<10000xi32, #tpu.memory_space<vmem>> -> memref<10000xi32, #tpu.memory_space<vmem>>
      %dma_start3A_69 = arith.constant 0 : i32
      %dma_start3A_70 = tpu.memref_slice %arg5[%dma_start3A_69] : memref<33280xi32, #tpu.memory_space<hbm>> -> memref<10000xi32, #tpu.memory_space<hbm>>
      tpu.enqueue_dma source(%dma_start3A_70 : memref<10000xi32, #tpu.memory_space<hbm>>) target(%dma_start3A_68 : memref<10000xi32, #tpu.memory_space<vmem>>) target_semaphore(%run_scoped3A : memref<!tpu.dma_semaphore, #tpu.memory_space<semaphore_mem>>)
      %dma_wait3A = arith.constant 0 : i32
      %dma_wait3A_71 = tpu.memref_slice %arg12[%dma_wait3A] : memref<10000xi32, #tpu.memory_space<vmem>> -> memref<10000xi32, #tpu.memory_space<vmem>>
      %dma_wait3A_72 = arith.constant 0 : i32
      %dma_wait3A_73 = tpu.memref_slice %arg5[%dma_wait3A_72] : memref<33280xi32, #tpu.memory_space<hbm>> -> memref<10000xi32, #tpu.memory_space<hbm>>
      %dma_wait3A_74 = arith.constant 0 : i32
      %dma_wait3A_75 = tpu.memref_slice %arg12[%dma_wait3A_74] : memref<10000xi32, #tpu.memory_space<vmem>> -> memref<10000xi32, #tpu.memory_space<vmem>>
      %dma_wait3A_76 = arith.constant 0 : i32
      %dma_wait3A_77 = tpu.memref_slice %arg5[%dma_wait3A_76] : memref<33280xi32, #tpu.memory_space<hbm>> -> memref<10000xi32, #tpu.memory_space<hbm>>
      tpu.wait_dma2 semaphore(%run_scoped3A : memref<!tpu.dma_semaphore, #tpu.memory_space<semaphore_mem>>) src(%dma_wait3A_77 : memref<10000xi32, #tpu.memory_space<hbm>>) dst(%dma_wait3A_75 : memref<10000xi32, #tpu.memory_space<vmem>>)
      tpu.yield
    }) : () -> ()
    %parallel_loop3A = arith.constant 0 : i32
    %parallel_loop3A_5 = arith.constant 625 : i32
    %parallel_loop3A_6 = arith.constant 1 : i32
    scf.for %parallel_loop3A_64 = %parallel_loop3A to %parallel_loop3A_5 step %parallel_loop3A_6  : i32 {
      %parallel_loop3A_65 = arith.constant 16 : i32
      %parallel_loop3A_66 = arith.muli %parallel_loop3A_64, %parallel_loop3A_65 : i32
      %parallel_loop3A_67 = arith.index_cast %parallel_loop3A_66 : i32 to index
      %parallel_loop3A_68 = tpu.vector_load %arg11[%parallel_loop3A_67] {strides = array<i32>} : memref<10000xi32, #tpu.memory_space<vmem>>, vector<16xi32>,
      %parallel_loop3A_69 = arith.index_cast %parallel_loop3A_66 : i32 to index
      %parallel_loop3A_70 = tpu.vector_load %arg12[%parallel_loop3A_69] {strides = array<i32>} : memref<10000xi32, #tpu.memory_space<vmem>>, vector<16xi32>,
      %parallel_loop3A_71 = tpu.vector_load_idx %arg9[%parallel_loop3A_68] : memref<10000xf32, #tpu.memory_space<vmem>>[vector<16xi32>], vector<16xf32>,
      %parallel_loop3A_72 = arith.index_cast %parallel_loop3A_66 : i32 to index
      %parallel_loop3A_73 = tpu.vector_load %arg13[%parallel_loop3A_72] {strides = array<i32>} : memref<10000xf32, #tpu.memory_space<vmem>>, vector<16xf32>,
      tpu.vector_store %arg13[%parallel_loop3A_72], %parallel_loop3A_71 {strides = array<i32>} : memref<10000xf32, #tpu.memory_space<vmem>>, vector<16xf32>,
      %parallel_loop3A_74 = tpu.vector_load_idx %arg9[%parallel_loop3A_70] : memref<10000xf32, #tpu.memory_space<vmem>>[vector<16xi32>], vector<16xf32>,
      %parallel_loop3A_75 = arith.index_cast %parallel_loop3A_66 : i32 to index
      %parallel_loop3A_76 = tpu.vector_load %arg14[%parallel_loop3A_75] {strides = array<i32>} : memref<10000xf32, #tpu.memory_space<vmem>>, vector<16xf32>,
      tpu.vector_store %arg14[%parallel_loop3A_75], %parallel_loop3A_74 {strides = array<i32>} : memref<10000xf32, #tpu.memory_space<vmem>>, vector<16xf32>,
      %parallel_loop3A_77 = tpu.vector_load_idx %arg10[%parallel_loop3A_70] : memref<10000xf32, #tpu.memory_space<vmem>>[vector<16xi32>], vector<16xf32>,
      %parallel_loop3A_78 = arith.index_cast %parallel_loop3A_66 : i32 to index
      %parallel_loop3A_79 = tpu.vector_load %arg15[%parallel_loop3A_78] {strides = array<i32>} : memref<10000xf32, #tpu.memory_space<vmem>>, vector<16xf32>,
      tpu.vector_store %arg15[%parallel_loop3A_78], %parallel_loop3A_77 {strides = array<i32>} : memref<10000xf32, #tpu.memory_space<vmem>>, vector<16xf32>,
    } {sc.loop_unroll_factor = 8 : i64, sc.parallel_access}
    %mul3A_7 = arith.constant 33280 : i32
    %mul3A_8 = arith.muli %add3A, %mul3A_7 : i32
    %add3A_9 = arith.constant 0 : i32
    %add3A_10 = arith.addi %mul3A_8, %add3A_9 : i32
    "tpu.region"() ({
      %run_scoped3A = tpu.sem_alloc : memref<!tpu.dma_semaphore, #tpu.memory_space<semaphore_mem>>
      %dma_start3A = arith.constant 0 : i32
      %dma_start3A_64 = tpu.memref_slice %arg13[%dma_start3A] : memref<10000xf32, #tpu.memory_space<vmem>> -> memref<10000xf32, #tpu.memory_space<vmem>>
      %dma_start3A_65 = tpu.memref_slice %arg6[%add3A_10] : memref<1064960xf32, #tpu.memory_space<hbm>> -> memref<10000xf32, #tpu.memory_space<hbm>>
      %dma_start3A_66 = tpu.memref_slice %arg6[%add3A_10] : memref<1064960xf32, #tpu.memory_space<hbm>> -> memref<10000xf32, #tpu.memory_space<hbm>>
      %dma_start3A_67 = arith.constant 0 : i32
      %dma_start3A_68 = tpu.memref_slice %arg13[%dma_start3A_67] : memref<10000xf32, #tpu.memory_space<vmem>> -> memref<10000xf32, #tpu.memory_space<vmem>>
      tpu.enqueue_dma source(%dma_start3A_68 : memref<10000xf32, #tpu.memory_space<vmem>>) target(%dma_start3A_66 : memref<10000xf32, #tpu.memory_space<hbm>>) target_semaphore(%run_scoped3A : memref<!tpu.dma_semaphore, #tpu.memory_space<semaphore_mem>>)
      %dma_wait3A = arith.constant 0 : i32
      %dma_wait3A_69 = tpu.memref_slice %arg13[%dma_wait3A] : memref<10000xf32, #tpu.memory_space<vmem>> -> memref<10000xf32, #tpu.memory_space<vmem>>
      %dma_wait3A_70 = tpu.memref_slice %arg6[%add3A_10] : memref<1064960xf32, #tpu.memory_space<hbm>> -> memref<10000xf32, #tpu.memory_space<hbm>>
      %dma_wait3A_71 = tpu.memref_slice %arg6[%add3A_10] : memref<1064960xf32, #tpu.memory_space<hbm>> -> memref<10000xf32, #tpu.memory_space<hbm>>
      %dma_wait3A_72 = arith.constant 0 : i32
      %dma_wait3A_73 = tpu.memref_slice %arg13[%dma_wait3A_72] : memref<10000xf32, #tpu.memory_space<vmem>> -> memref<10000xf32, #tpu.memory_space<vmem>>
      tpu.wait_dma2 semaphore(%run_scoped3A : memref<!tpu.dma_semaphore, #tpu.memory_space<semaphore_mem>>) src(%dma_wait3A_73 : memref<10000xf32, #tpu.memory_space<vmem>>) dst(%dma_wait3A_71 : memref<10000xf32, #tpu.memory_space<hbm>>)
      tpu.yield
    }) : () -> ()
    %mul3A_11 = arith.constant 33280 : i32
    %mul3A_12 = arith.muli %add3A, %mul3A_11 : i32
    %add3A_13 = arith.constant 0 : i32
    %add3A_14 = arith.addi %mul3A_12, %add3A_13 : i32
    "tpu.region"() ({
      %run_scoped3A = tpu.sem_alloc : memref<!tpu.dma_semaphore, #tpu.memory_space<semaphore_mem>>
      %dma_start3A = arith.constant 0 : i32
      %dma_start3A_64 = tpu.memref_slice %arg14[%dma_start3A] : memref<10000xf32, #tpu.memory_space<vmem>> -> memref<10000xf32, #tpu.memory_space<vmem>>
      %dma_start3A_65 = tpu.memref_slice %arg7[%add3A_14] : memref<1064960xf32, #tpu.memory_space<hbm>> -> memref<10000xf32, #tpu.memory_space<hbm>>
      %dma_start3A_66 = tpu.memref_slice %arg7[%add3A_14] : memref<1064960xf32, #tpu.memory_space<hbm>> -> memref<10000xf32, #tpu.memory_space<hbm>>
      %dma_start3A_67 = arith.constant 0 : i32
      %dma_start3A_68 = tpu.memref_slice %arg14[%dma_start3A_67] : memref<10000xf32, #tpu.memory_space<vmem>> -> memref<10000xf32, #tpu.memory_space<vmem>>
      tpu.enqueue_dma source(%dma_start3A_68 : memref<10000xf32, #tpu.memory_space<vmem>>) target(%dma_start3A_66 : memref<10000xf32, #tpu.memory_space<hbm>>) target_semaphore(%run_scoped3A : memref<!tpu.dma_semaphore, #tpu.memory_space<semaphore_mem>>)
      %dma_wait3A = arith.constant 0 : i32
      %dma_wait3A_69 = tpu.memref_slice %arg14[%dma_wait3A] : memref<10000xf32, #tpu.memory_space<vmem>> -> memref<10000xf32, #tpu.memory_space<vmem>>
      %dma_wait3A_70 = tpu.memref_slice %arg7[%add3A_14] : memref<1064960xf32, #tpu.memory_space<hbm>> -> memref<10000xf32, #tpu.memory_space<hbm>>
      %dma_wait3A_71 = tpu.memref_slice %arg7[%add3A_14] : memref<1064960xf32, #tpu.memory_space<hbm>> -> memref<10000xf32, #tpu.memory_space<hbm>>
      %dma_wait3A_72 = arith.constant 0 : i32
      %dma_wait3A_73 = tpu.memref_slice %arg14[%dma_wait3A_72] : memref<10000xf32, #tpu.memory_space<vmem>> -> memref<10000xf32, #tpu.memory_space<vmem>>
      tpu.wait_dma2 semaphore(%run_scoped3A : memref<!tpu.dma_semaphore, #tpu.memory_space<semaphore_mem>>) src(%dma_wait3A_73 : memref<10000xf32, #tpu.memory_space<vmem>>) dst(%dma_wait3A_71 : memref<10000xf32, #tpu.memory_space<hbm>>)
      tpu.yield
    }) : () -> ()
    %mul3A_15 = arith.constant 33280 : i32
    %mul3A_16 = arith.muli %add3A, %mul3A_15 : i32
    %add3A_17 = arith.constant 0 : i32
    %add3A_18 = arith.addi %mul3A_16, %add3A_17 : i32
    "tpu.region"() ({
      %run_scoped3A = tpu.sem_alloc : memref<!tpu.dma_semaphore, #tpu.memory_space<semaphore_mem>>
      %dma_start3A = arith.constant 0 : i32
      %dma_start3A_64 = tpu.memref_slice %arg15[%dma_start3A] : memref<10000xf32, #tpu.memory_space<vmem>> -> memref<10000xf32, #tpu.memory_space<vmem>>
      %dma_start3A_65 = tpu.memref_slice %arg8[%add3A_18] : memref<1064960xf32, #tpu.memory_space<hbm>> -> memref<10000xf32, #tpu.memory_space<hbm>>
      %dma_start3A_66 = tpu.memref_slice %arg8[%add3A_18] : memref<1064960xf32, #tpu.memory_space<hbm>> -> memref<10000xf32, #tpu.memory_space<hbm>>
      %dma_start3A_67 = arith.constant 0 : i32
      %dma_start3A_68 = tpu.memref_slice %arg15[%dma_start3A_67] : memref<10000xf32, #tpu.memory_space<vmem>> -> memref<10000xf32, #tpu.memory_space<vmem>>
      tpu.enqueue_dma source(%dma_start3A_68 : memref<10000xf32, #tpu.memory_space<vmem>>) target(%dma_start3A_66 : memref<10000xf32, #tpu.memory_space<hbm>>) target_semaphore(%run_scoped3A : memref<!tpu.dma_semaphore, #tpu.memory_space<semaphore_mem>>)
      %dma_wait3A = arith.constant 0 : i32
      %dma_wait3A_69 = tpu.memref_slice %arg15[%dma_wait3A] : memref<10000xf32, #tpu.memory_space<vmem>> -> memref<10000xf32, #tpu.memory_space<vmem>>
      %dma_wait3A_70 = tpu.memref_slice %arg8[%add3A_18] : memref<1064960xf32, #tpu.memory_space<hbm>> -> memref<10000xf32, #tpu.memory_space<hbm>>
      %dma_wait3A_71 = tpu.memref_slice %arg8[%add3A_18] : memref<1064960xf32, #tpu.memory_space<hbm>> -> memref<10000xf32, #tpu.memory_space<hbm>>
      %dma_wait3A_72 = arith.constant 0 : i32
      %dma_wait3A_73 = tpu.memref_slice %arg15[%dma_wait3A_72] : memref<10000xf32, #tpu.memory_space<vmem>> -> memref<10000xf32, #tpu.memory_space<vmem>>
      tpu.wait_dma2 semaphore(%run_scoped3A : memref<!tpu.dma_semaphore, #tpu.memory_space<semaphore_mem>>) src(%dma_wait3A_73 : memref<10000xf32, #tpu.memory_space<vmem>>) dst(%dma_wait3A_71 : memref<10000xf32, #tpu.memory_space<hbm>>)
      tpu.yield
    }) : () -> ()
    "tpu.region"() ({
      %run_scoped3A = tpu.sem_alloc : memref<!tpu.dma_semaphore, #tpu.memory_space<semaphore_mem>>
      %dma_start3A = arith.constant 0 : i32
      %dma_start3A_64 = tpu.memref_slice %arg11[%dma_start3A] : memref<10000xi32, #tpu.memory_space<vmem>> -> memref<10000xi32, #tpu.memory_space<vmem>>
      %dma_start3A_65 = arith.constant 10000 : i32
      %dma_start3A_66 = tpu.memref_slice %arg4[%dma_start3A_65] : memref<33280xi32, #tpu.memory_space<hbm>> -> memref<10000xi32, #tpu.memory_space<hbm>>
      %dma_start3A_67 = arith.constant 0 : i32
      %dma_start3A_68 = tpu.memref_slice %arg11[%dma_start3A_67] : memref<10000xi32, #tpu.memory_space<vmem>> -> memref<10000xi32, #tpu.memory_space<vmem>>
      %dma_start3A_69 = arith.constant 10000 : i32
      %dma_start3A_70 = tpu.memref_slice %arg4[%dma_start3A_69] : memref<33280xi32, #tpu.memory_space<hbm>> -> memref<10000xi32, #tpu.memory_space<hbm>>
      tpu.enqueue_dma source(%dma_start3A_70 : memref<10000xi32, #tpu.memory_space<hbm>>) target(%dma_start3A_68 : memref<10000xi32, #tpu.memory_space<vmem>>) target_semaphore(%run_scoped3A : memref<!tpu.dma_semaphore, #tpu.memory_space<semaphore_mem>>)
      %dma_wait3A = arith.constant 0 : i32
      %dma_wait3A_71 = tpu.memref_slice %arg11[%dma_wait3A] : memref<10000xi32, #tpu.memory_space<vmem>> -> memref<10000xi32, #tpu.memory_space<vmem>>
      %dma_wait3A_72 = arith.constant 10000 : i32
      %dma_wait3A_73 = tpu.memref_slice %arg4[%dma_wait3A_72] : memref<33280xi32, #tpu.memory_space<hbm>> -> memref<10000xi32, #tpu.memory_space<hbm>>
      %dma_wait3A_74 = arith.constant 0 : i32
      %dma_wait3A_75 = tpu.memref_slice %arg11[%dma_wait3A_74] : memref<10000xi32, #tpu.memory_space<vmem>> -> memref<10000xi32, #tpu.memory_space<vmem>>
      %dma_wait3A_76 = arith.constant 10000 : i32
      %dma_wait3A_77 = tpu.memref_slice %arg4[%dma_wait3A_76] : memref<33280xi32, #tpu.memory_space<hbm>> -> memref<10000xi32, #tpu.memory_space<hbm>>
      tpu.wait_dma2 semaphore(%run_scoped3A : memref<!tpu.dma_semaphore, #tpu.memory_space<semaphore_mem>>) src(%dma_wait3A_77 : memref<10000xi32, #tpu.memory_space<hbm>>) dst(%dma_wait3A_75 : memref<10000xi32, #tpu.memory_space<vmem>>)
      tpu.yield
    }) : () -> ()
    "tpu.region"() ({
      %run_scoped3A = tpu.sem_alloc : memref<!tpu.dma_semaphore, #tpu.memory_space<semaphore_mem>>
      %dma_start3A = arith.constant 0 : i32
      %dma_start3A_64 = tpu.memref_slice %arg12[%dma_start3A] : memref<10000xi32, #tpu.memory_space<vmem>> -> memref<10000xi32, #tpu.memory_space<vmem>>
      %dma_start3A_65 = arith.constant 10000 : i32
      %dma_start3A_66 = tpu.memref_slice %arg5[%dma_start3A_65] : memref<33280xi32, #tpu.memory_space<hbm>> -> memref<10000xi32, #tpu.memory_space<hbm>>
      %dma_start3A_67 = arith.constant 0 : i32
      %dma_start3A_68 = tpu.memref_slice %arg12[%dma_start3A_67] : memref<10000xi32, #tpu.memory_space<vmem>> -> memref<10000xi32, #tpu.memory_space<vmem>>
      %dma_start3A_69 = arith.constant 10000 : i32
      %dma_start3A_70 = tpu.memref_slice %arg5[%dma_start3A_69] : memref<33280xi32, #tpu.memory_space<hbm>> -> memref<10000xi32, #tpu.memory_space<hbm>>
      tpu.enqueue_dma source(%dma_start3A_70 : memref<10000xi32, #tpu.memory_space<hbm>>) target(%dma_start3A_68 : memref<10000xi32, #tpu.memory_space<vmem>>) target_semaphore(%run_scoped3A : memref<!tpu.dma_semaphore, #tpu.memory_space<semaphore_mem>>)
      %dma_wait3A = arith.constant 0 : i32
      %dma_wait3A_71 = tpu.memref_slice %arg12[%dma_wait3A] : memref<10000xi32, #tpu.memory_space<vmem>> -> memref<10000xi32, #tpu.memory_space<vmem>>
      %dma_wait3A_72 = arith.constant 10000 : i32
      %dma_wait3A_73 = tpu.memref_slice %arg5[%dma_wait3A_72] : memref<33280xi32, #tpu.memory_space<hbm>> -> memref<10000xi32, #tpu.memory_space<hbm>>
      %dma_wait3A_74 = arith.constant 0 : i32
      %dma_wait3A_75 = tpu.memref_slice %arg12[%dma_wait3A_74] : memref<10000xi32, #tpu.memory_space<vmem>> -> memref<10000xi32, #tpu.memory_space<vmem>>
      %dma_wait3A_76 = arith.constant 10000 : i32
      %dma_wait3A_77 = tpu.memref_slice %arg5[%dma_wait3A_76] : memref<33280xi32, #tpu.memory_space<hbm>> -> memref<10000xi32, #tpu.memory_space<hbm>>
      tpu.wait_dma2 semaphore(%run_scoped3A : memref<!tpu.dma_semaphore, #tpu.memory_space<semaphore_mem>>) src(%dma_wait3A_77 : memref<10000xi32, #tpu.memory_space<hbm>>) dst(%dma_wait3A_75 : memref<10000xi32, #tpu.memory_space<vmem>>)
      tpu.yield
    }) : () -> ()
    %parallel_loop3A_19 = arith.constant 0 : i32
    %parallel_loop3A_20 = arith.constant 625 : i32
    %parallel_loop3A_21 = arith.constant 1 : i32
    scf.for %parallel_loop3A_64 = %parallel_loop3A_19 to %parallel_loop3A_20 step %parallel_loop3A_21  : i32 {
      %parallel_loop3A_65 = arith.constant 16 : i32
      %parallel_loop3A_66 = arith.muli %parallel_loop3A_64, %parallel_loop3A_65 : i32
      %parallel_loop3A_67 = arith.index_cast %parallel_loop3A_66 : i32 to index
      %parallel_loop3A_68 = tpu.vector_load %arg11[%parallel_loop3A_67] {strides = array<i32>} : memref<10000xi32, #tpu.memory_space<vmem>>, vector<16xi32>,
      %parallel_loop3A_69 = arith.index_cast %parallel_loop3A_66 : i32 to index
      %parallel_loop3A_70 = tpu.vector_load %arg12[%parallel_loop3A_69] {strides = array<i32>} : memref<10000xi32, #tpu.memory_space<vmem>>, vector<16xi32>,
      %parallel_loop3A_71 = tpu.vector_load_idx %arg9[%parallel_loop3A_68] : memref<10000xf32, #tpu.memory_space<vmem>>[vector<16xi32>], vector<16xf32>,
      %parallel_loop3A_72 = arith.index_cast %parallel_loop3A_66 : i32 to index
      %parallel_loop3A_73 = tpu.vector_load %arg13[%parallel_loop3A_72] {strides = array<i32>} : memref<10000xf32, #tpu.memory_space<vmem>>, vector<16xf32>,
      tpu.vector_store %arg13[%parallel_loop3A_72], %parallel_loop3A_71 {strides = array<i32>} : memref<10000xf32, #tpu.memory_space<vmem>>, vector<16xf32>,
      %parallel_loop3A_74 = tpu.vector_load_idx %arg9[%parallel_loop3A_70] : memref<10000xf32, #tpu.memory_space<vmem>>[vector<16xi32>], vector<16xf32>,
      %parallel_loop3A_75 = arith.index_cast %parallel_loop3A_66 : i32 to index
      %parallel_loop3A_76 = tpu.vector_load %arg14[%parallel_loop3A_75] {strides = array<i32>} : memref<10000xf32, #tpu.memory_space<vmem>>, vector<16xf32>,
      tpu.vector_store %arg14[%parallel_loop3A_75], %parallel_loop3A_74 {strides = array<i32>} : memref<10000xf32, #tpu.memory_space<vmem>>, vector<16xf32>,
      %parallel_loop3A_77 = tpu.vector_load_idx %arg10[%parallel_loop3A_70] : memref<10000xf32, #tpu.memory_space<vmem>>[vector<16xi32>], vector<16xf32>,
      %parallel_loop3A_78 = arith.index_cast %parallel_loop3A_66 : i32 to index
      %parallel_loop3A_79 = tpu.vector_load %arg15[%parallel_loop3A_78] {strides = array<i32>} : memref<10000xf32, #tpu.memory_space<vmem>>, vector<16xf32>,
      tpu.vector_store %arg15[%parallel_loop3A_78], %parallel_loop3A_77 {strides = array<i32>} : memref<10000xf32, #tpu.memory_space<vmem>>, vector<16xf32>,
    } {sc.loop_unroll_factor = 8 : i64, sc.parallel_access}
    %mul3A_22 = arith.constant 33280 : i32
    %mul3A_23 = arith.muli %add3A, %mul3A_22 : i32
    %add3A_24 = arith.constant 10000 : i32
    %add3A_25 = arith.addi %mul3A_23, %add3A_24 : i32
    "tpu.region"() ({
      %run_scoped3A = tpu.sem_alloc : memref<!tpu.dma_semaphore, #tpu.memory_space<semaphore_mem>>
      %dma_start3A = arith.constant 0 : i32
      %dma_start3A_64 = tpu.memref_slice %arg13[%dma_start3A] : memref<10000xf32, #tpu.memory_space<vmem>> -> memref<10000xf32, #tpu.memory_space<vmem>>
      %dma_start3A_65 = tpu.memref_slice %arg6[%add3A_25] : memref<1064960xf32, #tpu.memory_space<hbm>> -> memref<10000xf32, #tpu.memory_space<hbm>>
      %dma_start3A_66 = tpu.memref_slice %arg6[%add3A_25] : memref<1064960xf32, #tpu.memory_space<hbm>> -> memref<10000xf32, #tpu.memory_space<hbm>>
      %dma_start3A_67 = arith.constant 0 : i32
      %dma_start3A_68 = tpu.memref_slice %arg13[%dma_start3A_67] : memref<10000xf32, #tpu.memory_space<vmem>> -> memref<10000xf32, #tpu.memory_space<vmem>>
      tpu.enqueue_dma source(%dma_start3A_68 : memref<10000xf32, #tpu.memory_space<vmem>>) target(%dma_start3A_66 : memref<10000xf32, #tpu.memory_space<hbm>>) target_semaphore(%run_scoped3A : memref<!tpu.dma_semaphore, #tpu.memory_space<semaphore_mem>>)
      %dma_wait3A = arith.constant 0 : i32
      %dma_wait3A_69 = tpu.memref_slice %arg13[%dma_wait3A] : memref<10000xf32, #tpu.memory_space<vmem>> -> memref<10000xf32, #tpu.memory_space<vmem>>
      %dma_wait3A_70 = tpu.memref_slice %arg6[%add3A_25] : memref<1064960xf32, #tpu.memory_space<hbm>> -> memref<10000xf32, #tpu.memory_space<hbm>>
      %dma_wait3A_71 = tpu.memref_slice %arg6[%add3A_25] : memref<1064960xf32, #tpu.memory_space<hbm>> -> memref<10000xf32, #tpu.memory_space<hbm>>
      %dma_wait3A_72 = arith.constant 0 : i32
      %dma_wait3A_73 = tpu.memref_slice %arg13[%dma_wait3A_72] : memref<10000xf32, #tpu.memory_space<vmem>> -> memref<10000xf32, #tpu.memory_space<vmem>>
      tpu.wait_dma2 semaphore(%run_scoped3A : memref<!tpu.dma_semaphore, #tpu.memory_space<semaphore_mem>>) src(%dma_wait3A_73 : memref<10000xf32, #tpu.memory_space<vmem>>) dst(%dma_wait3A_71 : memref<10000xf32, #tpu.memory_space<hbm>>)
      tpu.yield
    }) : () -> ()
    %mul3A_26 = arith.constant 33280 : i32
    %mul3A_27 = arith.muli %add3A, %mul3A_26 : i32
    %add3A_28 = arith.constant 10000 : i32
    %add3A_29 = arith.addi %mul3A_27, %add3A_28 : i32
    "tpu.region"() ({
      %run_scoped3A = tpu.sem_alloc : memref<!tpu.dma_semaphore, #tpu.memory_space<semaphore_mem>>
      %dma_start3A = arith.constant 0 : i32
      %dma_start3A_64 = tpu.memref_slice %arg14[%dma_start3A] : memref<10000xf32, #tpu.memory_space<vmem>> -> memref<10000xf32, #tpu.memory_space<vmem>>
      %dma_start3A_65 = tpu.memref_slice %arg7[%add3A_29] : memref<1064960xf32, #tpu.memory_space<hbm>> -> memref<10000xf32, #tpu.memory_space<hbm>>
      %dma_start3A_66 = tpu.memref_slice %arg7[%add3A_29] : memref<1064960xf32, #tpu.memory_space<hbm>> -> memref<10000xf32, #tpu.memory_space<hbm>>
      %dma_start3A_67 = arith.constant 0 : i32
      %dma_start3A_68 = tpu.memref_slice %arg14[%dma_start3A_67] : memref<10000xf32, #tpu.memory_space<vmem>> -> memref<10000xf32, #tpu.memory_space<vmem>>
      tpu.enqueue_dma source(%dma_start3A_68 : memref<10000xf32, #tpu.memory_space<vmem>>) target(%dma_start3A_66 : memref<10000xf32, #tpu.memory_space<hbm>>) target_semaphore(%run_scoped3A : memref<!tpu.dma_semaphore, #tpu.memory_space<semaphore_mem>>)
      %dma_wait3A = arith.constant 0 : i32
      %dma_wait3A_69 = tpu.memref_slice %arg14[%dma_wait3A] : memref<10000xf32, #tpu.memory_space<vmem>> -> memref<10000xf32, #tpu.memory_space<vmem>>
      %dma_wait3A_70 = tpu.memref_slice %arg7[%add3A_29] : memref<1064960xf32, #tpu.memory_space<hbm>> -> memref<10000xf32, #tpu.memory_space<hbm>>
      %dma_wait3A_71 = tpu.memref_slice %arg7[%add3A_29] : memref<1064960xf32, #tpu.memory_space<hbm>> -> memref<10000xf32, #tpu.memory_space<hbm>>
      %dma_wait3A_72 = arith.constant 0 : i32
      %dma_wait3A_73 = tpu.memref_slice %arg14[%dma_wait3A_72] : memref<10000xf32, #tpu.memory_space<vmem>> -> memref<10000xf32, #tpu.memory_space<vmem>>
      tpu.wait_dma2 semaphore(%run_scoped3A : memref<!tpu.dma_semaphore, #tpu.memory_space<semaphore_mem>>) src(%dma_wait3A_73 : memref<10000xf32, #tpu.memory_space<vmem>>) dst(%dma_wait3A_71 : memref<10000xf32, #tpu.memory_space<hbm>>)
      tpu.yield
    }) : () -> ()
    %mul3A_30 = arith.constant 33280 : i32
    %mul3A_31 = arith.muli %add3A, %mul3A_30 : i32
    %add3A_32 = arith.constant 10000 : i32
    %add3A_33 = arith.addi %mul3A_31, %add3A_32 : i32
    "tpu.region"() ({
      %run_scoped3A = tpu.sem_alloc : memref<!tpu.dma_semaphore, #tpu.memory_space<semaphore_mem>>
      %dma_start3A = arith.constant 0 : i32
      %dma_start3A_64 = tpu.memref_slice %arg15[%dma_start3A] : memref<10000xf32, #tpu.memory_space<vmem>> -> memref<10000xf32, #tpu.memory_space<vmem>>
      %dma_start3A_65 = tpu.memref_slice %arg8[%add3A_33] : memref<1064960xf32, #tpu.memory_space<hbm>> -> memref<10000xf32, #tpu.memory_space<hbm>>
      %dma_start3A_66 = tpu.memref_slice %arg8[%add3A_33] : memref<1064960xf32, #tpu.memory_space<hbm>> -> memref<10000xf32, #tpu.memory_space<hbm>>
      %dma_start3A_67 = arith.constant 0 : i32
      %dma_start3A_68 = tpu.memref_slice %arg15[%dma_start3A_67] : memref<10000xf32, #tpu.memory_space<vmem>> -> memref<10000xf32, #tpu.memory_space<vmem>>
      tpu.enqueue_dma source(%dma_start3A_68 : memref<10000xf32, #tpu.memory_space<vmem>>) target(%dma_start3A_66 : memref<10000xf32, #tpu.memory_space<hbm>>) target_semaphore(%run_scoped3A : memref<!tpu.dma_semaphore, #tpu.memory_space<semaphore_mem>>)
      %dma_wait3A = arith.constant 0 : i32
      %dma_wait3A_69 = tpu.memref_slice %arg15[%dma_wait3A] : memref<10000xf32, #tpu.memory_space<vmem>> -> memref<10000xf32, #tpu.memory_space<vmem>>
      %dma_wait3A_70 = tpu.memref_slice %arg8[%add3A_33] : memref<1064960xf32, #tpu.memory_space<hbm>> -> memref<10000xf32, #tpu.memory_space<hbm>>
      %dma_wait3A_71 = tpu.memref_slice %arg8[%add3A_33] : memref<1064960xf32, #tpu.memory_space<hbm>> -> memref<10000xf32, #tpu.memory_space<hbm>>
      %dma_wait3A_72 = arith.constant 0 : i32
      %dma_wait3A_73 = tpu.memref_slice %arg15[%dma_wait3A_72] : memref<10000xf32, #tpu.memory_space<vmem>> -> memref<10000xf32, #tpu.memory_space<vmem>>
      tpu.wait_dma2 semaphore(%run_scoped3A : memref<!tpu.dma_semaphore, #tpu.memory_space<semaphore_mem>>) src(%dma_wait3A_73 : memref<10000xf32, #tpu.memory_space<vmem>>) dst(%dma_wait3A_71 : memref<10000xf32, #tpu.memory_space<hbm>>)
      tpu.yield
    }) : () -> ()
    "tpu.region"() ({
      %run_scoped3A = tpu.sem_alloc : memref<!tpu.dma_semaphore, #tpu.memory_space<semaphore_mem>>
      %dma_start3A = arith.constant 0 : i32
      %dma_start3A_64 = tpu.memref_slice %arg11[%dma_start3A] : memref<10000xi32, #tpu.memory_space<vmem>> -> memref<10000xi32, #tpu.memory_space<vmem>>
      %dma_start3A_65 = arith.constant 20000 : i32
      %dma_start3A_66 = tpu.memref_slice %arg4[%dma_start3A_65] : memref<33280xi32, #tpu.memory_space<hbm>> -> memref<10000xi32, #tpu.memory_space<hbm>>
      %dma_start3A_67 = arith.constant 0 : i32
      %dma_start3A_68 = tpu.memref_slice %arg11[%dma_start3A_67] : memref<10000xi32, #tpu.memory_space<vmem>> -> memref<10000xi32, #tpu.memory_space<vmem>>
      %dma_start3A_69 = arith.constant 20000 : i32
      %dma_start3A_70 = tpu.memref_slice %arg4[%dma_start3A_69] : memref<33280xi32, #tpu.memory_space<hbm>> -> memref<10000xi32, #tpu.memory_space<hbm>>
      tpu.enqueue_dma source(%dma_start3A_70 : memref<10000xi32, #tpu.memory_space<hbm>>) target(%dma_start3A_68 : memref<10000xi32, #tpu.memory_space<vmem>>) target_semaphore(%run_scoped3A : memref<!tpu.dma_semaphore, #tpu.memory_space<semaphore_mem>>)
      %dma_wait3A = arith.constant 0 : i32
      %dma_wait3A_71 = tpu.memref_slice %arg11[%dma_wait3A] : memref<10000xi32, #tpu.memory_space<vmem>> -> memref<10000xi32, #tpu.memory_space<vmem>>
      %dma_wait3A_72 = arith.constant 20000 : i32
      %dma_wait3A_73 = tpu.memref_slice %arg4[%dma_wait3A_72] : memref<33280xi32, #tpu.memory_space<hbm>> -> memref<10000xi32, #tpu.memory_space<hbm>>
      %dma_wait3A_74 = arith.constant 0 : i32
      %dma_wait3A_75 = tpu.memref_slice %arg11[%dma_wait3A_74] : memref<10000xi32, #tpu.memory_space<vmem>> -> memref<10000xi32, #tpu.memory_space<vmem>>
      %dma_wait3A_76 = arith.constant 20000 : i32
      %dma_wait3A_77 = tpu.memref_slice %arg4[%dma_wait3A_76] : memref<33280xi32, #tpu.memory_space<hbm>> -> memref<10000xi32, #tpu.memory_space<hbm>>
      tpu.wait_dma2 semaphore(%run_scoped3A : memref<!tpu.dma_semaphore, #tpu.memory_space<semaphore_mem>>) src(%dma_wait3A_77 : memref<10000xi32, #tpu.memory_space<hbm>>) dst(%dma_wait3A_75 : memref<10000xi32, #tpu.memory_space<vmem>>)
      tpu.yield
    }) : () -> ()
    "tpu.region"() ({
      %run_scoped3A = tpu.sem_alloc : memref<!tpu.dma_semaphore, #tpu.memory_space<semaphore_mem>>
      %dma_start3A = arith.constant 0 : i32
      %dma_start3A_64 = tpu.memref_slice %arg12[%dma_start3A] : memref<10000xi32, #tpu.memory_space<vmem>> -> memref<10000xi32, #tpu.memory_space<vmem>>
      %dma_start3A_65 = arith.constant 20000 : i32
      %dma_start3A_66 = tpu.memref_slice %arg5[%dma_start3A_65] : memref<33280xi32, #tpu.memory_space<hbm>> -> memref<10000xi32, #tpu.memory_space<hbm>>
      %dma_start3A_67 = arith.constant 0 : i32
      %dma_start3A_68 = tpu.memref_slice %arg12[%dma_start3A_67] : memref<10000xi32, #tpu.memory_space<vmem>> -> memref<10000xi32, #tpu.memory_space<vmem>>
      %dma_start3A_69 = arith.constant 20000 : i32
      %dma_start3A_70 = tpu.memref_slice %arg5[%dma_start3A_69] : memref<33280xi32, #tpu.memory_space<hbm>> -> memref<10000xi32, #tpu.memory_space<hbm>>
      tpu.enqueue_dma source(%dma_start3A_70 : memref<10000xi32, #tpu.memory_space<hbm>>) target(%dma_start3A_68 : memref<10000xi32, #tpu.memory_space<vmem>>) target_semaphore(%run_scoped3A : memref<!tpu.dma_semaphore, #tpu.memory_space<semaphore_mem>>)
      %dma_wait3A = arith.constant 0 : i32
      %dma_wait3A_71 = tpu.memref_slice %arg12[%dma_wait3A] : memref<10000xi32, #tpu.memory_space<vmem>> -> memref<10000xi32, #tpu.memory_space<vmem>>
      %dma_wait3A_72 = arith.constant 20000 : i32
      %dma_wait3A_73 = tpu.memref_slice %arg5[%dma_wait3A_72] : memref<33280xi32, #tpu.memory_space<hbm>> -> memref<10000xi32, #tpu.memory_space<hbm>>
      %dma_wait3A_74 = arith.constant 0 : i32
      %dma_wait3A_75 = tpu.memref_slice %arg12[%dma_wait3A_74] : memref<10000xi32, #tpu.memory_space<vmem>> -> memref<10000xi32, #tpu.memory_space<vmem>>
      %dma_wait3A_76 = arith.constant 20000 : i32
      %dma_wait3A_77 = tpu.memref_slice %arg5[%dma_wait3A_76] : memref<33280xi32, #tpu.memory_space<hbm>> -> memref<10000xi32, #tpu.memory_space<hbm>>
      tpu.wait_dma2 semaphore(%run_scoped3A : memref<!tpu.dma_semaphore, #tpu.memory_space<semaphore_mem>>) src(%dma_wait3A_77 : memref<10000xi32, #tpu.memory_space<hbm>>) dst(%dma_wait3A_75 : memref<10000xi32, #tpu.memory_space<vmem>>)
      tpu.yield
    }) : () -> ()
    %parallel_loop3A_34 = arith.constant 0 : i32
    %parallel_loop3A_35 = arith.constant 625 : i32
    %parallel_loop3A_36 = arith.constant 1 : i32
    scf.for %parallel_loop3A_64 = %parallel_loop3A_34 to %parallel_loop3A_35 step %parallel_loop3A_36  : i32 {
      %parallel_loop3A_65 = arith.constant 16 : i32
      %parallel_loop3A_66 = arith.muli %parallel_loop3A_64, %parallel_loop3A_65 : i32
      %parallel_loop3A_67 = arith.index_cast %parallel_loop3A_66 : i32 to index
      %parallel_loop3A_68 = tpu.vector_load %arg11[%parallel_loop3A_67] {strides = array<i32>} : memref<10000xi32, #tpu.memory_space<vmem>>, vector<16xi32>,
      %parallel_loop3A_69 = arith.index_cast %parallel_loop3A_66 : i32 to index
      %parallel_loop3A_70 = tpu.vector_load %arg12[%parallel_loop3A_69] {strides = array<i32>} : memref<10000xi32, #tpu.memory_space<vmem>>, vector<16xi32>,
      %parallel_loop3A_71 = tpu.vector_load_idx %arg9[%parallel_loop3A_68] : memref<10000xf32, #tpu.memory_space<vmem>>[vector<16xi32>], vector<16xf32>,
      %parallel_loop3A_72 = arith.index_cast %parallel_loop3A_66 : i32 to index
      %parallel_loop3A_73 = tpu.vector_load %arg13[%parallel_loop3A_72] {strides = array<i32>} : memref<10000xf32, #tpu.memory_space<vmem>>, vector<16xf32>,
      tpu.vector_store %arg13[%parallel_loop3A_72], %parallel_loop3A_71 {strides = array<i32>} : memref<10000xf32, #tpu.memory_space<vmem>>, vector<16xf32>,
      %parallel_loop3A_74 = tpu.vector_load_idx %arg9[%parallel_loop3A_70] : memref<10000xf32, #tpu.memory_space<vmem>>[vector<16xi32>], vector<16xf32>,
      %parallel_loop3A_75 = arith.index_cast %parallel_loop3A_66 : i32 to index
      %parallel_loop3A_76 = tpu.vector_load %arg14[%parallel_loop3A_75] {strides = array<i32>} : memref<10000xf32, #tpu.memory_space<vmem>>, vector<16xf32>,
      tpu.vector_store %arg14[%parallel_loop3A_75], %parallel_loop3A_74 {strides = array<i32>} : memref<10000xf32, #tpu.memory_space<vmem>>, vector<16xf32>,
      %parallel_loop3A_77 = tpu.vector_load_idx %arg10[%parallel_loop3A_70] : memref<10000xf32, #tpu.memory_space<vmem>>[vector<16xi32>], vector<16xf32>,
      %parallel_loop3A_78 = arith.index_cast %parallel_loop3A_66 : i32 to index
      %parallel_loop3A_79 = tpu.vector_load %arg15[%parallel_loop3A_78] {strides = array<i32>} : memref<10000xf32, #tpu.memory_space<vmem>>, vector<16xf32>,
      tpu.vector_store %arg15[%parallel_loop3A_78], %parallel_loop3A_77 {strides = array<i32>} : memref<10000xf32, #tpu.memory_space<vmem>>, vector<16xf32>,
    } {sc.loop_unroll_factor = 8 : i64, sc.parallel_access}
    %mul3A_37 = arith.constant 33280 : i32
    %mul3A_38 = arith.muli %add3A, %mul3A_37 : i32
    %add3A_39 = arith.constant 20000 : i32
    %add3A_40 = arith.addi %mul3A_38, %add3A_39 : i32
    "tpu.region"() ({
      %run_scoped3A = tpu.sem_alloc : memref<!tpu.dma_semaphore, #tpu.memory_space<semaphore_mem>>
      %dma_start3A = arith.constant 0 : i32
      %dma_start3A_64 = tpu.memref_slice %arg13[%dma_start3A] : memref<10000xf32, #tpu.memory_space<vmem>> -> memref<10000xf32, #tpu.memory_space<vmem>>
      %dma_start3A_65 = tpu.memref_slice %arg6[%add3A_40] : memref<1064960xf32, #tpu.memory_space<hbm>> -> memref<10000xf32, #tpu.memory_space<hbm>>
      %dma_start3A_66 = tpu.memref_slice %arg6[%add3A_40] : memref<1064960xf32, #tpu.memory_space<hbm>> -> memref<10000xf32, #tpu.memory_space<hbm>>
      %dma_start3A_67 = arith.constant 0 : i32
      %dma_start3A_68 = tpu.memref_slice %arg13[%dma_start3A_67] : memref<10000xf32, #tpu.memory_space<vmem>> -> memref<10000xf32, #tpu.memory_space<vmem>>
      tpu.enqueue_dma source(%dma_start3A_68 : memref<10000xf32, #tpu.memory_space<vmem>>) target(%dma_start3A_66 : memref<10000xf32, #tpu.memory_space<hbm>>) target_semaphore(%run_scoped3A : memref<!tpu.dma_semaphore, #tpu.memory_space<semaphore_mem>>)
      %dma_wait3A = arith.constant 0 : i32
      %dma_wait3A_69 = tpu.memref_slice %arg13[%dma_wait3A] : memref<10000xf32, #tpu.memory_space<vmem>> -> memref<10000xf32, #tpu.memory_space<vmem>>
      %dma_wait3A_70 = tpu.memref_slice %arg6[%add3A_40] : memref<1064960xf32, #tpu.memory_space<hbm>> -> memref<10000xf32, #tpu.memory_space<hbm>>
      %dma_wait3A_71 = tpu.memref_slice %arg6[%add3A_40] : memref<1064960xf32, #tpu.memory_space<hbm>> -> memref<10000xf32, #tpu.memory_space<hbm>>
      %dma_wait3A_72 = arith.constant 0 : i32
      %dma_wait3A_73 = tpu.memref_slice %arg13[%dma_wait3A_72] : memref<10000xf32, #tpu.memory_space<vmem>> -> memref<10000xf32, #tpu.memory_space<vmem>>
      tpu.wait_dma2 semaphore(%run_scoped3A : memref<!tpu.dma_semaphore, #tpu.memory_space<semaphore_mem>>) src(%dma_wait3A_73 : memref<10000xf32, #tpu.memory_space<vmem>>) dst(%dma_wait3A_71 : memref<10000xf32, #tpu.memory_space<hbm>>)
      tpu.yield
    }) : () -> ()
    %mul3A_41 = arith.constant 33280 : i32
    %mul3A_42 = arith.muli %add3A, %mul3A_41 : i32
    %add3A_43 = arith.constant 20000 : i32
    %add3A_44 = arith.addi %mul3A_42, %add3A_43 : i32
    "tpu.region"() ({
      %run_scoped3A = tpu.sem_alloc : memref<!tpu.dma_semaphore, #tpu.memory_space<semaphore_mem>>
      %dma_start3A = arith.constant 0 : i32
      %dma_start3A_64 = tpu.memref_slice %arg14[%dma_start3A] : memref<10000xf32, #tpu.memory_space<vmem>> -> memref<10000xf32, #tpu.memory_space<vmem>>
      %dma_start3A_65 = tpu.memref_slice %arg7[%add3A_44] : memref<1064960xf32, #tpu.memory_space<hbm>> -> memref<10000xf32, #tpu.memory_space<hbm>>
      %dma_start3A_66 = tpu.memref_slice %arg7[%add3A_44] : memref<1064960xf32, #tpu.memory_space<hbm>> -> memref<10000xf32, #tpu.memory_space<hbm>>
      %dma_start3A_67 = arith.constant 0 : i32
      %dma_start3A_68 = tpu.memref_slice %arg14[%dma_start3A_67] : memref<10000xf32, #tpu.memory_space<vmem>> -> memref<10000xf32, #tpu.memory_space<vmem>>
      tpu.enqueue_dma source(%dma_start3A_68 : memref<10000xf32, #tpu.memory_space<vmem>>) target(%dma_start3A_66 : memref<10000xf32, #tpu.memory_space<hbm>>) target_semaphore(%run_scoped3A : memref<!tpu.dma_semaphore, #tpu.memory_space<semaphore_mem>>)
      %dma_wait3A = arith.constant 0 : i32
      %dma_wait3A_69 = tpu.memref_slice %arg14[%dma_wait3A] : memref<10000xf32, #tpu.memory_space<vmem>> -> memref<10000xf32, #tpu.memory_space<vmem>>
      %dma_wait3A_70 = tpu.memref_slice %arg7[%add3A_44] : memref<1064960xf32, #tpu.memory_space<hbm>> -> memref<10000xf32, #tpu.memory_space<hbm>>
      %dma_wait3A_71 = tpu.memref_slice %arg7[%add3A_44] : memref<1064960xf32, #tpu.memory_space<hbm>> -> memref<10000xf32, #tpu.memory_space<hbm>>
      %dma_wait3A_72 = arith.constant 0 : i32
      %dma_wait3A_73 = tpu.memref_slice %arg14[%dma_wait3A_72] : memref<10000xf32, #tpu.memory_space<vmem>> -> memref<10000xf32, #tpu.memory_space<vmem>>
      tpu.wait_dma2 semaphore(%run_scoped3A : memref<!tpu.dma_semaphore, #tpu.memory_space<semaphore_mem>>) src(%dma_wait3A_73 : memref<10000xf32, #tpu.memory_space<vmem>>) dst(%dma_wait3A_71 : memref<10000xf32, #tpu.memory_space<hbm>>)
      tpu.yield
    }) : () -> ()
    %mul3A_45 = arith.constant 33280 : i32
    %mul3A_46 = arith.muli %add3A, %mul3A_45 : i32
    %add3A_47 = arith.constant 20000 : i32
    %add3A_48 = arith.addi %mul3A_46, %add3A_47 : i32
    "tpu.region"() ({
      %run_scoped3A = tpu.sem_alloc : memref<!tpu.dma_semaphore, #tpu.memory_space<semaphore_mem>>
      %dma_start3A = arith.constant 0 : i32
      %dma_start3A_64 = tpu.memref_slice %arg15[%dma_start3A] : memref<10000xf32, #tpu.memory_space<vmem>> -> memref<10000xf32, #tpu.memory_space<vmem>>
      %dma_start3A_65 = tpu.memref_slice %arg8[%add3A_48] : memref<1064960xf32, #tpu.memory_space<hbm>> -> memref<10000xf32, #tpu.memory_space<hbm>>
      %dma_start3A_66 = tpu.memref_slice %arg8[%add3A_48] : memref<1064960xf32, #tpu.memory_space<hbm>> -> memref<10000xf32, #tpu.memory_space<hbm>>
      %dma_start3A_67 = arith.constant 0 : i32
      %dma_start3A_68 = tpu.memref_slice %arg15[%dma_start3A_67] : memref<10000xf32, #tpu.memory_space<vmem>> -> memref<10000xf32, #tpu.memory_space<vmem>>
      tpu.enqueue_dma source(%dma_start3A_68 : memref<10000xf32, #tpu.memory_space<vmem>>) target(%dma_start3A_66 : memref<10000xf32, #tpu.memory_space<hbm>>) target_semaphore(%run_scoped3A : memref<!tpu.dma_semaphore, #tpu.memory_space<semaphore_mem>>)
      %dma_wait3A = arith.constant 0 : i32
      %dma_wait3A_69 = tpu.memref_slice %arg15[%dma_wait3A] : memref<10000xf32, #tpu.memory_space<vmem>> -> memref<10000xf32, #tpu.memory_space<vmem>>
      %dma_wait3A_70 = tpu.memref_slice %arg8[%add3A_48] : memref<1064960xf32, #tpu.memory_space<hbm>> -> memref<10000xf32, #tpu.memory_space<hbm>>
      %dma_wait3A_71 = tpu.memref_slice %arg8[%add3A_48] : memref<1064960xf32, #tpu.memory_space<hbm>> -> memref<10000xf32, #tpu.memory_space<hbm>>
      %dma_wait3A_72 = arith.constant 0 : i32
      %dma_wait3A_73 = tpu.memref_slice %arg15[%dma_wait3A_72] : memref<10000xf32, #tpu.memory_space<vmem>> -> memref<10000xf32, #tpu.memory_space<vmem>>
      tpu.wait_dma2 semaphore(%run_scoped3A : memref<!tpu.dma_semaphore, #tpu.memory_space<semaphore_mem>>) src(%dma_wait3A_73 : memref<10000xf32, #tpu.memory_space<vmem>>) dst(%dma_wait3A_71 : memref<10000xf32, #tpu.memory_space<hbm>>)
      tpu.yield
    }) : () -> ()
    "tpu.region"() ({
      %run_scoped3A = tpu.sem_alloc : memref<!tpu.dma_semaphore, #tpu.memory_space<semaphore_mem>>
      %dma_start3A = arith.constant 0 : i32
      %dma_start3A_64 = tpu.memref_slice %arg11[%dma_start3A] : memref<10000xi32, #tpu.memory_space<vmem>> -> memref<3280xi32, #tpu.memory_space<vmem>>
      %dma_start3A_65 = arith.constant 30000 : i32
      %dma_start3A_66 = tpu.memref_slice %arg4[%dma_start3A_65] : memref<33280xi32, #tpu.memory_space<hbm>> -> memref<3280xi32, #tpu.memory_space<hbm>>
      %dma_start3A_67 = arith.constant 0 : i32
      %dma_start3A_68 = tpu.memref_slice %arg11[%dma_start3A_67] : memref<10000xi32, #tpu.memory_space<vmem>> -> memref<3280xi32, #tpu.memory_space<vmem>>
      %dma_start3A_69 = arith.constant 30000 : i32
      %dma_start3A_70 = tpu.memref_slice %arg4[%dma_start3A_69] : memref<33280xi32, #tpu.memory_space<hbm>> -> memref<3280xi32, #tpu.memory_space<hbm>>
      tpu.enqueue_dma source(%dma_start3A_70 : memref<3280xi32, #tpu.memory_space<hbm>>) target(%dma_start3A_68 : memref<3280xi32, #tpu.memory_space<vmem>>) target_semaphore(%run_scoped3A : memref<!tpu.dma_semaphore, #tpu.memory_space<semaphore_mem>>)
      %dma_wait3A = arith.constant 0 : i32
      %dma_wait3A_71 = tpu.memref_slice %arg11[%dma_wait3A] : memref<10000xi32, #tpu.memory_space<vmem>> -> memref<3280xi32, #tpu.memory_space<vmem>>
      %dma_wait3A_72 = arith.constant 30000 : i32
      %dma_wait3A_73 = tpu.memref_slice %arg4[%dma_wait3A_72] : memref<33280xi32, #tpu.memory_space<hbm>> -> memref<3280xi32, #tpu.memory_space<hbm>>
      %dma_wait3A_74 = arith.constant 0 : i32
      %dma_wait3A_75 = tpu.memref_slice %arg11[%dma_wait3A_74] : memref<10000xi32, #tpu.memory_space<vmem>> -> memref<3280xi32, #tpu.memory_space<vmem>>
      %dma_wait3A_76 = arith.constant 30000 : i32
      %dma_wait3A_77 = tpu.memref_slice %arg4[%dma_wait3A_76] : memref<33280xi32, #tpu.memory_space<hbm>> -> memref<3280xi32, #tpu.memory_space<hbm>>
      tpu.wait_dma2 semaphore(%run_scoped3A : memref<!tpu.dma_semaphore, #tpu.memory_space<semaphore_mem>>) src(%dma_wait3A_77 : memref<3280xi32, #tpu.memory_space<hbm>>) dst(%dma_wait3A_75 : memref<3280xi32, #tpu.memory_space<vmem>>)
      tpu.yield
    }) : () -> ()
    "tpu.region"() ({
      %run_scoped3A = tpu.sem_alloc : memref<!tpu.dma_semaphore, #tpu.memory_space<semaphore_mem>>
      %dma_start3A = arith.constant 0 : i32
      %dma_start3A_64 = tpu.memref_slice %arg12[%dma_start3A] : memref<10000xi32, #tpu.memory_space<vmem>> -> memref<3280xi32, #tpu.memory_space<vmem>>
      %dma_start3A_65 = arith.constant 30000 : i32
      %dma_start3A_66 = tpu.memref_slice %arg5[%dma_start3A_65] : memref<33280xi32, #tpu.memory_space<hbm>> -> memref<3280xi32, #tpu.memory_space<hbm>>
      %dma_start3A_67 = arith.constant 0 : i32
      %dma_start3A_68 = tpu.memref_slice %arg12[%dma_start3A_67] : memref<10000xi32, #tpu.memory_space<vmem>> -> memref<3280xi32, #tpu.memory_space<vmem>>
      %dma_start3A_69 = arith.constant 30000 : i32
      %dma_start3A_70 = tpu.memref_slice %arg5[%dma_start3A_69] : memref<33280xi32, #tpu.memory_space<hbm>> -> memref<3280xi32, #tpu.memory_space<hbm>>
      tpu.enqueue_dma source(%dma_start3A_70 : memref<3280xi32, #tpu.memory_space<hbm>>) target(%dma_start3A_68 : memref<3280xi32, #tpu.memory_space<vmem>>) target_semaphore(%run_scoped3A : memref<!tpu.dma_semaphore, #tpu.memory_space<semaphore_mem>>)
      %dma_wait3A = arith.constant 0 : i32
      %dma_wait3A_71 = tpu.memref_slice %arg12[%dma_wait3A] : memref<10000xi32, #tpu.memory_space<vmem>> -> memref<3280xi32, #tpu.memory_space<vmem>>
      %dma_wait3A_72 = arith.constant 30000 : i32
      %dma_wait3A_73 = tpu.memref_slice %arg5[%dma_wait3A_72] : memref<33280xi32, #tpu.memory_space<hbm>> -> memref<3280xi32, #tpu.memory_space<hbm>>
      %dma_wait3A_74 = arith.constant 0 : i32
      %dma_wait3A_75 = tpu.memref_slice %arg12[%dma_wait3A_74] : memref<10000xi32, #tpu.memory_space<vmem>> -> memref<3280xi32, #tpu.memory_space<vmem>>
      %dma_wait3A_76 = arith.constant 30000 : i32
      %dma_wait3A_77 = tpu.memref_slice %arg5[%dma_wait3A_76] : memref<33280xi32, #tpu.memory_space<hbm>> -> memref<3280xi32, #tpu.memory_space<hbm>>
      tpu.wait_dma2 semaphore(%run_scoped3A : memref<!tpu.dma_semaphore, #tpu.memory_space<semaphore_mem>>) src(%dma_wait3A_77 : memref<3280xi32, #tpu.memory_space<hbm>>) dst(%dma_wait3A_75 : memref<3280xi32, #tpu.memory_space<vmem>>)
      tpu.yield
    }) : () -> ()
    %parallel_loop3A_49 = arith.constant 0 : i32
    %parallel_loop3A_50 = arith.constant 205 : i32
    %parallel_loop3A_51 = arith.constant 1 : i32
    scf.for %parallel_loop3A_64 = %parallel_loop3A_49 to %parallel_loop3A_50 step %parallel_loop3A_51  : i32 {
      %parallel_loop3A_65 = arith.constant 16 : i32
      %parallel_loop3A_66 = arith.muli %parallel_loop3A_64, %parallel_loop3A_65 : i32
      %parallel_loop3A_67 = arith.index_cast %parallel_loop3A_66 : i32 to index
      %parallel_loop3A_68 = tpu.vector_load %arg11[%parallel_loop3A_67] {strides = array<i32>} : memref<10000xi32, #tpu.memory_space<vmem>>, vector<16xi32>,
      %parallel_loop3A_69 = arith.index_cast %parallel_loop3A_66 : i32 to index
      %parallel_loop3A_70 = tpu.vector_load %arg12[%parallel_loop3A_69] {strides = array<i32>} : memref<10000xi32, #tpu.memory_space<vmem>>, vector<16xi32>,
      %parallel_loop3A_71 = tpu.vector_load_idx %arg9[%parallel_loop3A_68] : memref<10000xf32, #tpu.memory_space<vmem>>[vector<16xi32>], vector<16xf32>,
      %parallel_loop3A_72 = arith.index_cast %parallel_loop3A_66 : i32 to index
      %parallel_loop3A_73 = tpu.vector_load %arg13[%parallel_loop3A_72] {strides = array<i32>} : memref<10000xf32, #tpu.memory_space<vmem>>, vector<16xf32>,
      tpu.vector_store %arg13[%parallel_loop3A_72], %parallel_loop3A_71 {strides = array<i32>} : memref<10000xf32, #tpu.memory_space<vmem>>, vector<16xf32>,
      %parallel_loop3A_74 = tpu.vector_load_idx %arg9[%parallel_loop3A_70] : memref<10000xf32, #tpu.memory_space<vmem>>[vector<16xi32>], vector<16xf32>,
      %parallel_loop3A_75 = arith.index_cast %parallel_loop3A_66 : i32 to index
      %parallel_loop3A_76 = tpu.vector_load %arg14[%parallel_loop3A_75] {strides = array<i32>} : memref<10000xf32, #tpu.memory_space<vmem>>, vector<16xf32>,
      tpu.vector_store %arg14[%parallel_loop3A_75], %parallel_loop3A_74 {strides = array<i32>} : memref<10000xf32, #tpu.memory_space<vmem>>, vector<16xf32>,
      %parallel_loop3A_77 = tpu.vector_load_idx %arg10[%parallel_loop3A_70] : memref<10000xf32, #tpu.memory_space<vmem>>[vector<16xi32>], vector<16xf32>,
      %parallel_loop3A_78 = arith.index_cast %parallel_loop3A_66 : i32 to index
      %parallel_loop3A_79 = tpu.vector_load %arg15[%parallel_loop3A_78] {strides = array<i32>} : memref<10000xf32, #tpu.memory_space<vmem>>, vector<16xf32>,
      tpu.vector_store %arg15[%parallel_loop3A_78], %parallel_loop3A_77 {strides = array<i32>} : memref<10000xf32, #tpu.memory_space<vmem>>, vector<16xf32>,
    } {sc.loop_unroll_factor = 8 : i64, sc.parallel_access}
    %mul3A_52 = arith.constant 33280 : i32
    %mul3A_53 = arith.muli %add3A, %mul3A_52 : i32
    %add3A_54 = arith.constant 30000 : i32
    %add3A_55 = arith.addi %mul3A_53, %add3A_54 : i32
    "tpu.region"() ({
      %run_scoped3A = tpu.sem_alloc : memref<!tpu.dma_semaphore, #tpu.memory_space<semaphore_mem>>
      %dma_start3A = arith.constant 0 : i32
      %dma_start3A_64 = tpu.memref_slice %arg13[%dma_start3A] : memref<10000xf32, #tpu.memory_space<vmem>> -> memref<3280xf32, #tpu.memory_space<vmem>>
      %dma_start3A_65 = tpu.memref_slice %arg6[%add3A_55] : memref<1064960xf32, #tpu.memory_space<hbm>> -> memref<3280xf32, #tpu.memory_space<hbm>>
      %dma_start3A_66 = tpu.memref_slice %arg6[%add3A_55] : memref<1064960xf32, #tpu.memory_space<hbm>> -> memref<3280xf32, #tpu.memory_space<hbm>>
      %dma_start3A_67 = arith.constant 0 : i32
      %dma_start3A_68 = tpu.memref_slice %arg13[%dma_start3A_67] : memref<10000xf32, #tpu.memory_space<vmem>> -> memref<3280xf32, #tpu.memory_space<vmem>>
      tpu.enqueue_dma source(%dma_start3A_68 : memref<3280xf32, #tpu.memory_space<vmem>>) target(%dma_start3A_66 : memref<3280xf32, #tpu.memory_space<hbm>>) target_semaphore(%run_scoped3A : memref<!tpu.dma_semaphore, #tpu.memory_space<semaphore_mem>>)
      %dma_wait3A = arith.constant 0 : i32
      %dma_wait3A_69 = tpu.memref_slice %arg13[%dma_wait3A] : memref<10000xf32, #tpu.memory_space<vmem>> -> memref<3280xf32, #tpu.memory_space<vmem>>
      %dma_wait3A_70 = tpu.memref_slice %arg6[%add3A_55] : memref<1064960xf32, #tpu.memory_space<hbm>> -> memref<3280xf32, #tpu.memory_space<hbm>>
      %dma_wait3A_71 = tpu.memref_slice %arg6[%add3A_55] : memref<1064960xf32, #tpu.memory_space<hbm>> -> memref<3280xf32, #tpu.memory_space<hbm>>
      %dma_wait3A_72 = arith.constant 0 : i32
      %dma_wait3A_73 = tpu.memref_slice %arg13[%dma_wait3A_72] : memref<10000xf32, #tpu.memory_space<vmem>> -> memref<3280xf32, #tpu.memory_space<vmem>>
      tpu.wait_dma2 semaphore(%run_scoped3A : memref<!tpu.dma_semaphore, #tpu.memory_space<semaphore_mem>>) src(%dma_wait3A_73 : memref<3280xf32, #tpu.memory_space<vmem>>) dst(%dma_wait3A_71 : memref<3280xf32, #tpu.memory_space<hbm>>)
      tpu.yield
    }) : () -> ()
    %mul3A_56 = arith.constant 33280 : i32
    %mul3A_57 = arith.muli %add3A, %mul3A_56 : i32
    %add3A_58 = arith.constant 30000 : i32
    %add3A_59 = arith.addi %mul3A_57, %add3A_58 : i32
    "tpu.region"() ({
      %run_scoped3A = tpu.sem_alloc : memref<!tpu.dma_semaphore, #tpu.memory_space<semaphore_mem>>
      %dma_start3A = arith.constant 0 : i32
      %dma_start3A_64 = tpu.memref_slice %arg14[%dma_start3A] : memref<10000xf32, #tpu.memory_space<vmem>> -> memref<3280xf32, #tpu.memory_space<vmem>>
      %dma_start3A_65 = tpu.memref_slice %arg7[%add3A_59] : memref<1064960xf32, #tpu.memory_space<hbm>> -> memref<3280xf32, #tpu.memory_space<hbm>>
      %dma_start3A_66 = tpu.memref_slice %arg7[%add3A_59] : memref<1064960xf32, #tpu.memory_space<hbm>> -> memref<3280xf32, #tpu.memory_space<hbm>>
      %dma_start3A_67 = arith.constant 0 : i32
      %dma_start3A_68 = tpu.memref_slice %arg14[%dma_start3A_67] : memref<10000xf32, #tpu.memory_space<vmem>> -> memref<3280xf32, #tpu.memory_space<vmem>>
      tpu.enqueue_dma source(%dma_start3A_68 : memref<3280xf32, #tpu.memory_space<vmem>>) target(%dma_start3A_66 : memref<3280xf32, #tpu.memory_space<hbm>>) target_semaphore(%run_scoped3A : memref<!tpu.dma_semaphore, #tpu.memory_space<semaphore_mem>>)
      %dma_wait3A = arith.constant 0 : i32
      %dma_wait3A_69 = tpu.memref_slice %arg14[%dma_wait3A] : memref<10000xf32, #tpu.memory_space<vmem>> -> memref<3280xf32, #tpu.memory_space<vmem>>
      %dma_wait3A_70 = tpu.memref_slice %arg7[%add3A_59] : memref<1064960xf32, #tpu.memory_space<hbm>> -> memref<3280xf32, #tpu.memory_space<hbm>>
      %dma_wait3A_71 = tpu.memref_slice %arg7[%add3A_59] : memref<1064960xf32, #tpu.memory_space<hbm>> -> memref<3280xf32, #tpu.memory_space<hbm>>
      %dma_wait3A_72 = arith.constant 0 : i32
      %dma_wait3A_73 = tpu.memref_slice %arg14[%dma_wait3A_72] : memref<10000xf32, #tpu.memory_space<vmem>> -> memref<3280xf32, #tpu.memory_space<vmem>>
      tpu.wait_dma2 semaphore(%run_scoped3A : memref<!tpu.dma_semaphore, #tpu.memory_space<semaphore_mem>>) src(%dma_wait3A_73 : memref<3280xf32, #tpu.memory_space<vmem>>) dst(%dma_wait3A_71 : memref<3280xf32, #tpu.memory_space<hbm>>)
      tpu.yield
    }) : () -> ()
    %mul3A_60 = arith.constant 33280 : i32
    %mul3A_61 = arith.muli %add3A, %mul3A_60 : i32
    %add3A_62 = arith.constant 30000 : i32
    %add3A_63 = arith.addi %mul3A_61, %add3A_62 : i32
    "tpu.region"() ({
      %run_scoped3A = tpu.sem_alloc : memref<!tpu.dma_semaphore, #tpu.memory_space<semaphore_mem>>
      %dma_start3A = arith.constant 0 : i32
      %dma_start3A_64 = tpu.memref_slice %arg15[%dma_start3A] : memref<10000xf32, #tpu.memory_space<vmem>> -> memref<3280xf32, #tpu.memory_space<vmem>>
      %dma_start3A_65 = tpu.memref_slice %arg8[%add3A_63] : memref<1064960xf32, #tpu.memory_space<hbm>> -> memref<3280xf32, #tpu.memory_space<hbm>>
      %dma_start3A_66 = tpu.memref_slice %arg8[%add3A_63] : memref<1064960xf32, #tpu.memory_space<hbm>> -> memref<3280xf32, #tpu.memory_space<hbm>>
      %dma_start3A_67 = arith.constant 0 : i32
      %dma_start3A_68 = tpu.memref_slice %arg15[%dma_start3A_67] : memref<10000xf32, #tpu.memory_space<vmem>> -> memref<3280xf32, #tpu.memory_space<vmem>>
      tpu.enqueue_dma source(%dma_start3A_68 : memref<3280xf32, #tpu.memory_space<vmem>>) target(%dma_start3A_66 : memref<3280xf32, #tpu.memory_space<hbm>>) target_semaphore(%run_scoped3A : memref<!tpu.dma_semaphore, #tpu.memory_space<semaphore_mem>>)
      %dma_wait3A = arith.constant 0 : i32
      %dma_wait3A_69 = tpu.memref_slice %arg15[%dma_wait3A] : memref<10000xf32, #tpu.memory_space<vmem>> -> memref<3280xf32, #tpu.memory_space<vmem>>
      %dma_wait3A_70 = tpu.memref_slice %arg8[%add3A_63] : memref<1064960xf32, #tpu.memory_space<hbm>> -> memref<3280xf32, #tpu.memory_space<hbm>>
      %dma_wait3A_71 = tpu.memref_slice %arg8[%add3A_63] : memref<1064960xf32, #tpu.memory_space<hbm>> -> memref<3280xf32, #tpu.memory_space<hbm>>
      %dma_wait3A_72 = arith.constant 0 : i32
      %dma_wait3A_73 = tpu.memref_slice %arg15[%dma_wait3A_72] : memref<10000xf32, #tpu.memory_space<vmem>> -> memref<3280xf32, #tpu.memory_space<vmem>>
      tpu.wait_dma2 semaphore(%run_scoped3A : memref<!tpu.dma_semaphore, #tpu.memory_space<semaphore_mem>>) src(%dma_wait3A_73 : memref<3280xf32, #tpu.memory_space<vmem>>) dst(%dma_wait3A_71 : memref<3280xf32, #tpu.memory_space<hbm>>)
      tpu.yield
    }) : () -> ()
    return
  }
}

#map = affine_map<(d0, d1) -> (0)>
module attributes {stable_mosaic.version = 14 : i64} {
  func.func @scatter_k(%arg0: i32, %arg1: i32, %arg2: memref<1064960xf32, #tpu.memory_space<hbm>>, %arg3: memref<133120xf32, #tpu.memory_space<hbm>>, %arg4: memref<33280xi32, #tpu.memory_space<hbm>>, %arg5: memref<320000xf32, #tpu.memory_space<hbm>>, %arg6: memref<40000xf32, #tpu.memory_space<hbm>>, %arg7: memref<10000xf32, #tpu.memory_space<vmem>>, %arg8: memref<10000xf32, #tpu.memory_space<vmem>>, %arg9: memref<10000xi32, #tpu.memory_space<vmem>>, %arg10: memref<10000xf32, #tpu.memory_space<vmem>>, %arg11: memref<10000xf32, #tpu.memory_space<vmem>>, %arg12: memref<10000xf32, #tpu.memory_space<vmem>>) attributes {dimension_semantics = [#tpu.dimension_semantics<core_parallel>, #tpu.dimension_semantics<subcore_parallel>], iteration_bounds = array<i64: 2, 16>, scalar_prefetch = 0 : i64, scratch_operands = 6 : i64, tpu.core_type = #tpu.core_type<sc_vector_subcore>, window_params = [{transform_indices = #map}, {transform_indices = #map}, {transform_indices = #map}, {transform_indices = #map}, {transform_indices = #map}]} {
    %mul3A = arith.constant 2 : i32
    %mul3A_0 = arith.muli %arg1, %mul3A : i32
    %add3A = arith.addi %mul3A_0, %arg0 : i32
    %jit3A = arith.constant 8 : i32
    %div3A = arith.divsi %add3A, %jit3A : i32
    %sign3A = arith.constant 0 : i32
    %sign3A_1 = arith.cmpi sgt, %add3A, %sign3A : i32
    %sign3A_2 = arith.extui %sign3A_1 : i1 to i32
    %sign3A_3 = arith.constant 0 : i32
    %sign3A_4 = arith.cmpi slt, %add3A, %sign3A_3 : i32
    %sign3A_5 = arith.extui %sign3A_4 : i1 to i32
    %sign3A_6 = arith.subi %sign3A_2, %sign3A_5 : i32
    %sign3A_7 = arith.constant 0 : i32
    %sign3A_8 = arith.cmpi sgt, %jit3A, %sign3A_7 : i32
    %sign3A_9 = arith.extui %sign3A_8 : i1 to i32
    %sign3A_10 = arith.constant 0 : i32
    %sign3A_11 = arith.cmpi slt, %jit3A, %sign3A_10 : i32
    %sign3A_12 = arith.extui %sign3A_11 : i1 to i32
    %sign3A_13 = arith.subi %sign3A_9, %sign3A_12 : i32
    %ne3A = arith.cmpi ne, %sign3A_6, %sign3A_13 : i32
    %rem3A = arith.remsi %add3A, %jit3A : i32
    %ne3A_14 = arith.constant 0 : i32
    %ne3A_15 = arith.cmpi ne, %rem3A, %ne3A_14 : i32
    %and3A = arith.andi %ne3A, %ne3A_15 : i1
    %sub3A = arith.constant 1 : i32
    %sub3A_16 = arith.subi %div3A, %sub3A : i32
    %select_n3A = arith.select %and3A, %sub3A_16, %div3A : i32
    %broadcast_in_dim3A = arith.constant 0.000000e+00 : f32
    %broadcast_in_dim3A_17 = vector.broadcast %broadcast_in_dim3A : f32 to vector<16xf32>
    %parallel_loop3A = arith.constant 0 : i32
    %parallel_loop3A_18 = arith.constant 625 : i32
    %parallel_loop3A_19 = arith.constant 1 : i32
    scf.for %parallel_loop3A_88 = %parallel_loop3A to %parallel_loop3A_18 step %parallel_loop3A_19  : i32 {
      %parallel_loop3A_89 = arith.constant 16 : i32
      %parallel_loop3A_90 = arith.muli %parallel_loop3A_88, %parallel_loop3A_89 : i32
      %parallel_loop3A_91 = arith.index_cast %parallel_loop3A_90 : i32 to index
      %parallel_loop3A_92 = tpu.vector_load %arg7[%parallel_loop3A_91] {strides = array<i32>} : memref<10000xf32, #tpu.memory_space<vmem>>, vector<16xf32>,
      tpu.vector_store %arg7[%parallel_loop3A_91], %broadcast_in_dim3A_17 {strides = array<i32>} : memref<10000xf32, #tpu.memory_space<vmem>>, vector<16xf32>,
      %parallel_loop3A_93 = arith.constant 16 : i32
      %parallel_loop3A_94 = arith.muli %parallel_loop3A_88, %parallel_loop3A_93 : i32
      %parallel_loop3A_95 = arith.index_cast %parallel_loop3A_94 : i32 to index
      %parallel_loop3A_96 = tpu.vector_load %arg8[%parallel_loop3A_95] {strides = array<i32>} : memref<10000xf32, #tpu.memory_space<vmem>>, vector<16xf32>,
      tpu.vector_store %arg8[%parallel_loop3A_95], %broadcast_in_dim3A_17 {strides = array<i32>} : memref<10000xf32, #tpu.memory_space<vmem>>, vector<16xf32>,
    } {sc.loop_unroll_factor = 8 : i64, sc.parallel_access}
    "tpu.region"() ({
      %run_scoped3A = tpu.sem_alloc : memref<!tpu.dma_semaphore, #tpu.memory_space<semaphore_mem>>
      %dma_start3A = arith.constant 0 : i32
      %dma_start3A_88 = tpu.memref_slice %arg9[%dma_start3A] : memref<10000xi32, #tpu.memory_space<vmem>> -> memref<10000xi32, #tpu.memory_space<vmem>>
      %dma_start3A_89 = arith.constant 0 : i32
      %dma_start3A_90 = tpu.memref_slice %arg4[%dma_start3A_89] : memref<33280xi32, #tpu.memory_space<hbm>> -> memref<10000xi32, #tpu.memory_space<hbm>>
      %dma_start3A_91 = arith.constant 0 : i32
      %dma_start3A_92 = tpu.memref_slice %arg9[%dma_start3A_91] : memref<10000xi32, #tpu.memory_space<vmem>> -> memref<10000xi32, #tpu.memory_space<vmem>>
      %dma_start3A_93 = arith.constant 0 : i32
      %dma_start3A_94 = tpu.memref_slice %arg4[%dma_start3A_93] : memref<33280xi32, #tpu.memory_space<hbm>> -> memref<10000xi32, #tpu.memory_space<hbm>>
      tpu.enqueue_dma source(%dma_start3A_94 : memref<10000xi32, #tpu.memory_space<hbm>>) target(%dma_start3A_92 : memref<10000xi32, #tpu.memory_space<vmem>>) target_semaphore(%run_scoped3A : memref<!tpu.dma_semaphore, #tpu.memory_space<semaphore_mem>>)
      %dma_wait3A = arith.constant 0 : i32
      %dma_wait3A_95 = tpu.memref_slice %arg9[%dma_wait3A] : memref<10000xi32, #tpu.memory_space<vmem>> -> memref<10000xi32, #tpu.memory_space<vmem>>
      %dma_wait3A_96 = arith.constant 0 : i32
      %dma_wait3A_97 = tpu.memref_slice %arg4[%dma_wait3A_96] : memref<33280xi32, #tpu.memory_space<hbm>> -> memref<10000xi32, #tpu.memory_space<hbm>>
      %dma_wait3A_98 = arith.constant 0 : i32
      %dma_wait3A_99 = tpu.memref_slice %arg9[%dma_wait3A_98] : memref<10000xi32, #tpu.memory_space<vmem>> -> memref<10000xi32, #tpu.memory_space<vmem>>
      %dma_wait3A_100 = arith.constant 0 : i32
      %dma_wait3A_101 = tpu.memref_slice %arg4[%dma_wait3A_100] : memref<33280xi32, #tpu.memory_space<hbm>> -> memref<10000xi32, #tpu.memory_space<hbm>>
      tpu.wait_dma2 semaphore(%run_scoped3A : memref<!tpu.dma_semaphore, #tpu.memory_space<semaphore_mem>>) src(%dma_wait3A_101 : memref<10000xi32, #tpu.memory_space<hbm>>) dst(%dma_wait3A_99 : memref<10000xi32, #tpu.memory_space<vmem>>)
      tpu.yield
    }) : () -> ()
    %mul3A_20 = arith.constant 33280 : i32
    %mul3A_21 = arith.muli %add3A, %mul3A_20 : i32
    %add3A_22 = arith.constant 0 : i32
    %add3A_23 = arith.addi %mul3A_21, %add3A_22 : i32
    "tpu.region"() ({
      %run_scoped3A = tpu.sem_alloc : memref<!tpu.dma_semaphore, #tpu.memory_space<semaphore_mem>>
      %dma_start3A = arith.constant 0 : i32
      %dma_start3A_88 = tpu.memref_slice %arg10[%dma_start3A] : memref<10000xf32, #tpu.memory_space<vmem>> -> memref<10000xf32, #tpu.memory_space<vmem>>
      %dma_start3A_89 = tpu.memref_slice %arg2[%add3A_23] : memref<1064960xf32, #tpu.memory_space<hbm>> -> memref<10000xf32, #tpu.memory_space<hbm>>
      %dma_start3A_90 = arith.constant 0 : i32
      %dma_start3A_91 = tpu.memref_slice %arg10[%dma_start3A_90] : memref<10000xf32, #tpu.memory_space<vmem>> -> memref<10000xf32, #tpu.memory_space<vmem>>
      %dma_start3A_92 = tpu.memref_slice %arg2[%add3A_23] : memref<1064960xf32, #tpu.memory_space<hbm>> -> memref<10000xf32, #tpu.memory_space<hbm>>
      tpu.enqueue_dma source(%dma_start3A_92 : memref<10000xf32, #tpu.memory_space<hbm>>) target(%dma_start3A_91 : memref<10000xf32, #tpu.memory_space<vmem>>) target_semaphore(%run_scoped3A : memref<!tpu.dma_semaphore, #tpu.memory_space<semaphore_mem>>)
      %dma_wait3A = arith.constant 0 : i32
      %dma_wait3A_93 = tpu.memref_slice %arg10[%dma_wait3A] : memref<10000xf32, #tpu.memory_space<vmem>> -> memref<10000xf32, #tpu.memory_space<vmem>>
      %dma_wait3A_94 = tpu.memref_slice %arg2[%add3A_23] : memref<1064960xf32, #tpu.memory_space<hbm>> -> memref<10000xf32, #tpu.memory_space<hbm>>
      %dma_wait3A_95 = arith.constant 0 : i32
      %dma_wait3A_96 = tpu.memref_slice %arg10[%dma_wait3A_95] : memref<10000xf32, #tpu.memory_space<vmem>> -> memref<10000xf32, #tpu.memory_space<vmem>>
      %dma_wait3A_97 = tpu.memref_slice %arg2[%add3A_23] : memref<1064960xf32, #tpu.memory_space<hbm>> -> memref<10000xf32, #tpu.memory_space<hbm>>
      tpu.wait_dma2 semaphore(%run_scoped3A : memref<!tpu.dma_semaphore, #tpu.memory_space<semaphore_mem>>) src(%dma_wait3A_97 : memref<10000xf32, #tpu.memory_space<hbm>>) dst(%dma_wait3A_96 : memref<10000xf32, #tpu.memory_space<vmem>>)
      tpu.yield
    }) : () -> ()
    %mul3A_24 = arith.constant 33280 : i32
    %mul3A_25 = arith.muli %select_n3A, %mul3A_24 : i32
    %add3A_26 = arith.constant 0 : i32
    %add3A_27 = arith.addi %mul3A_25, %add3A_26 : i32
    "tpu.region"() ({
      %run_scoped3A = tpu.sem_alloc : memref<!tpu.dma_semaphore, #tpu.memory_space<semaphore_mem>>
      %dma_start3A = arith.constant 0 : i32
      %dma_start3A_88 = tpu.memref_slice %arg11[%dma_start3A] : memref<10000xf32, #tpu.memory_space<vmem>> -> memref<10000xf32, #tpu.memory_space<vmem>>
      %dma_start3A_89 = tpu.memref_slice %arg3[%add3A_27] : memref<133120xf32, #tpu.memory_space<hbm>> -> memref<10000xf32, #tpu.memory_space<hbm>>
      %dma_start3A_90 = arith.constant 0 : i32
      %dma_start3A_91 = tpu.memref_slice %arg11[%dma_start3A_90] : memref<10000xf32, #tpu.memory_space<vmem>> -> memref<10000xf32, #tpu.memory_space<vmem>>
      %dma_start3A_92 = tpu.memref_slice %arg3[%add3A_27] : memref<133120xf32, #tpu.memory_space<hbm>> -> memref<10000xf32, #tpu.memory_space<hbm>>
      tpu.enqueue_dma source(%dma_start3A_92 : memref<10000xf32, #tpu.memory_space<hbm>>) target(%dma_start3A_91 : memref<10000xf32, #tpu.memory_space<vmem>>) target_semaphore(%run_scoped3A : memref<!tpu.dma_semaphore, #tpu.memory_space<semaphore_mem>>)
      %dma_wait3A = arith.constant 0 : i32
      %dma_wait3A_93 = tpu.memref_slice %arg11[%dma_wait3A] : memref<10000xf32, #tpu.memory_space<vmem>> -> memref<10000xf32, #tpu.memory_space<vmem>>
      %dma_wait3A_94 = tpu.memref_slice %arg3[%add3A_27] : memref<133120xf32, #tpu.memory_space<hbm>> -> memref<10000xf32, #tpu.memory_space<hbm>>
      %dma_wait3A_95 = arith.constant 0 : i32
      %dma_wait3A_96 = tpu.memref_slice %arg11[%dma_wait3A_95] : memref<10000xf32, #tpu.memory_space<vmem>> -> memref<10000xf32, #tpu.memory_space<vmem>>
      %dma_wait3A_97 = tpu.memref_slice %arg3[%add3A_27] : memref<133120xf32, #tpu.memory_space<hbm>> -> memref<10000xf32, #tpu.memory_space<hbm>>
      tpu.wait_dma2 semaphore(%run_scoped3A : memref<!tpu.dma_semaphore, #tpu.memory_space<semaphore_mem>>) src(%dma_wait3A_97 : memref<10000xf32, #tpu.memory_space<hbm>>) dst(%dma_wait3A_96 : memref<10000xf32, #tpu.memory_space<vmem>>)
      tpu.yield
    }) : () -> ()
    %parallel_loop3A_28 = arith.constant 0 : i32
    %parallel_loop3A_29 = arith.constant 625 : i32
    %parallel_loop3A_30 = arith.constant 1 : i32
    scf.for %parallel_loop3A_88 = %parallel_loop3A_28 to %parallel_loop3A_29 step %parallel_loop3A_30  : i32 {
      %parallel_loop3A_89 = arith.constant 16 : i32
      %parallel_loop3A_90 = arith.muli %parallel_loop3A_88, %parallel_loop3A_89 : i32
      %parallel_loop3A_91 = arith.index_cast %parallel_loop3A_90 : i32 to index
      %parallel_loop3A_92 = tpu.vector_load %arg9[%parallel_loop3A_91] {strides = array<i32>} : memref<10000xi32, #tpu.memory_space<vmem>>, vector<16xi32>,
      %parallel_loop3A_93 = arith.index_cast %parallel_loop3A_90 : i32 to index
      %parallel_loop3A_94 = tpu.vector_load %arg10[%parallel_loop3A_93] {strides = array<i32>} : memref<10000xf32, #tpu.memory_space<vmem>>, vector<16xf32>,
      %parallel_loop3A_95 = arith.index_cast %parallel_loop3A_90 : i32 to index
      %parallel_loop3A_96 = tpu.vector_load %arg11[%parallel_loop3A_95] {strides = array<i32>} : memref<10000xf32, #tpu.memory_space<vmem>>, vector<16xf32>,
      %parallel_loop3A_97 = arith.mulf %parallel_loop3A_94, %parallel_loop3A_96 : vector<16xf32>
      tpu.vector_store_idx %arg7[%parallel_loop3A_92], %parallel_loop3A_97 {add = true} : memref<10000xf32, #tpu.memory_space<vmem>>[vector<16xi32>], vector<16xf32>,
    } {sc.loop_unroll_factor = 8 : i64, sc.parallel_access}
    %lt3A = arith.constant 4 : i32
    %lt3A_31 = arith.cmpi slt, %add3A, %lt3A : i32
    %convert_element_type3A = arith.extui %lt3A_31 : i1 to i32
    %cond3A = arith.constant 0 : i32
    %cond3A_32 = arith.cmpi ne, %convert_element_type3A, %cond3A : i32
    scf.if %cond3A_32 {
      %mul3A_88 = arith.constant 33280 : i32
      %mul3A_89 = arith.muli %add3A, %mul3A_88 : i32
      %add3A_90 = arith.constant 0 : i32
      %add3A_91 = arith.addi %mul3A_89, %add3A_90 : i32
      "tpu.region"() ({
        %run_scoped3A = tpu.sem_alloc : memref<!tpu.dma_semaphore, #tpu.memory_space<semaphore_mem>>
        %dma_start3A = arith.constant 0 : i32
        %dma_start3A_95 = tpu.memref_slice %arg12[%dma_start3A] : memref<10000xf32, #tpu.memory_space<vmem>> -> memref<10000xf32, #tpu.memory_space<vmem>>
        %dma_start3A_96 = tpu.memref_slice %arg3[%add3A_91] : memref<133120xf32, #tpu.memory_space<hbm>> -> memref<10000xf32, #tpu.memory_space<hbm>>
        %dma_start3A_97 = arith.constant 0 : i32
        %dma_start3A_98 = tpu.memref_slice %arg12[%dma_start3A_97] : memref<10000xf32, #tpu.memory_space<vmem>> -> memref<10000xf32, #tpu.memory_space<vmem>>
        %dma_start3A_99 = tpu.memref_slice %arg3[%add3A_91] : memref<133120xf32, #tpu.memory_space<hbm>> -> memref<10000xf32, #tpu.memory_space<hbm>>
        tpu.enqueue_dma source(%dma_start3A_99 : memref<10000xf32, #tpu.memory_space<hbm>>) target(%dma_start3A_98 : memref<10000xf32, #tpu.memory_space<vmem>>) target_semaphore(%run_scoped3A : memref<!tpu.dma_semaphore, #tpu.memory_space<semaphore_mem>>)
        %dma_wait3A = arith.constant 0 : i32
        %dma_wait3A_100 = tpu.memref_slice %arg12[%dma_wait3A] : memref<10000xf32, #tpu.memory_space<vmem>> -> memref<10000xf32, #tpu.memory_space<vmem>>
        %dma_wait3A_101 = tpu.memref_slice %arg3[%add3A_91] : memref<133120xf32, #tpu.memory_space<hbm>> -> memref<10000xf32, #tpu.memory_space<hbm>>
        %dma_wait3A_102 = arith.constant 0 : i32
        %dma_wait3A_103 = tpu.memref_slice %arg12[%dma_wait3A_102] : memref<10000xf32, #tpu.memory_space<vmem>> -> memref<10000xf32, #tpu.memory_space<vmem>>
        %dma_wait3A_104 = tpu.memref_slice %arg3[%add3A_91] : memref<133120xf32, #tpu.memory_space<hbm>> -> memref<10000xf32, #tpu.memory_space<hbm>>
        tpu.wait_dma2 semaphore(%run_scoped3A : memref<!tpu.dma_semaphore, #tpu.memory_space<semaphore_mem>>) src(%dma_wait3A_104 : memref<10000xf32, #tpu.memory_space<hbm>>) dst(%dma_wait3A_103 : memref<10000xf32, #tpu.memory_space<vmem>>)
        tpu.yield
      }) : () -> ()
      %parallel_loop3A_92 = arith.constant 0 : i32
      %parallel_loop3A_93 = arith.constant 625 : i32
      %parallel_loop3A_94 = arith.constant 1 : i32
      scf.for %parallel_loop3A_95 = %parallel_loop3A_92 to %parallel_loop3A_93 step %parallel_loop3A_94  : i32 {
        %parallel_loop3A_96 = arith.constant 16 : i32
        %parallel_loop3A_97 = arith.muli %parallel_loop3A_95, %parallel_loop3A_96 : i32
        %parallel_loop3A_98 = arith.index_cast %parallel_loop3A_97 : i32 to index
        %parallel_loop3A_99 = tpu.vector_load %arg9[%parallel_loop3A_98] {strides = array<i32>} : memref<10000xi32, #tpu.memory_space<vmem>>, vector<16xi32>,
        %parallel_loop3A_100 = arith.index_cast %parallel_loop3A_97 : i32 to index
        %parallel_loop3A_101 = tpu.vector_load %arg12[%parallel_loop3A_100] {strides = array<i32>} : memref<10000xf32, #tpu.memory_space<vmem>>, vector<16xf32>,
        tpu.vector_store_idx %arg8[%parallel_loop3A_99], %parallel_loop3A_101 {add = true} : memref<10000xf32, #tpu.memory_space<vmem>>[vector<16xi32>], vector<16xf32>,
      } {sc.loop_unroll_factor = 8 : i64, sc.parallel_access}
    } else {
    }
    "tpu.region"() ({
      %run_scoped3A = tpu.sem_alloc : memref<!tpu.dma_semaphore, #tpu.memory_space<semaphore_mem>>
      %dma_start3A = arith.constant 0 : i32
      %dma_start3A_88 = tpu.memref_slice %arg9[%dma_start3A] : memref<10000xi32, #tpu.memory_space<vmem>> -> memref<10000xi32, #tpu.memory_space<vmem>>
      %dma_start3A_89 = arith.constant 10000 : i32
      %dma_start3A_90 = tpu.memref_slice %arg4[%dma_start3A_89] : memref<33280xi32, #tpu.memory_space<hbm>> -> memref<10000xi32, #tpu.memory_space<hbm>>
      %dma_start3A_91 = arith.constant 0 : i32
      %dma_start3A_92 = tpu.memref_slice %arg9[%dma_start3A_91] : memref<10000xi32, #tpu.memory_space<vmem>> -> memref<10000xi32, #tpu.memory_space<vmem>>
      %dma_start3A_93 = arith.constant 10000 : i32
      %dma_start3A_94 = tpu.memref_slice %arg4[%dma_start3A_93] : memref<33280xi32, #tpu.memory_space<hbm>> -> memref<10000xi32, #tpu.memory_space<hbm>>
      tpu.enqueue_dma source(%dma_start3A_94 : memref<10000xi32, #tpu.memory_space<hbm>>) target(%dma_start3A_92 : memref<10000xi32, #tpu.memory_space<vmem>>) target_semaphore(%run_scoped3A : memref<!tpu.dma_semaphore, #tpu.memory_space<semaphore_mem>>)
      %dma_wait3A = arith.constant 0 : i32
      %dma_wait3A_95 = tpu.memref_slice %arg9[%dma_wait3A] : memref<10000xi32, #tpu.memory_space<vmem>> -> memref<10000xi32, #tpu.memory_space<vmem>>
      %dma_wait3A_96 = arith.constant 10000 : i32
      %dma_wait3A_97 = tpu.memref_slice %arg4[%dma_wait3A_96] : memref<33280xi32, #tpu.memory_space<hbm>> -> memref<10000xi32, #tpu.memory_space<hbm>>
      %dma_wait3A_98 = arith.constant 0 : i32
      %dma_wait3A_99 = tpu.memref_slice %arg9[%dma_wait3A_98] : memref<10000xi32, #tpu.memory_space<vmem>> -> memref<10000xi32, #tpu.memory_space<vmem>>
      %dma_wait3A_100 = arith.constant 10000 : i32
      %dma_wait3A_101 = tpu.memref_slice %arg4[%dma_wait3A_100] : memref<33280xi32, #tpu.memory_space<hbm>> -> memref<10000xi32, #tpu.memory_space<hbm>>
      tpu.wait_dma2 semaphore(%run_scoped3A : memref<!tpu.dma_semaphore, #tpu.memory_space<semaphore_mem>>) src(%dma_wait3A_101 : memref<10000xi32, #tpu.memory_space<hbm>>) dst(%dma_wait3A_99 : memref<10000xi32, #tpu.memory_space<vmem>>)
      tpu.yield
    }) : () -> ()
    %mul3A_33 = arith.constant 33280 : i32
    %mul3A_34 = arith.muli %add3A, %mul3A_33 : i32
    %add3A_35 = arith.constant 10000 : i32
    %add3A_36 = arith.addi %mul3A_34, %add3A_35 : i32
    "tpu.region"() ({
      %run_scoped3A = tpu.sem_alloc : memref<!tpu.dma_semaphore, #tpu.memory_space<semaphore_mem>>
      %dma_start3A = arith.constant 0 : i32
      %dma_start3A_88 = tpu.memref_slice %arg10[%dma_start3A] : memref<10000xf32, #tpu.memory_space<vmem>> -> memref<10000xf32, #tpu.memory_space<vmem>>
      %dma_start3A_89 = tpu.memref_slice %arg2[%add3A_36] : memref<1064960xf32, #tpu.memory_space<hbm>> -> memref<10000xf32, #tpu.memory_space<hbm>>
      %dma_start3A_90 = arith.constant 0 : i32
      %dma_start3A_91 = tpu.memref_slice %arg10[%dma_start3A_90] : memref<10000xf32, #tpu.memory_space<vmem>> -> memref<10000xf32, #tpu.memory_space<vmem>>
      %dma_start3A_92 = tpu.memref_slice %arg2[%add3A_36] : memref<1064960xf32, #tpu.memory_space<hbm>> -> memref<10000xf32, #tpu.memory_space<hbm>>
      tpu.enqueue_dma source(%dma_start3A_92 : memref<10000xf32, #tpu.memory_space<hbm>>) target(%dma_start3A_91 : memref<10000xf32, #tpu.memory_space<vmem>>) target_semaphore(%run_scoped3A : memref<!tpu.dma_semaphore, #tpu.memory_space<semaphore_mem>>)
      %dma_wait3A = arith.constant 0 : i32
      %dma_wait3A_93 = tpu.memref_slice %arg10[%dma_wait3A] : memref<10000xf32, #tpu.memory_space<vmem>> -> memref<10000xf32, #tpu.memory_space<vmem>>
      %dma_wait3A_94 = tpu.memref_slice %arg2[%add3A_36] : memref<1064960xf32, #tpu.memory_space<hbm>> -> memref<10000xf32, #tpu.memory_space<hbm>>
      %dma_wait3A_95 = arith.constant 0 : i32
      %dma_wait3A_96 = tpu.memref_slice %arg10[%dma_wait3A_95] : memref<10000xf32, #tpu.memory_space<vmem>> -> memref<10000xf32, #tpu.memory_space<vmem>>
      %dma_wait3A_97 = tpu.memref_slice %arg2[%add3A_36] : memref<1064960xf32, #tpu.memory_space<hbm>> -> memref<10000xf32, #tpu.memory_space<hbm>>
      tpu.wait_dma2 semaphore(%run_scoped3A : memref<!tpu.dma_semaphore, #tpu.memory_space<semaphore_mem>>) src(%dma_wait3A_97 : memref<10000xf32, #tpu.memory_space<hbm>>) dst(%dma_wait3A_96 : memref<10000xf32, #tpu.memory_space<vmem>>)
      tpu.yield
    }) : () -> ()
    %mul3A_37 = arith.constant 33280 : i32
    %mul3A_38 = arith.muli %select_n3A, %mul3A_37 : i32
    %add3A_39 = arith.constant 10000 : i32
    %add3A_40 = arith.addi %mul3A_38, %add3A_39 : i32
    "tpu.region"() ({
      %run_scoped3A = tpu.sem_alloc : memref<!tpu.dma_semaphore, #tpu.memory_space<semaphore_mem>>
      %dma_start3A = arith.constant 0 : i32
      %dma_start3A_88 = tpu.memref_slice %arg11[%dma_start3A] : memref<10000xf32, #tpu.memory_space<vmem>> -> memref<10000xf32, #tpu.memory_space<vmem>>
      %dma_start3A_89 = tpu.memref_slice %arg3[%add3A_40] : memref<133120xf32, #tpu.memory_space<hbm>> -> memref<10000xf32, #tpu.memory_space<hbm>>
      %dma_start3A_90 = arith.constant 0 : i32
      %dma_start3A_91 = tpu.memref_slice %arg11[%dma_start3A_90] : memref<10000xf32, #tpu.memory_space<vmem>> -> memref<10000xf32, #tpu.memory_space<vmem>>
      %dma_start3A_92 = tpu.memref_slice %arg3[%add3A_40] : memref<133120xf32, #tpu.memory_space<hbm>> -> memref<10000xf32, #tpu.memory_space<hbm>>
      tpu.enqueue_dma source(%dma_start3A_92 : memref<10000xf32, #tpu.memory_space<hbm>>) target(%dma_start3A_91 : memref<10000xf32, #tpu.memory_space<vmem>>) target_semaphore(%run_scoped3A : memref<!tpu.dma_semaphore, #tpu.memory_space<semaphore_mem>>)
      %dma_wait3A = arith.constant 0 : i32
      %dma_wait3A_93 = tpu.memref_slice %arg11[%dma_wait3A] : memref<10000xf32, #tpu.memory_space<vmem>> -> memref<10000xf32, #tpu.memory_space<vmem>>
      %dma_wait3A_94 = tpu.memref_slice %arg3[%add3A_40] : memref<133120xf32, #tpu.memory_space<hbm>> -> memref<10000xf32, #tpu.memory_space<hbm>>
      %dma_wait3A_95 = arith.constant 0 : i32
      %dma_wait3A_96 = tpu.memref_slice %arg11[%dma_wait3A_95] : memref<10000xf32, #tpu.memory_space<vmem>> -> memref<10000xf32, #tpu.memory_space<vmem>>
      %dma_wait3A_97 = tpu.memref_slice %arg3[%add3A_40] : memref<133120xf32, #tpu.memory_space<hbm>> -> memref<10000xf32, #tpu.memory_space<hbm>>
      tpu.wait_dma2 semaphore(%run_scoped3A : memref<!tpu.dma_semaphore, #tpu.memory_space<semaphore_mem>>) src(%dma_wait3A_97 : memref<10000xf32, #tpu.memory_space<hbm>>) dst(%dma_wait3A_96 : memref<10000xf32, #tpu.memory_space<vmem>>)
      tpu.yield
    }) : () -> ()
    %parallel_loop3A_41 = arith.constant 0 : i32
    %parallel_loop3A_42 = arith.constant 625 : i32
    %parallel_loop3A_43 = arith.constant 1 : i32
    scf.for %parallel_loop3A_88 = %parallel_loop3A_41 to %parallel_loop3A_42 step %parallel_loop3A_43  : i32 {
      %parallel_loop3A_89 = arith.constant 16 : i32
      %parallel_loop3A_90 = arith.muli %parallel_loop3A_88, %parallel_loop3A_89 : i32
      %parallel_loop3A_91 = arith.index_cast %parallel_loop3A_90 : i32 to index
      %parallel_loop3A_92 = tpu.vector_load %arg9[%parallel_loop3A_91] {strides = array<i32>} : memref<10000xi32, #tpu.memory_space<vmem>>, vector<16xi32>,
      %parallel_loop3A_93 = arith.index_cast %parallel_loop3A_90 : i32 to index
      %parallel_loop3A_94 = tpu.vector_load %arg10[%parallel_loop3A_93] {strides = array<i32>} : memref<10000xf32, #tpu.memory_space<vmem>>, vector<16xf32>,
      %parallel_loop3A_95 = arith.index_cast %parallel_loop3A_90 : i32 to index
      %parallel_loop3A_96 = tpu.vector_load %arg11[%parallel_loop3A_95] {strides = array<i32>} : memref<10000xf32, #tpu.memory_space<vmem>>, vector<16xf32>,
      %parallel_loop3A_97 = arith.mulf %parallel_loop3A_94, %parallel_loop3A_96 : vector<16xf32>
      tpu.vector_store_idx %arg7[%parallel_loop3A_92], %parallel_loop3A_97 {add = true} : memref<10000xf32, #tpu.memory_space<vmem>>[vector<16xi32>], vector<16xf32>,
    } {sc.loop_unroll_factor = 8 : i64, sc.parallel_access}
    %lt3A_44 = arith.constant 4 : i32
    %lt3A_45 = arith.cmpi slt, %add3A, %lt3A_44 : i32
    %convert_element_type3A_46 = arith.extui %lt3A_45 : i1 to i32
    %cond3A_47 = arith.constant 0 : i32
    %cond3A_48 = arith.cmpi ne, %convert_element_type3A_46, %cond3A_47 : i32
    scf.if %cond3A_48 {
      %mul3A_88 = arith.constant 33280 : i32
      %mul3A_89 = arith.muli %add3A, %mul3A_88 : i32
      %add3A_90 = arith.constant 10000 : i32
      %add3A_91 = arith.addi %mul3A_89, %add3A_90 : i32
      "tpu.region"() ({
        %run_scoped3A = tpu.sem_alloc : memref<!tpu.dma_semaphore, #tpu.memory_space<semaphore_mem>>
        %dma_start3A = arith.constant 0 : i32
        %dma_start3A_95 = tpu.memref_slice %arg12[%dma_start3A] : memref<10000xf32, #tpu.memory_space<vmem>> -> memref<10000xf32, #tpu.memory_space<vmem>>
        %dma_start3A_96 = tpu.memref_slice %arg3[%add3A_91] : memref<133120xf32, #tpu.memory_space<hbm>> -> memref<10000xf32, #tpu.memory_space<hbm>>
        %dma_start3A_97 = arith.constant 0 : i32
        %dma_start3A_98 = tpu.memref_slice %arg12[%dma_start3A_97] : memref<10000xf32, #tpu.memory_space<vmem>> -> memref<10000xf32, #tpu.memory_space<vmem>>
        %dma_start3A_99 = tpu.memref_slice %arg3[%add3A_91] : memref<133120xf32, #tpu.memory_space<hbm>> -> memref<10000xf32, #tpu.memory_space<hbm>>
        tpu.enqueue_dma source(%dma_start3A_99 : memref<10000xf32, #tpu.memory_space<hbm>>) target(%dma_start3A_98 : memref<10000xf32, #tpu.memory_space<vmem>>) target_semaphore(%run_scoped3A : memref<!tpu.dma_semaphore, #tpu.memory_space<semaphore_mem>>)
        %dma_wait3A = arith.constant 0 : i32
        %dma_wait3A_100 = tpu.memref_slice %arg12[%dma_wait3A] : memref<10000xf32, #tpu.memory_space<vmem>> -> memref<10000xf32, #tpu.memory_space<vmem>>
        %dma_wait3A_101 = tpu.memref_slice %arg3[%add3A_91] : memref<133120xf32, #tpu.memory_space<hbm>> -> memref<10000xf32, #tpu.memory_space<hbm>>
        %dma_wait3A_102 = arith.constant 0 : i32
        %dma_wait3A_103 = tpu.memref_slice %arg12[%dma_wait3A_102] : memref<10000xf32, #tpu.memory_space<vmem>> -> memref<10000xf32, #tpu.memory_space<vmem>>
        %dma_wait3A_104 = tpu.memref_slice %arg3[%add3A_91] : memref<133120xf32, #tpu.memory_space<hbm>> -> memref<10000xf32, #tpu.memory_space<hbm>>
        tpu.wait_dma2 semaphore(%run_scoped3A : memref<!tpu.dma_semaphore, #tpu.memory_space<semaphore_mem>>) src(%dma_wait3A_104 : memref<10000xf32, #tpu.memory_space<hbm>>) dst(%dma_wait3A_103 : memref<10000xf32, #tpu.memory_space<vmem>>)
        tpu.yield
      }) : () -> ()
      %parallel_loop3A_92 = arith.constant 0 : i32
      %parallel_loop3A_93 = arith.constant 625 : i32
      %parallel_loop3A_94 = arith.constant 1 : i32
      scf.for %parallel_loop3A_95 = %parallel_loop3A_92 to %parallel_loop3A_93 step %parallel_loop3A_94  : i32 {
        %parallel_loop3A_96 = arith.constant 16 : i32
        %parallel_loop3A_97 = arith.muli %parallel_loop3A_95, %parallel_loop3A_96 : i32
        %parallel_loop3A_98 = arith.index_cast %parallel_loop3A_97 : i32 to index
        %parallel_loop3A_99 = tpu.vector_load %arg9[%parallel_loop3A_98] {strides = array<i32>} : memref<10000xi32, #tpu.memory_space<vmem>>, vector<16xi32>,
        %parallel_loop3A_100 = arith.index_cast %parallel_loop3A_97 : i32 to index
        %parallel_loop3A_101 = tpu.vector_load %arg12[%parallel_loop3A_100] {strides = array<i32>} : memref<10000xf32, #tpu.memory_space<vmem>>, vector<16xf32>,
        tpu.vector_store_idx %arg8[%parallel_loop3A_99], %parallel_loop3A_101 {add = true} : memref<10000xf32, #tpu.memory_space<vmem>>[vector<16xi32>], vector<16xf32>,
      } {sc.loop_unroll_factor = 8 : i64, sc.parallel_access}
    } else {
    }
    "tpu.region"() ({
      %run_scoped3A = tpu.sem_alloc : memref<!tpu.dma_semaphore, #tpu.memory_space<semaphore_mem>>
      %dma_start3A = arith.constant 0 : i32
      %dma_start3A_88 = tpu.memref_slice %arg9[%dma_start3A] : memref<10000xi32, #tpu.memory_space<vmem>> -> memref<10000xi32, #tpu.memory_space<vmem>>
      %dma_start3A_89 = arith.constant 20000 : i32
      %dma_start3A_90 = tpu.memref_slice %arg4[%dma_start3A_89] : memref<33280xi32, #tpu.memory_space<hbm>> -> memref<10000xi32, #tpu.memory_space<hbm>>
      %dma_start3A_91 = arith.constant 0 : i32
      %dma_start3A_92 = tpu.memref_slice %arg9[%dma_start3A_91] : memref<10000xi32, #tpu.memory_space<vmem>> -> memref<10000xi32, #tpu.memory_space<vmem>>
      %dma_start3A_93 = arith.constant 20000 : i32
      %dma_start3A_94 = tpu.memref_slice %arg4[%dma_start3A_93] : memref<33280xi32, #tpu.memory_space<hbm>> -> memref<10000xi32, #tpu.memory_space<hbm>>
      tpu.enqueue_dma source(%dma_start3A_94 : memref<10000xi32, #tpu.memory_space<hbm>>) target(%dma_start3A_92 : memref<10000xi32, #tpu.memory_space<vmem>>) target_semaphore(%run_scoped3A : memref<!tpu.dma_semaphore, #tpu.memory_space<semaphore_mem>>)
      %dma_wait3A = arith.constant 0 : i32
      %dma_wait3A_95 = tpu.memref_slice %arg9[%dma_wait3A] : memref<10000xi32, #tpu.memory_space<vmem>> -> memref<10000xi32, #tpu.memory_space<vmem>>
      %dma_wait3A_96 = arith.constant 20000 : i32
      %dma_wait3A_97 = tpu.memref_slice %arg4[%dma_wait3A_96] : memref<33280xi32, #tpu.memory_space<hbm>> -> memref<10000xi32, #tpu.memory_space<hbm>>
      %dma_wait3A_98 = arith.constant 0 : i32
      %dma_wait3A_99 = tpu.memref_slice %arg9[%dma_wait3A_98] : memref<10000xi32, #tpu.memory_space<vmem>> -> memref<10000xi32, #tpu.memory_space<vmem>>
      %dma_wait3A_100 = arith.constant 20000 : i32
      %dma_wait3A_101 = tpu.memref_slice %arg4[%dma_wait3A_100] : memref<33280xi32, #tpu.memory_space<hbm>> -> memref<10000xi32, #tpu.memory_space<hbm>>
      tpu.wait_dma2 semaphore(%run_scoped3A : memref<!tpu.dma_semaphore, #tpu.memory_space<semaphore_mem>>) src(%dma_wait3A_101 : memref<10000xi32, #tpu.memory_space<hbm>>) dst(%dma_wait3A_99 : memref<10000xi32, #tpu.memory_space<vmem>>)
      tpu.yield
    }) : () -> ()
    %mul3A_49 = arith.constant 33280 : i32
    %mul3A_50 = arith.muli %add3A, %mul3A_49 : i32
    %add3A_51 = arith.constant 20000 : i32
    %add3A_52 = arith.addi %mul3A_50, %add3A_51 : i32
    "tpu.region"() ({
      %run_scoped3A = tpu.sem_alloc : memref<!tpu.dma_semaphore, #tpu.memory_space<semaphore_mem>>
      %dma_start3A = arith.constant 0 : i32
      %dma_start3A_88 = tpu.memref_slice %arg10[%dma_start3A] : memref<10000xf32, #tpu.memory_space<vmem>> -> memref<10000xf32, #tpu.memory_space<vmem>>
      %dma_start3A_89 = tpu.memref_slice %arg2[%add3A_52] : memref<1064960xf32, #tpu.memory_space<hbm>> -> memref<10000xf32, #tpu.memory_space<hbm>>
      %dma_start3A_90 = arith.constant 0 : i32
      %dma_start3A_91 = tpu.memref_slice %arg10[%dma_start3A_90] : memref<10000xf32, #tpu.memory_space<vmem>> -> memref<10000xf32, #tpu.memory_space<vmem>>
      %dma_start3A_92 = tpu.memref_slice %arg2[%add3A_52] : memref<1064960xf32, #tpu.memory_space<hbm>> -> memref<10000xf32, #tpu.memory_space<hbm>>
      tpu.enqueue_dma source(%dma_start3A_92 : memref<10000xf32, #tpu.memory_space<hbm>>) target(%dma_start3A_91 : memref<10000xf32, #tpu.memory_space<vmem>>) target_semaphore(%run_scoped3A : memref<!tpu.dma_semaphore, #tpu.memory_space<semaphore_mem>>)
      %dma_wait3A = arith.constant 0 : i32
      %dma_wait3A_93 = tpu.memref_slice %arg10[%dma_wait3A] : memref<10000xf32, #tpu.memory_space<vmem>> -> memref<10000xf32, #tpu.memory_space<vmem>>
      %dma_wait3A_94 = tpu.memref_slice %arg2[%add3A_52] : memref<1064960xf32, #tpu.memory_space<hbm>> -> memref<10000xf32, #tpu.memory_space<hbm>>
      %dma_wait3A_95 = arith.constant 0 : i32
      %dma_wait3A_96 = tpu.memref_slice %arg10[%dma_wait3A_95] : memref<10000xf32, #tpu.memory_space<vmem>> -> memref<10000xf32, #tpu.memory_space<vmem>>
      %dma_wait3A_97 = tpu.memref_slice %arg2[%add3A_52] : memref<1064960xf32, #tpu.memory_space<hbm>> -> memref<10000xf32, #tpu.memory_space<hbm>>
      tpu.wait_dma2 semaphore(%run_scoped3A : memref<!tpu.dma_semaphore, #tpu.memory_space<semaphore_mem>>) src(%dma_wait3A_97 : memref<10000xf32, #tpu.memory_space<hbm>>) dst(%dma_wait3A_96 : memref<10000xf32, #tpu.memory_space<vmem>>)
      tpu.yield
    }) : () -> ()
    %mul3A_53 = arith.constant 33280 : i32
    %mul3A_54 = arith.muli %select_n3A, %mul3A_53 : i32
    %add3A_55 = arith.constant 20000 : i32
    %add3A_56 = arith.addi %mul3A_54, %add3A_55 : i32
    "tpu.region"() ({
      %run_scoped3A = tpu.sem_alloc : memref<!tpu.dma_semaphore, #tpu.memory_space<semaphore_mem>>
      %dma_start3A = arith.constant 0 : i32
      %dma_start3A_88 = tpu.memref_slice %arg11[%dma_start3A] : memref<10000xf32, #tpu.memory_space<vmem>> -> memref<10000xf32, #tpu.memory_space<vmem>>
      %dma_start3A_89 = tpu.memref_slice %arg3[%add3A_56] : memref<133120xf32, #tpu.memory_space<hbm>> -> memref<10000xf32, #tpu.memory_space<hbm>>
      %dma_start3A_90 = arith.constant 0 : i32
      %dma_start3A_91 = tpu.memref_slice %arg11[%dma_start3A_90] : memref<10000xf32, #tpu.memory_space<vmem>> -> memref<10000xf32, #tpu.memory_space<vmem>>
      %dma_start3A_92 = tpu.memref_slice %arg3[%add3A_56] : memref<133120xf32, #tpu.memory_space<hbm>> -> memref<10000xf32, #tpu.memory_space<hbm>>
      tpu.enqueue_dma source(%dma_start3A_92 : memref<10000xf32, #tpu.memory_space<hbm>>) target(%dma_start3A_91 : memref<10000xf32, #tpu.memory_space<vmem>>) target_semaphore(%run_scoped3A : memref<!tpu.dma_semaphore, #tpu.memory_space<semaphore_mem>>)
      %dma_wait3A = arith.constant 0 : i32
      %dma_wait3A_93 = tpu.memref_slice %arg11[%dma_wait3A] : memref<10000xf32, #tpu.memory_space<vmem>> -> memref<10000xf32, #tpu.memory_space<vmem>>
      %dma_wait3A_94 = tpu.memref_slice %arg3[%add3A_56] : memref<133120xf32, #tpu.memory_space<hbm>> -> memref<10000xf32, #tpu.memory_space<hbm>>
      %dma_wait3A_95 = arith.constant 0 : i32
      %dma_wait3A_96 = tpu.memref_slice %arg11[%dma_wait3A_95] : memref<10000xf32, #tpu.memory_space<vmem>> -> memref<10000xf32, #tpu.memory_space<vmem>>
      %dma_wait3A_97 = tpu.memref_slice %arg3[%add3A_56] : memref<133120xf32, #tpu.memory_space<hbm>> -> memref<10000xf32, #tpu.memory_space<hbm>>
      tpu.wait_dma2 semaphore(%run_scoped3A : memref<!tpu.dma_semaphore, #tpu.memory_space<semaphore_mem>>) src(%dma_wait3A_97 : memref<10000xf32, #tpu.memory_space<hbm>>) dst(%dma_wait3A_96 : memref<10000xf32, #tpu.memory_space<vmem>>)
      tpu.yield
    }) : () -> ()
    %parallel_loop3A_57 = arith.constant 0 : i32
    %parallel_loop3A_58 = arith.constant 625 : i32
    %parallel_loop3A_59 = arith.constant 1 : i32
    scf.for %parallel_loop3A_88 = %parallel_loop3A_57 to %parallel_loop3A_58 step %parallel_loop3A_59  : i32 {
      %parallel_loop3A_89 = arith.constant 16 : i32
      %parallel_loop3A_90 = arith.muli %parallel_loop3A_88, %parallel_loop3A_89 : i32
      %parallel_loop3A_91 = arith.index_cast %parallel_loop3A_90 : i32 to index
      %parallel_loop3A_92 = tpu.vector_load %arg9[%parallel_loop3A_91] {strides = array<i32>} : memref<10000xi32, #tpu.memory_space<vmem>>, vector<16xi32>,
      %parallel_loop3A_93 = arith.index_cast %parallel_loop3A_90 : i32 to index
      %parallel_loop3A_94 = tpu.vector_load %arg10[%parallel_loop3A_93] {strides = array<i32>} : memref<10000xf32, #tpu.memory_space<vmem>>, vector<16xf32>,
      %parallel_loop3A_95 = arith.index_cast %parallel_loop3A_90 : i32 to index
      %parallel_loop3A_96 = tpu.vector_load %arg11[%parallel_loop3A_95] {strides = array<i32>} : memref<10000xf32, #tpu.memory_space<vmem>>, vector<16xf32>,
      %parallel_loop3A_97 = arith.mulf %parallel_loop3A_94, %parallel_loop3A_96 : vector<16xf32>
      tpu.vector_store_idx %arg7[%parallel_loop3A_92], %parallel_loop3A_97 {add = true} : memref<10000xf32, #tpu.memory_space<vmem>>[vector<16xi32>], vector<16xf32>,
    } {sc.loop_unroll_factor = 8 : i64, sc.parallel_access}
    %lt3A_60 = arith.constant 4 : i32
    %lt3A_61 = arith.cmpi slt, %add3A, %lt3A_60 : i32
    %convert_element_type3A_62 = arith.extui %lt3A_61 : i1 to i32
    %cond3A_63 = arith.constant 0 : i32
    %cond3A_64 = arith.cmpi ne, %convert_element_type3A_62, %cond3A_63 : i32
    scf.if %cond3A_64 {
      %mul3A_88 = arith.constant 33280 : i32
      %mul3A_89 = arith.muli %add3A, %mul3A_88 : i32
      %add3A_90 = arith.constant 20000 : i32
      %add3A_91 = arith.addi %mul3A_89, %add3A_90 : i32
      "tpu.region"() ({
        %run_scoped3A = tpu.sem_alloc : memref<!tpu.dma_semaphore, #tpu.memory_space<semaphore_mem>>
        %dma_start3A = arith.constant 0 : i32
        %dma_start3A_95 = tpu.memref_slice %arg12[%dma_start3A] : memref<10000xf32, #tpu.memory_space<vmem>> -> memref<10000xf32, #tpu.memory_space<vmem>>
        %dma_start3A_96 = tpu.memref_slice %arg3[%add3A_91] : memref<133120xf32, #tpu.memory_space<hbm>> -> memref<10000xf32, #tpu.memory_space<hbm>>
        %dma_start3A_97 = arith.constant 0 : i32
        %dma_start3A_98 = tpu.memref_slice %arg12[%dma_start3A_97] : memref<10000xf32, #tpu.memory_space<vmem>> -> memref<10000xf32, #tpu.memory_space<vmem>>
        %dma_start3A_99 = tpu.memref_slice %arg3[%add3A_91] : memref<133120xf32, #tpu.memory_space<hbm>> -> memref<10000xf32, #tpu.memory_space<hbm>>
        tpu.enqueue_dma source(%dma_start3A_99 : memref<10000xf32, #tpu.memory_space<hbm>>) target(%dma_start3A_98 : memref<10000xf32, #tpu.memory_space<vmem>>) target_semaphore(%run_scoped3A : memref<!tpu.dma_semaphore, #tpu.memory_space<semaphore_mem>>)
        %dma_wait3A = arith.constant 0 : i32
        %dma_wait3A_100 = tpu.memref_slice %arg12[%dma_wait3A] : memref<10000xf32, #tpu.memory_space<vmem>> -> memref<10000xf32, #tpu.memory_space<vmem>>
        %dma_wait3A_101 = tpu.memref_slice %arg3[%add3A_91] : memref<133120xf32, #tpu.memory_space<hbm>> -> memref<10000xf32, #tpu.memory_space<hbm>>
        %dma_wait3A_102 = arith.constant 0 : i32
        %dma_wait3A_103 = tpu.memref_slice %arg12[%dma_wait3A_102] : memref<10000xf32, #tpu.memory_space<vmem>> -> memref<10000xf32, #tpu.memory_space<vmem>>
        %dma_wait3A_104 = tpu.memref_slice %arg3[%add3A_91] : memref<133120xf32, #tpu.memory_space<hbm>> -> memref<10000xf32, #tpu.memory_space<hbm>>
        tpu.wait_dma2 semaphore(%run_scoped3A : memref<!tpu.dma_semaphore, #tpu.memory_space<semaphore_mem>>) src(%dma_wait3A_104 : memref<10000xf32, #tpu.memory_space<hbm>>) dst(%dma_wait3A_103 : memref<10000xf32, #tpu.memory_space<vmem>>)
        tpu.yield
      }) : () -> ()
      %parallel_loop3A_92 = arith.constant 0 : i32
      %parallel_loop3A_93 = arith.constant 625 : i32
      %parallel_loop3A_94 = arith.constant 1 : i32
      scf.for %parallel_loop3A_95 = %parallel_loop3A_92 to %parallel_loop3A_93 step %parallel_loop3A_94  : i32 {
        %parallel_loop3A_96 = arith.constant 16 : i32
        %parallel_loop3A_97 = arith.muli %parallel_loop3A_95, %parallel_loop3A_96 : i32
        %parallel_loop3A_98 = arith.index_cast %parallel_loop3A_97 : i32 to index
        %parallel_loop3A_99 = tpu.vector_load %arg9[%parallel_loop3A_98] {strides = array<i32>} : memref<10000xi32, #tpu.memory_space<vmem>>, vector<16xi32>,
        %parallel_loop3A_100 = arith.index_cast %parallel_loop3A_97 : i32 to index
        %parallel_loop3A_101 = tpu.vector_load %arg12[%parallel_loop3A_100] {strides = array<i32>} : memref<10000xf32, #tpu.memory_space<vmem>>, vector<16xf32>,
        tpu.vector_store_idx %arg8[%parallel_loop3A_99], %parallel_loop3A_101 {add = true} : memref<10000xf32, #tpu.memory_space<vmem>>[vector<16xi32>], vector<16xf32>,
      } {sc.loop_unroll_factor = 8 : i64, sc.parallel_access}
    } else {
    }
    "tpu.region"() ({
      %run_scoped3A = tpu.sem_alloc : memref<!tpu.dma_semaphore, #tpu.memory_space<semaphore_mem>>
      %dma_start3A = arith.constant 0 : i32
      %dma_start3A_88 = tpu.memref_slice %arg9[%dma_start3A] : memref<10000xi32, #tpu.memory_space<vmem>> -> memref<3280xi32, #tpu.memory_space<vmem>>
      %dma_start3A_89 = arith.constant 30000 : i32
      %dma_start3A_90 = tpu.memref_slice %arg4[%dma_start3A_89] : memref<33280xi32, #tpu.memory_space<hbm>> -> memref<3280xi32, #tpu.memory_space<hbm>>
      %dma_start3A_91 = arith.constant 0 : i32
      %dma_start3A_92 = tpu.memref_slice %arg9[%dma_start3A_91] : memref<10000xi32, #tpu.memory_space<vmem>> -> memref<3280xi32, #tpu.memory_space<vmem>>
      %dma_start3A_93 = arith.constant 30000 : i32
      %dma_start3A_94 = tpu.memref_slice %arg4[%dma_start3A_93] : memref<33280xi32, #tpu.memory_space<hbm>> -> memref<3280xi32, #tpu.memory_space<hbm>>
      tpu.enqueue_dma source(%dma_start3A_94 : memref<3280xi32, #tpu.memory_space<hbm>>) target(%dma_start3A_92 : memref<3280xi32, #tpu.memory_space<vmem>>) target_semaphore(%run_scoped3A : memref<!tpu.dma_semaphore, #tpu.memory_space<semaphore_mem>>)
      %dma_wait3A = arith.constant 0 : i32
      %dma_wait3A_95 = tpu.memref_slice %arg9[%dma_wait3A] : memref<10000xi32, #tpu.memory_space<vmem>> -> memref<3280xi32, #tpu.memory_space<vmem>>
      %dma_wait3A_96 = arith.constant 30000 : i32
      %dma_wait3A_97 = tpu.memref_slice %arg4[%dma_wait3A_96] : memref<33280xi32, #tpu.memory_space<hbm>> -> memref<3280xi32, #tpu.memory_space<hbm>>
      %dma_wait3A_98 = arith.constant 0 : i32
      %dma_wait3A_99 = tpu.memref_slice %arg9[%dma_wait3A_98] : memref<10000xi32, #tpu.memory_space<vmem>> -> memref<3280xi32, #tpu.memory_space<vmem>>
      %dma_wait3A_100 = arith.constant 30000 : i32
      %dma_wait3A_101 = tpu.memref_slice %arg4[%dma_wait3A_100] : memref<33280xi32, #tpu.memory_space<hbm>> -> memref<3280xi32, #tpu.memory_space<hbm>>
      tpu.wait_dma2 semaphore(%run_scoped3A : memref<!tpu.dma_semaphore, #tpu.memory_space<semaphore_mem>>) src(%dma_wait3A_101 : memref<3280xi32, #tpu.memory_space<hbm>>) dst(%dma_wait3A_99 : memref<3280xi32, #tpu.memory_space<vmem>>)
      tpu.yield
    }) : () -> ()
    %mul3A_65 = arith.constant 33280 : i32
    %mul3A_66 = arith.muli %add3A, %mul3A_65 : i32
    %add3A_67 = arith.constant 30000 : i32
    %add3A_68 = arith.addi %mul3A_66, %add3A_67 : i32
    "tpu.region"() ({
      %run_scoped3A = tpu.sem_alloc : memref<!tpu.dma_semaphore, #tpu.memory_space<semaphore_mem>>
      %dma_start3A = arith.constant 0 : i32
      %dma_start3A_88 = tpu.memref_slice %arg10[%dma_start3A] : memref<10000xf32, #tpu.memory_space<vmem>> -> memref<3280xf32, #tpu.memory_space<vmem>>
      %dma_start3A_89 = tpu.memref_slice %arg2[%add3A_68] : memref<1064960xf32, #tpu.memory_space<hbm>> -> memref<3280xf32, #tpu.memory_space<hbm>>
      %dma_start3A_90 = arith.constant 0 : i32
      %dma_start3A_91 = tpu.memref_slice %arg10[%dma_start3A_90] : memref<10000xf32, #tpu.memory_space<vmem>> -> memref<3280xf32, #tpu.memory_space<vmem>>
      %dma_start3A_92 = tpu.memref_slice %arg2[%add3A_68] : memref<1064960xf32, #tpu.memory_space<hbm>> -> memref<3280xf32, #tpu.memory_space<hbm>>
      tpu.enqueue_dma source(%dma_start3A_92 : memref<3280xf32, #tpu.memory_space<hbm>>) target(%dma_start3A_91 : memref<3280xf32, #tpu.memory_space<vmem>>) target_semaphore(%run_scoped3A : memref<!tpu.dma_semaphore, #tpu.memory_space<semaphore_mem>>)
      %dma_wait3A = arith.constant 0 : i32
      %dma_wait3A_93 = tpu.memref_slice %arg10[%dma_wait3A] : memref<10000xf32, #tpu.memory_space<vmem>> -> memref<3280xf32, #tpu.memory_space<vmem>>
      %dma_wait3A_94 = tpu.memref_slice %arg2[%add3A_68] : memref<1064960xf32, #tpu.memory_space<hbm>> -> memref<3280xf32, #tpu.memory_space<hbm>>
      %dma_wait3A_95 = arith.constant 0 : i32
      %dma_wait3A_96 = tpu.memref_slice %arg10[%dma_wait3A_95] : memref<10000xf32, #tpu.memory_space<vmem>> -> memref<3280xf32, #tpu.memory_space<vmem>>
      %dma_wait3A_97 = tpu.memref_slice %arg2[%add3A_68] : memref<1064960xf32, #tpu.memory_space<hbm>> -> memref<3280xf32, #tpu.memory_space<hbm>>
      tpu.wait_dma2 semaphore(%run_scoped3A : memref<!tpu.dma_semaphore, #tpu.memory_space<semaphore_mem>>) src(%dma_wait3A_97 : memref<3280xf32, #tpu.memory_space<hbm>>) dst(%dma_wait3A_96 : memref<3280xf32, #tpu.memory_space<vmem>>)
      tpu.yield
    }) : () -> ()
    %mul3A_69 = arith.constant 33280 : i32
    %mul3A_70 = arith.muli %select_n3A, %mul3A_69 : i32
    %add3A_71 = arith.constant 30000 : i32
    %add3A_72 = arith.addi %mul3A_70, %add3A_71 : i32
    "tpu.region"() ({
      %run_scoped3A = tpu.sem_alloc : memref<!tpu.dma_semaphore, #tpu.memory_space<semaphore_mem>>
      %dma_start3A = arith.constant 0 : i32
      %dma_start3A_88 = tpu.memref_slice %arg11[%dma_start3A] : memref<10000xf32, #tpu.memory_space<vmem>> -> memref<3280xf32, #tpu.memory_space<vmem>>
      %dma_start3A_89 = tpu.memref_slice %arg3[%add3A_72] : memref<133120xf32, #tpu.memory_space<hbm>> -> memref<3280xf32, #tpu.memory_space<hbm>>
      %dma_start3A_90 = arith.constant 0 : i32
      %dma_start3A_91 = tpu.memref_slice %arg11[%dma_start3A_90] : memref<10000xf32, #tpu.memory_space<vmem>> -> memref<3280xf32, #tpu.memory_space<vmem>>
      %dma_start3A_92 = tpu.memref_slice %arg3[%add3A_72] : memref<133120xf32, #tpu.memory_space<hbm>> -> memref<3280xf32, #tpu.memory_space<hbm>>
      tpu.enqueue_dma source(%dma_start3A_92 : memref<3280xf32, #tpu.memory_space<hbm>>) target(%dma_start3A_91 : memref<3280xf32, #tpu.memory_space<vmem>>) target_semaphore(%run_scoped3A : memref<!tpu.dma_semaphore, #tpu.memory_space<semaphore_mem>>)
      %dma_wait3A = arith.constant 0 : i32
      %dma_wait3A_93 = tpu.memref_slice %arg11[%dma_wait3A] : memref<10000xf32, #tpu.memory_space<vmem>> -> memref<3280xf32, #tpu.memory_space<vmem>>
      %dma_wait3A_94 = tpu.memref_slice %arg3[%add3A_72] : memref<133120xf32, #tpu.memory_space<hbm>> -> memref<3280xf32, #tpu.memory_space<hbm>>
      %dma_wait3A_95 = arith.constant 0 : i32
      %dma_wait3A_96 = tpu.memref_slice %arg11[%dma_wait3A_95] : memref<10000xf32, #tpu.memory_space<vmem>> -> memref<3280xf32, #tpu.memory_space<vmem>>
      %dma_wait3A_97 = tpu.memref_slice %arg3[%add3A_72] : memref<133120xf32, #tpu.memory_space<hbm>> -> memref<3280xf32, #tpu.memory_space<hbm>>
      tpu.wait_dma2 semaphore(%run_scoped3A : memref<!tpu.dma_semaphore, #tpu.memory_space<semaphore_mem>>) src(%dma_wait3A_97 : memref<3280xf32, #tpu.memory_space<hbm>>) dst(%dma_wait3A_96 : memref<3280xf32, #tpu.memory_space<vmem>>)
      tpu.yield
    }) : () -> ()
    %parallel_loop3A_73 = arith.constant 0 : i32
    %parallel_loop3A_74 = arith.constant 205 : i32
    %parallel_loop3A_75 = arith.constant 1 : i32
    scf.for %parallel_loop3A_88 = %parallel_loop3A_73 to %parallel_loop3A_74 step %parallel_loop3A_75  : i32 {
      %parallel_loop3A_89 = arith.constant 16 : i32
      %parallel_loop3A_90 = arith.muli %parallel_loop3A_88, %parallel_loop3A_89 : i32
      %parallel_loop3A_91 = arith.index_cast %parallel_loop3A_90 : i32 to index
      %parallel_loop3A_92 = tpu.vector_load %arg9[%parallel_loop3A_91] {strides = array<i32>} : memref<10000xi32, #tpu.memory_space<vmem>>, vector<16xi32>,
      %parallel_loop3A_93 = arith.index_cast %parallel_loop3A_90 : i32 to index
      %parallel_loop3A_94 = tpu.vector_load %arg10[%parallel_loop3A_93] {strides = array<i32>} : memref<10000xf32, #tpu.memory_space<vmem>>, vector<16xf32>,
      %parallel_loop3A_95 = arith.index_cast %parallel_loop3A_90 : i32 to index
      %parallel_loop3A_96 = tpu.vector_load %arg11[%parallel_loop3A_95] {strides = array<i32>} : memref<10000xf32, #tpu.memory_space<vmem>>, vector<16xf32>,
      %parallel_loop3A_97 = arith.mulf %parallel_loop3A_94, %parallel_loop3A_96 : vector<16xf32>
      tpu.vector_store_idx %arg7[%parallel_loop3A_92], %parallel_loop3A_97 {add = true} : memref<10000xf32, #tpu.memory_space<vmem>>[vector<16xi32>], vector<16xf32>,
    } {sc.loop_unroll_factor = 8 : i64, sc.parallel_access}
    %lt3A_76 = arith.constant 4 : i32
    %lt3A_77 = arith.cmpi slt, %add3A, %lt3A_76 : i32
    %convert_element_type3A_78 = arith.extui %lt3A_77 : i1 to i32
    %cond3A_79 = arith.constant 0 : i32
    %cond3A_80 = arith.cmpi ne, %convert_element_type3A_78, %cond3A_79 : i32
    scf.if %cond3A_80 {
      %mul3A_88 = arith.constant 33280 : i32
      %mul3A_89 = arith.muli %add3A, %mul3A_88 : i32
      %add3A_90 = arith.constant 30000 : i32
      %add3A_91 = arith.addi %mul3A_89, %add3A_90 : i32
      "tpu.region"() ({
        %run_scoped3A = tpu.sem_alloc : memref<!tpu.dma_semaphore, #tpu.memory_space<semaphore_mem>>
        %dma_start3A = arith.constant 0 : i32
        %dma_start3A_95 = tpu.memref_slice %arg12[%dma_start3A] : memref<10000xf32, #tpu.memory_space<vmem>> -> memref<3280xf32, #tpu.memory_space<vmem>>
        %dma_start3A_96 = tpu.memref_slice %arg3[%add3A_91] : memref<133120xf32, #tpu.memory_space<hbm>> -> memref<3280xf32, #tpu.memory_space<hbm>>
        %dma_start3A_97 = arith.constant 0 : i32
        %dma_start3A_98 = tpu.memref_slice %arg12[%dma_start3A_97] : memref<10000xf32, #tpu.memory_space<vmem>> -> memref<3280xf32, #tpu.memory_space<vmem>>
        %dma_start3A_99 = tpu.memref_slice %arg3[%add3A_91] : memref<133120xf32, #tpu.memory_space<hbm>> -> memref<3280xf32, #tpu.memory_space<hbm>>
        tpu.enqueue_dma source(%dma_start3A_99 : memref<3280xf32, #tpu.memory_space<hbm>>) target(%dma_start3A_98 : memref<3280xf32, #tpu.memory_space<vmem>>) target_semaphore(%run_scoped3A : memref<!tpu.dma_semaphore, #tpu.memory_space<semaphore_mem>>)
        %dma_wait3A = arith.constant 0 : i32
        %dma_wait3A_100 = tpu.memref_slice %arg12[%dma_wait3A] : memref<10000xf32, #tpu.memory_space<vmem>> -> memref<3280xf32, #tpu.memory_space<vmem>>
        %dma_wait3A_101 = tpu.memref_slice %arg3[%add3A_91] : memref<133120xf32, #tpu.memory_space<hbm>> -> memref<3280xf32, #tpu.memory_space<hbm>>
        %dma_wait3A_102 = arith.constant 0 : i32
        %dma_wait3A_103 = tpu.memref_slice %arg12[%dma_wait3A_102] : memref<10000xf32, #tpu.memory_space<vmem>> -> memref<3280xf32, #tpu.memory_space<vmem>>
        %dma_wait3A_104 = tpu.memref_slice %arg3[%add3A_91] : memref<133120xf32, #tpu.memory_space<hbm>> -> memref<3280xf32, #tpu.memory_space<hbm>>
        tpu.wait_dma2 semaphore(%run_scoped3A : memref<!tpu.dma_semaphore, #tpu.memory_space<semaphore_mem>>) src(%dma_wait3A_104 : memref<3280xf32, #tpu.memory_space<hbm>>) dst(%dma_wait3A_103 : memref<3280xf32, #tpu.memory_space<vmem>>)
        tpu.yield
      }) : () -> ()
      %parallel_loop3A_92 = arith.constant 0 : i32
      %parallel_loop3A_93 = arith.constant 205 : i32
      %parallel_loop3A_94 = arith.constant 1 : i32
      scf.for %parallel_loop3A_95 = %parallel_loop3A_92 to %parallel_loop3A_93 step %parallel_loop3A_94  : i32 {
        %parallel_loop3A_96 = arith.constant 16 : i32
        %parallel_loop3A_97 = arith.muli %parallel_loop3A_95, %parallel_loop3A_96 : i32
        %parallel_loop3A_98 = arith.index_cast %parallel_loop3A_97 : i32 to index
        %parallel_loop3A_99 = tpu.vector_load %arg9[%parallel_loop3A_98] {strides = array<i32>} : memref<10000xi32, #tpu.memory_space<vmem>>, vector<16xi32>,
        %parallel_loop3A_100 = arith.index_cast %parallel_loop3A_97 : i32 to index
        %parallel_loop3A_101 = tpu.vector_load %arg12[%parallel_loop3A_100] {strides = array<i32>} : memref<10000xf32, #tpu.memory_space<vmem>>, vector<16xf32>,
        tpu.vector_store_idx %arg8[%parallel_loop3A_99], %parallel_loop3A_101 {add = true} : memref<10000xf32, #tpu.memory_space<vmem>>[vector<16xi32>], vector<16xf32>,
      } {sc.loop_unroll_factor = 8 : i64, sc.parallel_access}
    } else {
    }
    %mul3A_81 = arith.constant 10000 : i32
    %mul3A_82 = arith.muli %add3A, %mul3A_81 : i32
    "tpu.region"() ({
      %run_scoped3A = tpu.sem_alloc : memref<!tpu.dma_semaphore, #tpu.memory_space<semaphore_mem>>
      %dma_start3A = tpu.memref_slice %arg5[%mul3A_82] : memref<320000xf32, #tpu.memory_space<hbm>> -> memref<10000xf32, #tpu.memory_space<hbm>>
      %dma_start3A_88 = tpu.memref_slice %arg5[%mul3A_82] : memref<320000xf32, #tpu.memory_space<hbm>> -> memref<10000xf32, #tpu.memory_space<hbm>>
      tpu.enqueue_dma source(%arg7 : memref<10000xf32, #tpu.memory_space<vmem>>) target(%dma_start3A_88 : memref<10000xf32, #tpu.memory_space<hbm>>) target_semaphore(%run_scoped3A : memref<!tpu.dma_semaphore, #tpu.memory_space<semaphore_mem>>)
      %dma_wait3A = tpu.memref_slice %arg5[%mul3A_82] : memref<320000xf32, #tpu.memory_space<hbm>> -> memref<10000xf32, #tpu.memory_space<hbm>>
      %dma_wait3A_89 = tpu.memref_slice %arg5[%mul3A_82] : memref<320000xf32, #tpu.memory_space<hbm>> -> memref<10000xf32, #tpu.memory_space<hbm>>
      tpu.wait_dma2 semaphore(%run_scoped3A : memref<!tpu.dma_semaphore, #tpu.memory_space<semaphore_mem>>) src(%arg7 : memref<10000xf32, #tpu.memory_space<vmem>>) dst(%dma_wait3A_89 : memref<10000xf32, #tpu.memory_space<hbm>>)
      tpu.yield
    }) : () -> ()
    %lt3A_83 = arith.constant 4 : i32
    %lt3A_84 = arith.cmpi slt, %add3A, %lt3A_83 : i32
    %convert_element_type3A_85 = arith.extui %lt3A_84 : i1 to i32
    %cond3A_86 = arith.constant 0 : i32
    %cond3A_87 = arith.cmpi ne, %convert_element_type3A_85, %cond3A_86 : i32
    scf.if %cond3A_87 {
      %mul3A_88 = arith.constant 10000 : i32
      %mul3A_89 = arith.muli %add3A, %mul3A_88 : i32
      "tpu.region"() ({
        %run_scoped3A = tpu.sem_alloc : memref<!tpu.dma_semaphore, #tpu.memory_space<semaphore_mem>>
        %dma_start3A = tpu.memref_slice %arg6[%mul3A_89] : memref<40000xf32, #tpu.memory_space<hbm>> -> memref<10000xf32, #tpu.memory_space<hbm>>
        %dma_start3A_90 = tpu.memref_slice %arg6[%mul3A_89] : memref<40000xf32, #tpu.memory_space<hbm>> -> memref<10000xf32, #tpu.memory_space<hbm>>
        tpu.enqueue_dma source(%arg8 : memref<10000xf32, #tpu.memory_space<vmem>>) target(%dma_start3A_90 : memref<10000xf32, #tpu.memory_space<hbm>>) target_semaphore(%run_scoped3A : memref<!tpu.dma_semaphore, #tpu.memory_space<semaphore_mem>>)
        %dma_wait3A = tpu.memref_slice %arg6[%mul3A_89] : memref<40000xf32, #tpu.memory_space<hbm>> -> memref<10000xf32, #tpu.memory_space<hbm>>
        %dma_wait3A_91 = tpu.memref_slice %arg6[%mul3A_89] : memref<40000xf32, #tpu.memory_space<hbm>> -> memref<10000xf32, #tpu.memory_space<hbm>>
        tpu.wait_dma2 semaphore(%run_scoped3A : memref<!tpu.dma_semaphore, #tpu.memory_space<semaphore_mem>>) src(%arg8 : memref<10000xf32, #tpu.memory_space<vmem>>) dst(%dma_wait3A_91 : memref<10000xf32, #tpu.memory_space<hbm>>)
        tpu.yield
      }) : () -> ()
    } else {
    }
    return
  }
}

#map = affine_map<(d0, d1) -> (0)>
module attributes {stable_mosaic.version = 14 : i64} {
  func.func @scatter_k(%arg0: i32, %arg1: i32, %arg2: memref<535040xf32, #tpu.memory_space<hbm>>, %arg3: memref<66880xf32, #tpu.memory_space<hbm>>, %arg4: memref<16720xi32, #tpu.memory_space<hbm>>, %arg5: memref<320000xf32, #tpu.memory_space<hbm>>, %arg6: memref<40000xf32, #tpu.memory_space<hbm>>, %arg7: memref<10000xf32, #tpu.memory_space<vmem>>, %arg8: memref<10000xf32, #tpu.memory_space<vmem>>, %arg9: memref<10000xi32, #tpu.memory_space<vmem>>, %arg10: memref<10000xf32, #tpu.memory_space<vmem>>, %arg11: memref<10000xf32, #tpu.memory_space<vmem>>, %arg12: memref<10000xf32, #tpu.memory_space<vmem>>) attributes {dimension_semantics = [#tpu.dimension_semantics<core_parallel>, #tpu.dimension_semantics<subcore_parallel>], iteration_bounds = array<i64: 2, 16>, scalar_prefetch = 0 : i64, scratch_operands = 6 : i64, tpu.core_type = #tpu.core_type<sc_vector_subcore>, window_params = [{transform_indices = #map}, {transform_indices = #map}, {transform_indices = #map}, {transform_indices = #map}, {transform_indices = #map}]} {
    %mul3A = arith.constant 2 : i32
    %mul3A_0 = arith.muli %arg1, %mul3A : i32
    %add3A = arith.addi %mul3A_0, %arg0 : i32
    %jit3A = arith.constant 8 : i32
    %div3A = arith.divsi %add3A, %jit3A : i32
    %sign3A = arith.constant 0 : i32
    %sign3A_1 = arith.cmpi sgt, %add3A, %sign3A : i32
    %sign3A_2 = arith.extui %sign3A_1 : i1 to i32
    %sign3A_3 = arith.constant 0 : i32
    %sign3A_4 = arith.cmpi slt, %add3A, %sign3A_3 : i32
    %sign3A_5 = arith.extui %sign3A_4 : i1 to i32
    %sign3A_6 = arith.subi %sign3A_2, %sign3A_5 : i32
    %sign3A_7 = arith.constant 0 : i32
    %sign3A_8 = arith.cmpi sgt, %jit3A, %sign3A_7 : i32
    %sign3A_9 = arith.extui %sign3A_8 : i1 to i32
    %sign3A_10 = arith.constant 0 : i32
    %sign3A_11 = arith.cmpi slt, %jit3A, %sign3A_10 : i32
    %sign3A_12 = arith.extui %sign3A_11 : i1 to i32
    %sign3A_13 = arith.subi %sign3A_9, %sign3A_12 : i32
    %ne3A = arith.cmpi ne, %sign3A_6, %sign3A_13 : i32
    %rem3A = arith.remsi %add3A, %jit3A : i32
    %ne3A_14 = arith.constant 0 : i32
    %ne3A_15 = arith.cmpi ne, %rem3A, %ne3A_14 : i32
    %and3A = arith.andi %ne3A, %ne3A_15 : i1
    %sub3A = arith.constant 1 : i32
    %sub3A_16 = arith.subi %div3A, %sub3A : i32
    %select_n3A = arith.select %and3A, %sub3A_16, %div3A : i32
    %broadcast_in_dim3A = arith.constant 0.000000e+00 : f32
    %broadcast_in_dim3A_17 = vector.broadcast %broadcast_in_dim3A : f32 to vector<16xf32>
    %parallel_loop3A = arith.constant 0 : i32
    %parallel_loop3A_18 = arith.constant 625 : i32
    %parallel_loop3A_19 = arith.constant 1 : i32
    scf.for %parallel_loop3A_56 = %parallel_loop3A to %parallel_loop3A_18 step %parallel_loop3A_19  : i32 {
      %parallel_loop3A_57 = arith.constant 16 : i32
      %parallel_loop3A_58 = arith.muli %parallel_loop3A_56, %parallel_loop3A_57 : i32
      %parallel_loop3A_59 = arith.index_cast %parallel_loop3A_58 : i32 to index
      %parallel_loop3A_60 = tpu.vector_load %arg7[%parallel_loop3A_59] {strides = array<i32>} : memref<10000xf32, #tpu.memory_space<vmem>>, vector<16xf32>,
      tpu.vector_store %arg7[%parallel_loop3A_59], %broadcast_in_dim3A_17 {strides = array<i32>} : memref<10000xf32, #tpu.memory_space<vmem>>, vector<16xf32>,
      %parallel_loop3A_61 = arith.constant 16 : i32
      %parallel_loop3A_62 = arith.muli %parallel_loop3A_56, %parallel_loop3A_61 : i32
      %parallel_loop3A_63 = arith.index_cast %parallel_loop3A_62 : i32 to index
      %parallel_loop3A_64 = tpu.vector_load %arg8[%parallel_loop3A_63] {strides = array<i32>} : memref<10000xf32, #tpu.memory_space<vmem>>, vector<16xf32>,
      tpu.vector_store %arg8[%parallel_loop3A_63], %broadcast_in_dim3A_17 {strides = array<i32>} : memref<10000xf32, #tpu.memory_space<vmem>>, vector<16xf32>,
    } {sc.loop_unroll_factor = 8 : i64, sc.parallel_access}
    "tpu.region"() ({
      %run_scoped3A = tpu.sem_alloc : memref<!tpu.dma_semaphore, #tpu.memory_space<semaphore_mem>>
      %dma_start3A = arith.constant 0 : i32
      %dma_start3A_56 = tpu.memref_slice %arg9[%dma_start3A] : memref<10000xi32, #tpu.memory_space<vmem>> -> memref<10000xi32, #tpu.memory_space<vmem>>
      %dma_start3A_57 = arith.constant 0 : i32
      %dma_start3A_58 = tpu.memref_slice %arg4[%dma_start3A_57] : memref<16720xi32, #tpu.memory_space<hbm>> -> memref<10000xi32, #tpu.memory_space<hbm>>
      %dma_start3A_59 = arith.constant 0 : i32
      %dma_start3A_60 = tpu.memref_slice %arg9[%dma_start3A_59] : memref<10000xi32, #tpu.memory_space<vmem>> -> memref<10000xi32, #tpu.memory_space<vmem>>
      %dma_start3A_61 = arith.constant 0 : i32
      %dma_start3A_62 = tpu.memref_slice %arg4[%dma_start3A_61] : memref<16720xi32, #tpu.memory_space<hbm>> -> memref<10000xi32, #tpu.memory_space<hbm>>
      tpu.enqueue_dma source(%dma_start3A_62 : memref<10000xi32, #tpu.memory_space<hbm>>) target(%dma_start3A_60 : memref<10000xi32, #tpu.memory_space<vmem>>) target_semaphore(%run_scoped3A : memref<!tpu.dma_semaphore, #tpu.memory_space<semaphore_mem>>)
      %dma_wait3A = arith.constant 0 : i32
      %dma_wait3A_63 = tpu.memref_slice %arg9[%dma_wait3A] : memref<10000xi32, #tpu.memory_space<vmem>> -> memref<10000xi32, #tpu.memory_space<vmem>>
      %dma_wait3A_64 = arith.constant 0 : i32
      %dma_wait3A_65 = tpu.memref_slice %arg4[%dma_wait3A_64] : memref<16720xi32, #tpu.memory_space<hbm>> -> memref<10000xi32, #tpu.memory_space<hbm>>
      %dma_wait3A_66 = arith.constant 0 : i32
      %dma_wait3A_67 = tpu.memref_slice %arg9[%dma_wait3A_66] : memref<10000xi32, #tpu.memory_space<vmem>> -> memref<10000xi32, #tpu.memory_space<vmem>>
      %dma_wait3A_68 = arith.constant 0 : i32
      %dma_wait3A_69 = tpu.memref_slice %arg4[%dma_wait3A_68] : memref<16720xi32, #tpu.memory_space<hbm>> -> memref<10000xi32, #tpu.memory_space<hbm>>
      tpu.wait_dma2 semaphore(%run_scoped3A : memref<!tpu.dma_semaphore, #tpu.memory_space<semaphore_mem>>) src(%dma_wait3A_69 : memref<10000xi32, #tpu.memory_space<hbm>>) dst(%dma_wait3A_67 : memref<10000xi32, #tpu.memory_space<vmem>>)
      tpu.yield
    }) : () -> ()
    %mul3A_20 = arith.constant 16720 : i32
    %mul3A_21 = arith.muli %add3A, %mul3A_20 : i32
    %add3A_22 = arith.constant 0 : i32
    %add3A_23 = arith.addi %mul3A_21, %add3A_22 : i32
    "tpu.region"() ({
      %run_scoped3A = tpu.sem_alloc : memref<!tpu.dma_semaphore, #tpu.memory_space<semaphore_mem>>
      %dma_start3A = arith.constant 0 : i32
      %dma_start3A_56 = tpu.memref_slice %arg10[%dma_start3A] : memref<10000xf32, #tpu.memory_space<vmem>> -> memref<10000xf32, #tpu.memory_space<vmem>>
      %dma_start3A_57 = tpu.memref_slice %arg2[%add3A_23] : memref<535040xf32, #tpu.memory_space<hbm>> -> memref<10000xf32, #tpu.memory_space<hbm>>
      %dma_start3A_58 = arith.constant 0 : i32
      %dma_start3A_59 = tpu.memref_slice %arg10[%dma_start3A_58] : memref<10000xf32, #tpu.memory_space<vmem>> -> memref<10000xf32, #tpu.memory_space<vmem>>
      %dma_start3A_60 = tpu.memref_slice %arg2[%add3A_23] : memref<535040xf32, #tpu.memory_space<hbm>> -> memref<10000xf32, #tpu.memory_space<hbm>>
      tpu.enqueue_dma source(%dma_start3A_60 : memref<10000xf32, #tpu.memory_space<hbm>>) target(%dma_start3A_59 : memref<10000xf32, #tpu.memory_space<vmem>>) target_semaphore(%run_scoped3A : memref<!tpu.dma_semaphore, #tpu.memory_space<semaphore_mem>>)
      %dma_wait3A = arith.constant 0 : i32
      %dma_wait3A_61 = tpu.memref_slice %arg10[%dma_wait3A] : memref<10000xf32, #tpu.memory_space<vmem>> -> memref<10000xf32, #tpu.memory_space<vmem>>
      %dma_wait3A_62 = tpu.memref_slice %arg2[%add3A_23] : memref<535040xf32, #tpu.memory_space<hbm>> -> memref<10000xf32, #tpu.memory_space<hbm>>
      %dma_wait3A_63 = arith.constant 0 : i32
      %dma_wait3A_64 = tpu.memref_slice %arg10[%dma_wait3A_63] : memref<10000xf32, #tpu.memory_space<vmem>> -> memref<10000xf32, #tpu.memory_space<vmem>>
      %dma_wait3A_65 = tpu.memref_slice %arg2[%add3A_23] : memref<535040xf32, #tpu.memory_space<hbm>> -> memref<10000xf32, #tpu.memory_space<hbm>>
      tpu.wait_dma2 semaphore(%run_scoped3A : memref<!tpu.dma_semaphore, #tpu.memory_space<semaphore_mem>>) src(%dma_wait3A_65 : memref<10000xf32, #tpu.memory_space<hbm>>) dst(%dma_wait3A_64 : memref<10000xf32, #tpu.memory_space<vmem>>)
      tpu.yield
    }) : () -> ()
    %mul3A_24 = arith.constant 16720 : i32
    %mul3A_25 = arith.muli %select_n3A, %mul3A_24 : i32
    %add3A_26 = arith.constant 0 : i32
    %add3A_27 = arith.addi %mul3A_25, %add3A_26 : i32
    "tpu.region"() ({
      %run_scoped3A = tpu.sem_alloc : memref<!tpu.dma_semaphore, #tpu.memory_space<semaphore_mem>>
      %dma_start3A = arith.constant 0 : i32
      %dma_start3A_56 = tpu.memref_slice %arg11[%dma_start3A] : memref<10000xf32, #tpu.memory_space<vmem>> -> memref<10000xf32, #tpu.memory_space<vmem>>
      %dma_start3A_57 = tpu.memref_slice %arg3[%add3A_27] : memref<66880xf32, #tpu.memory_space<hbm>> -> memref<10000xf32, #tpu.memory_space<hbm>>
      %dma_start3A_58 = arith.constant 0 : i32
      %dma_start3A_59 = tpu.memref_slice %arg11[%dma_start3A_58] : memref<10000xf32, #tpu.memory_space<vmem>> -> memref<10000xf32, #tpu.memory_space<vmem>>
      %dma_start3A_60 = tpu.memref_slice %arg3[%add3A_27] : memref<66880xf32, #tpu.memory_space<hbm>> -> memref<10000xf32, #tpu.memory_space<hbm>>
      tpu.enqueue_dma source(%dma_start3A_60 : memref<10000xf32, #tpu.memory_space<hbm>>) target(%dma_start3A_59 : memref<10000xf32, #tpu.memory_space<vmem>>) target_semaphore(%run_scoped3A : memref<!tpu.dma_semaphore, #tpu.memory_space<semaphore_mem>>)
      %dma_wait3A = arith.constant 0 : i32
      %dma_wait3A_61 = tpu.memref_slice %arg11[%dma_wait3A] : memref<10000xf32, #tpu.memory_space<vmem>> -> memref<10000xf32, #tpu.memory_space<vmem>>
      %dma_wait3A_62 = tpu.memref_slice %arg3[%add3A_27] : memref<66880xf32, #tpu.memory_space<hbm>> -> memref<10000xf32, #tpu.memory_space<hbm>>
      %dma_wait3A_63 = arith.constant 0 : i32
      %dma_wait3A_64 = tpu.memref_slice %arg11[%dma_wait3A_63] : memref<10000xf32, #tpu.memory_space<vmem>> -> memref<10000xf32, #tpu.memory_space<vmem>>
      %dma_wait3A_65 = tpu.memref_slice %arg3[%add3A_27] : memref<66880xf32, #tpu.memory_space<hbm>> -> memref<10000xf32, #tpu.memory_space<hbm>>
      tpu.wait_dma2 semaphore(%run_scoped3A : memref<!tpu.dma_semaphore, #tpu.memory_space<semaphore_mem>>) src(%dma_wait3A_65 : memref<10000xf32, #tpu.memory_space<hbm>>) dst(%dma_wait3A_64 : memref<10000xf32, #tpu.memory_space<vmem>>)
      tpu.yield
    }) : () -> ()
    %parallel_loop3A_28 = arith.constant 0 : i32
    %parallel_loop3A_29 = arith.constant 625 : i32
    %parallel_loop3A_30 = arith.constant 1 : i32
    scf.for %parallel_loop3A_56 = %parallel_loop3A_28 to %parallel_loop3A_29 step %parallel_loop3A_30  : i32 {
      %parallel_loop3A_57 = arith.constant 16 : i32
      %parallel_loop3A_58 = arith.muli %parallel_loop3A_56, %parallel_loop3A_57 : i32
      %parallel_loop3A_59 = arith.index_cast %parallel_loop3A_58 : i32 to index
      %parallel_loop3A_60 = tpu.vector_load %arg9[%parallel_loop3A_59] {strides = array<i32>} : memref<10000xi32, #tpu.memory_space<vmem>>, vector<16xi32>,
      %parallel_loop3A_61 = arith.index_cast %parallel_loop3A_58 : i32 to index
      %parallel_loop3A_62 = tpu.vector_load %arg10[%parallel_loop3A_61] {strides = array<i32>} : memref<10000xf32, #tpu.memory_space<vmem>>, vector<16xf32>,
      %parallel_loop3A_63 = arith.index_cast %parallel_loop3A_58 : i32 to index
      %parallel_loop3A_64 = tpu.vector_load %arg11[%parallel_loop3A_63] {strides = array<i32>} : memref<10000xf32, #tpu.memory_space<vmem>>, vector<16xf32>,
      %parallel_loop3A_65 = arith.mulf %parallel_loop3A_62, %parallel_loop3A_64 : vector<16xf32>
      tpu.vector_store_idx %arg7[%parallel_loop3A_60], %parallel_loop3A_65 {add = true} : memref<10000xf32, #tpu.memory_space<vmem>>[vector<16xi32>], vector<16xf32>,
    } {sc.loop_unroll_factor = 8 : i64, sc.parallel_access}
    %lt3A = arith.constant 4 : i32
    %lt3A_31 = arith.cmpi slt, %add3A, %lt3A : i32
    %convert_element_type3A = arith.extui %lt3A_31 : i1 to i32
    %cond3A = arith.constant 0 : i32
    %cond3A_32 = arith.cmpi ne, %convert_element_type3A, %cond3A : i32
    scf.if %cond3A_32 {
      %mul3A_56 = arith.constant 16720 : i32
      %mul3A_57 = arith.muli %add3A, %mul3A_56 : i32
      %add3A_58 = arith.constant 0 : i32
      %add3A_59 = arith.addi %mul3A_57, %add3A_58 : i32
      "tpu.region"() ({
        %run_scoped3A = tpu.sem_alloc : memref<!tpu.dma_semaphore, #tpu.memory_space<semaphore_mem>>
        %dma_start3A = arith.constant 0 : i32
        %dma_start3A_63 = tpu.memref_slice %arg12[%dma_start3A] : memref<10000xf32, #tpu.memory_space<vmem>> -> memref<10000xf32, #tpu.memory_space<vmem>>
        %dma_start3A_64 = tpu.memref_slice %arg3[%add3A_59] : memref<66880xf32, #tpu.memory_space<hbm>> -> memref<10000xf32, #tpu.memory_space<hbm>>
        %dma_start3A_65 = arith.constant 0 : i32
        %dma_start3A_66 = tpu.memref_slice %arg12[%dma_start3A_65] : memref<10000xf32, #tpu.memory_space<vmem>> -> memref<10000xf32, #tpu.memory_space<vmem>>
        %dma_start3A_67 = tpu.memref_slice %arg3[%add3A_59] : memref<66880xf32, #tpu.memory_space<hbm>> -> memref<10000xf32, #tpu.memory_space<hbm>>
        tpu.enqueue_dma source(%dma_start3A_67 : memref<10000xf32, #tpu.memory_space<hbm>>) target(%dma_start3A_66 : memref<10000xf32, #tpu.memory_space<vmem>>) target_semaphore(%run_scoped3A : memref<!tpu.dma_semaphore, #tpu.memory_space<semaphore_mem>>)
        %dma_wait3A = arith.constant 0 : i32
        %dma_wait3A_68 = tpu.memref_slice %arg12[%dma_wait3A] : memref<10000xf32, #tpu.memory_space<vmem>> -> memref<10000xf32, #tpu.memory_space<vmem>>
        %dma_wait3A_69 = tpu.memref_slice %arg3[%add3A_59] : memref<66880xf32, #tpu.memory_space<hbm>> -> memref<10000xf32, #tpu.memory_space<hbm>>
        %dma_wait3A_70 = arith.constant 0 : i32
        %dma_wait3A_71 = tpu.memref_slice %arg12[%dma_wait3A_70] : memref<10000xf32, #tpu.memory_space<vmem>> -> memref<10000xf32, #tpu.memory_space<vmem>>
        %dma_wait3A_72 = tpu.memref_slice %arg3[%add3A_59] : memref<66880xf32, #tpu.memory_space<hbm>> -> memref<10000xf32, #tpu.memory_space<hbm>>
        tpu.wait_dma2 semaphore(%run_scoped3A : memref<!tpu.dma_semaphore, #tpu.memory_space<semaphore_mem>>) src(%dma_wait3A_72 : memref<10000xf32, #tpu.memory_space<hbm>>) dst(%dma_wait3A_71 : memref<10000xf32, #tpu.memory_space<vmem>>)
        tpu.yield
      }) : () -> ()
      %parallel_loop3A_60 = arith.constant 0 : i32
      %parallel_loop3A_61 = arith.constant 625 : i32
      %parallel_loop3A_62 = arith.constant 1 : i32
      scf.for %parallel_loop3A_63 = %parallel_loop3A_60 to %parallel_loop3A_61 step %parallel_loop3A_62  : i32 {
        %parallel_loop3A_64 = arith.constant 16 : i32
        %parallel_loop3A_65 = arith.muli %parallel_loop3A_63, %parallel_loop3A_64 : i32
        %parallel_loop3A_66 = arith.index_cast %parallel_loop3A_65 : i32 to index
        %parallel_loop3A_67 = tpu.vector_load %arg9[%parallel_loop3A_66] {strides = array<i32>} : memref<10000xi32, #tpu.memory_space<vmem>>, vector<16xi32>,
        %parallel_loop3A_68 = arith.index_cast %parallel_loop3A_65 : i32 to index
        %parallel_loop3A_69 = tpu.vector_load %arg12[%parallel_loop3A_68] {strides = array<i32>} : memref<10000xf32, #tpu.memory_space<vmem>>, vector<16xf32>,
        tpu.vector_store_idx %arg8[%parallel_loop3A_67], %parallel_loop3A_69 {add = true} : memref<10000xf32, #tpu.memory_space<vmem>>[vector<16xi32>], vector<16xf32>,
      } {sc.loop_unroll_factor = 8 : i64, sc.parallel_access}
    } else {
    }
    "tpu.region"() ({
      %run_scoped3A = tpu.sem_alloc : memref<!tpu.dma_semaphore, #tpu.memory_space<semaphore_mem>>
      %dma_start3A = arith.constant 0 : i32
      %dma_start3A_56 = tpu.memref_slice %arg9[%dma_start3A] : memref<10000xi32, #tpu.memory_space<vmem>> -> memref<6720xi32, #tpu.memory_space<vmem>>
      %dma_start3A_57 = arith.constant 10000 : i32
      %dma_start3A_58 = tpu.memref_slice %arg4[%dma_start3A_57] : memref<16720xi32, #tpu.memory_space<hbm>> -> memref<6720xi32, #tpu.memory_space<hbm>>
      %dma_start3A_59 = arith.constant 0 : i32
      %dma_start3A_60 = tpu.memref_slice %arg9[%dma_start3A_59] : memref<10000xi32, #tpu.memory_space<vmem>> -> memref<6720xi32, #tpu.memory_space<vmem>>
      %dma_start3A_61 = arith.constant 10000 : i32
      %dma_start3A_62 = tpu.memref_slice %arg4[%dma_start3A_61] : memref<16720xi32, #tpu.memory_space<hbm>> -> memref<6720xi32, #tpu.memory_space<hbm>>
      tpu.enqueue_dma source(%dma_start3A_62 : memref<6720xi32, #tpu.memory_space<hbm>>) target(%dma_start3A_60 : memref<6720xi32, #tpu.memory_space<vmem>>) target_semaphore(%run_scoped3A : memref<!tpu.dma_semaphore, #tpu.memory_space<semaphore_mem>>)
      %dma_wait3A = arith.constant 0 : i32
      %dma_wait3A_63 = tpu.memref_slice %arg9[%dma_wait3A] : memref<10000xi32, #tpu.memory_space<vmem>> -> memref<6720xi32, #tpu.memory_space<vmem>>
      %dma_wait3A_64 = arith.constant 10000 : i32
      %dma_wait3A_65 = tpu.memref_slice %arg4[%dma_wait3A_64] : memref<16720xi32, #tpu.memory_space<hbm>> -> memref<6720xi32, #tpu.memory_space<hbm>>
      %dma_wait3A_66 = arith.constant 0 : i32
      %dma_wait3A_67 = tpu.memref_slice %arg9[%dma_wait3A_66] : memref<10000xi32, #tpu.memory_space<vmem>> -> memref<6720xi32, #tpu.memory_space<vmem>>
      %dma_wait3A_68 = arith.constant 10000 : i32
      %dma_wait3A_69 = tpu.memref_slice %arg4[%dma_wait3A_68] : memref<16720xi32, #tpu.memory_space<hbm>> -> memref<6720xi32, #tpu.memory_space<hbm>>
      tpu.wait_dma2 semaphore(%run_scoped3A : memref<!tpu.dma_semaphore, #tpu.memory_space<semaphore_mem>>) src(%dma_wait3A_69 : memref<6720xi32, #tpu.memory_space<hbm>>) dst(%dma_wait3A_67 : memref<6720xi32, #tpu.memory_space<vmem>>)
      tpu.yield
    }) : () -> ()
    %mul3A_33 = arith.constant 16720 : i32
    %mul3A_34 = arith.muli %add3A, %mul3A_33 : i32
    %add3A_35 = arith.constant 10000 : i32
    %add3A_36 = arith.addi %mul3A_34, %add3A_35 : i32
    "tpu.region"() ({
      %run_scoped3A = tpu.sem_alloc : memref<!tpu.dma_semaphore, #tpu.memory_space<semaphore_mem>>
      %dma_start3A = arith.constant 0 : i32
      %dma_start3A_56 = tpu.memref_slice %arg10[%dma_start3A] : memref<10000xf32, #tpu.memory_space<vmem>> -> memref<6720xf32, #tpu.memory_space<vmem>>
      %dma_start3A_57 = tpu.memref_slice %arg2[%add3A_36] : memref<535040xf32, #tpu.memory_space<hbm>> -> memref<6720xf32, #tpu.memory_space<hbm>>
      %dma_start3A_58 = arith.constant 0 : i32
      %dma_start3A_59 = tpu.memref_slice %arg10[%dma_start3A_58] : memref<10000xf32, #tpu.memory_space<vmem>> -> memref<6720xf32, #tpu.memory_space<vmem>>
      %dma_start3A_60 = tpu.memref_slice %arg2[%add3A_36] : memref<535040xf32, #tpu.memory_space<hbm>> -> memref<6720xf32, #tpu.memory_space<hbm>>
      tpu.enqueue_dma source(%dma_start3A_60 : memref<6720xf32, #tpu.memory_space<hbm>>) target(%dma_start3A_59 : memref<6720xf32, #tpu.memory_space<vmem>>) target_semaphore(%run_scoped3A : memref<!tpu.dma_semaphore, #tpu.memory_space<semaphore_mem>>)
      %dma_wait3A = arith.constant 0 : i32
      %dma_wait3A_61 = tpu.memref_slice %arg10[%dma_wait3A] : memref<10000xf32, #tpu.memory_space<vmem>> -> memref<6720xf32, #tpu.memory_space<vmem>>
      %dma_wait3A_62 = tpu.memref_slice %arg2[%add3A_36] : memref<535040xf32, #tpu.memory_space<hbm>> -> memref<6720xf32, #tpu.memory_space<hbm>>
      %dma_wait3A_63 = arith.constant 0 : i32
      %dma_wait3A_64 = tpu.memref_slice %arg10[%dma_wait3A_63] : memref<10000xf32, #tpu.memory_space<vmem>> -> memref<6720xf32, #tpu.memory_space<vmem>>
      %dma_wait3A_65 = tpu.memref_slice %arg2[%add3A_36] : memref<535040xf32, #tpu.memory_space<hbm>> -> memref<6720xf32, #tpu.memory_space<hbm>>
      tpu.wait_dma2 semaphore(%run_scoped3A : memref<!tpu.dma_semaphore, #tpu.memory_space<semaphore_mem>>) src(%dma_wait3A_65 : memref<6720xf32, #tpu.memory_space<hbm>>) dst(%dma_wait3A_64 : memref<6720xf32, #tpu.memory_space<vmem>>)
      tpu.yield
    }) : () -> ()
    %mul3A_37 = arith.constant 16720 : i32
    %mul3A_38 = arith.muli %select_n3A, %mul3A_37 : i32
    %add3A_39 = arith.constant 10000 : i32
    %add3A_40 = arith.addi %mul3A_38, %add3A_39 : i32
    "tpu.region"() ({
      %run_scoped3A = tpu.sem_alloc : memref<!tpu.dma_semaphore, #tpu.memory_space<semaphore_mem>>
      %dma_start3A = arith.constant 0 : i32
      %dma_start3A_56 = tpu.memref_slice %arg11[%dma_start3A] : memref<10000xf32, #tpu.memory_space<vmem>> -> memref<6720xf32, #tpu.memory_space<vmem>>
      %dma_start3A_57 = tpu.memref_slice %arg3[%add3A_40] : memref<66880xf32, #tpu.memory_space<hbm>> -> memref<6720xf32, #tpu.memory_space<hbm>>
      %dma_start3A_58 = arith.constant 0 : i32
      %dma_start3A_59 = tpu.memref_slice %arg11[%dma_start3A_58] : memref<10000xf32, #tpu.memory_space<vmem>> -> memref<6720xf32, #tpu.memory_space<vmem>>
      %dma_start3A_60 = tpu.memref_slice %arg3[%add3A_40] : memref<66880xf32, #tpu.memory_space<hbm>> -> memref<6720xf32, #tpu.memory_space<hbm>>
      tpu.enqueue_dma source(%dma_start3A_60 : memref<6720xf32, #tpu.memory_space<hbm>>) target(%dma_start3A_59 : memref<6720xf32, #tpu.memory_space<vmem>>) target_semaphore(%run_scoped3A : memref<!tpu.dma_semaphore, #tpu.memory_space<semaphore_mem>>)
      %dma_wait3A = arith.constant 0 : i32
      %dma_wait3A_61 = tpu.memref_slice %arg11[%dma_wait3A] : memref<10000xf32, #tpu.memory_space<vmem>> -> memref<6720xf32, #tpu.memory_space<vmem>>
      %dma_wait3A_62 = tpu.memref_slice %arg3[%add3A_40] : memref<66880xf32, #tpu.memory_space<hbm>> -> memref<6720xf32, #tpu.memory_space<hbm>>
      %dma_wait3A_63 = arith.constant 0 : i32
      %dma_wait3A_64 = tpu.memref_slice %arg11[%dma_wait3A_63] : memref<10000xf32, #tpu.memory_space<vmem>> -> memref<6720xf32, #tpu.memory_space<vmem>>
      %dma_wait3A_65 = tpu.memref_slice %arg3[%add3A_40] : memref<66880xf32, #tpu.memory_space<hbm>> -> memref<6720xf32, #tpu.memory_space<hbm>>
      tpu.wait_dma2 semaphore(%run_scoped3A : memref<!tpu.dma_semaphore, #tpu.memory_space<semaphore_mem>>) src(%dma_wait3A_65 : memref<6720xf32, #tpu.memory_space<hbm>>) dst(%dma_wait3A_64 : memref<6720xf32, #tpu.memory_space<vmem>>)
      tpu.yield
    }) : () -> ()
    %parallel_loop3A_41 = arith.constant 0 : i32
    %parallel_loop3A_42 = arith.constant 420 : i32
    %parallel_loop3A_43 = arith.constant 1 : i32
    scf.for %parallel_loop3A_56 = %parallel_loop3A_41 to %parallel_loop3A_42 step %parallel_loop3A_43  : i32 {
      %parallel_loop3A_57 = arith.constant 16 : i32
      %parallel_loop3A_58 = arith.muli %parallel_loop3A_56, %parallel_loop3A_57 : i32
      %parallel_loop3A_59 = arith.index_cast %parallel_loop3A_58 : i32 to index
      %parallel_loop3A_60 = tpu.vector_load %arg9[%parallel_loop3A_59] {strides = array<i32>} : memref<10000xi32, #tpu.memory_space<vmem>>, vector<16xi32>,
      %parallel_loop3A_61 = arith.index_cast %parallel_loop3A_58 : i32 to index
      %parallel_loop3A_62 = tpu.vector_load %arg10[%parallel_loop3A_61] {strides = array<i32>} : memref<10000xf32, #tpu.memory_space<vmem>>, vector<16xf32>,
      %parallel_loop3A_63 = arith.index_cast %parallel_loop3A_58 : i32 to index
      %parallel_loop3A_64 = tpu.vector_load %arg11[%parallel_loop3A_63] {strides = array<i32>} : memref<10000xf32, #tpu.memory_space<vmem>>, vector<16xf32>,
      %parallel_loop3A_65 = arith.mulf %parallel_loop3A_62, %parallel_loop3A_64 : vector<16xf32>
      tpu.vector_store_idx %arg7[%parallel_loop3A_60], %parallel_loop3A_65 {add = true} : memref<10000xf32, #tpu.memory_space<vmem>>[vector<16xi32>], vector<16xf32>,
    } {sc.loop_unroll_factor = 8 : i64, sc.parallel_access}
    %lt3A_44 = arith.constant 4 : i32
    %lt3A_45 = arith.cmpi slt, %add3A, %lt3A_44 : i32
    %convert_element_type3A_46 = arith.extui %lt3A_45 : i1 to i32
    %cond3A_47 = arith.constant 0 : i32
    %cond3A_48 = arith.cmpi ne, %convert_element_type3A_46, %cond3A_47 : i32
    scf.if %cond3A_48 {
      %mul3A_56 = arith.constant 16720 : i32
      %mul3A_57 = arith.muli %add3A, %mul3A_56 : i32
      %add3A_58 = arith.constant 10000 : i32
      %add3A_59 = arith.addi %mul3A_57, %add3A_58 : i32
      "tpu.region"() ({
        %run_scoped3A = tpu.sem_alloc : memref<!tpu.dma_semaphore, #tpu.memory_space<semaphore_mem>>
        %dma_start3A = arith.constant 0 : i32
        %dma_start3A_63 = tpu.memref_slice %arg12[%dma_start3A] : memref<10000xf32, #tpu.memory_space<vmem>> -> memref<6720xf32, #tpu.memory_space<vmem>>
        %dma_start3A_64 = tpu.memref_slice %arg3[%add3A_59] : memref<66880xf32, #tpu.memory_space<hbm>> -> memref<6720xf32, #tpu.memory_space<hbm>>
        %dma_start3A_65 = arith.constant 0 : i32
        %dma_start3A_66 = tpu.memref_slice %arg12[%dma_start3A_65] : memref<10000xf32, #tpu.memory_space<vmem>> -> memref<6720xf32, #tpu.memory_space<vmem>>
        %dma_start3A_67 = tpu.memref_slice %arg3[%add3A_59] : memref<66880xf32, #tpu.memory_space<hbm>> -> memref<6720xf32, #tpu.memory_space<hbm>>
        tpu.enqueue_dma source(%dma_start3A_67 : memref<6720xf32, #tpu.memory_space<hbm>>) target(%dma_start3A_66 : memref<6720xf32, #tpu.memory_space<vmem>>) target_semaphore(%run_scoped3A : memref<!tpu.dma_semaphore, #tpu.memory_space<semaphore_mem>>)
        %dma_wait3A = arith.constant 0 : i32
        %dma_wait3A_68 = tpu.memref_slice %arg12[%dma_wait3A] : memref<10000xf32, #tpu.memory_space<vmem>> -> memref<6720xf32, #tpu.memory_space<vmem>>
        %dma_wait3A_69 = tpu.memref_slice %arg3[%add3A_59] : memref<66880xf32, #tpu.memory_space<hbm>> -> memref<6720xf32, #tpu.memory_space<hbm>>
        %dma_wait3A_70 = arith.constant 0 : i32
        %dma_wait3A_71 = tpu.memref_slice %arg12[%dma_wait3A_70] : memref<10000xf32, #tpu.memory_space<vmem>> -> memref<6720xf32, #tpu.memory_space<vmem>>
        %dma_wait3A_72 = tpu.memref_slice %arg3[%add3A_59] : memref<66880xf32, #tpu.memory_space<hbm>> -> memref<6720xf32, #tpu.memory_space<hbm>>
        tpu.wait_dma2 semaphore(%run_scoped3A : memref<!tpu.dma_semaphore, #tpu.memory_space<semaphore_mem>>) src(%dma_wait3A_72 : memref<6720xf32, #tpu.memory_space<hbm>>) dst(%dma_wait3A_71 : memref<6720xf32, #tpu.memory_space<vmem>>)
        tpu.yield
      }) : () -> ()
      %parallel_loop3A_60 = arith.constant 0 : i32
      %parallel_loop3A_61 = arith.constant 420 : i32
      %parallel_loop3A_62 = arith.constant 1 : i32
      scf.for %parallel_loop3A_63 = %parallel_loop3A_60 to %parallel_loop3A_61 step %parallel_loop3A_62  : i32 {
        %parallel_loop3A_64 = arith.constant 16 : i32
        %parallel_loop3A_65 = arith.muli %parallel_loop3A_63, %parallel_loop3A_64 : i32
        %parallel_loop3A_66 = arith.index_cast %parallel_loop3A_65 : i32 to index
        %parallel_loop3A_67 = tpu.vector_load %arg9[%parallel_loop3A_66] {strides = array<i32>} : memref<10000xi32, #tpu.memory_space<vmem>>, vector<16xi32>,
        %parallel_loop3A_68 = arith.index_cast %parallel_loop3A_65 : i32 to index
        %parallel_loop3A_69 = tpu.vector_load %arg12[%parallel_loop3A_68] {strides = array<i32>} : memref<10000xf32, #tpu.memory_space<vmem>>, vector<16xf32>,
        tpu.vector_store_idx %arg8[%parallel_loop3A_67], %parallel_loop3A_69 {add = true} : memref<10000xf32, #tpu.memory_space<vmem>>[vector<16xi32>], vector<16xf32>,
      } {sc.loop_unroll_factor = 8 : i64, sc.parallel_access}
    } else {
    }
    %mul3A_49 = arith.constant 10000 : i32
    %mul3A_50 = arith.muli %add3A, %mul3A_49 : i32
    "tpu.region"() ({
      %run_scoped3A = tpu.sem_alloc : memref<!tpu.dma_semaphore, #tpu.memory_space<semaphore_mem>>
      %dma_start3A = tpu.memref_slice %arg5[%mul3A_50] : memref<320000xf32, #tpu.memory_space<hbm>> -> memref<10000xf32, #tpu.memory_space<hbm>>
      %dma_start3A_56 = tpu.memref_slice %arg5[%mul3A_50] : memref<320000xf32, #tpu.memory_space<hbm>> -> memref<10000xf32, #tpu.memory_space<hbm>>
      tpu.enqueue_dma source(%arg7 : memref<10000xf32, #tpu.memory_space<vmem>>) target(%dma_start3A_56 : memref<10000xf32, #tpu.memory_space<hbm>>) target_semaphore(%run_scoped3A : memref<!tpu.dma_semaphore, #tpu.memory_space<semaphore_mem>>)
      %dma_wait3A = tpu.memref_slice %arg5[%mul3A_50] : memref<320000xf32, #tpu.memory_space<hbm>> -> memref<10000xf32, #tpu.memory_space<hbm>>
      %dma_wait3A_57 = tpu.memref_slice %arg5[%mul3A_50] : memref<320000xf32, #tpu.memory_space<hbm>> -> memref<10000xf32, #tpu.memory_space<hbm>>
      tpu.wait_dma2 semaphore(%run_scoped3A : memref<!tpu.dma_semaphore, #tpu.memory_space<semaphore_mem>>) src(%arg7 : memref<10000xf32, #tpu.memory_space<vmem>>) dst(%dma_wait3A_57 : memref<10000xf32, #tpu.memory_space<hbm>>)
      tpu.yield
    }) : () -> ()
    %lt3A_51 = arith.constant 4 : i32
    %lt3A_52 = arith.cmpi slt, %add3A, %lt3A_51 : i32
    %convert_element_type3A_53 = arith.extui %lt3A_52 : i1 to i32
    %cond3A_54 = arith.constant 0 : i32
    %cond3A_55 = arith.cmpi ne, %convert_element_type3A_53, %cond3A_54 : i32
    scf.if %cond3A_55 {
      %mul3A_56 = arith.constant 10000 : i32
      %mul3A_57 = arith.muli %add3A, %mul3A_56 : i32
      "tpu.region"() ({
        %run_scoped3A = tpu.sem_alloc : memref<!tpu.dma_semaphore, #tpu.memory_space<semaphore_mem>>
        %dma_start3A = tpu.memref_slice %arg6[%mul3A_57] : memref<40000xf32, #tpu.memory_space<hbm>> -> memref<10000xf32, #tpu.memory_space<hbm>>
        %dma_start3A_58 = tpu.memref_slice %arg6[%mul3A_57] : memref<40000xf32, #tpu.memory_space<hbm>> -> memref<10000xf32, #tpu.memory_space<hbm>>
        tpu.enqueue_dma source(%arg8 : memref<10000xf32, #tpu.memory_space<vmem>>) target(%dma_start3A_58 : memref<10000xf32, #tpu.memory_space<hbm>>) target_semaphore(%run_scoped3A : memref<!tpu.dma_semaphore, #tpu.memory_space<semaphore_mem>>)
        %dma_wait3A = tpu.memref_slice %arg6[%mul3A_57] : memref<40000xf32, #tpu.memory_space<hbm>> -> memref<10000xf32, #tpu.memory_space<hbm>>
        %dma_wait3A_59 = tpu.memref_slice %arg6[%mul3A_57] : memref<40000xf32, #tpu.memory_space<hbm>> -> memref<10000xf32, #tpu.memory_space<hbm>>
        tpu.wait_dma2 semaphore(%run_scoped3A : memref<!tpu.dma_semaphore, #tpu.memory_space<semaphore_mem>>) src(%arg8 : memref<10000xf32, #tpu.memory_space<vmem>>) dst(%dma_wait3A_59 : memref<10000xf32, #tpu.memory_space<hbm>>)
        tpu.yield
      }) : () -> ()
    } else {
    }
    return
  }
}

#map = affine_map<(d0, d1) -> (0)>
module attributes {stable_mosaic.version = 14 : i64} {
  func.func @aemit_k(%arg0: i32, %arg1: i32, %arg2: memref<200192xf32, #tpu.memory_space<hbm>>, %arg3: memref<50048xi32, #tpu.memory_space<hbm>>, %arg4: memref<40000xf32, #tpu.memory_space<hbm>>, %arg5: memref<200192xf32, #tpu.memory_space<hbm>>, %arg6: memref<10000xf32, #tpu.memory_space<vmem>>, %arg7: memref<6256xi32, #tpu.memory_space<vmem>>, %arg8: memref<6256xf32, #tpu.memory_space<vmem>>, %arg9: memref<6256xf32, #tpu.memory_space<vmem>>) attributes {dimension_semantics = [#tpu.dimension_semantics<core_parallel>, #tpu.dimension_semantics<subcore_parallel>], iteration_bounds = array<i64: 2, 16>, scalar_prefetch = 0 : i64, scratch_operands = 4 : i64, tpu.core_type = #tpu.core_type<sc_vector_subcore>, window_params = [{transform_indices = #map}, {transform_indices = #map}, {transform_indices = #map}, {transform_indices = #map}]} {
    %mul3A = arith.constant 2 : i32
    %mul3A_0 = arith.muli %arg1, %mul3A : i32
    %add3A = arith.addi %mul3A_0, %arg0 : i32
    %jit3A = arith.constant 4 : i32
    %eq3A = arith.constant 0 : i32
    %eq3A_1 = arith.cmpi eq, %jit3A, %eq3A : i32
    %jit3A_2 = arith.constant 1 : i32
    %select_n3A = arith.select %eq3A_1, %jit3A_2, %jit3A : i32
    %rem3A = arith.remsi %add3A, %select_n3A : i32
    %ne3A = arith.constant 0 : i32
    %ne3A_3 = arith.cmpi ne, %rem3A, %ne3A : i32
    %lt3A = arith.constant 0 : i32
    %lt3A_4 = arith.cmpi slt, %rem3A, %lt3A : i32
    %lt3A_5 = arith.constant 0 : i32
    %lt3A_6 = arith.cmpi slt, %select_n3A, %lt3A_5 : i32
    %ne3A_7 = arith.xori %lt3A_4, %lt3A_6 : i1
    %and3A = arith.andi %ne3A_7, %ne3A_3 : i1
    %add3A_8 = arith.addi %rem3A, %select_n3A : i32
    %select_n3A_9 = arith.select %and3A, %add3A_8, %rem3A : i32
    %jit3A_10 = arith.constant 4 : i32
    %div3A = arith.divsi %add3A, %jit3A_10 : i32
    %sign3A = arith.constant 0 : i32
    %sign3A_11 = arith.cmpi sgt, %add3A, %sign3A : i32
    %sign3A_12 = arith.extui %sign3A_11 : i1 to i32
    %sign3A_13 = arith.constant 0 : i32
    %sign3A_14 = arith.cmpi slt, %add3A, %sign3A_13 : i32
    %sign3A_15 = arith.extui %sign3A_14 : i1 to i32
    %sign3A_16 = arith.subi %sign3A_12, %sign3A_15 : i32
    %sign3A_17 = arith.constant 0 : i32
    %sign3A_18 = arith.cmpi sgt, %jit3A_10, %sign3A_17 : i32
    %sign3A_19 = arith.extui %sign3A_18 : i1 to i32
    %sign3A_20 = arith.constant 0 : i32
    %sign3A_21 = arith.cmpi slt, %jit3A_10, %sign3A_20 : i32
    %sign3A_22 = arith.extui %sign3A_21 : i1 to i32
    %sign3A_23 = arith.subi %sign3A_19, %sign3A_22 : i32
    %ne3A_24 = arith.cmpi ne, %sign3A_16, %sign3A_23 : i32
    %rem3A_25 = arith.remsi %add3A, %jit3A_10 : i32
    %ne3A_26 = arith.constant 0 : i32
    %ne3A_27 = arith.cmpi ne, %rem3A_25, %ne3A_26 : i32
    %and3A_28 = arith.andi %ne3A_24, %ne3A_27 : i1
    %sub3A = arith.constant 1 : i32
    %sub3A_29 = arith.subi %div3A, %sub3A : i32
    %select_n3A_30 = arith.select %and3A_28, %sub3A_29, %div3A : i32
    %mul3A_31 = arith.constant 6256 : i32
    %mul3A_32 = arith.muli %select_n3A_30, %mul3A_31 : i32
    %mul3A_33 = arith.constant 10000 : i32
    %mul3A_34 = arith.muli %select_n3A_9, %mul3A_33 : i32
    "tpu.region"() ({
      %run_scoped3A = tpu.sem_alloc : memref<!tpu.dma_semaphore, #tpu.memory_space<semaphore_mem>>
      %dma_start3A = tpu.memref_slice %arg4[%mul3A_34] : memref<40000xf32, #tpu.memory_space<hbm>> -> memref<10000xf32, #tpu.memory_space<hbm>>
      %dma_start3A_43 = tpu.memref_slice %arg4[%mul3A_34] : memref<40000xf32, #tpu.memory_space<hbm>> -> memref<10000xf32, #tpu.memory_space<hbm>>
      tpu.enqueue_dma source(%dma_start3A_43 : memref<10000xf32, #tpu.memory_space<hbm>>) target(%arg6 : memref<10000xf32, #tpu.memory_space<vmem>>) target_semaphore(%run_scoped3A : memref<!tpu.dma_semaphore, #tpu.memory_space<semaphore_mem>>)
      %dma_wait3A = tpu.memref_slice %arg4[%mul3A_34] : memref<40000xf32, #tpu.memory_space<hbm>> -> memref<10000xf32, #tpu.memory_space<hbm>>
      %dma_wait3A_44 = tpu.memref_slice %arg4[%mul3A_34] : memref<40000xf32, #tpu.memory_space<hbm>> -> memref<10000xf32, #tpu.memory_space<hbm>>
      tpu.wait_dma2 semaphore(%run_scoped3A : memref<!tpu.dma_semaphore, #tpu.memory_space<semaphore_mem>>) src(%dma_wait3A_44 : memref<10000xf32, #tpu.memory_space<hbm>>) dst(%arg6 : memref<10000xf32, #tpu.memory_space<vmem>>)
      tpu.yield
    }) : () -> ()
    "tpu.region"() ({
      %run_scoped3A = tpu.sem_alloc : memref<!tpu.dma_semaphore, #tpu.memory_space<semaphore_mem>>
      %dma_start3A = tpu.memref_slice %arg3[%mul3A_32] : memref<50048xi32, #tpu.memory_space<hbm>> -> memref<6256xi32, #tpu.memory_space<hbm>>
      %dma_start3A_43 = tpu.memref_slice %arg3[%mul3A_32] : memref<50048xi32, #tpu.memory_space<hbm>> -> memref<6256xi32, #tpu.memory_space<hbm>>
      tpu.enqueue_dma source(%dma_start3A_43 : memref<6256xi32, #tpu.memory_space<hbm>>) target(%arg7 : memref<6256xi32, #tpu.memory_space<vmem>>) target_semaphore(%run_scoped3A : memref<!tpu.dma_semaphore, #tpu.memory_space<semaphore_mem>>)
      %dma_wait3A = tpu.memref_slice %arg3[%mul3A_32] : memref<50048xi32, #tpu.memory_space<hbm>> -> memref<6256xi32, #tpu.memory_space<hbm>>
      %dma_wait3A_44 = tpu.memref_slice %arg3[%mul3A_32] : memref<50048xi32, #tpu.memory_space<hbm>> -> memref<6256xi32, #tpu.memory_space<hbm>>
      tpu.wait_dma2 semaphore(%run_scoped3A : memref<!tpu.dma_semaphore, #tpu.memory_space<semaphore_mem>>) src(%dma_wait3A_44 : memref<6256xi32, #tpu.memory_space<hbm>>) dst(%arg7 : memref<6256xi32, #tpu.memory_space<vmem>>)
      tpu.yield
    }) : () -> ()
    %mul3A_35 = arith.constant 50048 : i32
    %mul3A_36 = arith.muli %select_n3A_9, %mul3A_35 : i32
    %add3A_37 = arith.addi %mul3A_36, %mul3A_32 : i32
    "tpu.region"() ({
      %run_scoped3A = tpu.sem_alloc : memref<!tpu.dma_semaphore, #tpu.memory_space<semaphore_mem>>
      %dma_start3A = tpu.memref_slice %arg2[%add3A_37] : memref<200192xf32, #tpu.memory_space<hbm>> -> memref<6256xf32, #tpu.memory_space<hbm>>
      %dma_start3A_43 = tpu.memref_slice %arg2[%add3A_37] : memref<200192xf32, #tpu.memory_space<hbm>> -> memref<6256xf32, #tpu.memory_space<hbm>>
      tpu.enqueue_dma source(%dma_start3A_43 : memref<6256xf32, #tpu.memory_space<hbm>>) target(%arg8 : memref<6256xf32, #tpu.memory_space<vmem>>) target_semaphore(%run_scoped3A : memref<!tpu.dma_semaphore, #tpu.memory_space<semaphore_mem>>)
      %dma_wait3A = tpu.memref_slice %arg2[%add3A_37] : memref<200192xf32, #tpu.memory_space<hbm>> -> memref<6256xf32, #tpu.memory_space<hbm>>
      %dma_wait3A_44 = tpu.memref_slice %arg2[%add3A_37] : memref<200192xf32, #tpu.memory_space<hbm>> -> memref<6256xf32, #tpu.memory_space<hbm>>
      tpu.wait_dma2 semaphore(%run_scoped3A : memref<!tpu.dma_semaphore, #tpu.memory_space<semaphore_mem>>) src(%dma_wait3A_44 : memref<6256xf32, #tpu.memory_space<hbm>>) dst(%arg8 : memref<6256xf32, #tpu.memory_space<vmem>>)
      tpu.yield
    }) : () -> ()
    %parallel_loop3A = arith.constant 0 : i32
    %parallel_loop3A_38 = arith.constant 391 : i32
    %parallel_loop3A_39 = arith.constant 1 : i32
    scf.for %parallel_loop3A_43 = %parallel_loop3A to %parallel_loop3A_38 step %parallel_loop3A_39  : i32 {
      %parallel_loop3A_44 = arith.constant 16 : i32
      %parallel_loop3A_45 = arith.muli %parallel_loop3A_43, %parallel_loop3A_44 : i32
      %parallel_loop3A_46 = arith.index_cast %parallel_loop3A_45 : i32 to index
      %parallel_loop3A_47 = tpu.vector_load %arg7[%parallel_loop3A_46] {strides = array<i32>} : memref<6256xi32, #tpu.memory_space<vmem>>, vector<16xi32>,
      %parallel_loop3A_48 = tpu.vector_load_idx %arg6[%parallel_loop3A_47] : memref<10000xf32, #tpu.memory_space<vmem>>[vector<16xi32>], vector<16xf32>,
      %parallel_loop3A_49 = arith.index_cast %parallel_loop3A_45 : i32 to index
      %parallel_loop3A_50 = tpu.vector_load %arg8[%parallel_loop3A_49] {strides = array<i32>} : memref<6256xf32, #tpu.memory_space<vmem>>, vector<16xf32>,
      %parallel_loop3A_51 = arith.constant 9.99999971E-10 : f32
      %parallel_loop3A_52 = vector.broadcast %parallel_loop3A_51 : f32 to vector<16xf32>
      %parallel_loop3A_53 = arith.addf %parallel_loop3A_48, %parallel_loop3A_52 : vector<16xf32>
      %parallel_loop3A_54 = arith.divf %parallel_loop3A_50, %parallel_loop3A_53 : vector<16xf32>
      %parallel_loop3A_55 = arith.index_cast %parallel_loop3A_45 : i32 to index
      %parallel_loop3A_56 = tpu.vector_load %arg9[%parallel_loop3A_55] {strides = array<i32>} : memref<6256xf32, #tpu.memory_space<vmem>>, vector<16xf32>,
      tpu.vector_store %arg9[%parallel_loop3A_55], %parallel_loop3A_54 {strides = array<i32>} : memref<6256xf32, #tpu.memory_space<vmem>>, vector<16xf32>,
    } {sc.loop_unroll_factor = 8 : i64, sc.parallel_access}
    %mul3A_40 = arith.constant 50048 : i32
    %mul3A_41 = arith.muli %select_n3A_9, %mul3A_40 : i32
    %add3A_42 = arith.addi %mul3A_41, %mul3A_32 : i32
    "tpu.region"() ({
      %run_scoped3A = tpu.sem_alloc : memref<!tpu.dma_semaphore, #tpu.memory_space<semaphore_mem>>
      %dma_start3A = tpu.memref_slice %arg5[%add3A_42] : memref<200192xf32, #tpu.memory_space<hbm>> -> memref<6256xf32, #tpu.memory_space<hbm>>
      %dma_start3A_43 = tpu.memref_slice %arg5[%add3A_42] : memref<200192xf32, #tpu.memory_space<hbm>> -> memref<6256xf32, #tpu.memory_space<hbm>>
      tpu.enqueue_dma source(%arg9 : memref<6256xf32, #tpu.memory_space<vmem>>) target(%dma_start3A_43 : memref<6256xf32, #tpu.memory_space<hbm>>) target_semaphore(%run_scoped3A : memref<!tpu.dma_semaphore, #tpu.memory_space<semaphore_mem>>)
      %dma_wait3A = tpu.memref_slice %arg5[%add3A_42] : memref<200192xf32, #tpu.memory_space<hbm>> -> memref<6256xf32, #tpu.memory_space<hbm>>
      %dma_wait3A_44 = tpu.memref_slice %arg5[%add3A_42] : memref<200192xf32, #tpu.memory_space<hbm>> -> memref<6256xf32, #tpu.memory_space<hbm>>
      tpu.wait_dma2 semaphore(%run_scoped3A : memref<!tpu.dma_semaphore, #tpu.memory_space<semaphore_mem>>) src(%arg9 : memref<6256xf32, #tpu.memory_space<vmem>>) dst(%dma_wait3A_44 : memref<6256xf32, #tpu.memory_space<hbm>>)
      tpu.yield
    }) : () -> ()
    return
  }
}

module attributes {stable_mosaic.version = 14 : i64} {
  func.func @_edge_body(%arg0: i32, %arg1: memref<1024x512xf32, #tpu.memory_space<vmem>>, %arg2: memref<1024x512xf32, #tpu.memory_space<vmem>>, %arg3: memref<1024x512xf32, #tpu.memory_space<vmem>>, %arg4: memref<1024x512xf32, #tpu.memory_space<vmem>>, %arg5: memref<32x512xf32, #tpu.memory_space<vmem>>, %arg6: memref<32x512xf32, #tpu.memory_space<vmem>>, %arg7: memref<32x512xf32, #tpu.memory_space<vmem>>, %arg8: memref<32x512xf32, #tpu.memory_space<vmem>>, %arg9: memref<32x512xf32, #tpu.memory_space<vmem>>, %arg10: memref<32x512xf32, #tpu.memory_space<vmem>>, %arg11: memref<4x512xf32, #tpu.memory_space<vmem>>) attributes {dimension_semantics = [#tpu.dimension_semantics<arbitrary>], iteration_bounds = array<i64: 65>, scalar_prefetch = 0 : i64, scratch_operands = 0 : i64, tpu.core_type = #tpu.core_type<tc>, window_params = [{transform_indices = @transform_0, window_bounds = array<i64: 1024, 512>}, {transform_indices = @transform_1, window_bounds = array<i64: 1024, 512>}, {transform_indices = @transform_2, window_bounds = array<i64: 1024, 512>}, {transform_indices = @transform_3, window_bounds = array<i64: 1024, 512>}, {transform_indices = @transform_4, window_bounds = array<i64: 32, 512>}, {transform_indices = @transform_5, window_bounds = array<i64: 32, 512>}, {transform_indices = @transform_6, window_bounds = array<i64: 32, 512>}, {transform_indices = @transform_7, window_bounds = array<i64: 32, 512>}, {transform_indices = @transform_8, window_bounds = array<i64: 32, 512>}, {transform_indices = @transform_9, window_bounds = array<i64: 32, 512>}, {transform_indices = @transform_10, window_bounds = array<i64: 4, 512>}]} {
    %get3A = arith.constant 0 : index
    %get3A_0 = arith.constant 0 : index
    %get3A_1 = vector.load %arg7[%get3A, %get3A_0] : memref<32x512xf32, #tpu.memory_space<vmem>>, vector<32x512xf32>
    %get3A_2 = arith.constant 0 : index
    %get3A_3 = arith.constant 0 : index
    %get3A_4 = vector.load %arg8[%get3A_2, %get3A_3] : memref<32x512xf32, #tpu.memory_space<vmem>>, vector<32x512xf32>
    %get3A_5 = arith.constant 0 : index
    %get3A_6 = arith.constant 0 : index
    %get3A_7 = vector.load %arg1[%get3A_5, %get3A_6] : memref<1024x512xf32, #tpu.memory_space<vmem>>, vector<1024x512xf32>
    %reshape3A = vector.shape_cast %get3A_7 : vector<1024x512xf32> to vector<32x32x512xf32>
    %broadcast_in_dim3A = vector.shape_cast %get3A_1 : vector<32x512xf32> to vector<1x32x512xf32>
    %mul3A = vector.broadcast %broadcast_in_dim3A : vector<1x32x512xf32> to vector<32x32x512xf32>
    %mul3A_8 = arith.mulf %reshape3A, %mul3A : vector<32x32x512xf32>
    %get3A_9 = arith.constant 0 : index
    %get3A_10 = arith.constant 0 : index
    %get3A_11 = vector.load %arg2[%get3A_9, %get3A_10] : memref<1024x512xf32, #tpu.memory_space<vmem>>, vector<1024x512xf32>
    %reshape3A_12 = vector.shape_cast %get3A_11 : vector<1024x512xf32> to vector<32x32x512xf32>
    %broadcast_in_dim3A_13 = vector.shape_cast %get3A_4 : vector<32x512xf32> to vector<1x32x512xf32>
    %mul3A_14 = vector.broadcast %broadcast_in_dim3A_13 : vector<1x32x512xf32> to vector<32x32x512xf32>
    %mul3A_15 = arith.mulf %reshape3A_12, %mul3A_14 : vector<32x32x512xf32>
    %add3A = arith.addf %mul3A_8, %mul3A_15 : vector<32x32x512xf32>
    %reduce_sum3A = arith.constant dense<0.000000e+00> : vector<32x512xf32>
    %reduce_sum3A_16 = vector.multi_reduction <add>, %add3A, %reduce_sum3A [1] : vector<32x32x512xf32> to vector<32x512xf32>
    %get3A_17 = arith.constant 0 : index
    %get3A_18 = arith.constant 0 : index
    %get3A_19 = vector.load %arg5[%get3A_17, %get3A_18] : memref<32x512xf32, #tpu.memory_space<vmem>>, vector<32x512xf32>
    %add3A_20 = arith.addf %reduce_sum3A_16, %get3A_19 : vector<32x512xf32>
    %max3A = arith.constant 0.000000e+00 : f32
    %max3A_21 = vector.broadcast %max3A : f32 to vector<32x512xf32>
    %max3A_22 = arith.maximumf %add3A_20, %max3A_21 : vector<32x512xf32>
    %get3A_23 = arith.constant 0 : index
    %get3A_24 = arith.constant 0 : index
    %get3A_25 = vector.load %arg3[%get3A_23, %get3A_24] : memref<1024x512xf32, #tpu.memory_space<vmem>>, vector<1024x512xf32>
    %reshape3A_26 = vector.shape_cast %get3A_25 : vector<1024x512xf32> to vector<32x32x512xf32>
    %broadcast_in_dim3A_27 = vector.shape_cast %get3A_1 : vector<32x512xf32> to vector<1x32x512xf32>
    %mul3A_28 = vector.broadcast %broadcast_in_dim3A_27 : vector<1x32x512xf32> to vector<32x32x512xf32>
    %mul3A_29 = arith.mulf %reshape3A_26, %mul3A_28 : vector<32x32x512xf32>
    %get3A_30 = arith.constant 0 : index
    %get3A_31 = arith.constant 0 : index
    %get3A_32 = vector.load %arg4[%get3A_30, %get3A_31] : memref<1024x512xf32, #tpu.memory_space<vmem>>, vector<1024x512xf32>
    %reshape3A_33 = vector.shape_cast %get3A_32 : vector<1024x512xf32> to vector<32x32x512xf32>
    %broadcast_in_dim3A_34 = vector.shape_cast %get3A_4 : vector<32x512xf32> to vector<1x32x512xf32>
    %mul3A_35 = vector.broadcast %broadcast_in_dim3A_34 : vector<1x32x512xf32> to vector<32x32x512xf32>
    %mul3A_36 = arith.mulf %reshape3A_33, %mul3A_35 : vector<32x32x512xf32>
    %add3A_37 = arith.addf %mul3A_29, %mul3A_36 : vector<32x32x512xf32>
    %reduce_sum3A_38 = arith.constant dense<0.000000e+00> : vector<32x512xf32>
    %reduce_sum3A_39 = vector.multi_reduction <add>, %add3A_37, %reduce_sum3A_38 [1] : vector<32x32x512xf32> to vector<32x512xf32>
    %get3A_40 = arith.constant 0 : index
    %get3A_41 = arith.constant 0 : index
    %get3A_42 = vector.load %arg6[%get3A_40, %get3A_41] : memref<32x512xf32, #tpu.memory_space<vmem>>, vector<32x512xf32>
    %add3A_43 = arith.addf %reduce_sum3A_39, %get3A_42 : vector<32x512xf32>
    %max3A_44 = arith.constant 0.000000e+00 : f32
    %max3A_45 = vector.broadcast %max3A_44 : f32 to vector<32x512xf32>
    %max3A_46 = arith.maximumf %add3A_43, %max3A_45 : vector<32x512xf32>
    %reshape3A_47 = vector.shape_cast %max3A_22 : vector<32x512xf32> to vector<4x8x512xf32>
    %get3A_48 = arith.constant 0 : index
    %get3A_49 = arith.constant 0 : index
    %get3A_50 = vector.load %arg9[%get3A_48, %get3A_49] : memref<32x512xf32, #tpu.memory_space<vmem>>, vector<32x512xf32>
    %reshape3A_51 = vector.shape_cast %get3A_50 : vector<32x512xf32> to vector<4x8x512xf32>
    %mul3A_52 = arith.mulf %reshape3A_47, %reshape3A_51 : vector<4x8x512xf32>
    %reduce_sum3A_53 = arith.constant dense<0.000000e+00> : vector<4x512xf32>
    %reduce_sum3A_54 = vector.multi_reduction <add>, %mul3A_52, %reduce_sum3A_53 [1] : vector<4x8x512xf32> to vector<4x512xf32>
    %swap3A = arith.constant 0 : index
    %swap3A_55 = arith.constant 0 : index
    %swap3A_56 = vector.load %arg10[%swap3A, %swap3A_55] : memref<32x512xf32, #tpu.memory_space<vmem>>, vector<32x512xf32>
    tpu.vector_store %arg10[%swap3A, %swap3A_55], %max3A_46 {strides = array<i32>} : memref<32x512xf32, #tpu.memory_space<vmem>>, vector<32x512xf32>,
    %exp3A = math.exp %reduce_sum3A_54 : vector<4x512xf32>
    %swap3A_57 = arith.constant 0 : index
    %swap3A_58 = arith.constant 0 : index
    %swap3A_59 = vector.load %arg11[%swap3A_57, %swap3A_58] : memref<4x512xf32, #tpu.memory_space<vmem>>, vector<4x512xf32>
    tpu.vector_store %arg11[%swap3A_57, %swap3A_58], %exp3A {strides = array<i32>} : memref<4x512xf32, #tpu.memory_space<vmem>>, vector<4x512xf32>,
    return
  }
  func.func @transform_0(%arg0: i32) -> (i32, i32) {
    %add3A = arith.constant 0 : i32
    %add3A_0 = arith.addi %arg0, %add3A : i32
    %c0_i32 = arith.constant 0 : i32
    %c0_i32_1 = arith.constant 0 : i32
    return %c0_i32, %add3A_0 : i32, i32
  }
  func.func @transform_1(%arg0: i32) -> (i32, i32) {
    %add3A = arith.constant 0 : i32
    %add3A_0 = arith.addi %arg0, %add3A : i32
    %c0_i32 = arith.constant 0 : i32
    %c0_i32_1 = arith.constant 0 : i32
    return %c0_i32, %add3A_0 : i32, i32
  }
  func.func @transform_2(%arg0: i32) -> (i32, i32) {
    %add3A = arith.constant 0 : i32
    %add3A_0 = arith.addi %arg0, %add3A : i32
    %c0_i32 = arith.constant 0 : i32
    %c0_i32_1 = arith.constant 0 : i32
    return %c0_i32, %add3A_0 : i32, i32
  }
  func.func @transform_3(%arg0: i32) -> (i32, i32) {
    %add3A = arith.constant 0 : i32
    %add3A_0 = arith.addi %arg0, %add3A : i32
    %c0_i32 = arith.constant 0 : i32
    %c0_i32_1 = arith.constant 0 : i32
    return %c0_i32, %add3A_0 : i32, i32
  }
  func.func @transform_4(%arg0: i32) -> (i32, i32) {
    %add3A = arith.constant 0 : i32
    %add3A_0 = arith.addi %arg0, %add3A : i32
    %c0_i32 = arith.constant 0 : i32
    %c0_i32_1 = arith.constant 0 : i32
    return %c0_i32, %add3A_0 : i32, i32
  }
  func.func @transform_5(%arg0: i32) -> (i32, i32) {
    %add3A = arith.constant 0 : i32
    %add3A_0 = arith.addi %arg0, %add3A : i32
    %c0_i32 = arith.constant 0 : i32
    %c0_i32_1 = arith.constant 0 : i32
    return %c0_i32, %add3A_0 : i32, i32
  }
  func.func @transform_6(%arg0: i32) -> (i32, i32) {
    %c0_i32 = arith.constant 0 : i32
    %c0_i32_0 = arith.constant 0 : i32
    return %c0_i32, %arg0 : i32, i32
  }
  func.func @transform_7(%arg0: i32) -> (i32, i32) {
    %c0_i32 = arith.constant 0 : i32
    %c0_i32_0 = arith.constant 0 : i32
    return %c0_i32, %arg0 : i32, i32
  }
  func.func @transform_8(%arg0: i32) -> (i32, i32) {
    %c0_i32 = arith.constant 0 : i32
    %c0_i32_0 = arith.constant 0 : i32
    return %c0_i32, %arg0 : i32, i32
  }
  func.func @transform_9(%arg0: i32) -> (i32, i32) {
    %c0_i32 = arith.constant 0 : i32
    %c0_i32_0 = arith.constant 0 : i32
    return %c0_i32, %arg0 : i32, i32
  }
  func.func @transform_10(%arg0: i32) -> (i32, i32) {
    %c0_i32 = arith.constant 0 : i32
    %c0_i32_0 = arith.constant 0 : i32
    return %c0_i32, %arg0 : i32, i32
  }
}

module attributes {stable_mosaic.version = 14 : i64} {
  func.func @_edge_body(%arg0: i32, %arg1: memref<1024x512xf32, #tpu.memory_space<vmem>>, %arg2: memref<1024x512xf32, #tpu.memory_space<vmem>>, %arg3: memref<1024x512xf32, #tpu.memory_space<vmem>>, %arg4: memref<1024x512xf32, #tpu.memory_space<vmem>>, %arg5: memref<32x512xf32, #tpu.memory_space<vmem>>, %arg6: memref<32x512xf32, #tpu.memory_space<vmem>>, %arg7: memref<32x512xf32, #tpu.memory_space<vmem>>, %arg8: memref<32x512xf32, #tpu.memory_space<vmem>>, %arg9: memref<32x512xf32, #tpu.memory_space<vmem>>, %arg10: memref<32x512xf32, #tpu.memory_space<vmem>>, %arg11: memref<4x512xf32, #tpu.memory_space<vmem>>) attributes {dimension_semantics = [#tpu.dimension_semantics<arbitrary>], iteration_bounds = array<i64: 33>, scalar_prefetch = 0 : i64, scratch_operands = 0 : i64, tpu.core_type = #tpu.core_type<tc>, window_params = [{transform_indices = @transform_0, window_bounds = array<i64: 1024, 512>}, {transform_indices = @transform_1, window_bounds = array<i64: 1024, 512>}, {transform_indices = @transform_2, window_bounds = array<i64: 1024, 512>}, {transform_indices = @transform_3, window_bounds = array<i64: 1024, 512>}, {transform_indices = @transform_4, window_bounds = array<i64: 32, 512>}, {transform_indices = @transform_5, window_bounds = array<i64: 32, 512>}, {transform_indices = @transform_6, window_bounds = array<i64: 32, 512>}, {transform_indices = @transform_7, window_bounds = array<i64: 32, 512>}, {transform_indices = @transform_8, window_bounds = array<i64: 32, 512>}, {transform_indices = @transform_9, window_bounds = array<i64: 32, 512>}, {transform_indices = @transform_10, window_bounds = array<i64: 4, 512>}]} {
    %get3A = arith.constant 0 : index
    %get3A_0 = arith.constant 0 : index
    %get3A_1 = vector.load %arg7[%get3A, %get3A_0] : memref<32x512xf32, #tpu.memory_space<vmem>>, vector<32x512xf32>
    %get3A_2 = arith.constant 0 : index
    %get3A_3 = arith.constant 0 : index
    %get3A_4 = vector.load %arg8[%get3A_2, %get3A_3] : memref<32x512xf32, #tpu.memory_space<vmem>>, vector<32x512xf32>
    %get3A_5 = arith.constant 0 : index
    %get3A_6 = arith.constant 0 : index
    %get3A_7 = vector.load %arg1[%get3A_5, %get3A_6] : memref<1024x512xf32, #tpu.memory_space<vmem>>, vector<1024x512xf32>
    %reshape3A = vector.shape_cast %get3A_7 : vector<1024x512xf32> to vector<32x32x512xf32>
    %broadcast_in_dim3A = vector.shape_cast %get3A_1 : vector<32x512xf32> to vector<1x32x512xf32>
    %mul3A = vector.broadcast %broadcast_in_dim3A : vector<1x32x512xf32> to vector<32x32x512xf32>
    %mul3A_8 = arith.mulf %reshape3A, %mul3A : vector<32x32x512xf32>
    %get3A_9 = arith.constant 0 : index
    %get3A_10 = arith.constant 0 : index
    %get3A_11 = vector.load %arg2[%get3A_9, %get3A_10] : memref<1024x512xf32, #tpu.memory_space<vmem>>, vector<1024x512xf32>
    %reshape3A_12 = vector.shape_cast %get3A_11 : vector<1024x512xf32> to vector<32x32x512xf32>
    %broadcast_in_dim3A_13 = vector.shape_cast %get3A_4 : vector<32x512xf32> to vector<1x32x512xf32>
    %mul3A_14 = vector.broadcast %broadcast_in_dim3A_13 : vector<1x32x512xf32> to vector<32x32x512xf32>
    %mul3A_15 = arith.mulf %reshape3A_12, %mul3A_14 : vector<32x32x512xf32>
    %add3A = arith.addf %mul3A_8, %mul3A_15 : vector<32x32x512xf32>
    %reduce_sum3A = arith.constant dense<0.000000e+00> : vector<32x512xf32>
    %reduce_sum3A_16 = vector.multi_reduction <add>, %add3A, %reduce_sum3A [1] : vector<32x32x512xf32> to vector<32x512xf32>
    %get3A_17 = arith.constant 0 : index
    %get3A_18 = arith.constant 0 : index
    %get3A_19 = vector.load %arg5[%get3A_17, %get3A_18] : memref<32x512xf32, #tpu.memory_space<vmem>>, vector<32x512xf32>
    %add3A_20 = arith.addf %reduce_sum3A_16, %get3A_19 : vector<32x512xf32>
    %max3A = arith.constant 0.000000e+00 : f32
    %max3A_21 = vector.broadcast %max3A : f32 to vector<32x512xf32>
    %max3A_22 = arith.maximumf %add3A_20, %max3A_21 : vector<32x512xf32>
    %get3A_23 = arith.constant 0 : index
    %get3A_24 = arith.constant 0 : index
    %get3A_25 = vector.load %arg3[%get3A_23, %get3A_24] : memref<1024x512xf32, #tpu.memory_space<vmem>>, vector<1024x512xf32>
    %reshape3A_26 = vector.shape_cast %get3A_25 : vector<1024x512xf32> to vector<32x32x512xf32>
    %broadcast_in_dim3A_27 = vector.shape_cast %get3A_1 : vector<32x512xf32> to vector<1x32x512xf32>
    %mul3A_28 = vector.broadcast %broadcast_in_dim3A_27 : vector<1x32x512xf32> to vector<32x32x512xf32>
    %mul3A_29 = arith.mulf %reshape3A_26, %mul3A_28 : vector<32x32x512xf32>
    %get3A_30 = arith.constant 0 : index
    %get3A_31 = arith.constant 0 : index
    %get3A_32 = vector.load %arg4[%get3A_30, %get3A_31] : memref<1024x512xf32, #tpu.memory_space<vmem>>, vector<1024x512xf32>
    %reshape3A_33 = vector.shape_cast %get3A_32 : vector<1024x512xf32> to vector<32x32x512xf32>
    %broadcast_in_dim3A_34 = vector.shape_cast %get3A_4 : vector<32x512xf32> to vector<1x32x512xf32>
    %mul3A_35 = vector.broadcast %broadcast_in_dim3A_34 : vector<1x32x512xf32> to vector<32x32x512xf32>
    %mul3A_36 = arith.mulf %reshape3A_33, %mul3A_35 : vector<32x32x512xf32>
    %add3A_37 = arith.addf %mul3A_29, %mul3A_36 : vector<32x32x512xf32>
    %reduce_sum3A_38 = arith.constant dense<0.000000e+00> : vector<32x512xf32>
    %reduce_sum3A_39 = vector.multi_reduction <add>, %add3A_37, %reduce_sum3A_38 [1] : vector<32x32x512xf32> to vector<32x512xf32>
    %get3A_40 = arith.constant 0 : index
    %get3A_41 = arith.constant 0 : index
    %get3A_42 = vector.load %arg6[%get3A_40, %get3A_41] : memref<32x512xf32, #tpu.memory_space<vmem>>, vector<32x512xf32>
    %add3A_43 = arith.addf %reduce_sum3A_39, %get3A_42 : vector<32x512xf32>
    %max3A_44 = arith.constant 0.000000e+00 : f32
    %max3A_45 = vector.broadcast %max3A_44 : f32 to vector<32x512xf32>
    %max3A_46 = arith.maximumf %add3A_43, %max3A_45 : vector<32x512xf32>
    %reshape3A_47 = vector.shape_cast %max3A_22 : vector<32x512xf32> to vector<4x8x512xf32>
    %get3A_48 = arith.constant 0 : index
    %get3A_49 = arith.constant 0 : index
    %get3A_50 = vector.load %arg9[%get3A_48, %get3A_49] : memref<32x512xf32, #tpu.memory_space<vmem>>, vector<32x512xf32>
    %reshape3A_51 = vector.shape_cast %get3A_50 : vector<32x512xf32> to vector<4x8x512xf32>
    %mul3A_52 = arith.mulf %reshape3A_47, %reshape3A_51 : vector<4x8x512xf32>
    %reduce_sum3A_53 = arith.constant dense<0.000000e+00> : vector<4x512xf32>
    %reduce_sum3A_54 = vector.multi_reduction <add>, %mul3A_52, %reduce_sum3A_53 [1] : vector<4x8x512xf32> to vector<4x512xf32>
    %swap3A = arith.constant 0 : index
    %swap3A_55 = arith.constant 0 : index
    %swap3A_56 = vector.load %arg10[%swap3A, %swap3A_55] : memref<32x512xf32, #tpu.memory_space<vmem>>, vector<32x512xf32>
    tpu.vector_store %arg10[%swap3A, %swap3A_55], %max3A_46 {strides = array<i32>} : memref<32x512xf32, #tpu.memory_space<vmem>>, vector<32x512xf32>,
    %exp3A = math.exp %reduce_sum3A_54 : vector<4x512xf32>
    %swap3A_57 = arith.constant 0 : index
    %swap3A_58 = arith.constant 0 : index
    %swap3A_59 = vector.load %arg11[%swap3A_57, %swap3A_58] : memref<4x512xf32, #tpu.memory_space<vmem>>, vector<4x512xf32>
    tpu.vector_store %arg11[%swap3A_57, %swap3A_58], %exp3A {strides = array<i32>} : memref<4x512xf32, #tpu.memory_space<vmem>>, vector<4x512xf32>,
    return
  }
  func.func @transform_0(%arg0: i32) -> (i32, i32) {
    %add3A = arith.constant 65 : i32
    %add3A_0 = arith.addi %arg0, %add3A : i32
    %c0_i32 = arith.constant 0 : i32
    %c0_i32_1 = arith.constant 0 : i32
    return %c0_i32, %add3A_0 : i32, i32
  }
  func.func @transform_1(%arg0: i32) -> (i32, i32) {
    %add3A = arith.constant 65 : i32
    %add3A_0 = arith.addi %arg0, %add3A : i32
    %c0_i32 = arith.constant 0 : i32
    %c0_i32_1 = arith.constant 0 : i32
    return %c0_i32, %add3A_0 : i32, i32
  }
  func.func @transform_2(%arg0: i32) -> (i32, i32) {
    %add3A = arith.constant 65 : i32
    %add3A_0 = arith.addi %arg0, %add3A : i32
    %c0_i32 = arith.constant 0 : i32
    %c0_i32_1 = arith.constant 0 : i32
    return %c0_i32, %add3A_0 : i32, i32
  }
  func.func @transform_3(%arg0: i32) -> (i32, i32) {
    %add3A = arith.constant 65 : i32
    %add3A_0 = arith.addi %arg0, %add3A : i32
    %c0_i32 = arith.constant 0 : i32
    %c0_i32_1 = arith.constant 0 : i32
    return %c0_i32, %add3A_0 : i32, i32
  }
  func.func @transform_4(%arg0: i32) -> (i32, i32) {
    %add3A = arith.constant 65 : i32
    %add3A_0 = arith.addi %arg0, %add3A : i32
    %c0_i32 = arith.constant 0 : i32
    %c0_i32_1 = arith.constant 0 : i32
    return %c0_i32, %add3A_0 : i32, i32
  }
  func.func @transform_5(%arg0: i32) -> (i32, i32) {
    %add3A = arith.constant 65 : i32
    %add3A_0 = arith.addi %arg0, %add3A : i32
    %c0_i32 = arith.constant 0 : i32
    %c0_i32_1 = arith.constant 0 : i32
    return %c0_i32, %add3A_0 : i32, i32
  }
  func.func @transform_6(%arg0: i32) -> (i32, i32) {
    %c0_i32 = arith.constant 0 : i32
    %c0_i32_0 = arith.constant 0 : i32
    return %c0_i32, %arg0 : i32, i32
  }
  func.func @transform_7(%arg0: i32) -> (i32, i32) {
    %c0_i32 = arith.constant 0 : i32
    %c0_i32_0 = arith.constant 0 : i32
    return %c0_i32, %arg0 : i32, i32
  }
  func.func @transform_8(%arg0: i32) -> (i32, i32) {
    %c0_i32 = arith.constant 0 : i32
    %c0_i32_0 = arith.constant 0 : i32
    return %c0_i32, %arg0 : i32, i32
  }
  func.func @transform_9(%arg0: i32) -> (i32, i32) {
    %c0_i32 = arith.constant 0 : i32
    %c0_i32_0 = arith.constant 0 : i32
    return %c0_i32, %arg0 : i32, i32
  }
  func.func @transform_10(%arg0: i32) -> (i32, i32) {
    %c0_i32 = arith.constant 0 : i32
    %c0_i32_0 = arith.constant 0 : i32
    return %c0_i32, %arg0 : i32, i32
  }
}

module attributes {stable_mosaic.version = 14 : i64} {
  func.func @_node_body(%arg0: i32, %arg1: memref<1024x512xf32, #tpu.memory_space<vmem>>, %arg2: memref<32x512xf32, #tpu.memory_space<vmem>>, %arg3: memref<32x512xf32, #tpu.memory_space<vmem>>, %arg4: memref<4x512xf32, #tpu.memory_space<vmem>>, %arg5: memref<32x512xf32, #tpu.memory_space<vmem>>, %arg6: memref<32x1xf32, #tpu.memory_space<vmem>>, %arg7: memref<32x1xf32, #tpu.memory_space<vmem>>, %arg8: memref<32x512xf32, #tpu.memory_space<vmem>>) attributes {dimension_semantics = [#tpu.dimension_semantics<arbitrary>], iteration_bounds = array<i64: 20>, scalar_prefetch = 0 : i64, scratch_operands = 0 : i64, tpu.core_type = #tpu.core_type<tc>, window_params = [{transform_indices = @transform_0, window_bounds = array<i64: 1024, 512>}, {transform_indices = @transform_1, window_bounds = array<i64: 32, 512>}, {transform_indices = @transform_2, window_bounds = array<i64: 32, 512>}, {transform_indices = @transform_3, window_bounds = array<i64: 4, 512>}, {transform_indices = @transform_4, window_bounds = array<i64: 32, 512>}, {pipeline_mode = #tpu.pipeline_mode<synchronous>, transform_indices = @transform_5, window_bounds = array<i64: 32, 1>}, {pipeline_mode = #tpu.pipeline_mode<synchronous>, transform_indices = @transform_6, window_bounds = array<i64: 32, 1>}, {transform_indices = @transform_7, window_bounds = array<i64: 32, 512>}]} {
    %get3A = arith.constant 0 : index
    %get3A_0 = arith.constant 0 : index
    %get3A_1 = vector.load %arg4[%get3A, %get3A_0] : memref<4x512xf32, #tpu.memory_space<vmem>>, vector<4x512xf32>
    %broadcast_in_dim3A = vector.shape_cast %get3A_1 : vector<4x512xf32> to vector<4x1x512xf32>
    %broadcast_in_dim3A_2 = vector.shape_cast %broadcast_in_dim3A : vector<4x1x512xf32> to vector<4x1x512xf32>
    %broadcast_in_dim3A_3 = vector.broadcast %broadcast_in_dim3A_2 : vector<4x1x512xf32> to vector<4x8x512xf32>
    %reshape3A = vector.shape_cast %broadcast_in_dim3A_3 : vector<4x8x512xf32> to vector<32x512xf32>
    %get3A_4 = arith.constant 0 : index
    %get3A_5 = arith.constant 0 : index
    %get3A_6 = vector.load %arg3[%get3A_4, %get3A_5] : memref<32x512xf32, #tpu.memory_space<vmem>>, vector<32x512xf32>
    %add3A = arith.constant 9.99999971E-10 : f32
    %add3A_7 = vector.broadcast %add3A : f32 to vector<32x512xf32>
    %add3A_8 = arith.addf %reshape3A, %add3A_7 : vector<32x512xf32>
    %div3A = arith.divf %get3A_6, %add3A_8 : vector<32x512xf32>
    %get3A_9 = arith.constant 0 : index
    %get3A_10 = arith.constant 0 : index
    %get3A_11 = vector.load %arg1[%get3A_9, %get3A_10] : memref<1024x512xf32, #tpu.memory_space<vmem>>, vector<1024x512xf32>
    %reshape3A_12 = vector.shape_cast %get3A_11 : vector<1024x512xf32> to vector<32x32x512xf32>
    %broadcast_in_dim3A_13 = vector.shape_cast %div3A : vector<32x512xf32> to vector<1x32x512xf32>
    %mul3A = vector.broadcast %broadcast_in_dim3A_13 : vector<1x32x512xf32> to vector<32x32x512xf32>
    %mul3A_14 = arith.mulf %reshape3A_12, %mul3A : vector<32x32x512xf32>
    %reduce_sum3A = arith.constant dense<0.000000e+00> : vector<32x512xf32>
    %reduce_sum3A_15 = vector.multi_reduction <add>, %mul3A_14, %reduce_sum3A [1] : vector<32x32x512xf32> to vector<32x512xf32>
    %get3A_16 = arith.constant 0 : index
    %get3A_17 = arith.constant 0 : index
    %get3A_18 = vector.load %arg2[%get3A_16, %get3A_17] : memref<32x512xf32, #tpu.memory_space<vmem>>, vector<32x512xf32>
    %add3A_19 = arith.addf %reduce_sum3A_15, %get3A_18 : vector<32x512xf32>
    %max3A = arith.constant 0.000000e+00 : f32
    %max3A_20 = vector.broadcast %max3A : f32 to vector<32x512xf32>
    %max3A_21 = arith.maximumf %add3A_19, %max3A_20 : vector<32x512xf32>
    %get3A_22 = arith.constant 0 : index
    %get3A_23 = arith.constant 0 : index
    %get3A_24 = vector.load %arg5[%get3A_22, %get3A_23] : memref<32x512xf32, #tpu.memory_space<vmem>>, vector<32x512xf32>
    %add3A_25 = arith.addf %max3A_21, %get3A_24 : vector<32x512xf32>
    %reduce_sum3A_26 = arith.constant dense<0.000000e+00> : vector<512xf32>
    %reduce_sum3A_27 = vector.multi_reduction <add>, %add3A_25, %reduce_sum3A_26 [0] : vector<32x512xf32> to vector<512xf32>
    %broadcast_in_dim3A_28 = vector.shape_cast %reduce_sum3A_27 : vector<512xf32> to vector<1x512xf32>
    %div3A_29 = arith.constant 3.200000e+01 : f32
    %div3A_30 = vector.broadcast %div3A_29 : f32 to vector<1x512xf32>
    %div3A_31 = arith.divf %broadcast_in_dim3A_28, %div3A_30 : vector<1x512xf32>
    %sub3A = vector.broadcast %div3A_31 : vector<1x512xf32> to vector<32x512xf32>
    %sub3A_32 = arith.subf %add3A_25, %sub3A : vector<32x512xf32>
    %mul3A_33 = arith.mulf %sub3A_32, %sub3A_32 : vector<32x512xf32>
    %reduce_sum3A_34 = arith.constant dense<0.000000e+00> : vector<512xf32>
    %reduce_sum3A_35 = vector.multi_reduction <add>, %mul3A_33, %reduce_sum3A_34 [0] : vector<32x512xf32> to vector<512xf32>
    %broadcast_in_dim3A_36 = vector.shape_cast %reduce_sum3A_35 : vector<512xf32> to vector<1x512xf32>
    %div3A_37 = arith.constant 3.200000e+01 : f32
    %div3A_38 = vector.broadcast %div3A_37 : f32 to vector<1x512xf32>
    %div3A_39 = arith.divf %broadcast_in_dim3A_36, %div3A_38 : vector<1x512xf32>
    %add3A_40 = arith.constant 9.99999974E-6 : f32
    %add3A_41 = vector.broadcast %add3A_40 : f32 to vector<1x512xf32>
    %add3A_42 = arith.addf %div3A_39, %add3A_41 : vector<1x512xf32>
    %sqrt3A = math.sqrt %add3A_42 : vector<1x512xf32>
    %div3A_43 = vector.broadcast %sqrt3A : vector<1x512xf32> to vector<32x512xf32>
    %div3A_44 = arith.divf %sub3A_32, %div3A_43 : vector<32x512xf32>
    %get3A_45 = arith.constant 0 : index
    %get3A_46 = arith.constant 0 : index
    %get3A_47 = vector.load %arg6[%get3A_45, %get3A_46] : memref<32x1xf32, #tpu.memory_space<vmem>>, vector<32x1xf32>
    %mul3A_48 = vector.broadcast %get3A_47 : vector<32x1xf32> to vector<32x512xf32>
    %mul3A_49 = arith.mulf %div3A_44, %mul3A_48 : vector<32x512xf32>
    %get3A_50 = arith.constant 0 : index
    %get3A_51 = arith.constant 0 : index
    %get3A_52 = vector.load %arg7[%get3A_50, %get3A_51] : memref<32x1xf32, #tpu.memory_space<vmem>>, vector<32x1xf32>
    %add3A_53 = vector.broadcast %get3A_52 : vector<32x1xf32> to vector<32x512xf32>
    %add3A_54 = arith.addf %mul3A_49, %add3A_53 : vector<32x512xf32>
    %swap3A = arith.constant 0 : index
    %swap3A_55 = arith.constant 0 : index
    %swap3A_56 = vector.load %arg8[%swap3A, %swap3A_55] : memref<32x512xf32, #tpu.memory_space<vmem>>, vector<32x512xf32>
    tpu.vector_store %arg8[%swap3A, %swap3A_55], %add3A_54 {strides = array<i32>} : memref<32x512xf32, #tpu.memory_space<vmem>>, vector<32x512xf32>,
    return
  }
  func.func @transform_0(%arg0: i32) -> (i32, i32) {
    %c0_i32 = arith.constant 0 : i32
    %c0_i32_0 = arith.constant 0 : i32
    return %c0_i32, %arg0 : i32, i32
  }
  func.func @transform_1(%arg0: i32) -> (i32, i32) {
    %c0_i32 = arith.constant 0 : i32
    %c0_i32_0 = arith.constant 0 : i32
    return %c0_i32, %arg0 : i32, i32
  }
  func.func @transform_2(%arg0: i32) -> (i32, i32) {
    %c0_i32 = arith.constant 0 : i32
    %c0_i32_0 = arith.constant 0 : i32
    return %c0_i32, %arg0 : i32, i32
  }
  func.func @transform_3(%arg0: i32) -> (i32, i32) {
    %c0_i32 = arith.constant 0 : i32
    %c0_i32_0 = arith.constant 0 : i32
    return %c0_i32, %arg0 : i32, i32
  }
  func.func @transform_4(%arg0: i32) -> (i32, i32) {
    %c0_i32 = arith.constant 0 : i32
    %c0_i32_0 = arith.constant 0 : i32
    return %c0_i32, %arg0 : i32, i32
  }
  func.func @transform_5(%arg0: i32) -> (i32, i32) {
    %c0_i32 = arith.constant 0 : i32
    %c0_i32_0 = arith.constant 0 : i32
    %c0_i32_1 = arith.constant 0 : i32
    return %c0_i32, %c0_i32_0 : i32, i32
  }
  func.func @transform_6(%arg0: i32) -> (i32, i32) {
    %c0_i32 = arith.constant 0 : i32
    %c0_i32_0 = arith.constant 0 : i32
    %c0_i32_1 = arith.constant 0 : i32
    return %c0_i32, %c0_i32_0 : i32, i32
  }
  func.func @transform_7(%arg0: i32) -> (i32, i32) {
    %c0_i32 = arith.constant 0 : i32
    %c0_i32_0 = arith.constant 0 : i32
    return %c0_i32, %arg0 : i32, i32
  }
}

</mosaic_0001>

<sc_bundles>
// kernel: kernel.10.cloned.1.call-start
scs
__scs_entry_jumppad:
0x0: {  	(pc) =	sbr.rel $0x88, $3  }
0x1: {  	(tag) =	ssettag $0x0;
	lr =	simm.s32 $0x1  }
0x2: {  	[smem:$0x3F92] =	sst lr;
	_ =	strace $0xD0000000  }
0x3: {  	_ = 	snop  }
0x4: {  	_ = 	snop  }
0x5: {  	_ = 	snop  }
0x6: {  	_ = 	snop  }
0x7: {  	_ = 	snop  }
__scs_overlays_trampoline_lowered:
0x8: {  	[smem:$0x3FA1] =	sst s0  }
0x9: {  	[smem:$0x3FA2] =	sst s1  }
0xa: {  	[smem:$0x3FA3] =	sst s2  }
0xb: {  	[smem:$0x3FA4] =	sst s3  }
0xc: {  	[smem:$0x3FA5] =	sst s4  }
0xd: {  	[smem:$0x3FA6] =	sst s5  }
0xe: {  	[smem:$0x3FA7] =	sst s6  }
0xf: {  	[smem:$0x3FA8] =	sst s7  }
0x10: {  	[smem:$0x3FA9] =	sst s8  }
0x11: {  	[smem:$0x3FAA] =	sst s9;
	s0 =	simm.s32 @!p0 $0x0  }
0x12: {  	s1 =	sld [smem:$0x3F90];
	s0 =	simm.s32 @p0 $0x1  }
0x13: {  	[smem:$0x3FAB] =	sst s0;
	s0 =	simm.s32 @!p1 $0x0  }
0x14: {  	s2 =	sld [smem:$0x3F8F];
	s0 =	simm.s32 @p1 $0x1  }
0x15: {  	[smem:$0x3FAC] =	sst s0;
	s0 =	simm.s32 @!p2 $0x0  }
0x16: {  	s3 =	sld [smem:$0x3FDB];
	s0 =	simm.s32 @p2 $0x1  }
0x17: {  	s4 =	simm.s32 $0x1BF5;
	[smem:$0x3FAE] =	sst s0  }
0x18: {  	s0 =	sld [smem:$0x3F91];
	_ =	swait.ge [sflag:s4], $0x0  }
0x19: {  	s7 =	sld [smem:$0x3F92]  }
0x1a: {  	s8 =	sadd.s32 $0xFFFFE003, lr  }
0x1b: {  	s9 =	sadd.s32 $0xFFFFFEF7, lr;
	s5 =	simm.s32 $0xFFFFFFFF;
	p2 =	slt.u32 s8, $0xFFFFF086  }
0x1c: {  	p1 =	slt.u32 s9, $0xF7A;
	s5 =	simm.s32 @!p2 $0x0  }
0x1d: {  	s5 =	simm.s32 @p1 $0x1;
	p0 =	seq.s32 s7, s2  }
0x1e: {  	s7 =	smul.u32 @!p0 $0xF7A, s2;
	p2 =	seq.s32 @!p0 s5, $0x0  }
0x1f: {  	s9 =	smul.u32 $0xF7A, s1;
	s8 =	simm.s32 @!p0 $0x1BF5;
	p2 =	por !p2, p0  }
0x20: {  	[sflag:s8] =	ssyncset.s32 @!p0 $0xFFFFF086;
	s6 =	sadd.s32 @!p0 s3, s7;
	s7 =	simm.s32 @!p0 $0x108  }
0x21: {  	s3 =	sadd.s32 s3, s9;
	s6 =	sadd.s32 @!p0 $0x88, s6;
	s7 =	simm.s32 @p2 $0x1082  }
0x22: {  	[simem:s7], [sflag:s8] =	dma.local @!p0 [hbm:s6], $0xF7A  }
0x23: {  	s9 =	sor.u32 $0xD0000000, s2;
	s6 =	simm.s32 $0x108;
	_ =	swait.ge @!p0 [sflag:s8], $0x0  }
0x24: {  	s3 =	sadd.s32 $0x88, s3;
	s6 =	simm.s32 @!p1 $0x1082;
	[sflag:s4] =	ssyncset.s32 $0xFFFFF086  }
0x25: {  	[simem:s6], [sflag:s4] =	dma.local [hbm:s3], $0xF7A  }
0x26: {  	[smem:$0x3F92] =	sst s1;
	(tag) =	ssettag s2;
	_ =	strace s9  }
0x27: {  	s1 =	sld [smem:$0x3FA2]  }
0x28: {  	s2 =	sld [smem:$0x3FA3]  }
0x29: {  	s4 =	sld [smem:$0x3FA5]  }
0x2a: {  	p0 =	seq.s32 s5, $0x0;
	s5 =	sld [smem:$0x3FA6]  }
0x2b: {  	s6 =	sld [smem:$0x3FA7]  }
0x2c: {  	s7 =	sld [smem:$0x3FA8]  }
0x2d: {  	s3 =	simm.s32 $0x108;
	s8 =	sld [smem:$0x3FA9]  }
0x2e: {  	s3 =	simm.s32 @!p0 $0x1082;
	s9 =	sld [smem:$0x3FAA]  }
0x2f: {  	lr =	sadd.s32 s0, s3;
	s0 =	sld [smem:$0x3FA1]  }
0x30: {  	s3 =	sld [smem:$0x3FA4]  }
0x31: {  	[smem:$0x3FAD] =	sst s10  }
0x32: {  	s10 =	sld [smem:$0x3FAB];
	_ =	sdelay $0x3  }
0x33: {  	p0 =	seq.s32 s10, $0x1;
	s10 =	sld [smem:$0x3FAD];
	_ =	sdelay $0x3  }
0x34: {  	[smem:$0x3FAD] =	sst s10  }
0x35: {  	s10 =	sld [smem:$0x3FAC];
	_ =	sdelay $0x3  }
0x36: {  	p1 =	seq.s32 s10, $0x1;
	s10 =	sld [smem:$0x3FAD];
	_ =	sdelay $0x3  }
0x37: {  	[smem:$0x3FAD] =	sst s10  }
0x38: {  	s10 =	sld [smem:$0x3FAE]  }
0x39: {  	_ = 	snop;
	(pc) =	sbr.ind lr, $3  }
0x3a: {  	_ = 	snop  }
0x3b: {  	_ = 	snop  }
0x3c: {  	p2 =	seq.s32 s10, $0x1;
	s10 =	sld [smem:$0x3FAD]  }
0x3d: {  	_ =	shalt  }
0x3e: {  	_ =	shalt  }
0x3f: {  	_ =	shalt  }
0x40: {  	_ =	shalt  }
0x41: {  	_ =	shalt  }
0x42: {  	_ =	shalt  }
0x43: {  	_ =	shalt  }
0x44: {  	_ =	shalt  }
0x45: {  	_ =	shalt  }
0x46: {  	_ =	shalt  }
0x47: {  	_ =	shalt  }
0x48: {  	_ =	shalt  }
0x49: {  	_ =	shalt  }
0x4a: {  	_ =	shalt  }
0x4b: {  	_ =	shalt  }
0x4c: {  	_ =	shalt  }
0x4d: {  	_ =	shalt  }
0x4e: {  	_ =	shalt  }
0x4f: {  	_ =	shalt  }
0x50: {  	_ =	shalt  }
0x51: {  	_ =	shalt  }
0x52: {  	_ =	shalt  }
0x53: {  	_ =	shalt  }
0x54: {  	_ =	shalt  }
0x55: {  	_ =	shalt  }
0x56: {  	_ =	shalt  }
0x57: {  	_ =	shalt  }
0x58: {  	_ =	shalt  }
0x59: {  	_ =	shalt  }
0x5a: {  	_ =	shalt  }
0x5b: {  	_ =	shalt  }
0x5c: {  	_ =	shalt  }
0x5d: {  	_ =	shalt  }
0x5e: {  	_ =	shalt  }
0x5f: {  	_ =	shalt  }
0x60: {  	_ =	shalt  }
0x61: {  	_ =	shalt  }
0x62: {  	_ =	shalt  }
0x63: {  	_ =	shalt  }
0x64: {  	_ =	shalt  }
0x65: {  	_ =	shalt  }
0x66: {  	_ =	shalt  }
0x67: {  	_ =	shalt  }
0x68: {  	_ =	shalt  }
0x69: {  	_ =	shalt  }
0x6a: {  	_ =	shalt  }
0x6b: {  	_ =	shalt  }
0x6c: {  	_ =	shalt  }
0x6d: {  	_ =	shalt  }
0x6e: {  	_ =	shalt  }
0x6f: {  	_ =	shalt  }
0x70: {  	_ =	shalt  }
0x71: {  	_ =	shalt  }
0x72: {  	_ =	shalt  }
0x73: {  	_ =	shalt  }
0x74: {  	_ =	shalt  }
0x75: {  	_ =	shalt  }
0x76: {  	_ =	shalt  }
0x77: {  	_ =	shalt  }
0x78: {  	_ =	shalt  }
0x79: {  	_ =	shalt  }
0x7a: {  	_ =	shalt  }
0x7b: {  	_ =	shalt  }
0x7c: {  	_ =	shalt  }
0x7d: {  	_ =	shalt  }
0x7e: {  	_ =	shalt  }
0x7f: {  	_ =	shalt  }
0x80: {  	_ =	shalt  }
0x81: {  	_ =	shalt  }
0x82: {  	_ =	shalt  }
0x83: {  	_ =	shalt  }
0x84: {  	_ =	shalt  }
0x85: {  	_ =	shalt  }
0x86: {  	_ =	shalt  }
0x87: {  	_ =	shalt  }
.Lfunc_end0:
.L_simem_size_0:
called_computation_lowered:
.L_overlay_start_0:
0x88: {  	s2 =	sld [smem:$0x3FD9]  }
0x89: {  	s3 =	sld [smem:$0x3FFE];
	_ =	sdelay $0x1  }
0x8a: {  	s1 =	srdreg.scid  }
0x8b: {  	s0 =	sand.u32 $0x1, s1  }
0x8c: {  	s14 =	sshll.u32 s0, $0xA;
	s2 =	sadd.s32 s3, s2  }
0x8d: {  	s2 =	sadd.s32 s2, s14  }
0x8e: {  	[smem:$0x3FB9] =	sst s2  }
0x8f: {  	_ = 	snop  }
0x90: {  	s2 =	sld [smem:$0x3FD0];
	_ =	sdelay $0x2  }
0x91: {  	s15 =	simm.s32 $0xB;
	s4 =	simm.s32 $0x10  }
0x92: {  	[smem:s4], [sflag:s15] =	dma.local [hbm:s2], $0x1  }
0x93: {  	_ =	swait.eq [sflag:s15], $0x1  }
0x94: {  	[sflag:s15] =	ssyncset.done $0x0  }
0x95: {  	s16 =	sld [smem:$0x10];
	[sflag:s15] =	ssyncadd.s32 $0xFFFFFFFF  }
0x96: {  	s17 =	sld [smem:$0x12];
	(tm) =	ssettm $0x1  }
0x97: {  	s18 =	sld [smem:$0x3FFB];
	_ =	sdelay $0x3  }
0x98: {  	_ =	strace s18  }
0x99: {  	s4 =	sld [smem:$0x3FFC];
	_ =	sdelay $0x3  }
0x9a: {  	_ =	strace s4  }
0x9b: {  	s4 =	sld [smem:$0x3FFD];
	_ =	sdelay $0x3  }
0x9c: {  	_ =	strace s4  }
0x9d: {  	_ =	strace $0x8FFFFFFF  }
0x9e: {  	s19 =	sld [smem:$0x3FDB];
	_ =	sdelay $0x1  }
0x9f: {  	s5 =	simm.s32 $_scs_section_size  }
0xa0: {  	s6 =	simm.s32 $_size__tile_overlayer_lowered;
	s7 =	simm.s32 $_tile_overlayer_lowered  }
0xa1: {  	s22 =	simm.s32 $0x1BFF;
	s21 =	sshll.u32 s7, $0x1;
	s4 =	sadd.s32 s5, s19  }
0xa2: {  	s8 =	simm.s32 $0x0;
	s20 =	sshll.u32 s6, $0x1;
	s6 =	sadd.s32 s21, s4  }
0xa3: {  	[timem:s8], [sflag:s22] =	dma.local [hbm:s6], s20  }
0xa4: {  	_ =	swait.ge [sflag:s22], s20  }
0xa5: {  	s5 =	ssub.s32 $0x0, s20;
	[sflag:s22] =	ssyncset.done $0x0  }
0xa6: {  	[sflag:s22] =	ssyncadd.s32 s5;
	_ =	sdelay $0x1  }
0xa7: {  	s23 =	simm.s32 $0x1B8B  }
0xa8: {  	_ =	swait.ge [sflag:s23], $0x1  }
0xa9: {  	[sflag:s23] =	ssyncset.done $0x0  }
0xaa: {  	s25 =	simm.s32 $0x1B8E;
	s24 =	sld [smem:$0x3FFE];
	[sflag:s23] =	ssyncadd.s32 $0xFFFFFFFF  }
0xab: {  	s26 =	simm.s32 $execute0_lowered;
	[smem:$0x3FD2] =	sst s25  }
0xac: {  	s6 =	sshll.u32 s26, $0x1;
	_ =	strace $0x80000046;
	[dreg:$0x1] =	wrdreg $0xFFFFFFFF  }
0xad: {  	s28 =	simm.s32 $_size_execute0_lowered;
	s4 =	sadd.s32 s4, s6;
	[dreg:$0x0] =	wrdreg $0x0  }
0xae: {  	s6 =	sshll.u32 s28, $0x1;
	[dreg:$0x2] =	wrdreg s4  }
0xaf: {  	[dreg:$0x3] =	wrdreg s6  }
0xb0: {  	[dreg:$0x4] =	wrdreg $0xC0  }
0xb1: {  	_ =	task [dreg:s8], $0x5FFFF  }
0xb2: {  	[dreg:$0x1] =	wrdreg $0xFFFFFFFF  }
0xb3: {  	[dreg:$0x0] =	wrdreg $0x60  }
0xb4: {  	[dreg:$0x2] =	wrdreg s16  }
0xb5: {  	[dreg:$0x3] =	wrdreg s24  }
0xb6: {  	[dreg:$0x4] =	wrdreg s17  }
0xb7: {  	[dreg:$0x5] =	wrdreg $0x9  }
0xb8: {  	_ =	task.clear_ibuf [dreg:s8], $0x6FFFF;
	_ =	strace $0x90000046  }
0xb9: {  	s29 =	simm.s32 $0x9;
	_ =	strace $0x80000048  }
0xba: {  	_ =	swait.ge [sflag:s29], $0x1  }
0xbb: {  	[sflag:s29] =	ssyncadd.s32 $0xFFFFFFFF  }
0xbc: {  	_ =	strace $0x90000048  }
0xbd: {  	_ =	sfence  }
0xbe: {  	s30 =	sld [smem:$0x0];
	_ =	sdelay $0x2  }
0xbf: {  	s31 =	sshll.u32 s1, $0xD;
	s1 =	sshrl.u32 s1, $0x2  }
0xc0: {  	s3 =	sand.u32 $0x4000, s31;
	s1 =	sadd.s32 s1, s30  }
0xc1: {  	s0 =	sor.u32 s3, s0;
	s1 =	sshll.u32 s1, $0x11  }
0xc2: {  	s0 =	sor.u32 s1, s0  }
0xc3: {  	s0 =	sadd.s32 $0x8F2B, s0  }
0xc4: {  	[sflag:s0] =	ssyncadd.remote.s32 $0x1  }
0xc5: {  	_ =	sfence.sel $0xFFFF  }
0xc6: {  	[dreg:$0x0] =	wrdreg $0xFFFFFFFF;
	(pc) =	sbr.abs _section_cstart, $3  }
0xc7: {  	[dreg:$0x1] =	wrdreg $0xFFFFFFFF  }
0xc8: {  	_ =	task.clear_ibuf [dreg:s8], $0x2FFFF;
	_ =	strace $0x9FFFFFFF  }
0xc9: {  	(tm) =	ssettm $0x7FFFFFFF  }
tec
execute0_lowered:
.L_overlay_start_1:
0x0: {  	(tag) =	ssettag $0x1  }
0x1: {  	s0 =	rddreg [dreg:$0x0]  }
0x2: {  	s1 =	rddreg [dreg:$0x1];
	s2 =	srdreg.scid  }
0x3: {  	s3 =	stileid.u32;
	s11 =	rddreg [dreg:$0x2]  }
0x4: {  	s28 =	simm.s32 $0x2780;
	s29 =	simm.s32 $0x4F00;
	s30 =	simm.s32 $0x7680  }
0x5: {  	s31 =	simm.s32 $0x9E00;
	s2 =	sand.u32 $0x1, s2;
	s4 =	sshll.u32 s3, $0x1  }
0x6: {  	s3 =	simm.s32 $0x0;
	s7 =	sadd.s32 $0x10800, s1;
	s9 =	sadd.s32 $0x32200, s1  }
0x7: {  	s10 =	sadd.s32 $0x52A00, s1;
	s23 =	sadd.s32 $0x4E2, s11;
	s24 =	sadd.s32 $0x10CE2, s1  }
0x8: {  	s15 =	sadd.s32 $0x9C4, s11;
	s16 =	sadd.s32 $0x111C4, s1;
	s4 =	sor.u32 s2, s4  }
0x9: {  	[smem:$0x7FF] =	sst s3;
	s2 =	ssub.s32 $0x2, s2;
	s5 =	smul.u32 $0x4E2, s4  }
0xa: {  	_ =	strace $0x80000047;
	[dreg:$0x4] =	wrdreg s7;
	s7 =	sadd.s32 $0x11A00, s1  }
0xb: {  	s8 =	sshrl.u32 s2, $0x1;
	s4 =	smul.u32 $0x8200, s4;
	[dreg:$0xa] =	wrdreg s23  }
0xc: {  	[dreg:$0xb] =	wrdreg s24;
	s23 =	sadd.s32 $0xEA6, s11;
	s24 =	sadd.s32 $0x116A6, s1  }
0xd: {  	s2 =	ssub.s32 s2, s8;
	s6 =	sadd.s32 s5, s1;
	s0 =	sadd.s32 s0, s5  }
0xe: {  	s20 =	sshrl.u32 s4, $0x3;
	[dreg:$0x5] =	wrdreg s0;
	s19 =	sadd.s32 $0x6A00, s6  }
0xf: {  	s1 =	simm.s32 $0xC580;
	s4 =	sadd.s32 s7, s20;
	[dreg:$0x6] =	wrdreg s19  }
0x10: {  	s21 =	sadd.s32 s9, s20;
	s22 =	sadd.s32 s10, s20;
	[dreg:$0x7] =	wrdreg s4  }
0x11: {  	s25 =	sadd.s32 $0x4E2, s20;
	s26 =	sadd.s32 $0x9C4, s20;
	[dreg:$0x8] =	wrdreg s21  }
0x12: {  	s0 =	sadd.s32 $0xEA6, s20;
	[dreg:$0x9] =	wrdreg s22;
	s12 =	sadd.s32 s7, s25  }
0x13: {  	s13 =	sadd.s32 s9, s25;
	s14 =	sadd.s32 s10, s25;
	s17 =	sadd.s32 s7, s26  }
0x14: {  	s18 =	sadd.s32 s9, s26;
	s19 =	sadd.s32 s10, s26;
	s20 =	sadd.s32 s7, s0  }
0x15: {  	s21 =	sadd.s32 s9, s0;
	s22 =	sadd.s32 s10, s0;
	s25 =	smax.u32 s2, $0x1  }
0x16: {  	s26 =	simm.s32 $0x1;
	s0 =	simm.s32 $0xED00;
	s2 =	simm.s32 $0x0  }
.LBB2_1:
0x17: {  	s4 =	rddreg [dreg:$0x5]  }
0x18: {  	[tilespmem:s3], [sflag:$0x1] =	stream.linear.gather [hbm4b:s4+s3], $0x2710, $0x38;
	[tilespmem:$0x11480] =	vst v63  }
0x19: {  	_ =	swait.ge [sflag:s26], $0x2710  }
0x1a: {  	[sflag:s26] =	ssyncset.done $0x0  }
0x1b: {  	s9 =	rddreg [dreg:$0x6];
	[sflag:s26] =	ssyncadd.s32 $0xFFFFD8F0  }
0x1c: {  	[tilespmem:s28], [sflag:$0x1] =	stream.linear.gather [hbm4b:s9+s3], $0x2710, $0x38;
	[tilespmem:$0x11480] =	vst v63  }
0x1d: {  	_ =	swait.ge [sflag:s26], $0x2710  }
0x1e: {  	[sflag:s26] =	ssyncset.done $0x0  }
0x1f: {  	[sflag:s26] =	ssyncadd.s32 $0xFFFFD8F0  }
0x20: {  	s10 =	rddreg [dreg:$0x2]  }
0x21: {  	[tilespmem:s29], [sflag:$0x1] =	stream.linear.gather [hbm4b:s10+s3], $0x2710, $0x38;
	[tilespmem:$0x11480] =	vst v63  }
0x22: {  	_ =	swait.ge [sflag:s26], $0x2710  }
0x23: {  	[sflag:s26] =	ssyncset.done $0x0  }
0x24: {  	s11 =	rddreg [dreg:$0x4];
	[sflag:s26] =	ssyncadd.s32 $0xFFFFD8F0  }
0x25: {  	[tilespmem:s30], [sflag:$0x1] =	stream.linear.gather [hbm4b:s11+s3], $0x2710, $0x38;
	[tilespmem:$0x11480] =	vst v63  }
0x26: {  	_ =	swait.ge [sflag:s26], $0x2710  }
0x27: {  	[sflag:s26] =	ssyncset.done $0x0  }
0x28: {  	s5 =	simm.s32 $0x4F40;
	[sflag:s26] =	ssyncadd.s32 $0xFFFFD8F0  }
0x29: {  	v0 =	vld [tilespmem:s5+$0x30]  }
0x2a: {  	v1 =	vld [tilespmem:s5+$0xFFFFFFD0]  }
0x2b: {  	v2 =	vld [tilespmem:s5+$0xFFFFFFE0]  }
0x2c: {  	v3 =	vld [tilespmem:s5+$0xFFFFFFF0]  }
0x2d: {  	v4 =	vld [tilespmem:s5+$0x0]  }
0x2e: {  	v5 =	vld [tilespmem:s5+$0x10]  }
0x2f: {  	s4 =	simm.s32 $0x76C0;
	v6 =	vld [tilespmem:s5+$0x20]  }
0x30: {  	v7 =	vld [tilespmem:s4+$0x30]  }
0x31: {  	v8 =	vld [tilespmem:s5+$0xFFFFFFC0]  }
0x32: {  	v9 =	vld [tilespmem:s4+$0xFFFFFFC0]  }
0x33: {  	v10 =	vld [tilespmem:s4+$0xFFFFFFD0]  }
0x34: {  	v11 =	vld [tilespmem:s4+$0xFFFFFFE0]  }
0x35: {  	v12 =	vld [tilespmem:s4+$0xFFFFFFF0]  }
0x36: {  	v13 =	vld [tilespmem:s4+$0x0]  }
0x37: {  	v0 =	vld.idx.msk [tilespmem:v0+s3+$0x0], $0xffff  }
0x38: {  	v14 =	vld [tilespmem:s4+$0x10]  }
0x39: {  	v1 =	vld.idx.msk [tilespmem:v1+s3+$0x0], $0xffff  }
0x3a: {  	v2 =	vld.idx.msk [tilespmem:v2+s3+$0x0], $0xffff  }
0x3b: {  	s5 =	simm.s32 $0x9E40;
	v8 =	vld.idx.msk [tilespmem:v8+s3+$0x0], $0xffff  }
0x3c: {  	v3 =	vld.idx.msk [tilespmem:v3+s3+$0x0], $0xffff;
	[tilespmem:s5+$0x30] =	vst v0  }
0x3d: {  	v0 =	vld.idx.msk [tilespmem:v7+s3+$0x0], $0xffff  }
0x3e: {  	v4 =	vld.idx.msk [tilespmem:v4+s3+$0x0], $0xffff  }
0x3f: {  	v5 =	vld.idx.msk [tilespmem:v5+s3+$0x0], $0xffff;
	[tilespmem:s5+$0xFFFFFFD0] =	vst v1  }
0x40: {  	v6 =	vld.idx.msk [tilespmem:v6+s3+$0x0], $0xffff;
	[tilespmem:s5+$0xFFFFFFC0] =	vst v8  }
0x41: {  	s6 =	simm.s32 $0xC5C0;
	[tilespmem:s5+$0xFFFFFFE0] =	vst v2;
	v2 =	vld.idx.msk [tilespmem:v9+s3+$0x0], $0xffff  }
0x42: {  	[tilespmem:s6+$0x30] =	vst v0;
	v0 =	vld [tilespmem:s4+$0x20]  }
0x43: {  	[tilespmem:s5+$0xFFFFFFF0] =	vst v3;
	v3 =	vld.idx.msk [tilespmem:v10+s3+$0x0], $0xffff  }
0x44: {  	[tilespmem:s5+$0x0] =	vst v4;
	v4 =	vld.idx.msk [tilespmem:v11+s3+$0x0], $0xffff  }
0x45: {  	[tilespmem:s5+$0x10] =	vst v5;
	v5 =	vld.idx.msk [tilespmem:v12+s3+$0x0], $0xffff  }
0x46: {  	v1 =	vld.idx.msk [tilespmem:v7+s28+$0x0], $0xffff  }
0x47: {  	[tilespmem:s5+$0x20] =	vst v6;
	v6 =	vld.idx.msk [tilespmem:v13+s3+$0x0], $0xffff  }
0x48: {  	[tilespmem:s6+$0xFFFFFFD0] =	vst v3;
	v7 =	vld.idx.msk [tilespmem:v14+s3+$0x0], $0xffff  }
0x49: {  	[tilespmem:s6+$0xFFFFFFC0] =	vst v2;
	v2 =	vld.idx.msk [tilespmem:v10+s28+$0x0], $0xffff  }
0x4a: {  	s7 =	simm.s32 $0xED40;
	[tilespmem:s6+$0xFFFFFFE0] =	vst v4;
	v8 =	vld.idx.msk [tilespmem:v0+s3+$0x0], $0xffff  }
0x4b: {  	[tilespmem:s7+$0x30] =	vst v1;
	v1 =	vld.idx.msk [tilespmem:v9+s28+$0x0], $0xffff  }
0x4c: {  	[tilespmem:s6+$0xFFFFFFF0] =	vst v5;
	v3 =	vld.idx.msk [tilespmem:v11+s28+$0x0], $0xffff  }
0x4d: {  	v4 =	vld.idx.msk [tilespmem:v12+s28+$0x0], $0xffff;
	[tilespmem:s6+$0x0] =	vst v6  }
0x4e: {  	v5 =	vld.idx.msk [tilespmem:v13+s28+$0x0], $0xffff;
	[tilespmem:s6+$0x10] =	vst v7  }
0x4f: {  	s8 =	simm.s32 $0xED40;
	s9 =	simm.s32 $0x0;
	s10 =	simm.s32 $0x4FC0;
	v6 =	vld.idx.msk [tilespmem:v14+s28+$0x0], $0xffff;
	[tilespmem:s6+$0x20] =	vst v8  }
.LBB2_2:
0x50: {  	v7 =	vld [tilespmem:s10+$0x30];
	s9 =	sadd.s32 $0x8, s9;
	[tilespmem:s7+$0xFFFFFFC0] =	vst v1  }
0x51: {  	v1 =	vld [tilespmem:s10+$0xFFFFFFD0];
	p0 =	slt.u32 s9, $0x268;
	[tilespmem:s7+$0xFFFFFFD0] =	vst v2  }
0x52: {  	v2 =	vld [tilespmem:s10+$0xFFFFFFE0];
	[tilespmem:s7+$0xFFFFFFE0] =	vst v3  }
0x53: {  	v3 =	vld [tilespmem:s10+$0xFFFFFFF0];
	[tilespmem:s7+$0xFFFFFFF0] =	vst v4  }
0x54: {  	v4 =	vld [tilespmem:s10+$0x0];
	[tilespmem:s7+$0x0] =	vst v5  }
0x55: {  	v5 =	vld [tilespmem:s10+$0x10];
	[tilespmem:s7+$0x10] =	vst v6  }
0x56: {  	s4 =	sadd.s32 $0x80, s4;
	v6 =	vld [tilespmem:s10+$0x20]  }
0x57: {  	v8 =	vld [tilespmem:s4+$0x30]  }
0x58: {  	v7 =	vld.idx.msk [tilespmem:v7+s3+$0x0], $0xffff  }
0x59: {  	v9 =	vld [tilespmem:s10+$0xFFFFFFC0]  }
0x5a: {  	v1 =	vld.idx.msk [tilespmem:v1+s3+$0x0], $0xffff  }
0x5b: {  	v2 =	vld.idx.msk [tilespmem:v2+s3+$0x0], $0xffff  }
0x5c: {  	v3 =	vld.idx.msk [tilespmem:v3+s3+$0x0], $0xffff  }
0x5d: {  	s5 =	sadd.s32 $0x80, s5;
	v4 =	vld.idx.msk [tilespmem:v4+s3+$0x0], $0xffff  }
0x5e: {  	v5 =	vld.idx.msk [tilespmem:v5+s3+$0x0], $0xffff;
	[tilespmem:s5+$0x30] =	vst v7  }
0x5f: {  	v7 =	vld.idx.msk [tilespmem:v8+s3+$0x0], $0xffff  }
0x60: {  	v6 =	vld.idx.msk [tilespmem:v6+s3+$0x0], $0xffff  }
0x61: {  	v9 =	vld.idx.msk [tilespmem:v9+s3+$0x0], $0xffff  }
0x62: {  	v10 =	vld [tilespmem:s4+$0xFFFFFFC0]  }
0x63: {  	v11 =	vld [tilespmem:s4+$0xFFFFFFD0];
	[tilespmem:s5+$0xFFFFFFD0] =	vst v1  }
0x64: {  	s6 =	sadd.s32 $0x80, s6;
	v12 =	vld [tilespmem:s4+$0xFFFFFFE0];
	[tilespmem:s5+$0xFFFFFFE0] =	vst v2  }
0x65: {  	v13 =	vld [tilespmem:s4+$0xFFFFFFF0];
	[tilespmem:s6+$0x30] =	vst v7  }
0x66: {  	[tilespmem:s5+$0xFFFFFFF0] =	vst v3;
	v1 =	vld.idx.msk [tilespmem:v8+s28+$0x0], $0xffff  }
0x67: {  	[tilespmem:s5+$0xFFFFFFC0] =	vst v9;
	v7 =	vld [tilespmem:s4+$0x0]  }
0x68: {  	[tilespmem:s5+$0x0] =	vst v4;
	v8 =	vld [tilespmem:s4+$0x10]  }
0x69: {  	[tilespmem:s5+$0x10] =	vst v5;
	v2 =	vld [tilespmem:s4+$0x20]  }
0x6a: {  	v3 =	vld.idx.msk [tilespmem:v10+s3+$0x0], $0xffff;
	[tilespmem:s5+$0x20] =	vst v6  }
0x6b: {  	s7 =	sadd.s32 $0x80, s7;
	v4 =	vld.idx.msk [tilespmem:v11+s3+$0x0], $0xffff  }
0x6c: {  	v5 =	vld.idx.msk [tilespmem:v12+s3+$0x0], $0xffff;
	[tilespmem:s7+$0x30] =	vst v1  }
0x6d: {  	v6 =	vld.idx.msk [tilespmem:v13+s3+$0x0], $0xffff  }
0x6e: {  	v9 =	vld.idx.msk [tilespmem:v0+s28+$0x0], $0xffff;
	v0 =	vmov v2  }
0x6f: {  	v14 =	vld.idx.msk [tilespmem:v7+s3+$0x0], $0xffff  }
0x70: {  	[tilespmem:s6+$0xFFFFFFC0] =	vst v3;
	v15 =	vld.idx.msk [tilespmem:v8+s3+$0x0], $0xffff  }
0x71: {  	[tilespmem:s6+$0xFFFFFFD0] =	vst v4;
	v16 =	vld.idx.msk [tilespmem:v2+s3+$0x0], $0xffff  }
0x72: {  	v1 =	vld.idx.msk [tilespmem:v10+s28+$0x0], $0xffff;
	[tilespmem:s6+$0xFFFFFFE0] =	vst v5  }
.Ltmp0:
0x73: {  	v2 =	vld.idx.msk [tilespmem:v11+s28+$0x0], $0xffff;
	[tilespmem:s6+$0xFFFFFFF0] =	vst v6;
	(pc) =	sbr.rel @p0 .LBB2_2-.Ltmp0, $4  }
0x74: {  	v3 =	vld.idx.msk [tilespmem:v12+s28+$0x0], $0xffff;
	[tilespmem:s8+$0x20] =	vst v9;
	s8 =	smov.u32 s7  }
0x75: {  	v4 =	vld.idx.msk [tilespmem:v13+s28+$0x0], $0xffff;
	[tilespmem:s6+$0x0] =	vst v14  }
0x76: {  	v5 =	vld.idx.msk [tilespmem:v7+s28+$0x0], $0xffff;
	[tilespmem:s6+$0x10] =	vst v15  }
0x77: {  	s10 =	sadd.s32 $0x80, s10;
	v6 =	vld.idx.msk [tilespmem:v8+s28+$0x0], $0xffff;
	[tilespmem:s6+$0x20] =	vst v16  }
0x78: {  	_ =	sdelay $0x2  }
0x79: {  	[tilespmem:s7+$0xFFFFFFC0] =	vst v1  }
0x7a: {  	[tilespmem:s7+$0xFFFFFFD0] =	vst v2;
	v0 =	vld.idx.msk [tilespmem:v0+s28+$0x0], $0xffff  }
0x7b: {  	[tilespmem:s7+$0xFFFFFFE0] =	vst v3  }
0x7c: {  	[tilespmem:s7+$0xFFFFFFF0] =	vst v4  }
0x7d: {  	[tilespmem:s7+$0x0] =	vst v5  }
0x7e: {  	[tilespmem:s7+$0x10] =	vst v6  }
0x7f: {  	[tilespmem:s8+$0x20] =	vst v0  }
0x80: {  	v0 =	vld [tilespmem:$0x7600];
	_ =	sdelay $0x5  }
0x81: {  	v1 =	vld [tilespmem:$0x9D80];
	_ =	sdelay $0x1  }
0x82: {  	v0 =	vld.idx.msk [tilespmem:v0+s3+$0x0], $0xffff;
	_ =	sdelay $0x4  }
0x83: {  	[tilespmem:$0xC500] =	vst v0  }
0x84: {  	v0 =	vld.idx.msk [tilespmem:v1+s3+$0x0], $0xffff;
	_ =	sdelay $0x4  }
0x85: {  	[tilespmem:$0xEC80] =	vst v0  }
0x86: {  	v0 =	vld.idx.msk [tilespmem:v1+s28+$0x0], $0xffff;
	_ =	sdelay $0x4  }
0x87: {  	s4 =	rddreg [dreg:$0x7];
	[tilespmem:$0x11400] =	vst v0  }
0x88: {  	[hbm4b:s4+s3] =	stream.linear.scatter [tilespmem:s31], [sflag:$0x1], $0x2710, $0x38;
	[tilespmem:$0x11480] =	vst v63  }
0x89: {  	_ =	swait.ge [sflag:s26], $0x2710  }
0x8a: {  	[sflag:s26] =	ssyncset.done $0x0  }
0x8b: {  	s8 =	rddreg [dreg:$0x8];
	[sflag:s26] =	ssyncadd.s32 $0xFFFFD8F0  }
0x8c: {  	[hbm4b:s8+s3] =	stream.linear.scatter [tilespmem:s1], [sflag:$0x1], $0x2710, $0x38;
	[tilespmem:$0x11480] =	vst v63  }
0x8d: {  	_ =	swait.ge [sflag:s26], $0x2710  }
0x8e: {  	[sflag:s26] =	ssyncset.done $0x0  }
0x8f: {  	s9 =	rddreg [dreg:$0x9];
	[sflag:s26] =	ssyncadd.s32 $0xFFFFD8F0  }
0x90: {  	[hbm4b:s9+s3] =	stream.linear.scatter [tilespmem:s0], [sflag:$0x1], $0x2710, $0x38;
	[tilespmem:$0x11480] =	vst v63  }
0x91: {  	_ =	swait.ge [sflag:s26], $0x2710  }
0x92: {  	[sflag:s26] =	ssyncset.done $0x0  }
0x93: {  	s10 =	rddreg [dreg:$0xa];
	[sflag:s26] =	ssyncadd.s32 $0xFFFFD8F0  }
0x94: {  	[tilespmem:s29], [sflag:$0x1] =	stream.linear.gather [hbm4b:s10+s3], $0x2710, $0x38;
	[tilespmem:$0x11480] =	vst v63  }
0x95: {  	_ =	swait.ge [sflag:s26], $0x2710  }
0x96: {  	[sflag:s26] =	ssyncset.done $0x0  }
0x97: {  	s11 =	rddreg [dreg:$0xb];
	[sflag:s26] =	ssyncadd.s32 $0xFFFFD8F0  }
0x98: {  	[tilespmem:s30], [sflag:$0x1] =	stream.linear.gather [hbm4b:s11+s3], $0x2710, $0x38;
	[tilespmem:$0x11480] =	vst v63  }
0x99: {  	_ =	swait.ge [sflag:s26], $0x2710  }
0x9a: {  	[sflag:s26] =	ssyncset.done $0x0  }
0x9b: {  	s5 =	simm.s32 $0x4F40;
	[sflag:s26] =	ssyncadd.s32 $0xFFFFD8F0  }
0x9c: {  	v0 =	vld [tilespmem:s5+$0x30]  }
0x9d: {  	v1 =	vld [tilespmem:s5+$0xFFFFFFD0]  }
0x9e: {  	v2 =	vld [tilespmem:s5+$0xFFFFFFE0]  }
0x9f: {  	v3 =	vld [tilespmem:s5+$0xFFFFFFF0]  }
0xa0: {  	v4 =	vld [tilespmem:s5+$0x0]  }
0xa1: {  	v5 =	vld [tilespmem:s5+$0x10]  }
0xa2: {  	s4 =	simm.s32 $0x76C0;
	v6 =	vld [tilespmem:s5+$0x20]  }
0xa3: {  	v7 =	vld [tilespmem:s4+$0x30]  }
0xa4: {  	v8 =	vld [tilespmem:s5+$0xFFFFFFC0]  }
0xa5: {  	v9 =	vld [tilespmem:s4+$0xFFFFFFC0]  }
0xa6: {  	v10 =	vld [tilespmem:s4+$0xFFFFFFD0]  }
0xa7: {  	v11 =	vld [tilespmem:s4+$0xFFFFFFE0]  }
0xa8: {  	v12 =	vld [tilespmem:s4+$0xFFFFFFF0]  }
0xa9: {  	v13 =	vld [tilespmem:s4+$0x0]  }
0xaa: {  	v0 =	vld.idx.msk [tilespmem:v0+s3+$0x0], $0xffff  }
0xab: {  	v14 =	vld [tilespmem:s4+$0x10]  }
0xac: {  	v1 =	vld.idx.msk [tilespmem:v1+s3+$0x0], $0xffff  }
0xad: {  	v2 =	vld.idx.msk [tilespmem:v2+s3+$0x0], $0xffff  }
0xae: {  	s5 =	simm.s32 $0x9E40;
	v8 =	vld.idx.msk [tilespmem:v8+s3+$0x0], $0xffff  }
0xaf: {  	v3 =	vld.idx.msk [tilespmem:v3+s3+$0x0], $0xffff;
	[tilespmem:s5+$0x30] =	vst v0  }
0xb0: {  	v0 =	vld.idx.msk [tilespmem:v7+s3+$0x0], $0xffff  }
0xb1: {  	v4 =	vld.idx.msk [tilespmem:v4+s3+$0x0], $0xffff  }
0xb2: {  	v5 =	vld.idx.msk [tilespmem:v5+s3+$0x0], $0xffff;
	[tilespmem:s5+$0xFFFFFFD0] =	vst v1  }
0xb3: {  	v6 =	vld.idx.msk [tilespmem:v6+s3+$0x0], $0xffff;
	[tilespmem:s5+$0xFFFFFFC0] =	vst v8  }
0xb4: {  	s6 =	simm.s32 $0xC5C0;
	[tilespmem:s5+$0xFFFFFFE0] =	vst v2;
	v2 =	vld.idx.msk [tilespmem:v9+s3+$0x0], $0xffff  }
0xb5: {  	[tilespmem:s6+$0x30] =	vst v0;
	v0 =	vld [tilespmem:s4+$0x20]  }
0xb6: {  	[tilespmem:s5+$0xFFFFFFF0] =	vst v3;
	v3 =	vld.idx.msk [tilespmem:v10+s3+$0x0], $0xffff  }
0xb7: {  	[tilespmem:s5+$0x0] =	vst v4;
	v4 =	vld.idx.msk [tilespmem:v11+s3+$0x0], $0xffff  }
0xb8: {  	[tilespmem:s5+$0x10] =	vst v5;
	v5 =	vld.idx.msk [tilespmem:v12+s3+$0x0], $0xffff  }
0xb9: {  	v1 =	vld.idx.msk [tilespmem:v7+s28+$0x0], $0xffff  }
0xba: {  	[tilespmem:s5+$0x20] =	vst v6;
	v6 =	vld.idx.msk [tilespmem:v13+s3+$0x0], $0xffff  }
0xbb: {  	[tilespmem:s6+$0xFFFFFFD0] =	vst v3;
	v7 =	vld.idx.msk [tilespmem:v14+s3+$0x0], $0xffff  }
0xbc: {  	[tilespmem:s6+$0xFFFFFFC0] =	vst v2;
	v2 =	vld.idx.msk [tilespmem:v10+s28+$0x0], $0xffff  }
0xbd: {  	s7 =	simm.s32 $0xED40;
	[tilespmem:s6+$0xFFFFFFE0] =	vst v4;
	v8 =	vld.idx.msk [tilespmem:v0+s3+$0x0], $0xffff  }
0xbe: {  	[tilespmem:s7+$0x30] =	vst v1;
	v1 =	vld.idx.msk [tilespmem:v9+s28+$0x0], $0xffff  }
0xbf: {  	[tilespmem:s6+$0xFFFFFFF0] =	vst v5;
	v3 =	vld.idx.msk [tilespmem:v11+s28+$0x0], $0xffff  }
0xc0: {  	v4 =	vld.idx.msk [tilespmem:v12+s28+$0x0], $0xffff;
	[tilespmem:s6+$0x0] =	vst v6  }
0xc1: {  	v5 =	vld.idx.msk [tilespmem:v13+s28+$0x0], $0xffff;
	[tilespmem:s6+$0x10] =	vst v7  }
0xc2: {  	s8 =	simm.s32 $0xED40;
	s9 =	simm.s32 $0x0;
	s10 =	simm.s32 $0x4FC0;
	v6 =	vld.idx.msk [tilespmem:v14+s28+$0x0], $0xffff;
	[tilespmem:s6+$0x20] =	vst v8  }
.LBB2_4:
0xc3: {  	v7 =	vld [tilespmem:s10+$0x30];
	s9 =	sadd.s32 $0x8, s9;
	[tilespmem:s7+$0xFFFFFFC0] =	vst v1  }
0xc4: {  	v1 =	vld [tilespmem:s10+$0xFFFFFFD0];
	p0 =	slt.u32 s9, $0x268;
	[tilespmem:s7+$0xFFFFFFD0] =	vst v2  }
0xc5: {  	v2 =	vld [tilespmem:s10+$0xFFFFFFE0];
	[tilespmem:s7+$0xFFFFFFE0] =	vst v3  }
0xc6: {  	v3 =	vld [tilespmem:s10+$0xFFFFFFF0];
	[tilespmem:s7+$0xFFFFFFF0] =	vst v4  }
0xc7: {  	v4 =	vld [tilespmem:s10+$0x0];
	[tilespmem:s7+$0x0] =	vst v5  }
0xc8: {  	v5 =	vld [tilespmem:s10+$0x10];
	[tilespmem:s7+$0x10] =	vst v6  }
0xc9: {  	s4 =	sadd.s32 $0x80, s4;
	v6 =	vld [tilespmem:s10+$0x20]  }
0xca: {  	v8 =	vld [tilespmem:s4+$0x30]  }
0xcb: {  	v7 =	vld.idx.msk [tilespmem:v7+s3+$0x0], $0xffff  }
0xcc: {  	v9 =	vld [tilespmem:s10+$0xFFFFFFC0]  }
0xcd: {  	v1 =	vld.idx.msk [tilespmem:v1+s3+$0x0], $0xffff  }
0xce: {  	v2 =	vld.idx.msk [tilespmem:v2+s3+$0x0], $0xffff  }
0xcf: {  	v3 =	vld.idx.msk [tilespmem:v3+s3+$0x0], $0xffff  }
0xd0: {  	s5 =	sadd.s32 $0x80, s5;
	v4 =	vld.idx.msk [tilespmem:v4+s3+$0x0], $0xffff  }
0xd1: {  	v5 =	vld.idx.msk [tilespmem:v5+s3+$0x0], $0xffff;
	[tilespmem:s5+$0x30] =	vst v7  }
0xd2: {  	v7 =	vld.idx.msk [tilespmem:v8+s3+$0x0], $0xffff  }
0xd3: {  	v6 =	vld.idx.msk [tilespmem:v6+s3+$0x0], $0xffff  }
0xd4: {  	v9 =	vld.idx.msk [tilespmem:v9+s3+$0x0], $0xffff  }
0xd5: {  	v10 =	vld [tilespmem:s4+$0xFFFFFFC0]  }
0xd6: {  	v11 =	vld [tilespmem:s4+$0xFFFFFFD0];
	[tilespmem:s5+$0xFFFFFFD0] =	vst v1  }
0xd7: {  	s6 =	sadd.s32 $0x80, s6;
	v12 =	vld [tilespmem:s4+$0xFFFFFFE0];
	[tilespmem:s5+$0xFFFFFFE0] =	vst v2  }
0xd8: {  	v13 =	vld [tilespmem:s4+$0xFFFFFFF0];
	[tilespmem:s6+$0x30] =	vst v7  }
0xd9: {  	[tilespmem:s5+$0xFFFFFFF0] =	vst v3;
	v1 =	vld.idx.msk [tilespmem:v8+s28+$0x0], $0xffff  }
0xda: {  	[tilespmem:s5+$0xFFFFFFC0] =	vst v9;
	v7 =	vld [tilespmem:s4+$0x0]  }
0xdb: {  	[tilespmem:s5+$0x0] =	vst v4;
	v8 =	vld [tilespmem:s4+$0x10]  }
0xdc: {  	[tilespmem:s5+$0x10] =	vst v5;
	v2 =	vld [tilespmem:s4+$0x20]  }
0xdd: {  	v3 =	vld.idx.msk [tilespmem:v10+s3+$0x0], $0xffff;
	[tilespmem:s5+$0x20] =	vst v6  }
0xde: {  	s7 =	sadd.s32 $0x80, s7;
	v4 =	vld.idx.msk [tilespmem:v11+s3+$0x0], $0xffff  }
0xdf: {  	v5 =	vld.idx.msk [tilespmem:v12+s3+$0x0], $0xffff;
	[tilespmem:s7+$0x30] =	vst v1  }
0xe0: {  	v6 =	vld.idx.msk [tilespmem:v13+s3+$0x0], $0xffff  }
0xe1: {  	v9 =	vld.idx.msk [tilespmem:v0+s28+$0x0], $0xffff;
	v0 =	vmov v2  }
0xe2: {  	v14 =	vld.idx.msk [tilespmem:v7+s3+$0x0], $0xffff  }
0xe3: {  	[tilespmem:s6+$0xFFFFFFC0] =	vst v3;
	v15 =	vld.idx.msk [tilespmem:v8+s3+$0x0], $0xffff  }
0xe4: {  	[tilespmem:s6+$0xFFFFFFD0] =	vst v4;
	v16 =	vld.idx.msk [tilespmem:v2+s3+$0x0], $0xffff  }
0xe5: {  	v1 =	vld.idx.msk [tilespmem:v10+s28+$0x0], $0xffff;
	[tilespmem:s6+$0xFFFFFFE0] =	vst v5  }
.Ltmp1:
0xe6: {  	v2 =	vld.idx.msk [tilespmem:v11+s28+$0x0], $0xffff;
	[tilespmem:s6+$0xFFFFFFF0] =	vst v6;
	(pc) =	sbr.rel @p0 .LBB2_4-.Ltmp1, $4  }
0xe7: {  	v3 =	vld.idx.msk [tilespmem:v12+s28+$0x0], $0xffff;
	[tilespmem:s8+$0x20] =	vst v9;
	s8 =	smov.u32 s7  }
0xe8: {  	v4 =	vld.idx.msk [tilespmem:v13+s28+$0x0], $0xffff;
	[tilespmem:s6+$0x0] =	vst v14  }
0xe9: {  	v5 =	vld.idx.msk [tilespmem:v7+s28+$0x0], $0xffff;
	[tilespmem:s6+$0x10] =	vst v15  }
0xea: {  	s10 =	sadd.s32 $0x80, s10;
	v6 =	vld.idx.msk [tilespmem:v8+s28+$0x0], $0xffff;
	[tilespmem:s6+$0x20] =	vst v16  }
0xeb: {  	_ =	sdelay $0x2  }
0xec: {  	[tilespmem:s7+$0xFFFFFFC0] =	vst v1  }
0xed: {  	[tilespmem:s7+$0xFFFFFFD0] =	vst v2;
	v0 =	vld.idx.msk [tilespmem:v0+s28+$0x0], $0xffff  }
0xee: {  	[tilespmem:s7+$0xFFFFFFE0] =	vst v3  }
0xef: {  	[tilespmem:s7+$0xFFFFFFF0] =	vst v4  }
0xf0: {  	[tilespmem:s7+$0x0] =	vst v5  }
0xf1: {  	[tilespmem:s7+$0x10] =	vst v6  }
0xf2: {  	[tilespmem:s8+$0x20] =	vst v0  }
0xf3: {  	v0 =	vld [tilespmem:$0x7600];
	_ =	sdelay $0x5  }
0xf4: {  	v1 =	vld [tilespmem:$0x9D80];
	_ =	sdelay $0x1  }
0xf5: {  	v0 =	vld.idx.msk [tilespmem:v0+s3+$0x0], $0xffff;
	_ =	sdelay $0x4  }
0xf6: {  	[tilespmem:$0xC500] =	vst v0  }
0xf7: {  	v0 =	vld.idx.msk [tilespmem:v1+s3+$0x0], $0xffff;
	_ =	sdelay $0x4  }
0xf8: {  	[tilespmem:$0xEC80] =	vst v0  }
0xf9: {  	v0 =	vld.idx.msk [tilespmem:v1+s28+$0x0], $0xffff;
	_ =	sdelay $0x4  }
0xfa: {  	[tilespmem:$0x11400] =	vst v0  }
0xfb: {  	[hbm4b:s12+s3] =	stream.linear.scatter [tilespmem:s31], [sflag:$0x1], $0x2710, $0x38;
	[tilespmem:$0x11480] =	vst v63  }
0xfc: {  	_ =	swait.ge [sflag:s26], $0x2710  }
0xfd: {  	[sflag:s26] =	ssyncset.done $0x0  }
0xfe: {  	[sflag:s26] =	ssyncadd.s32 $0xFFFFD8F0  }
0xff: {  	[hbm4b:s13+s3] =	stream.linear.scatter [tilespmem:s1], [sflag:$0x1], $0x2710, $0x38;
	[tilespmem:$0x11480] =	vst v63  }
0x100: {  	_ =	swait.ge [sflag:s26], $0x2710  }
0x101: {  	[sflag:s26] =	ssyncset.done $0x0  }
0x102: {  	[sflag:s26] =	ssyncadd.s32 $0xFFFFD8F0  }
0x103: {  	[hbm4b:s14+s3] =	stream.linear.scatter [tilespmem:s0], [sflag:$0x1], $0x2710, $0x38;
	[tilespmem:$0x11480] =	vst v63  }
0x104: {  	_ =	swait.ge [sflag:s26], $0x2710  }
0x105: {  	[sflag:s26] =	ssyncset.done $0x0  }
0x106: {  	[sflag:s26] =	ssyncadd.s32 $0xFFFFD8F0  }
0x107: {  	[tilespmem:s29], [sflag:$0x1] =	stream.linear.gather [hbm4b:s15+s3], $0x2710, $0x38;
	[tilespmem:$0x11480] =	vst v63  }
0x108: {  	_ =	swait.ge [sflag:s26], $0x2710  }
0x109: {  	[sflag:s26] =	ssyncset.done $0x0  }
0x10a: {  	[sflag:s26] =	ssyncadd.s32 $0xFFFFD8F0  }
0x10b: {  	[tilespmem:s30], [sflag:$0x1] =	stream.linear.gather [hbm4b:s16+s3], $0x2710, $0x38;
	[tilespmem:$0x11480] =	vst v63  }
0x10c: {  	_ =	swait.ge [sflag:s26], $0x2710  }
0x10d: {  	[sflag:s26] =	ssyncset.done $0x0  }
0x10e: {  	s5 =	simm.s32 $0x4F40;
	[sflag:s26] =	ssyncadd.s32 $0xFFFFD8F0  }
0x10f: {  	v0 =	vld [tilespmem:s5+$0x30]  }
0x110: {  	v1 =	vld [tilespmem:s5+$0xFFFFFFD0]  }
0x111: {  	v2 =	vld [tilespmem:s5+$0xFFFFFFE0]  }
0x112: {  	v3 =	vld [tilespmem:s5+$0xFFFFFFF0]  }
0x113: {  	v4 =	vld [tilespmem:s5+$0x0]  }
0x114: {  	v5 =	vld [tilespmem:s5+$0x10]  }
0x115: {  	s4 =	simm.s32 $0x76C0;
	v6 =	vld [tilespmem:s5+$0x20]  }
0x116: {  	v7 =	vld [tilespmem:s4+$0x30]  }
0x117: {  	v8 =	vld [tilespmem:s5+$0xFFFFFFC0]  }
0x118: {  	v9 =	vld [tilespmem:s4+$0xFFFFFFC0]  }
0x119: {  	v10 =	vld [tilespmem:s4+$0xFFFFFFD0]  }
0x11a: {  	v11 =	vld [tilespmem:s4+$0xFFFFFFE0]  }
0x11b: {  	v12 =	vld [tilespmem:s4+$0xFFFFFFF0]  }
0x11c: {  	v13 =	vld [tilespmem:s4+$0x0]  }
0x11d: {  	v0 =	vld.idx.msk [tilespmem:v0+s3+$0x0], $0xffff  }
0x11e: {  	v14 =	vld [tilespmem:s4+$0x10]  }
0x11f: {  	v1 =	vld.idx.msk [tilespmem:v1+s3+$0x0], $0xffff  }
0x120: {  	v2 =	vld.idx.msk [tilespmem:v2+s3+$0x0], $0xffff  }
0x121: {  	s5 =	simm.s32 $0x9E40;
	v8 =	vld.idx.msk [tilespmem:v8+s3+$0x0], $0xffff  }
0x122: {  	v3 =	vld.idx.msk [tilespmem:v3+s3+$0x0], $0xffff;
	[tilespmem:s5+$0x30] =	vst v0  }
0x123: {  	v0 =	vld.idx.msk [tilespmem:v7+s3+$0x0], $0xffff  }
0x124: {  	v4 =	vld.idx.msk [tilespmem:v4+s3+$0x0], $0xffff  }
0x125: {  	v5 =	vld.idx.msk [tilespmem:v5+s3+$0x0], $0xffff;
	[tilespmem:s5+$0xFFFFFFD0] =	vst v1  }
0x126: {  	v6 =	vld.idx.msk [tilespmem:v6+s3+$0x0], $0xffff;
	[tilespmem:s5+$0xFFFFFFC0] =	vst v8  }
0x127: {  	s6 =	simm.s32 $0xC5C0;
	[tilespmem:s5+$0xFFFFFFE0] =	vst v2;
	v2 =	vld.idx.msk [tilespmem:v9+s3+$0x0], $0xffff  }
0x128: {  	[tilespmem:s6+$0x30] =	vst v0;
	v0 =	vld [tilespmem:s4+$0x20]  }
0x129: {  	[tilespmem:s5+$0xFFFFFFF0] =	vst v3;
	v3 =	vld.idx.msk [tilespmem:v10+s3+$0x0], $0xffff  }
0x12a: {  	[tilespmem:s5+$0x0] =	vst v4;
	v4 =	vld.idx.msk [tilespmem:v11+s3+$0x0], $0xffff  }
0x12b: {  	[tilespmem:s5+$0x10] =	vst v5;
	v5 =	vld.idx.msk [tilespmem:v12+s3+$0x0], $0xffff  }
0x12c: {  	v1 =	vld.idx.msk [tilespmem:v7+s28+$0x0], $0xffff  }
0x12d: {  	[tilespmem:s5+$0x20] =	vst v6;
	v6 =	vld.idx.msk [tilespmem:v13+s3+$0x0], $0xffff  }
0x12e: {  	[tilespmem:s6+$0xFFFFFFD0] =	vst v3;
	v7 =	vld.idx.msk [tilespmem:v14+s3+$0x0], $0xffff  }
0x12f: {  	[tilespmem:s6+$0xFFFFFFC0] =	vst v2;
	v2 =	vld.idx.msk [tilespmem:v10+s28+$0x0], $0xffff  }
0x130: {  	s7 =	simm.s32 $0xED40;
	[tilespmem:s6+$0xFFFFFFE0] =	vst v4;
	v8 =	vld.idx.msk [tilespmem:v0+s3+$0x0], $0xffff  }
0x131: {  	[tilespmem:s7+$0x30] =	vst v1;
	v1 =	vld.idx.msk [tilespmem:v9+s28+$0x0], $0xffff  }
0x132: {  	[tilespmem:s6+$0xFFFFFFF0] =	vst v5;
	v3 =	vld.idx.msk [tilespmem:v11+s28+$0x0], $0xffff  }
0x133: {  	v4 =	vld.idx.msk [tilespmem:v12+s28+$0x0], $0xffff;
	[tilespmem:s6+$0x0] =	vst v6  }
0x134: {  	v5 =	vld.idx.msk [tilespmem:v13+s28+$0x0], $0xffff;
	[tilespmem:s6+$0x10] =	vst v7  }
0x135: {  	s9 =	simm.s32 $0x0;
	s10 =	simm.s32 $0x4FC0;
	s8 =	simm.s32 $0xED40;
	v6 =	vld.idx.msk [tilespmem:v14+s28+$0x0], $0xffff;
	[tilespmem:s6+$0x20] =	vst v8  }
.LBB2_6:
0x136: {  	v7 =	vld [tilespmem:s10+$0x30];
	s9 =	sadd.s32 $0x8, s9;
	[tilespmem:s7+$0xFFFFFFC0] =	vst v1  }
0x137: {  	v1 =	vld [tilespmem:s10+$0xFFFFFFD0];
	p0 =	slt.u32 s9, $0x268;
	[tilespmem:s7+$0xFFFFFFD0] =	vst v2  }
0x138: {  	v2 =	vld [tilespmem:s10+$0xFFFFFFE0];
	[tilespmem:s7+$0xFFFFFFE0] =	vst v3  }
0x139: {  	v3 =	vld [tilespmem:s10+$0xFFFFFFF0];
	[tilespmem:s7+$0xFFFFFFF0] =	vst v4  }
0x13a: {  	v4 =	vld [tilespmem:s10+$0x0];
	[tilespmem:s7+$0x0] =	vst v5  }
0x13b: {  	v5 =	vld [tilespmem:s10+$0x10];
	[tilespmem:s7+$0x10] =	vst v6  }
0x13c: {  	s4 =	sadd.s32 $0x80, s4;
	v6 =	vld [tilespmem:s10+$0x20]  }
0x13d: {  	v8 =	vld [tilespmem:s4+$0x30]  }
0x13e: {  	v7 =	vld.idx.msk [tilespmem:v7+s3+$0x0], $0xffff  }
0x13f: {  	v9 =	vld [tilespmem:s10+$0xFFFFFFC0]  }
0x140: {  	v1 =	vld.idx.msk [tilespmem:v1+s3+$0x0], $0xffff  }
0x141: {  	v2 =	vld.idx.msk [tilespmem:v2+s3+$0x0], $0xffff  }
0x142: {  	v3 =	vld.idx.msk [tilespmem:v3+s3+$0x0], $0xffff  }
0x143: {  	s5 =	sadd.s32 $0x80, s5;
	v4 =	vld.idx.msk [tilespmem:v4+s3+$0x0], $0xffff  }
0x144: {  	v5 =	vld.idx.msk [tilespmem:v5+s3+$0x0], $0xffff;
	[tilespmem:s5+$0x30] =	vst v7  }
0x145: {  	v7 =	vld.idx.msk [tilespmem:v8+s3+$0x0], $0xffff  }
0x146: {  	v6 =	vld.idx.msk [tilespmem:v6+s3+$0x0], $0xffff  }
0x147: {  	v9 =	vld.idx.msk [tilespmem:v9+s3+$0x0], $0xffff  }
0x148: {  	v10 =	vld [tilespmem:s4+$0xFFFFFFC0]  }
0x149: {  	v11 =	vld [tilespmem:s4+$0xFFFFFFD0];
	[tilespmem:s5+$0xFFFFFFD0] =	vst v1  }
0x14a: {  	s6 =	sadd.s32 $0x80, s6;
	v12 =	vld [tilespmem:s4+$0xFFFFFFE0];
	[tilespmem:s5+$0xFFFFFFE0] =	vst v2  }
0x14b: {  	v13 =	vld [tilespmem:s4+$0xFFFFFFF0];
	[tilespmem:s6+$0x30] =	vst v7  }
0x14c: {  	[tilespmem:s5+$0xFFFFFFF0] =	vst v3;
	v1 =	vld.idx.msk [tilespmem:v8+s28+$0x0], $0xffff  }
0x14d: {  	[tilespmem:s5+$0xFFFFFFC0] =	vst v9;
	v7 =	vld [tilespmem:s4+$0x0]  }
0x14e: {  	[tilespmem:s5+$0x0] =	vst v4;
	v8 =	vld [tilespmem:s4+$0x10]  }
0x14f: {  	[tilespmem:s5+$0x10] =	vst v5;
	v2 =	vld [tilespmem:s4+$0x20]  }
0x150: {  	v3 =	vld.idx.msk [tilespmem:v10+s3+$0x0], $0xffff;
	[tilespmem:s5+$0x20] =	vst v6  }
0x151: {  	s7 =	sadd.s32 $0x80, s7;
	v4 =	vld.idx.msk [tilespmem:v11+s3+$0x0], $0xffff  }
0x152: {  	v5 =	vld.idx.msk [tilespmem:v12+s3+$0x0], $0xffff;
	[tilespmem:s7+$0x30] =	vst v1  }
0x153: {  	v6 =	vld.idx.msk [tilespmem:v13+s3+$0x0], $0xffff  }
0x154: {  	v9 =	vld.idx.msk [tilespmem:v0+s28+$0x0], $0xffff;
	v0 =	vmov v2  }
0x155: {  	v14 =	vld.idx.msk [tilespmem:v7+s3+$0x0], $0xffff  }
0x156: {  	[tilespmem:s6+$0xFFFFFFC0] =	vst v3;
	v15 =	vld.idx.msk [tilespmem:v8+s3+$0x0], $0xffff  }
0x157: {  	[tilespmem:s6+$0xFFFFFFD0] =	vst v4;
	v16 =	vld.idx.msk [tilespmem:v2+s3+$0x0], $0xffff  }
0x158: {  	v1 =	vld.idx.msk [tilespmem:v10+s28+$0x0], $0xffff;
	[tilespmem:s6+$0xFFFFFFE0] =	vst v5  }
.Ltmp2:
0x159: {  	v2 =	vld.idx.msk [tilespmem:v11+s28+$0x0], $0xffff;
	[tilespmem:s6+$0xFFFFFFF0] =	vst v6;
	(pc) =	sbr.rel @p0 .LBB2_6-.Ltmp2, $4  }
0x15a: {  	v3 =	vld.idx.msk [tilespmem:v12+s28+$0x0], $0xffff;
	[tilespmem:s8+$0x20] =	vst v9;
	s8 =	smov.u32 s7  }
0x15b: {  	v4 =	vld.idx.msk [tilespmem:v13+s28+$0x0], $0xffff;
	[tilespmem:s6+$0x0] =	vst v14  }
0x15c: {  	v5 =	vld.idx.msk [tilespmem:v7+s28+$0x0], $0xffff;
	[tilespmem:s6+$0x10] =	vst v15  }
0x15d: {  	s10 =	sadd.s32 $0x80, s10;
	v6 =	vld.idx.msk [tilespmem:v8+s28+$0x0], $0xffff;
	[tilespmem:s6+$0x20] =	vst v16  }
0x15e: {  	_ =	sdelay $0x2  }
0x15f: {  	[tilespmem:s7+$0xFFFFFFC0] =	vst v1  }
0x160: {  	[tilespmem:s7+$0xFFFFFFD0] =	vst v2;
	v0 =	vld.idx.msk [tilespmem:v0+s28+$0x0], $0xffff  }
0x161: {  	[tilespmem:s7+$0xFFFFFFE0] =	vst v3  }
0x162: {  	[tilespmem:s7+$0xFFFFFFF0] =	vst v4  }
0x163: {  	[tilespmem:s7+$0x0] =	vst v5  }
0x164: {  	[tilespmem:s7+$0x10] =	vst v6  }
0x165: {  	[tilespmem:s8+$0x20] =	vst v0  }
0x166: {  	v0 =	vld [tilespmem:$0x7600];
	_ =	sdelay $0x5  }
0x167: {  	v1 =	vld [tilespmem:$0x9D80];
	_ =	sdelay $0x1  }
0x168: {  	v0 =	vld.idx.msk [tilespmem:v0+s3+$0x0], $0xffff;
	_ =	sdelay $0x4  }
0x169: {  	[tilespmem:$0xC500] =	vst v0  }
0x16a: {  	v0 =	vld.idx.msk [tilespmem:v1+s3+$0x0], $0xffff;
	_ =	sdelay $0x4  }
0x16b: {  	[tilespmem:$0xEC80] =	vst v0  }
0x16c: {  	v0 =	vld.idx.msk [tilespmem:v1+s28+$0x0], $0xffff;
	_ =	sdelay $0x4  }
0x16d: {  	[tilespmem:$0x11400] =	vst v0  }
0x16e: {  	[hbm4b:s17+s3] =	stream.linear.scatter [tilespmem:s31], [sflag:$0x1], $0x2710, $0x38;
	[tilespmem:$0x11480] =	vst v63  }
0x16f: {  	_ =	swait.ge [sflag:s26], $0x2710  }
0x170: {  	[sflag:s26] =	ssyncset.done $0x0  }
0x171: {  	[sflag:s26] =	ssyncadd.s32 $0xFFFFD8F0  }
0x172: {  	[hbm4b:s18+s3] =	stream.linear.scatter [tilespmem:s1], [sflag:$0x1], $0x2710, $0x38;
	[tilespmem:$0x11480] =	vst v63  }
0x173: {  	_ =	swait.ge [sflag:s26], $0x2710  }
0x174: {  	[sflag:s26] =	ssyncset.done $0x0  }
0x175: {  	[sflag:s26] =	ssyncadd.s32 $0xFFFFD8F0  }
0x176: {  	[hbm4b:s19+s3] =	stream.linear.scatter [tilespmem:s0], [sflag:$0x1], $0x2710, $0x38;
	[tilespmem:$0x11480] =	vst v63  }
0x177: {  	_ =	swait.ge [sflag:s26], $0x2710  }
0x178: {  	[sflag:s26] =	ssyncset.done $0x0  }
0x179: {  	[sflag:s26] =	ssyncadd.s32 $0xFFFFD8F0  }
0x17a: {  	[tilespmem:s29], [sflag:$0x1] =	stream.linear.gather [hbm4b:s23+s3], $0xCD0, $0x38;
	[tilespmem:$0x11480] =	vst v63  }
0x17b: {  	_ =	swait.ge [sflag:s26], $0xCD0  }
0x17c: {  	[sflag:s26] =	ssyncset.done $0x0  }
0x17d: {  	[sflag:s26] =	ssyncadd.s32 $0xFFFFF330  }
0x17e: {  	[tilespmem:s30], [sflag:$0x1] =	stream.linear.gather [hbm4b:s24+s3], $0xCD0, $0x38;
	[tilespmem:$0x11480] =	vst v63  }
0x17f: {  	_ =	swait.ge [sflag:s26], $0xCD0  }
0x180: {  	[sflag:s26] =	ssyncset.done $0x0  }
0x181: {  	s6 =	simm.s32 $0x4F40;
	[sflag:s26] =	ssyncadd.s32 $0xFFFFF330  }
0x182: {  	v0 =	vld [tilespmem:s6+$0x30]  }
0x183: {  	v1 =	vld [tilespmem:s6+$0xFFFFFFD0]  }
0x184: {  	v2 =	vld [tilespmem:s6+$0xFFFFFFE0]  }
0x185: {  	v3 =	vld [tilespmem:s6+$0xFFFFFFF0]  }
0x186: {  	v4 =	vld [tilespmem:s6+$0x0]  }
0x187: {  	v5 =	vld [tilespmem:s6+$0x10]  }
0x188: {  	s5 =	simm.s32 $0x76C0;
	v6 =	vld [tilespmem:s6+$0x20]  }
0x189: {  	v7 =	vld [tilespmem:s5+$0x30]  }
0x18a: {  	v8 =	vld [tilespmem:s6+$0xFFFFFFC0]  }
0x18b: {  	v9 =	vld [tilespmem:s5+$0xFFFFFFC0]  }
0x18c: {  	v10 =	vld [tilespmem:s5+$0xFFFFFFD0]  }
0x18d: {  	v11 =	vld [tilespmem:s5+$0xFFFFFFE0]  }
0x18e: {  	v12 =	vld [tilespmem:s5+$0xFFFFFFF0]  }
0x18f: {  	s4 =	simm.s32 $0x0;
	v13 =	vld [tilespmem:s5+$0x0]  }
0x190: {  	v0 =	vld.idx.msk [tilespmem:v0+s4+$0x0], $0xffff  }
0x191: {  	v14 =	vld [tilespmem:s5+$0x10]  }
0x192: {  	v1 =	vld.idx.msk [tilespmem:v1+s4+$0x0], $0xffff  }
0x193: {  	v2 =	vld.idx.msk [tilespmem:v2+s4+$0x0], $0xffff  }
0x194: {  	s6 =	simm.s32 $0x9E40;
	v8 =	vld.idx.msk [tilespmem:v8+s4+$0x0], $0xffff  }
0x195: {  	v3 =	vld.idx.msk [tilespmem:v3+s4+$0x0], $0xffff;
	[tilespmem:s6+$0x30] =	vst v0  }
0x196: {  	v0 =	vld.idx.msk [tilespmem:v7+s4+$0x0], $0xffff  }
0x197: {  	v4 =	vld.idx.msk [tilespmem:v4+s4+$0x0], $0xffff  }
0x198: {  	v5 =	vld.idx.msk [tilespmem:v5+s4+$0x0], $0xffff;
	[tilespmem:s6+$0xFFFFFFD0] =	vst v1  }
0x199: {  	v6 =	vld.idx.msk [tilespmem:v6+s4+$0x0], $0xffff;
	[tilespmem:s6+$0xFFFFFFC0] =	vst v8  }
0x19a: {  	s7 =	simm.s32 $0xC5C0;
	[tilespmem:s6+$0xFFFFFFE0] =	vst v2;
	v2 =	vld.idx.msk [tilespmem:v9+s4+$0x0], $0xffff  }
0x19b: {  	[tilespmem:s7+$0x30] =	vst v0;
	v0 =	vld [tilespmem:s5+$0x20]  }
0x19c: {  	[tilespmem:s6+$0xFFFFFFF0] =	vst v3;
	v3 =	vld.idx.msk [tilespmem:v10+s4+$0x0], $0xffff  }
0x19d: {  	[tilespmem:s6+$0x0] =	vst v4;
	v4 =	vld.idx.msk [tilespmem:v11+s4+$0x0], $0xffff  }
0x19e: {  	[tilespmem:s6+$0x10] =	vst v5;
	v5 =	vld.idx.msk [tilespmem:v12+s4+$0x0], $0xffff  }
0x19f: {  	v1 =	vld.idx.msk [tilespmem:v7+s28+$0x0], $0xffff  }
0x1a0: {  	[tilespmem:s6+$0x20] =	vst v6;
	v6 =	vld.idx.msk [tilespmem:v13+s4+$0x0], $0xffff  }
0x1a1: {  	[tilespmem:s7+$0xFFFFFFD0] =	vst v3;
	v7 =	vld.idx.msk [tilespmem:v14+s4+$0x0], $0xffff  }
0x1a2: {  	[tilespmem:s7+$0xFFFFFFC0] =	vst v2;
	v2 =	vld.idx.msk [tilespmem:v10+s28+$0x0], $0xffff  }
0x1a3: {  	s8 =	simm.s32 $0xED40;
	[tilespmem:s7+$0xFFFFFFE0] =	vst v4;
	v8 =	vld.idx.msk [tilespmem:v0+s4+$0x0], $0xffff  }
0x1a4: {  	[tilespmem:s8+$0x30] =	vst v1;
	v1 =	vld.idx.msk [tilespmem:v9+s28+$0x0], $0xffff  }
0x1a5: {  	[tilespmem:s7+$0xFFFFFFF0] =	vst v5;
	v3 =	vld.idx.msk [tilespmem:v11+s28+$0x0], $0xffff  }
0x1a6: {  	v4 =	vld.idx.msk [tilespmem:v12+s28+$0x0], $0xffff;
	[tilespmem:s7+$0x0] =	vst v6  }
0x1a7: {  	v5 =	vld.idx.msk [tilespmem:v13+s28+$0x0], $0xffff;
	[tilespmem:s7+$0x10] =	vst v7  }
0x1a8: {  	s10 =	simm.s32 $0x0;
	s11 =	simm.s32 $0x4FC0;
	s9 =	simm.s32 $0xED40;
	v6 =	vld.idx.msk [tilespmem:v14+s28+$0x0], $0xffff;
	[tilespmem:s7+$0x20] =	vst v8  }
.LBB2_8:
0x1a9: {  	v7 =	vld [tilespmem:s11+$0x30];
	s10 =	sadd.s32 $0x8, s10;
	[tilespmem:s8+$0xFFFFFFC0] =	vst v1  }
0x1aa: {  	v1 =	vld [tilespmem:s11+$0xFFFFFFD0];
	p0 =	slt.u32 s10, $0xC0;
	[tilespmem:s8+$0xFFFFFFD0] =	vst v2  }
0x1ab: {  	v2 =	vld [tilespmem:s11+$0xFFFFFFE0];
	[tilespmem:s8+$0xFFFFFFE0] =	vst v3  }
0x1ac: {  	v3 =	vld [tilespmem:s11+$0xFFFFFFF0];
	[tilespmem:s8+$0xFFFFFFF0] =	vst v4  }
0x1ad: {  	v4 =	vld [tilespmem:s11+$0x0];
	[tilespmem:s8+$0x0] =	vst v5  }
0x1ae: {  	v5 =	vld [tilespmem:s11+$0x10];
	[tilespmem:s8+$0x10] =	vst v6  }
0x1af: {  	s5 =	sadd.s32 $0x80, s5;
	v6 =	vld [tilespmem:s11+$0x20]  }
0x1b0: {  	v8 =	vld [tilespmem:s5+$0x30]  }
0x1b1: {  	v7 =	vld.idx.msk [tilespmem:v7+s4+$0x0], $0xffff  }
0x1b2: {  	v9 =	vld [tilespmem:s11+$0xFFFFFFC0]  }
0x1b3: {  	v1 =	vld.idx.msk [tilespmem:v1+s4+$0x0], $0xffff  }
0x1b4: {  	v2 =	vld.idx.msk [tilespmem:v2+s4+$0x0], $0xffff  }
0x1b5: {  	v3 =	vld.idx.msk [tilespmem:v3+s4+$0x0], $0xffff  }
0x1b6: {  	s6 =	sadd.s32 $0x80, s6;
	v4 =	vld.idx.msk [tilespmem:v4+s4+$0x0], $0xffff  }
0x1b7: {  	v5 =	vld.idx.msk [tilespmem:v5+s4+$0x0], $0xffff;
	[tilespmem:s6+$0x30] =	vst v7  }
0x1b8: {  	v7 =	vld.idx.msk [tilespmem:v8+s4+$0x0], $0xffff  }
0x1b9: {  	v6 =	vld.idx.msk [tilespmem:v6+s4+$0x0], $0xffff  }
0x1ba: {  	v9 =	vld.idx.msk [tilespmem:v9+s4+$0x0], $0xffff  }
0x1bb: {  	v10 =	vld [tilespmem:s5+$0xFFFFFFC0]  }
0x1bc: {  	v11 =	vld [tilespmem:s5+$0xFFFFFFD0];
	[tilespmem:s6+$0xFFFFFFD0] =	vst v1  }
0x1bd: {  	s7 =	sadd.s32 $0x80, s7;
	v12 =	vld [tilespmem:s5+$0xFFFFFFE0];
	[tilespmem:s6+$0xFFFFFFE0] =	vst v2  }
0x1be: {  	v13 =	vld [tilespmem:s5+$0xFFFFFFF0];
	[tilespmem:s7+$0x30] =	vst v7  }
0x1bf: {  	[tilespmem:s6+$0xFFFFFFF0] =	vst v3;
	v1 =	vld.idx.msk [tilespmem:v8+s28+$0x0], $0xffff  }
0x1c0: {  	[tilespmem:s6+$0xFFFFFFC0] =	vst v9;
	v7 =	vld [tilespmem:s5+$0x0]  }
0x1c1: {  	[tilespmem:s6+$0x0] =	vst v4;
	v8 =	vld [tilespmem:s5+$0x10]  }
0x1c2: {  	[tilespmem:s6+$0x10] =	vst v5;
	v2 =	vld [tilespmem:s5+$0x20]  }
0x1c3: {  	v3 =	vld.idx.msk [tilespmem:v10+s4+$0x0], $0xffff;
	[tilespmem:s6+$0x20] =	vst v6  }
0x1c4: {  	s8 =	sadd.s32 $0x80, s8;
	v4 =	vld.idx.msk [tilespmem:v11+s4+$0x0], $0xffff  }
0x1c5: {  	v5 =	vld.idx.msk [tilespmem:v12+s4+$0x0], $0xffff;
	[tilespmem:s8+$0x30] =	vst v1  }
0x1c6: {  	v6 =	vld.idx.msk [tilespmem:v13+s4+$0x0], $0xffff  }
0x1c7: {  	v9 =	vld.idx.msk [tilespmem:v0+s28+$0x0], $0xffff;
	v0 =	vmov v2  }
0x1c8: {  	v14 =	vld.idx.msk [tilespmem:v7+s4+$0x0], $0xffff  }
0x1c9: {  	[tilespmem:s7+$0xFFFFFFC0] =	vst v3;
	v15 =	vld.idx.msk [tilespmem:v8+s4+$0x0], $0xffff  }
0x1ca: {  	[tilespmem:s7+$0xFFFFFFD0] =	vst v4;
	v16 =	vld.idx.msk [tilespmem:v2+s4+$0x0], $0xffff  }
0x1cb: {  	v1 =	vld.idx.msk [tilespmem:v10+s28+$0x0], $0xffff;
	[tilespmem:s7+$0xFFFFFFE0] =	vst v5  }
.Ltmp3:
0x1cc: {  	v2 =	vld.idx.msk [tilespmem:v11+s28+$0x0], $0xffff;
	[tilespmem:s7+$0xFFFFFFF0] =	vst v6;
	(pc) =	sbr.rel @p0 .LBB2_8-.Ltmp3, $4  }
0x1cd: {  	v3 =	vld.idx.msk [tilespmem:v12+s28+$0x0], $0xffff;
	[tilespmem:s9+$0x20] =	vst v9;
	s9 =	smov.u32 s8  }
0x1ce: {  	v4 =	vld.idx.msk [tilespmem:v13+s28+$0x0], $0xffff;
	[tilespmem:s7+$0x0] =	vst v14  }
0x1cf: {  	v5 =	vld.idx.msk [tilespmem:v7+s28+$0x0], $0xffff;
	[tilespmem:s7+$0x10] =	vst v15  }
0x1d0: {  	s11 =	sadd.s32 $0x80, s11;
	v6 =	vld.idx.msk [tilespmem:v8+s28+$0x0], $0xffff;
	[tilespmem:s7+$0x20] =	vst v16  }
0x1d1: {  	_ =	sdelay $0x2  }
0x1d2: {  	[tilespmem:s8+$0xFFFFFFC0] =	vst v1  }
0x1d3: {  	[tilespmem:s8+$0xFFFFFFD0] =	vst v2;
	v0 =	vld.idx.msk [tilespmem:v0+s28+$0x0], $0xffff  }
0x1d4: {  	[tilespmem:s8+$0xFFFFFFE0] =	vst v3  }
0x1d5: {  	[tilespmem:s8+$0xFFFFFFF0] =	vst v4  }
0x1d6: {  	[tilespmem:s8+$0x0] =	vst v5  }
0x1d7: {  	[tilespmem:s8+$0x10] =	vst v6  }
0x1d8: {  	[tilespmem:s9+$0x20] =	vst v0  }
.LBB2_10:
0x1d9: {  	s5 =	sshra.s32 s4, $0x2  }
0x1da: {  	v0 =	vld [tilespmem:s5+$0x5B80];
	_ =	sdelay $0x5  }
0x1db: {  	v1 =	vld [tilespmem:s5+$0x8300];
	_ =	sdelay $0x1  }
0x1dc: {  	v0 =	vld.idx.msk [tilespmem:v0+s3+$0x0], $0xffff;
	_ =	sdelay $0x4  }
0x1dd: {  	[tilespmem:s5+$0xAA80] =	vst v0  }
0x1de: {  	v0 =	vld.idx.msk [tilespmem:v1+s3+$0x0], $0xffff;
	_ =	sdelay $0x4  }
0x1df: {  	[tilespmem:s5+$0xD200] =	vst v0  }
0x1e0: {  	p0 =	sne.s32 s4, $0x100;
	v0 =	vld.idx.msk [tilespmem:v1+s28+$0x0], $0xffff  }
.Ltmp4:
0x1e1: {  	_ = 	snop;
	(pc) =	sbr.rel @p0 .LBB2_10-.Ltmp4, $2  }
0x1e2: {  	_ =	sdelay $0x2  }
0x1e3: {  	s4 =	sadd.s32 $0x40, s4;
	[tilespmem:s5+$0xF980] =	vst v0  }
0x1e4: {  	[hbm4b:s20+s3] =	stream.linear.scatter [tilespmem:s31], [sflag:$0x1], $0xCD0, $0x38;
	[tilespmem:$0x11480] =	vst v63  }
0x1e5: {  	_ =	swait.ge [sflag:s26], $0xCD0  }
0x1e6: {  	[sflag:s26] =	ssyncset.done $0x0  }
0x1e7: {  	[sflag:s26] =	ssyncadd.s32 $0xFFFFF330  }
0x1e8: {  	[hbm4b:s21+s3] =	stream.linear.scatter [tilespmem:s1], [sflag:$0x1], $0xCD0, $0x38;
	[tilespmem:$0x11480] =	vst v63  }
0x1e9: {  	s2 =	sadd.s32 $0x1, s2;
	_ =	swait.ge [sflag:s26], $0xCD0  }
0x1ea: {  	p0 =	sne.s32 s2, s25;
	[sflag:s26] =	ssyncset.done $0x0  }
.Ltmp5:
0x1eb: {  	[sflag:s26] =	ssyncadd.s32 $0xFFFFF330;
	(pc) =	sbr.rel @p0 .LBB2_1-.Ltmp5, $4  }
0x1ec: {  	[hbm4b:s22+s3] =	stream.linear.scatter [tilespmem:s0], [sflag:$0x1], $0xCD0, $0x38;
	[tilespmem:$0x11480] =	vst v63  }
0x1ed: {  	_ =	swait.ge [sflag:s26], $0xCD0  }
0x1ee: {  	[sflag:s26] =	ssyncset.done $0x0  }
0x1ef: {  	[sflag:s26] =	ssyncadd.s32 $0xFFFFF330  }
0x1f0: {  	_ =	sfence.sel $0x180000  }
0x1f1: {  	[bflag:$0x0] =	sbarrier.arrive $0xFFFF  }
0x1f2: {  	_ =	strace $0x90000047  }
0x1f3: {  	s0 =	stileid.u32;
	[bflag:$0x2] =	sbarrier.arrive $0xFFFF  }
0x1f4: {  	p0 =	sne.s32 s0, $0x0;
	s0 =	rddreg [dreg:$0x3]  }
0x1f5: {  	s0 =	sadd.s32 @!p0 $0x100000, s0  }
0x1f6: {  	[sflag:s0] =	ssyncadd.tile.s32 @!p0 $0x1;
	_ =	shalt  }
.Lfunc_end2:
_tile_overlayer_lowered:
.L_overlay_start_2:
0x1f7: {  	(tag) =	ssettag $0x2  }
0x1f8: {  	s0 =	rddreg [dreg:$0x0];
	s2 =	stileid.u32  }
0x1f9: {  	s1 =	rddreg [dreg:$0x1];
	p0 =	sne.s32 s2, $0x0  }
0x1fa: {  	s3 =	rddreg [dreg:$0x2];
	[bflag:$0x3] =	sbarrier.arrive $0xFFFF;
	s2 =	simm.s32 @!p0 $0x1C01  }
0x1fb: {  	[timem:s3], [sflag:s2] =	dma.local @!p0 [hbm:s0], s1  }
0x1fc: {  	s0 =	simm.s32 @!p0 $0x1  }
0x1fd: {  	_ =	swait.ge @!p0 [sflag:s0], s1  }
0x1fe: {  	s1 =	ssub.s32 @!p0 $0x0, s1;
	[sflag:s0] =	ssyncset.done @!p0 $0x0  }
0x1ff: {  	[sflag:s0] =	ssyncadd.s32 @!p0 s1  }
0x200: {  	[bflag:$0x3] =	sbarrier.arrive $0xFFFF  }
0x201: {  	_ =	shalt  }

// kernel: kernel.13.cloned.1.call-start
scs
__scs_entry_jumppad:
0x0: {  	(pc) =	sbr.rel $0x88, $3  }
0x1: {  	(tag) =	ssettag $0x0;
	lr =	simm.s32 $0x1  }
0x2: {  	[smem:$0x3F92] =	sst lr;
	_ =	strace $0xD0000000  }
0x3: {  	_ = 	snop  }
0x4: {  	_ = 	snop  }
0x5: {  	_ = 	snop  }
0x6: {  	_ = 	snop  }
0x7: {  	_ = 	snop  }
__scs_overlays_trampoline_lowered:
0x8: {  	[smem:$0x3FA1] =	sst s0  }
0x9: {  	[smem:$0x3FA2] =	sst s1  }
0xa: {  	[smem:$0x3FA3] =	sst s2  }
0xb: {  	[smem:$0x3FA4] =	sst s3  }
0xc: {  	[smem:$0x3FA5] =	sst s4  }
0xd: {  	[smem:$0x3FA6] =	sst s5  }
0xe: {  	[smem:$0x3FA7] =	sst s6  }
0xf: {  	[smem:$0x3FA8] =	sst s7  }
0x10: {  	[smem:$0x3FA9] =	sst s8  }
0x11: {  	[smem:$0x3FAA] =	sst s9;
	s0 =	simm.s32 @!p0 $0x0  }
0x12: {  	s1 =	sld [smem:$0x3F90];
	s0 =	simm.s32 @p0 $0x1  }
0x13: {  	[smem:$0x3FAB] =	sst s0;
	s0 =	simm.s32 @!p1 $0x0  }
0x14: {  	s2 =	sld [smem:$0x3F8F];
	s0 =	simm.s32 @p1 $0x1  }
0x15: {  	[smem:$0x3FAC] =	sst s0;
	s0 =	simm.s32 @!p2 $0x0  }
0x16: {  	s3 =	sld [smem:$0x3FDB];
	s0 =	simm.s32 @p2 $0x1  }
0x17: {  	s4 =	simm.s32 $0x1BF5;
	[smem:$0x3FAE] =	sst s0  }
0x18: {  	s0 =	sld [smem:$0x3F91];
	_ =	swait.ge [sflag:s4], $0x0  }
0x19: {  	s7 =	sld [smem:$0x3F92]  }
0x1a: {  	s8 =	sadd.s32 $0xFFFFE003, lr  }
0x1b: {  	s9 =	sadd.s32 $0xFFFFFEF7, lr;
	s5 =	simm.s32 $0xFFFFFFFF;
	p2 =	slt.u32 s8, $0xFFFFF086  }
0x1c: {  	p1 =	slt.u32 s9, $0xF7A;
	s5 =	simm.s32 @!p2 $0x0  }
0x1d: {  	s5 =	simm.s32 @p1 $0x1;
	p0 =	seq.s32 s7, s2  }
0x1e: {  	s7 =	smul.u32 @!p0 $0xF7A, s2;
	p2 =	seq.s32 @!p0 s5, $0x0  }
0x1f: {  	s9 =	smul.u32 $0xF7A, s1;
	s8 =	simm.s32 @!p0 $0x1BF5;
	p2 =	por !p2, p0  }
0x20: {  	[sflag:s8] =	ssyncset.s32 @!p0 $0xFFFFF086;
	s6 =	sadd.s32 @!p0 s3, s7;
	s7 =	simm.s32 @!p0 $0x108  }
0x21: {  	s3 =	sadd.s32 s3, s9;
	s6 =	sadd.s32 @!p0 $0x88, s6;
	s7 =	simm.s32 @p2 $0x1082  }
0x22: {  	[simem:s7], [sflag:s8] =	dma.local @!p0 [hbm:s6], $0xF7A  }
0x23: {  	s9 =	sor.u32 $0xD0000000, s2;
	s6 =	simm.s32 $0x108;
	_ =	swait.ge @!p0 [sflag:s8], $0x0  }
0x24: {  	s3 =	sadd.s32 $0x88, s3;
	s6 =	simm.s32 @!p1 $0x1082;
	[sflag:s4] =	ssyncset.s32 $0xFFFFF086  }
0x25: {  	[simem:s6], [sflag:s4] =	dma.local [hbm:s3], $0xF7A  }
0x26: {  	[smem:$0x3F92] =	sst s1;
	(tag) =	ssettag s2;
	_ =	strace s9  }
0x27: {  	s1 =	sld [smem:$0x3FA2]  }
0x28: {  	s2 =	sld [smem:$0x3FA3]  }
0x29: {  	s4 =	sld [smem:$0x3FA5]  }
0x2a: {  	p0 =	seq.s32 s5, $0x0;
	s5 =	sld [smem:$0x3FA6]  }
0x2b: {  	s6 =	sld [smem:$0x3FA7]  }
0x2c: {  	s7 =	sld [smem:$0x3FA8]  }
0x2d: {  	s3 =	simm.s32 $0x108;
	s8 =	sld [smem:$0x3FA9]  }
0x2e: {  	s3 =	simm.s32 @!p0 $0x1082;
	s9 =	sld [smem:$0x3FAA]  }
0x2f: {  	lr =	sadd.s32 s0, s3;
	s0 =	sld [smem:$0x3FA1]  }
0x30: {  	s3 =	sld [smem:$0x3FA4]  }
0x31: {  	[smem:$0x3FAD] =	sst s10  }
0x32: {  	s10 =	sld [smem:$0x3FAB];
	_ =	sdelay $0x3  }
0x33: {  	p0 =	seq.s32 s10, $0x1;
	s10 =	sld [smem:$0x3FAD];
	_ =	sdelay $0x3  }
0x34: {  	[smem:$0x3FAD] =	sst s10  }
0x35: {  	s10 =	sld [smem:$0x3FAC];
	_ =	sdelay $0x3  }
0x36: {  	p1 =	seq.s32 s10, $0x1;
	s10 =	sld [smem:$0x3FAD];
	_ =	sdelay $0x3  }
0x37: {  	[smem:$0x3FAD] =	sst s10  }
0x38: {  	s10 =	sld [smem:$0x3FAE]  }
0x39: {  	_ = 	snop;
	(pc) =	sbr.ind lr, $3  }
0x3a: {  	_ = 	snop  }
0x3b: {  	_ = 	snop  }
0x3c: {  	p2 =	seq.s32 s10, $0x1;
	s10 =	sld [smem:$0x3FAD]  }
0x3d: {  	_ =	shalt  }
0x3e: {  	_ =	shalt  }
0x3f: {  	_ =	shalt  }
0x40: {  	_ =	shalt  }
0x41: {  	_ =	shalt  }
0x42: {  	_ =	shalt  }
0x43: {  	_ =	shalt  }
0x44: {  	_ =	shalt  }
0x45: {  	_ =	shalt  }
0x46: {  	_ =	shalt  }
0x47: {  	_ =	shalt  }
0x48: {  	_ =	shalt  }
0x49: {  	_ =	shalt  }
0x4a: {  	_ =	shalt  }
0x4b: {  	_ =	shalt  }
0x4c: {  	_ =	shalt  }
0x4d: {  	_ =	shalt  }
0x4e: {  	_ =	shalt  }
0x4f: {  	_ =	shalt  }
0x50: {  	_ =	shalt  }
0x51: {  	_ =	shalt  }
0x52: {  	_ =	shalt  }
0x53: {  	_ =	shalt  }
0x54: {  	_ =	shalt  }
0x55: {  	_ =	shalt  }
0x56: {  	_ =	shalt  }
0x57: {  	_ =	shalt  }
0x58: {  	_ =	shalt  }
0x59: {  	_ =	shalt  }
0x5a: {  	_ =	shalt  }
0x5b: {  	_ =	shalt  }
0x5c: {  	_ =	shalt  }
0x5d: {  	_ =	shalt  }
0x5e: {  	_ =	shalt  }
0x5f: {  	_ =	shalt  }
0x60: {  	_ =	shalt  }
0x61: {  	_ =	shalt  }
0x62: {  	_ =	shalt  }
0x63: {  	_ =	shalt  }
0x64: {  	_ =	shalt  }
0x65: {  	_ =	shalt  }
0x66: {  	_ =	shalt  }
0x67: {  	_ =	shalt  }
0x68: {  	_ =	shalt  }
0x69: {  	_ =	shalt  }
0x6a: {  	_ =	shalt  }
0x6b: {  	_ =	shalt  }
0x6c: {  	_ =	shalt  }
0x6d: {  	_ =	shalt  }
0x6e: {  	_ =	shalt  }
0x6f: {  	_ =	shalt  }
0x70: {  	_ =	shalt  }
0x71: {  	_ =	shalt  }
0x72: {  	_ =	shalt  }
0x73: {  	_ =	shalt  }
0x74: {  	_ =	shalt  }
0x75: {  	_ =	shalt  }
0x76: {  	_ =	shalt  }
0x77: {  	_ =	shalt  }
0x78: {  	_ =	shalt  }
0x79: {  	_ =	shalt  }
0x7a: {  	_ =	shalt  }
0x7b: {  	_ =	shalt  }
0x7c: {  	_ =	shalt  }
0x7d: {  	_ =	shalt  }
0x7e: {  	_ =	shalt  }
0x7f: {  	_ =	shalt  }
0x80: {  	_ =	shalt  }
0x81: {  	_ =	shalt  }
0x82: {  	_ =	shalt  }
0x83: {  	_ =	shalt  }
0x84: {  	_ =	shalt  }
0x85: {  	_ =	shalt  }
0x86: {  	_ =	shalt  }
0x87: {  	_ =	shalt  }
.Lfunc_end0:
.L_simem_size_0:
called_computation.1_lowered:
.L_overlay_start_0:
0x88: {  	s2 =	sld [smem:$0x3FD9]  }
0x89: {  	s3 =	sld [smem:$0x3FFE];
	_ =	sdelay $0x1  }
0x8a: {  	s1 =	srdreg.scid  }
0x8b: {  	s0 =	sand.u32 $0x1, s1  }
0x8c: {  	s15 =	sshll.u32 s0, $0xA;
	s2 =	sadd.s32 s3, s2  }
0x8d: {  	s2 =	sadd.s32 s2, s15  }
0x8e: {  	[smem:$0x3FB9] =	sst s2  }
0x8f: {  	_ = 	snop  }
0x90: {  	s2 =	sld [smem:$0x3FD0];
	_ =	sdelay $0x2  }
0x91: {  	s16 =	simm.s32 $0xB;
	s4 =	simm.s32 $0x10  }
0x92: {  	[smem:s4], [sflag:s16] =	dma.local [hbm:s2], $0x1  }
0x93: {  	_ =	swait.eq [sflag:s16], $0x1  }
0x94: {  	[sflag:s16] =	ssyncset.done $0x0  }
0x95: {  	[sflag:s16] =	ssyncadd.s32 $0xFFFFFFFF  }
0x96: {  	s17 =	sld [smem:$0x12];
	(tm) =	ssettm $0x1  }
0x97: {  	s18 =	sld [smem:$0x3FFB];
	_ =	sdelay $0x3  }
0x98: {  	_ =	strace s18  }
0x99: {  	s2 =	sld [smem:$0x3FFC];
	_ =	sdelay $0x3  }
0x9a: {  	_ =	strace s2  }
0x9b: {  	s2 =	sld [smem:$0x3FFD];
	_ =	sdelay $0x3  }
0x9c: {  	_ =	strace s2  }
0x9d: {  	_ =	strace $0x8FFFFFFF  }
0x9e: {  	s19 =	sld [smem:$0x3FDB];
	_ =	sdelay $0x1  }
0x9f: {  	s20 =	simm.s32 $_scs_section_size  }
0xa0: {  	s5 =	simm.s32 $_size__tile_overlayer_lowered;
	s6 =	simm.s32 $_tile_overlayer_lowered  }
0xa1: {  	s7 =	simm.s32 $0x1BFF;
	s21 =	sshll.u32 s6, $0x1;
	s4 =	sadd.s32 s20, s19  }
0xa2: {  	s22 =	simm.s32 $0x0;
	s5 =	sshll.u32 s5, $0x1;
	s6 =	sadd.s32 s21, s4  }
0xa3: {  	[timem:s22], [sflag:s7] =	dma.local [hbm:s6], s5  }
0xa4: {  	_ =	swait.ge [sflag:s7], s5  }
0xa5: {  	s5 =	ssub.s32 $0x0, s5;
	[sflag:s7] =	ssyncset.done $0x0  }
0xa6: {  	[sflag:s7] =	ssyncadd.s32 s5;
	_ =	sdelay $0x1  }
0xa7: {  	s23 =	simm.s32 $0x1B8B  }
0xa8: {  	_ =	swait.ge [sflag:s23], $0x1  }
0xa9: {  	[sflag:s23] =	ssyncset.done $0x0  }
0xaa: {  	[sflag:s23] =	ssyncadd.s32 $0xFFFFFFFF  }
0xab: {  	s5 =	sld [smem:$0x0]  }
0xac: {  	s6 =	sand.u32 $0xFFFFFFFE, s1  }
0xad: {  	p0 =	sne.s32 s1, s6  }
0xae: {  	s6 =	sshll.u32 @p0 s6, $0xE  }
0xaf: {  	s6 =	sadd.s32 @p0 $0x11B8D, s6;
	s7 =	sshll.u32 @p0 s5, $0x11  }
0xb0: {  	s6 =	sor.u32 @p0 s7, s6  }
0xb1: {  	[sflag:s6] =	ssyncadd.remote.s32 @p0 $0x1;
	_ =	sdelay $0x1  }
0xb2: {  	s6 =	simm.s32 @p0 $0x1B8D  }
0xb3: {  	_ =	swait.eq @p0 [sflag:s6], $0x1  }
0xb4: {  	[sflag:s6] =	ssyncadd.s32 @p0 $0xFFFFFFFF  }
0xb5: {  	s7 =	sshll.u32 @!p0 s1, $0xE  }
0xb6: {  	s7 =	sor.u32 @!p0 $0x4000, s7;
	s6 =	simm.s32 @!p0 $0x1B8D  }
0xb7: {  	s5 =	sshll.u32 @!p0 s5, $0x11;
	s7 =	sadd.s32 @!p0 $0x11B8D, s7;
	_ =	swait.eq @!p0 [sflag:s6], $0x1  }
0xb8: {  	s5 =	sor.u32 @!p0 s5, s7;
	[sflag:s6] =	ssyncadd.s32 @!p0 $0xFFFFFFFF  }
0xb9: {  	s25 =	simm.s32 $0x1B8E;
	s24 =	sld [smem:$0x3FFE];
	[sflag:s5] =	ssyncadd.remote.s32 @!p0 $0x1  }
0xba: {  	s26 =	simm.s32 $execute0_lowered;
	[smem:$0x3FD2] =	sst s25  }
0xbb: {  	s6 =	sshll.u32 s26, $0x1;
	_ =	strace $0x8000004C;
	[dreg:$0x1] =	wrdreg $0xFFFFFFFF  }
0xbc: {  	s28 =	simm.s32 $_size_execute0_lowered;
	s4 =	sadd.s32 s4, s6;
	[dreg:$0x0] =	wrdreg $0x0  }
0xbd: {  	s6 =	sshll.u32 s28, $0x1;
	[dreg:$0x2] =	wrdreg s4  }
0xbe: {  	[dreg:$0x3] =	wrdreg s6  }
0xbf: {  	[dreg:$0x4] =	wrdreg $0xC0  }
0xc0: {  	_ =	task [dreg:s22], $0x5FFFF  }
0xc1: {  	[dreg:$0x1] =	wrdreg $0xFFFFFFFF  }
0xc2: {  	[dreg:$0x0] =	wrdreg $0x60  }
0xc3: {  	[dreg:$0x2] =	wrdreg s24  }
0xc4: {  	[dreg:$0x3] =	wrdreg s17  }
0xc5: {  	[dreg:$0x4] =	wrdreg $0x9  }
0xc6: {  	_ =	task.clear_ibuf [dreg:s22], $0x5FFFF;
	_ =	strace $0x9000004C  }
0xc7: {  	s29 =	simm.s32 $0x9;
	_ =	strace $0x8000004E  }
0xc8: {  	_ =	swait.ge [sflag:s29], $0x1  }
0xc9: {  	[sflag:s29] =	ssyncadd.s32 $0xFFFFFFFF  }
0xca: {  	_ =	strace $0x9000004E  }
0xcb: {  	_ =	sfence  }
0xcc: {  	s30 =	sld [smem:$0x0];
	_ =	sdelay $0x2  }
0xcd: {  	s31 =	sshll.u32 s1, $0xD;
	s1 =	sshrl.u32 s1, $0x2  }
0xce: {  	s4 =	sand.u32 $0x4000, s31;
	s1 =	sadd.s32 s1, s30  }
0xcf: {  	s0 =	sor.u32 s4, s0;
	s1 =	sshll.u32 s1, $0x11  }
0xd0: {  	s0 =	sor.u32 s1, s0  }
0xd1: {  	s0 =	sadd.s32 $0x8F2B, s0  }
0xd2: {  	[sflag:s0] =	ssyncadd.remote.s32 $0x1  }
0xd3: {  	_ =	sfence.sel $0xFFFF  }
0xd4: {  	[dreg:$0x0] =	wrdreg $0xFFFFFFFF;
	(pc) =	sbr.abs _section_cstart, $3  }
0xd5: {  	[dreg:$0x1] =	wrdreg $0xFFFFFFFF  }
0xd6: {  	_ =	task.clear_ibuf [dreg:s22], $0x2FFFF;
	_ =	strace $0x9FFFFFFF  }
0xd7: {  	(tm) =	ssettm $0x7FFFFFFF  }
tec
execute0_lowered:
.L_overlay_start_1:
0x0: {  	(tag) =	ssettag $0x1  }
0x1: {  	s0 =	srdreg.scid  }
0x2: {  	s26 =	stileid.u32;
	s1 =	rddreg [dreg:$0x0]  }
0x3: {  	s6 =	rddreg [dreg:$0x1];
	s22 =	simm.s32 $0x4F00;
	s23 =	simm.s32 $0x1  }
0x4: {  	s24 =	simm.s32 $0x7680;
	s25 =	simm.s32 $0x9E00;
	s28 =	simm.s32 $0x2780  }
0x5: {  	s29 =	simm.s32 $0x0;
	s0 =	sand.u32 $0x1, s0;
	s2 =	sshll.u32 s26, $0x1  }
0x6: {  	s5 =	sshrl.u32 s26, $0x2;
	s10 =	sadd.s32 $0x36400, s1;
	p0 =	sgt.u32 s26, $0x1  }
0x7: {  	s26 =	simm.s32 $0xC580;
	s3 =	sor.u32 s0, s2;
	s5 =	smul.u32 $0x8200, s5  }
0x8: {  	s2 =	simm.s32 $0x0;
	s0 =	ssub.s32 $0x2, s0;
	s4 =	smul.u32 $0x4E2, s3  }
0x9: {  	[smem:$0x7FF] =	sst s2;
	s7 =	smul.u32 $0x8200, s3;
	s3 =	sadd.s32 $0x10800, s1  }
0xa: {  	s31 =	sshrl.u32 s0, $0x1;
	_ =	strace $0x8000004D;
	s5 =	sshrl.u32 s5, $0x3  }
0xb: {  	s0 =	ssub.s32 s0, s31;
	s20 =	sadd.s32 s4, s1;
	s15 =	sshrl.u32 s7, $0x3  }
0xc: {  	s5 =	sadd.s32 s6, s5;
	s21 =	smax.u32 s0, $0x1;
	s4 =	sadd.s32 s10, s15  }
0xd: {  	s7 =	sadd.s32 s6, s15;
	s11 =	sadd.s32 $0x4E2, s15;
	s9 =	sadd.s32 $0x4E2, s5  }
0xe: {  	s14 =	sadd.s32 $0x9C4, s15;
	s13 =	sadd.s32 $0x9C4, s5;
	s19 =	sadd.s32 $0xEA6, s15  }
.Ltmp0:
0xf: {  	s15 =	sadd.s32 $0x116A6, s1;
	s17 =	sadd.s32 $0xEA6, s5;
	(pc) =	sbr.rel .LBB2_1-.Ltmp0, $4  }
0x10: {  	s18 =	sadd.s32 $0x58000, s20;
	s20 =	sadd.s32 $0x56C00, s20;
	[dreg:$0x3] =	wrdreg s7  }
0x11: {  	s7 =	sadd.s32 $0x10CE2, s1;
	s8 =	sadd.s32 s10, s11;
	s11 =	sadd.s32 s6, s11  }
0x12: {  	s12 =	sadd.s32 s10, s14;
	s14 =	sadd.s32 s6, s14;
	s16 =	sadd.s32 s10, s19  }
0x13: {  	v0 =	vimm.f32 $0.0e+00;
	s19 =	sadd.s32 s6, s19;
	[dreg:$0x4] =	wrdreg s11;
	s11 =	sadd.s32 $0x111C4, s1  }
.LBB2_30:
0x14: {  	s29 =	sadd.s32 $0x1, s29  }
0x15: {  	p1 =	sne.s32 s29, s21  }
.Ltmp1:
0x16: {  	_ = 	snop;
	(pc) =	sbr.rel @!p1 .LBB2_31-.Ltmp1, $4  }
0x17: {  	[hbm4b:s1+s2] =	stream.linear.scatter [tilespmem:s0], [sflag:$0x1], $0x2710, $0x38;
	[tilespmem:$0xED00] =	vst v63  }
0x18: {  	_ =	swait.ge [sflag:s23], $0x2710  }
0x19: {  	[sflag:s23] =	ssyncset.done $0x0  }
0x1a: {  	[sflag:s23] =	ssyncadd.s32 $0xFFFFD8F0  }
.LBB2_1:
0x1b: {  	s0 =	simm.s32 $0x40  }
0x1c: {  	[tilespmem:s0+$0x30] =	vst v0  }
0x1d: {  	[tilespmem:s0+$0xFFFFFFF0] =	vst v0  }
0x1e: {  	[tilespmem:s0+$0xFFFFFFC0] =	vst v0  }
0x1f: {  	[tilespmem:s0+$0xFFFFFFE0] =	vst v0  }
0x20: {  	[tilespmem:s0+$0x10] =	vst v0  }
0x21: {  	[tilespmem:s0+$0x20] =	vst v0  }
0x22: {  	[tilespmem:s0+$0x0] =	vst v0  }
0x23: {  	s1 =	simm.s32 $0x27C0;
	[tilespmem:s0+$0xFFFFFFD0] =	vst v0  }
0x24: {  	[tilespmem:s1+$0xFFFFFFC0] =	vst v0  }
0x25: {  	[tilespmem:s1+$0x30] =	vst v0  }
0x26: {  	[tilespmem:s1+$0x20] =	vst v0  }
0x27: {  	[tilespmem:s1+$0x10] =	vst v0  }
0x28: {  	[tilespmem:s1+$0xFFFFFFE0] =	vst v0  }
0x29: {  	[tilespmem:s1+$0x0] =	vst v0  }
0x2a: {  	s6 =	simm.s32 $0x0;
	[tilespmem:s1+$0xFFFFFFF0] =	vst v0  }
.LBB2_2:
0x2b: {  	s6 =	sadd.s32 $0x8, s6;
	[tilespmem:s1+$0xFFFFFFD0] =	vst v0;
	s0 =	sadd.s32 $0x80, s0;
	s1 =	sadd.s32 $0x80, s1  }
0x2c: {  	[tilespmem:s0+$0x30] =	vst v0;
	p1 =	slt.u32 s6, $0x268  }
0x2d: {  	[tilespmem:s0+$0xFFFFFFF0] =	vst v0  }
0x2e: {  	[tilespmem:s0+$0xFFFFFFC0] =	vst v0  }
0x2f: {  	[tilespmem:s1+$0xFFFFFFC0] =	vst v0  }
0x30: {  	[tilespmem:s1+$0x30] =	vst v0  }
0x31: {  	[tilespmem:s0+$0xFFFFFFE0] =	vst v0  }
0x32: {  	[tilespmem:s0+$0x10] =	vst v0  }
0x33: {  	[tilespmem:s0+$0x20] =	vst v0  }
0x34: {  	[tilespmem:s1+$0x20] =	vst v0  }
0x35: {  	[tilespmem:s1+$0x10] =	vst v0  }
.Ltmp2:
0x36: {  	[tilespmem:s1+$0xFFFFFFE0] =	vst v0;
	(pc) =	sbr.rel @p1 .LBB2_2-.Ltmp2, $4  }
0x37: {  	[tilespmem:s0+$0x0] =	vst v0  }
0x38: {  	[tilespmem:s1+$0x0] =	vst v0  }
0x39: {  	[tilespmem:s1+$0xFFFFFFF0] =	vst v0  }
0x3a: {  	[tilespmem:s0+$0xFFFFFFD0] =	vst v0  }
0x3b: {  	[tilespmem:s1+$0xFFFFFFD0] =	vst v0  }
0x3c: {  	[tilespmem:$0x2700] =	vst v0  }
0x3d: {  	[tilespmem:$0x4E80] =	vst v0  }
0x3e: {  	[tilespmem:s22], [sflag:$0x1] =	stream.linear.gather [hbm4b:s3+s2], $0x2710, $0x38;
	[tilespmem:$0xED00] =	vst v63  }
0x3f: {  	_ =	swait.ge [sflag:s23], $0x2710  }
0x40: {  	[sflag:s23] =	ssyncset.done $0x0  }
0x41: {  	[sflag:s23] =	ssyncadd.s32 $0xFFFFD8F0  }
0x42: {  	[tilespmem:s24], [sflag:$0x1] =	stream.linear.gather [hbm4b:s4+s2], $0x2710, $0x38;
	[tilespmem:$0xED00] =	vst v63  }
0x43: {  	_ =	swait.ge [sflag:s23], $0x2710  }
0x44: {  	[sflag:s23] =	ssyncset.done $0x0  }
0x45: {  	[sflag:s23] =	ssyncadd.s32 $0xFFFFD8F0  }
0x46: {  	[tilespmem:s25], [sflag:$0x1] =	stream.linear.gather [hbm4b:s5+s2], $0x2710, $0x38;
	[tilespmem:$0xED00] =	vst v63  }
0x47: {  	_ =	swait.ge [sflag:s23], $0x2710  }
0x48: {  	[sflag:s23] =	ssyncset.done $0x0  }
0x49: {  	s0 =	simm.s32 $0x76C0;
	[sflag:s23] =	ssyncadd.s32 $0xFFFFD8F0  }
0x4a: {  	s1 =	simm.s32 $0x4F40;
	v1 =	vld [tilespmem:s0+$0x30]  }
0x4b: {  	s30 =	simm.s32 $0x9E40;
	v2 =	vld [tilespmem:s1+$0x30]  }
0x4c: {  	v3 =	vld [tilespmem:s30+$0x30]  }
0x4d: {  	v4 =	vld [tilespmem:s0+$0xFFFFFFD0]  }
0x4e: {  	v5 =	vld [tilespmem:s30+$0xFFFFFFD0]  }
0x4f: {  	v6 =	vld [tilespmem:s0+$0xFFFFFFE0]  }
0x50: {  	v7 =	vld [tilespmem:s0+$0x0]  }
0x51: {  	v8 =	vld [tilespmem:s1+$0xFFFFFFD0]  }
0x52: {  	v9 =	vld [tilespmem:s30+$0x0]  }
0x53: {  	v10 =	vld [tilespmem:s0+$0x10]  }
0x54: {  	v11 =	vld [tilespmem:s30+$0x10]  }
0x55: {  	v12 =	vld [tilespmem:s1+$0xFFFFFFE0]  }
0x56: {  	v13 =	vld [tilespmem:s0+$0x20]  }
0x57: {  	v58 =	vld [tilespmem:s30+$0x20]  }
0x58: {  	v14 =	vld [tilespmem:s1+$0xFFFFFFF0]  }
0x59: {  	v59 =	vld [tilespmem:s1+$0x0]  }
0x5a: {  	v60 =	vld [tilespmem:s1+$0x10]  }
0x5b: {  	v1 =	vmul.f32 v3, v1;
	v3 =	vld [tilespmem:s30+$0xFFFFFFE0]  }
0x5c: {  	v61 =	vld [tilespmem:s1+$0x20]  }
0x5d: {  	v62 =	vld [tilespmem:s30+$0xFFFFFFC0]  }
0x5e: {  	[tilespmem:v2+s2+$0x0] =	vst.idx.add.f32.msk $0xffff, v1  }
0x5f: {  	v4 =	vmul.f32 v5, v4;
	v1 =	vld [tilespmem:s0+$0xFFFFFFF0]  }
0x60: {  	v2 =	vld [tilespmem:s30+$0xFFFFFFF0];
	v3 =	vmul.f32 v3, v6  }
0x61: {  	[tilespmem:v8+s2+$0x0] =	vst.idx.add.f32.msk $0xffff, v4  }
0x62: {  	v7 =	vmul.f32 v9, v7;
	[tilespmem:v12+s2+$0x0] =	vst.idx.add.f32.msk $0xffff, v3  }
0x63: {  	v63 =	vmul.f32 v11, v10;
	v3 =	vld [tilespmem:s0+$0xFFFFFFC0]  }
0x64: {  	v5 =	vmul.f32 v58, v13;
	[tilespmem:v59+s2+$0x0] =	vst.idx.add.f32.msk $0xffff, v7  }
0x65: {  	[tilespmem:v60+s2+$0x0] =	vst.idx.add.f32.msk $0xffff, v63  }
0x66: {  	[tilespmem:v61+s2+$0x0] =	vst.idx.add.f32.msk $0xffff, v5;
	v1 =	vmul.f32 v2, v1  }
0x67: {  	v2 =	vld [tilespmem:s1+$0xFFFFFFC0]  }
0x68: {  	s6 =	simm.s32 $0x7740;
	s0 =	simm.s32 $0x0;
	[tilespmem:v14+s2+$0x0] =	vst.idx.add.f32.msk $0xffff, v1;
	v1 =	vmul.f32 v62, v3  }
.LBB2_4:
0x69: {  	v3 =	vld [tilespmem:s6+$0x30];
	s1 =	sadd.s32 $0x80, s1  }
0x6a: {  	s0 =	sadd.s32 $0x8, s0;
	s30 =	sadd.s32 $0x80, s30;
	v4 =	vld [tilespmem:s1+$0x30]  }
0x6b: {  	p1 =	slt.u32 s0, $0x268;
	v5 =	vld [tilespmem:s30+$0x30]  }
0x6c: {  	v6 =	vld [tilespmem:s6+$0xFFFFFFC0]  }
0x6d: {  	v7 =	vld [tilespmem:s30+$0xFFFFFFC0]  }
0x6e: {  	v8 =	vld [tilespmem:s6+$0xFFFFFFD0]  }
0x6f: {  	v9 =	vld [tilespmem:s30+$0xFFFFFFD0]  }
0x70: {  	v10 =	vld [tilespmem:s6+$0xFFFFFFE0];
	v3 =	vmul.f32 v5, v3  }
0x71: {  	v5 =	vld [tilespmem:s30+$0xFFFFFFE0]  }
0x72: {  	v6 =	vmul.f32 v7, v6;
	[tilespmem:v4+s2+$0x0] =	vst.idx.add.f32.msk $0xffff, v3  }
0x73: {  	v3 =	vld [tilespmem:s6+$0xFFFFFFF0]  }
0x74: {  	v4 =	vmul.f32 v9, v8;
	v7 =	vld [tilespmem:s30+$0xFFFFFFF0]  }
0x75: {  	v8 =	vld [tilespmem:s6+$0x0]  }
0x76: {  	v5 =	vmul.f32 v5, v10;
	v9 =	vld [tilespmem:s30+$0x0]  }
0x77: {  	v10 =	vld [tilespmem:s6+$0x10]  }
0x78: {  	v11 =	vld [tilespmem:s30+$0x10]  }
0x79: {  	v3 =	vmul.f32 v7, v3;
	v7 =	vld [tilespmem:s6+$0x20]  }
0x7a: {  	v12 =	vld [tilespmem:s30+$0x20]  }
0x7b: {  	v13 =	vld [tilespmem:s1+$0xFFFFFFD0];
	v8 =	vmul.f32 v9, v8  }
0x7c: {  	v9 =	vld [tilespmem:s1+$0xFFFFFFE0]  }
0x7d: {  	v14 =	vld [tilespmem:s1+$0xFFFFFFF0];
	v10 =	vmul.f32 v11, v10  }
0x7e: {  	v11 =	vld [tilespmem:s1+$0x0]  }
0x7f: {  	v15 =	vld [tilespmem:s1+$0x10];
	v7 =	vmul.f32 v12, v7  }
0x80: {  	v12 =	vld [tilespmem:s1+$0x20]  }
0x81: {  	v16 =	vld [tilespmem:s1+$0xFFFFFFC0]  }
0x82: {  	[tilespmem:v2+s2+$0x0] =	vst.idx.add.f32.msk $0xffff, v1;
	v1 =	vmov v6  }
0x83: {  	[tilespmem:v13+s2+$0x0] =	vst.idx.add.f32.msk $0xffff, v4  }
.Ltmp3:
0x84: {  	[tilespmem:v9+s2+$0x0] =	vst.idx.add.f32.msk $0xffff, v5;
	(pc) =	sbr.rel @p1 .LBB2_4-.Ltmp3, $4  }
0x85: {  	[tilespmem:v14+s2+$0x0] =	vst.idx.add.f32.msk $0xffff, v3  }
0x86: {  	[tilespmem:v11+s2+$0x0] =	vst.idx.add.f32.msk $0xffff, v8;
	v2 =	vmov v16  }
0x87: {  	[tilespmem:v15+s2+$0x0] =	vst.idx.add.f32.msk $0xffff, v10  }
0x88: {  	s6 =	sadd.s32 $0x80, s6;
	[tilespmem:v12+s2+$0x0] =	vst.idx.add.f32.msk $0xffff, v7  }
0x89: {  	_ =	sdelay $0x3  }
0x8a: {  	[tilespmem:v2+s2+$0x0] =	vst.idx.add.f32.msk $0xffff, v1  }
0x8b: {  	v1 =	vld [tilespmem:$0x7600]  }
0x8c: {  	v2 =	vld [tilespmem:$0x9D80]  }
0x8d: {  	v3 =	vld [tilespmem:$0xC500];
	_ =	sdelay $0x2  }
.Ltmp4:
0x8e: {  	_ = 	snop;
	(pc) =	sbr.rel @p0 .LBB2_9-.Ltmp4, $3  }
0x8f: {  	_ = 	snop  }
0x90: {  	v2 =	vmul.f32 v3, v2;
	_ =	sdelay $0x1  }
0x91: {  	[tilespmem:v1+s2+$0x0] =	vst.idx.add.f32.msk $0xffff, v2  }
0x92: {  	s0 =	rddreg [dreg:$0x3]  }
0x93: {  	[tilespmem:s26], [sflag:$0x1] =	stream.linear.gather [hbm4b:s0+s2], $0x2710, $0x38;
	[tilespmem:$0xED00] =	vst v63  }
0x94: {  	_ =	swait.ge [sflag:s23], $0x2710  }
0x95: {  	[sflag:s23] =	ssyncset.done $0x0  }
0x96: {  	s1 =	simm.s32 $0x4F40;
	[sflag:s23] =	ssyncadd.s32 $0xFFFFD8F0  }
0x97: {  	v1 =	vld [tilespmem:s1+$0x30]  }
0x98: {  	v2 =	vld [tilespmem:s1+$0xFFFFFFD0]  }
0x99: {  	s0 =	simm.s32 $0xC5C0;
	v3 =	vld [tilespmem:s1+$0xFFFFFFE0]  }
0x9a: {  	v4 =	vld [tilespmem:s0+$0x30]  }
0x9b: {  	v5 =	vld [tilespmem:s1+$0xFFFFFFF0]  }
0x9c: {  	v6 =	vld [tilespmem:s1+$0x0]  }
0x9d: {  	v7 =	vld [tilespmem:s1+$0x10]  }
0x9e: {  	v8 =	vld [tilespmem:s1+$0x20]  }
0x9f: {  	v63 =	vld [tilespmem:s0+$0xFFFFFFC0]  }
0xa0: {  	v9 =	vld [tilespmem:s0+$0xFFFFFFD0]  }
0xa1: {  	v10 =	vld [tilespmem:s0+$0xFFFFFFE0]  }
0xa2: {  	v11 =	vld [tilespmem:s0+$0xFFFFFFF0]  }
0xa3: {  	v12 =	vld [tilespmem:s0+$0x0]  }
0xa4: {  	v13 =	vld [tilespmem:s0+$0x10]  }
0xa5: {  	[tilespmem:v1+s28+$0x0] =	vst.idx.add.f32.msk $0xffff, v4  }
0xa6: {  	v1 =	vld [tilespmem:s1+$0xFFFFFFC0]  }
0xa7: {  	v14 =	vld [tilespmem:s0+$0x20]  }
0xa8: {  	[tilespmem:v2+s28+$0x0] =	vst.idx.add.f32.msk $0xffff, v9  }
0xa9: {  	[tilespmem:v3+s28+$0x0] =	vst.idx.add.f32.msk $0xffff, v10  }
0xaa: {  	[tilespmem:v5+s28+$0x0] =	vst.idx.add.f32.msk $0xffff, v11  }
0xab: {  	[tilespmem:v6+s28+$0x0] =	vst.idx.add.f32.msk $0xffff, v12  }
0xac: {  	[tilespmem:v7+s28+$0x0] =	vst.idx.add.f32.msk $0xffff, v13  }
0xad: {  	[tilespmem:v8+s28+$0x0] =	vst.idx.add.f32.msk $0xffff, v14  }
0xae: {  	s6 =	simm.s32 $0x4FC0;
	s1 =	simm.s32 $0x0;
	[tilespmem:v1+s28+$0x0] =	vst.idx.add.f32.msk $0xffff, v63  }
.LBB2_7:
0xaf: {  	v1 =	vld [tilespmem:s6+$0x30];
	s1 =	sadd.s32 $0x8, s1  }
0xb0: {  	v2 =	vld [tilespmem:s6+$0xFFFFFFD0];
	p1 =	slt.u32 s1, $0x268  }
0xb1: {  	s0 =	sadd.s32 $0x80, s0;
	v3 =	vld [tilespmem:s6+$0xFFFFFFE0]  }
0xb2: {  	v4 =	vld [tilespmem:s0+$0x30]  }
0xb3: {  	v5 =	vld [tilespmem:s6+$0xFFFFFFF0]  }
0xb4: {  	v6 =	vld [tilespmem:s6+$0x0]  }
0xb5: {  	v7 =	vld [tilespmem:s6+$0x10]  }
0xb6: {  	v8 =	vld [tilespmem:s6+$0x20]  }
0xb7: {  	[tilespmem:v1+s28+$0x0] =	vst.idx.add.f32.msk $0xffff, v4  }
0xb8: {  	v1 =	vld [tilespmem:s6+$0xFFFFFFC0]  }
0xb9: {  	v4 =	vld [tilespmem:s0+$0xFFFFFFC0]  }
0xba: {  	v9 =	vld [tilespmem:s0+$0xFFFFFFD0]  }
0xbb: {  	v10 =	vld [tilespmem:s0+$0xFFFFFFE0]  }
0xbc: {  	v11 =	vld [tilespmem:s0+$0xFFFFFFF0]  }
0xbd: {  	v12 =	vld [tilespmem:s0+$0x0]  }
0xbe: {  	v13 =	vld [tilespmem:s0+$0x10]  }
0xbf: {  	v14 =	vld [tilespmem:s0+$0x20]  }
0xc0: {  	[tilespmem:v1+s28+$0x0] =	vst.idx.add.f32.msk $0xffff, v4  }
0xc1: {  	[tilespmem:v2+s28+$0x0] =	vst.idx.add.f32.msk $0xffff, v9  }
.Ltmp5:
0xc2: {  	[tilespmem:v3+s28+$0x0] =	vst.idx.add.f32.msk $0xffff, v10;
	(pc) =	sbr.rel @p1 .LBB2_7-.Ltmp5, $4  }
0xc3: {  	[tilespmem:v5+s28+$0x0] =	vst.idx.add.f32.msk $0xffff, v11  }
0xc4: {  	[tilespmem:v6+s28+$0x0] =	vst.idx.add.f32.msk $0xffff, v12  }
0xc5: {  	[tilespmem:v7+s28+$0x0] =	vst.idx.add.f32.msk $0xffff, v13  }
0xc6: {  	s6 =	sadd.s32 $0x80, s6;
	[tilespmem:v8+s28+$0x0] =	vst.idx.add.f32.msk $0xffff, v14  }
0xc7: {  	v1 =	vld [tilespmem:$0x7600];
	_ =	sdelay $0x2  }
0xc8: {  	v2 =	vld [tilespmem:$0xEC80];
	_ =	sdelay $0x4  }
0xc9: {  	[tilespmem:v1+s28+$0x0] =	vst.idx.add.f32.msk $0xffff, v2  }
.LBB2_9:
0xca: {  	[tilespmem:s22], [sflag:$0x1] =	stream.linear.gather [hbm4b:s7+s2], $0x2710, $0x38;
	[tilespmem:$0xED00] =	vst v63  }
0xcb: {  	_ =	swait.ge [sflag:s23], $0x2710  }
0xcc: {  	[sflag:s23] =	ssyncset.done $0x0  }
0xcd: {  	[sflag:s23] =	ssyncadd.s32 $0xFFFFD8F0  }
0xce: {  	[tilespmem:s24], [sflag:$0x1] =	stream.linear.gather [hbm4b:s8+s2], $0x2710, $0x38;
	[tilespmem:$0xED00] =	vst v63  }
0xcf: {  	_ =	swait.ge [sflag:s23], $0x2710  }
0xd0: {  	[sflag:s23] =	ssyncset.done $0x0  }
0xd1: {  	[sflag:s23] =	ssyncadd.s32 $0xFFFFD8F0  }
0xd2: {  	[tilespmem:s25], [sflag:$0x1] =	stream.linear.gather [hbm4b:s9+s2], $0x2710, $0x38;
	[tilespmem:$0xED00] =	vst v63  }
0xd3: {  	_ =	swait.ge [sflag:s23], $0x2710  }
0xd4: {  	[sflag:s23] =	ssyncset.done $0x0  }
0xd5: {  	s0 =	simm.s32 $0x76C0;
	[sflag:s23] =	ssyncadd.s32 $0xFFFFD8F0  }
0xd6: {  	s1 =	simm.s32 $0x4F40;
	v1 =	vld [tilespmem:s0+$0x30]  }
0xd7: {  	s30 =	simm.s32 $0x9E40;
	v2 =	vld [tilespmem:s1+$0x30]  }
0xd8: {  	v3 =	vld [tilespmem:s30+$0x30]  }
0xd9: {  	v4 =	vld [tilespmem:s0+$0xFFFFFFD0]  }
0xda: {  	v5 =	vld [tilespmem:s30+$0xFFFFFFD0]  }
0xdb: {  	v6 =	vld [tilespmem:s0+$0xFFFFFFE0]  }
0xdc: {  	v7 =	vld [tilespmem:s0+$0x0]  }
0xdd: {  	v8 =	vld [tilespmem:s1+$0xFFFFFFD0]  }
0xde: {  	v9 =	vld [tilespmem:s30+$0x0]  }
0xdf: {  	v10 =	vld [tilespmem:s0+$0x10]  }
0xe0: {  	v11 =	vld [tilespmem:s30+$0x10]  }
0xe1: {  	v12 =	vld [tilespmem:s1+$0xFFFFFFE0]  }
0xe2: {  	v13 =	vld [tilespmem:s0+$0x20]  }
0xe3: {  	v58 =	vld [tilespmem:s30+$0x20]  }
0xe4: {  	v14 =	vld [tilespmem:s1+$0xFFFFFFF0]  }
0xe5: {  	v59 =	vld [tilespmem:s1+$0x0]  }
0xe6: {  	v60 =	vld [tilespmem:s1+$0x10]  }
0xe7: {  	v1 =	vmul.f32 v3, v1;
	v3 =	vld [tilespmem:s30+$0xFFFFFFE0]  }
0xe8: {  	v61 =	vld [tilespmem:s1+$0x20]  }
0xe9: {  	v62 =	vld [tilespmem:s30+$0xFFFFFFC0]  }
0xea: {  	[tilespmem:v2+s2+$0x0] =	vst.idx.add.f32.msk $0xffff, v1  }
0xeb: {  	v4 =	vmul.f32 v5, v4;
	v1 =	vld [tilespmem:s0+$0xFFFFFFF0]  }
0xec: {  	v2 =	vld [tilespmem:s30+$0xFFFFFFF0];
	v3 =	vmul.f32 v3, v6  }
0xed: {  	[tilespmem:v8+s2+$0x0] =	vst.idx.add.f32.msk $0xffff, v4  }
0xee: {  	v7 =	vmul.f32 v9, v7;
	[tilespmem:v12+s2+$0x0] =	vst.idx.add.f32.msk $0xffff, v3  }
0xef: {  	v63 =	vmul.f32 v11, v10;
	v3 =	vld [tilespmem:s0+$0xFFFFFFC0]  }
0xf0: {  	v5 =	vmul.f32 v58, v13;
	[tilespmem:v59+s2+$0x0] =	vst.idx.add.f32.msk $0xffff, v7  }
0xf1: {  	[tilespmem:v60+s2+$0x0] =	vst.idx.add.f32.msk $0xffff, v63  }
0xf2: {  	[tilespmem:v61+s2+$0x0] =	vst.idx.add.f32.msk $0xffff, v5;
	v1 =	vmul.f32 v2, v1  }
0xf3: {  	v2 =	vld [tilespmem:s1+$0xFFFFFFC0]  }
0xf4: {  	s6 =	simm.s32 $0x7740;
	s0 =	simm.s32 $0x0;
	[tilespmem:v14+s2+$0x0] =	vst.idx.add.f32.msk $0xffff, v1;
	v1 =	vmul.f32 v62, v3  }
.LBB2_10:
0xf5: {  	v3 =	vld [tilespmem:s6+$0x30];
	s1 =	sadd.s32 $0x80, s1  }
0xf6: {  	s0 =	sadd.s32 $0x8, s0;
	s30 =	sadd.s32 $0x80, s30;
	v4 =	vld [tilespmem:s1+$0x30]  }
0xf7: {  	p1 =	slt.u32 s0, $0x268;
	v5 =	vld [tilespmem:s30+$0x30]  }
0xf8: {  	v6 =	vld [tilespmem:s6+$0xFFFFFFC0]  }
0xf9: {  	v7 =	vld [tilespmem:s30+$0xFFFFFFC0]  }
0xfa: {  	v8 =	vld [tilespmem:s6+$0xFFFFFFD0]  }
0xfb: {  	v9 =	vld [tilespmem:s30+$0xFFFFFFD0]  }
0xfc: {  	v10 =	vld [tilespmem:s6+$0xFFFFFFE0];
	v3 =	vmul.f32 v5, v3  }
0xfd: {  	v5 =	vld [tilespmem:s30+$0xFFFFFFE0]  }
0xfe: {  	v6 =	vmul.f32 v7, v6;
	[tilespmem:v4+s2+$0x0] =	vst.idx.add.f32.msk $0xffff, v3  }
0xff: {  	v3 =	vld [tilespmem:s6+$0xFFFFFFF0]  }
0x100: {  	v4 =	vmul.f32 v9, v8;
	v7 =	vld [tilespmem:s30+$0xFFFFFFF0]  }
0x101: {  	v8 =	vld [tilespmem:s6+$0x0]  }
0x102: {  	v5 =	vmul.f32 v5, v10;
	v9 =	vld [tilespmem:s30+$0x0]  }
0x103: {  	v10 =	vld [tilespmem:s6+$0x10]  }
0x104: {  	v11 =	vld [tilespmem:s30+$0x10]  }
0x105: {  	v3 =	vmul.f32 v7, v3;
	v7 =	vld [tilespmem:s6+$0x20]  }
0x106: {  	v12 =	vld [tilespmem:s30+$0x20]  }
0x107: {  	v13 =	vld [tilespmem:s1+$0xFFFFFFD0];
	v8 =	vmul.f32 v9, v8  }
0x108: {  	v9 =	vld [tilespmem:s1+$0xFFFFFFE0]  }
0x109: {  	v14 =	vld [tilespmem:s1+$0xFFFFFFF0];
	v10 =	vmul.f32 v11, v10  }
0x10a: {  	v11 =	vld [tilespmem:s1+$0x0]  }
0x10b: {  	v15 =	vld [tilespmem:s1+$0x10];
	v7 =	vmul.f32 v12, v7  }
0x10c: {  	v12 =	vld [tilespmem:s1+$0x20]  }
0x10d: {  	v16 =	vld [tilespmem:s1+$0xFFFFFFC0]  }
0x10e: {  	[tilespmem:v2+s2+$0x0] =	vst.idx.add.f32.msk $0xffff, v1;
	v1 =	vmov v6  }
0x10f: {  	[tilespmem:v13+s2+$0x0] =	vst.idx.add.f32.msk $0xffff, v4  }
.Ltmp6:
0x110: {  	[tilespmem:v9+s2+$0x0] =	vst.idx.add.f32.msk $0xffff, v5;
	(pc) =	sbr.rel @p1 .LBB2_10-.Ltmp6, $4  }
0x111: {  	[tilespmem:v14+s2+$0x0] =	vst.idx.add.f32.msk $0xffff, v3  }
0x112: {  	[tilespmem:v11+s2+$0x0] =	vst.idx.add.f32.msk $0xffff, v8;
	v2 =	vmov v16  }
0x113: {  	[tilespmem:v15+s2+$0x0] =	vst.idx.add.f32.msk $0xffff, v10  }
0x114: {  	s6 =	sadd.s32 $0x80, s6;
	[tilespmem:v12+s2+$0x0] =	vst.idx.add.f32.msk $0xffff, v7  }
0x115: {  	_ =	sdelay $0x3  }
0x116: {  	[tilespmem:v2+s2+$0x0] =	vst.idx.add.f32.msk $0xffff, v1  }
0x117: {  	v1 =	vld [tilespmem:$0x7600]  }
0x118: {  	v2 =	vld [tilespmem:$0x9D80]  }
0x119: {  	v3 =	vld [tilespmem:$0xC500];
	_ =	sdelay $0x2  }
.Ltmp7:
0x11a: {  	_ = 	snop;
	(pc) =	sbr.rel @p0 .LBB2_15-.Ltmp7, $3  }
0x11b: {  	_ = 	snop  }
0x11c: {  	v2 =	vmul.f32 v3, v2;
	_ =	sdelay $0x1  }
0x11d: {  	[tilespmem:v1+s2+$0x0] =	vst.idx.add.f32.msk $0xffff, v2  }
0x11e: {  	s0 =	rddreg [dreg:$0x4]  }
0x11f: {  	[tilespmem:s26], [sflag:$0x1] =	stream.linear.gather [hbm4b:s0+s2], $0x2710, $0x38;
	[tilespmem:$0xED00] =	vst v63  }
0x120: {  	_ =	swait.ge [sflag:s23], $0x2710  }
0x121: {  	[sflag:s23] =	ssyncset.done $0x0  }
0x122: {  	s1 =	simm.s32 $0x4F40;
	[sflag:s23] =	ssyncadd.s32 $0xFFFFD8F0  }
0x123: {  	v1 =	vld [tilespmem:s1+$0x30]  }
0x124: {  	v2 =	vld [tilespmem:s1+$0xFFFFFFD0]  }
0x125: {  	s0 =	simm.s32 $0xC5C0;
	v3 =	vld [tilespmem:s1+$0xFFFFFFE0]  }
0x126: {  	v4 =	vld [tilespmem:s0+$0x30]  }
0x127: {  	v5 =	vld [tilespmem:s1+$0xFFFFFFF0]  }
0x128: {  	v6 =	vld [tilespmem:s1+$0x0]  }
0x129: {  	v7 =	vld [tilespmem:s1+$0x10]  }
0x12a: {  	v8 =	vld [tilespmem:s1+$0x20]  }
0x12b: {  	v63 =	vld [tilespmem:s0+$0xFFFFFFC0]  }
0x12c: {  	v9 =	vld [tilespmem:s0+$0xFFFFFFD0]  }
0x12d: {  	v10 =	vld [tilespmem:s0+$0xFFFFFFE0]  }
0x12e: {  	v11 =	vld [tilespmem:s0+$0xFFFFFFF0]  }
0x12f: {  	v12 =	vld [tilespmem:s0+$0x0]  }
0x130: {  	v13 =	vld [tilespmem:s0+$0x10]  }
0x131: {  	[tilespmem:v1+s28+$0x0] =	vst.idx.add.f32.msk $0xffff, v4  }
0x132: {  	v1 =	vld [tilespmem:s1+$0xFFFFFFC0]  }
0x133: {  	v14 =	vld [tilespmem:s0+$0x20]  }
0x134: {  	[tilespmem:v2+s28+$0x0] =	vst.idx.add.f32.msk $0xffff, v9  }
0x135: {  	[tilespmem:v3+s28+$0x0] =	vst.idx.add.f32.msk $0xffff, v10  }
0x136: {  	[tilespmem:v5+s28+$0x0] =	vst.idx.add.f32.msk $0xffff, v11  }
0x137: {  	[tilespmem:v6+s28+$0x0] =	vst.idx.add.f32.msk $0xffff, v12  }
0x138: {  	[tilespmem:v7+s28+$0x0] =	vst.idx.add.f32.msk $0xffff, v13  }
0x139: {  	[tilespmem:v8+s28+$0x0] =	vst.idx.add.f32.msk $0xffff, v14  }
0x13a: {  	s6 =	simm.s32 $0x4FC0;
	s1 =	simm.s32 $0x0;
	[tilespmem:v1+s28+$0x0] =	vst.idx.add.f32.msk $0xffff, v63  }
.LBB2_13:
0x13b: {  	v1 =	vld [tilespmem:s6+$0x30];
	s1 =	sadd.s32 $0x8, s1  }
0x13c: {  	v2 =	vld [tilespmem:s6+$0xFFFFFFD0];
	p1 =	slt.u32 s1, $0x268  }
0x13d: {  	s0 =	sadd.s32 $0x80, s0;
	v3 =	vld [tilespmem:s6+$0xFFFFFFE0]  }
0x13e: {  	v4 =	vld [tilespmem:s0+$0x30]  }
0x13f: {  	v5 =	vld [tilespmem:s6+$0xFFFFFFF0]  }
0x140: {  	v6 =	vld [tilespmem:s6+$0x0]  }
0x141: {  	v7 =	vld [tilespmem:s6+$0x10]  }
0x142: {  	v8 =	vld [tilespmem:s6+$0x20]  }
0x143: {  	[tilespmem:v1+s28+$0x0] =	vst.idx.add.f32.msk $0xffff, v4  }
0x144: {  	v1 =	vld [tilespmem:s6+$0xFFFFFFC0]  }
0x145: {  	v4 =	vld [tilespmem:s0+$0xFFFFFFC0]  }
0x146: {  	v9 =	vld [tilespmem:s0+$0xFFFFFFD0]  }
0x147: {  	v10 =	vld [tilespmem:s0+$0xFFFFFFE0]  }
0x148: {  	v11 =	vld [tilespmem:s0+$0xFFFFFFF0]  }
0x149: {  	v12 =	vld [tilespmem:s0+$0x0]  }
0x14a: {  	v13 =	vld [tilespmem:s0+$0x10]  }
0x14b: {  	v14 =	vld [tilespmem:s0+$0x20]  }
0x14c: {  	[tilespmem:v1+s28+$0x0] =	vst.idx.add.f32.msk $0xffff, v4  }
0x14d: {  	[tilespmem:v2+s28+$0x0] =	vst.idx.add.f32.msk $0xffff, v9  }
.Ltmp8:
0x14e: {  	[tilespmem:v3+s28+$0x0] =	vst.idx.add.f32.msk $0xffff, v10;
	(pc) =	sbr.rel @p1 .LBB2_13-.Ltmp8, $4  }
0x14f: {  	[tilespmem:v5+s28+$0x0] =	vst.idx.add.f32.msk $0xffff, v11  }
0x150: {  	[tilespmem:v6+s28+$0x0] =	vst.idx.add.f32.msk $0xffff, v12  }
0x151: {  	[tilespmem:v7+s28+$0x0] =	vst.idx.add.f32.msk $0xffff, v13  }
0x152: {  	s6 =	sadd.s32 $0x80, s6;
	[tilespmem:v8+s28+$0x0] =	vst.idx.add.f32.msk $0xffff, v14  }
0x153: {  	v1 =	vld [tilespmem:$0x7600];
	_ =	sdelay $0x2  }
0x154: {  	v2 =	vld [tilespmem:$0xEC80];
	_ =	sdelay $0x4  }
0x155: {  	[tilespmem:v1+s28+$0x0] =	vst.idx.add.f32.msk $0xffff, v2  }
.LBB2_15:
0x156: {  	[tilespmem:s22], [sflag:$0x1] =	stream.linear.gather [hbm4b:s11+s2], $0x2710, $0x38;
	[tilespmem:$0xED00] =	vst v63  }
0x157: {  	_ =	swait.ge [sflag:s23], $0x2710  }
0x158: {  	[sflag:s23] =	ssyncset.done $0x0  }
0x159: {  	[sflag:s23] =	ssyncadd.s32 $0xFFFFD8F0  }
0x15a: {  	[tilespmem:s24], [sflag:$0x1] =	stream.linear.gather [hbm4b:s12+s2], $0x2710, $0x38;
	[tilespmem:$0xED00] =	vst v63  }
0x15b: {  	_ =	swait.ge [sflag:s23], $0x2710  }
0x15c: {  	[sflag:s23] =	ssyncset.done $0x0  }
0x15d: {  	[sflag:s23] =	ssyncadd.s32 $0xFFFFD8F0  }
0x15e: {  	[tilespmem:s25], [sflag:$0x1] =	stream.linear.gather [hbm4b:s13+s2], $0x2710, $0x38;
	[tilespmem:$0xED00] =	vst v63  }
0x15f: {  	_ =	swait.ge [sflag:s23], $0x2710  }
0x160: {  	[sflag:s23] =	ssyncset.done $0x0  }
0x161: {  	s0 =	simm.s32 $0x76C0;
	[sflag:s23] =	ssyncadd.s32 $0xFFFFD8F0  }
0x162: {  	s1 =	simm.s32 $0x4F40;
	v1 =	vld [tilespmem:s0+$0x30]  }
0x163: {  	s30 =	simm.s32 $0x9E40;
	v2 =	vld [tilespmem:s1+$0x30]  }
0x164: {  	v3 =	vld [tilespmem:s30+$0x30]  }
0x165: {  	v4 =	vld [tilespmem:s0+$0xFFFFFFD0]  }
0x166: {  	v5 =	vld [tilespmem:s30+$0xFFFFFFD0]  }
0x167: {  	v6 =	vld [tilespmem:s0+$0xFFFFFFE0]  }
0x168: {  	v7 =	vld [tilespmem:s0+$0x0]  }
0x169: {  	v8 =	vld [tilespmem:s1+$0xFFFFFFD0]  }
0x16a: {  	v9 =	vld [tilespmem:s30+$0x0]  }
0x16b: {  	v10 =	vld [tilespmem:s0+$0x10]  }
0x16c: {  	v11 =	vld [tilespmem:s30+$0x10]  }
0x16d: {  	v12 =	vld [tilespmem:s1+$0xFFFFFFE0]  }
0x16e: {  	v13 =	vld [tilespmem:s0+$0x20]  }
0x16f: {  	v58 =	vld [tilespmem:s30+$0x20]  }
0x170: {  	v14 =	vld [tilespmem:s1+$0xFFFFFFF0]  }
0x171: {  	v59 =	vld [tilespmem:s1+$0x0]  }
0x172: {  	v60 =	vld [tilespmem:s1+$0x10]  }
0x173: {  	v1 =	vmul.f32 v3, v1;
	v3 =	vld [tilespmem:s30+$0xFFFFFFE0]  }
0x174: {  	v61 =	vld [tilespmem:s1+$0x20]  }
0x175: {  	v62 =	vld [tilespmem:s30+$0xFFFFFFC0]  }
0x176: {  	[tilespmem:v2+s2+$0x0] =	vst.idx.add.f32.msk $0xffff, v1  }
0x177: {  	v4 =	vmul.f32 v5, v4;
	v1 =	vld [tilespmem:s0+$0xFFFFFFF0]  }
0x178: {  	v2 =	vld [tilespmem:s30+$0xFFFFFFF0];
	v3 =	vmul.f32 v3, v6  }
0x179: {  	[tilespmem:v8+s2+$0x0] =	vst.idx.add.f32.msk $0xffff, v4  }
0x17a: {  	v7 =	vmul.f32 v9, v7;
	[tilespmem:v12+s2+$0x0] =	vst.idx.add.f32.msk $0xffff, v3  }
0x17b: {  	v63 =	vmul.f32 v11, v10;
	v3 =	vld [tilespmem:s0+$0xFFFFFFC0]  }
0x17c: {  	v5 =	vmul.f32 v58, v13;
	[tilespmem:v59+s2+$0x0] =	vst.idx.add.f32.msk $0xffff, v7  }
0x17d: {  	[tilespmem:v60+s2+$0x0] =	vst.idx.add.f32.msk $0xffff, v63  }
0x17e: {  	[tilespmem:v61+s2+$0x0] =	vst.idx.add.f32.msk $0xffff, v5;
	v1 =	vmul.f32 v2, v1  }
0x17f: {  	v2 =	vld [tilespmem:s1+$0xFFFFFFC0]  }
0x180: {  	s6 =	simm.s32 $0x7740;
	s0 =	simm.s32 $0x0;
	[tilespmem:v14+s2+$0x0] =	vst.idx.add.f32.msk $0xffff, v1;
	v1 =	vmul.f32 v62, v3  }
.LBB2_16:
0x181: {  	v3 =	vld [tilespmem:s6+$0x30];
	s1 =	sadd.s32 $0x80, s1  }
0x182: {  	s0 =	sadd.s32 $0x8, s0;
	s30 =	sadd.s32 $0x80, s30;
	v4 =	vld [tilespmem:s1+$0x30]  }
0x183: {  	p1 =	slt.u32 s0, $0x268;
	v5 =	vld [tilespmem:s30+$0x30]  }
0x184: {  	v6 =	vld [tilespmem:s6+$0xFFFFFFC0]  }
0x185: {  	v7 =	vld [tilespmem:s30+$0xFFFFFFC0]  }
0x186: {  	v8 =	vld [tilespmem:s6+$0xFFFFFFD0]  }
0x187: {  	v9 =	vld [tilespmem:s30+$0xFFFFFFD0]  }
0x188: {  	v10 =	vld [tilespmem:s6+$0xFFFFFFE0];
	v3 =	vmul.f32 v5, v3  }
0x189: {  	v5 =	vld [tilespmem:s30+$0xFFFFFFE0]  }
0x18a: {  	v6 =	vmul.f32 v7, v6;
	[tilespmem:v4+s2+$0x0] =	vst.idx.add.f32.msk $0xffff, v3  }
0x18b: {  	v3 =	vld [tilespmem:s6+$0xFFFFFFF0]  }
0x18c: {  	v4 =	vmul.f32 v9, v8;
	v7 =	vld [tilespmem:s30+$0xFFFFFFF0]  }
0x18d: {  	v8 =	vld [tilespmem:s6+$0x0]  }
0x18e: {  	v5 =	vmul.f32 v5, v10;
	v9 =	vld [tilespmem:s30+$0x0]  }
0x18f: {  	v10 =	vld [tilespmem:s6+$0x10]  }
0x190: {  	v11 =	vld [tilespmem:s30+$0x10]  }
0x191: {  	v3 =	vmul.f32 v7, v3;
	v7 =	vld [tilespmem:s6+$0x20]  }
0x192: {  	v12 =	vld [tilespmem:s30+$0x20]  }
0x193: {  	v13 =	vld [tilespmem:s1+$0xFFFFFFD0];
	v8 =	vmul.f32 v9, v8  }
0x194: {  	v9 =	vld [tilespmem:s1+$0xFFFFFFE0]  }
0x195: {  	v14 =	vld [tilespmem:s1+$0xFFFFFFF0];
	v10 =	vmul.f32 v11, v10  }
0x196: {  	v11 =	vld [tilespmem:s1+$0x0]  }
0x197: {  	v15 =	vld [tilespmem:s1+$0x10];
	v7 =	vmul.f32 v12, v7  }
0x198: {  	v12 =	vld [tilespmem:s1+$0x20]  }
0x199: {  	v16 =	vld [tilespmem:s1+$0xFFFFFFC0]  }
0x19a: {  	[tilespmem:v2+s2+$0x0] =	vst.idx.add.f32.msk $0xffff, v1;
	v1 =	vmov v6  }
0x19b: {  	[tilespmem:v13+s2+$0x0] =	vst.idx.add.f32.msk $0xffff, v4  }
.Ltmp9:
0x19c: {  	[tilespmem:v9+s2+$0x0] =	vst.idx.add.f32.msk $0xffff, v5;
	(pc) =	sbr.rel @p1 .LBB2_16-.Ltmp9, $4  }
0x19d: {  	[tilespmem:v14+s2+$0x0] =	vst.idx.add.f32.msk $0xffff, v3  }
0x19e: {  	[tilespmem:v11+s2+$0x0] =	vst.idx.add.f32.msk $0xffff, v8;
	v2 =	vmov v16  }
0x19f: {  	[tilespmem:v15+s2+$0x0] =	vst.idx.add.f32.msk $0xffff, v10  }
0x1a0: {  	s6 =	sadd.s32 $0x80, s6;
	[tilespmem:v12+s2+$0x0] =	vst.idx.add.f32.msk $0xffff, v7  }
0x1a1: {  	_ =	sdelay $0x3  }
0x1a2: {  	[tilespmem:v2+s2+$0x0] =	vst.idx.add.f32.msk $0xffff, v1  }
0x1a3: {  	v1 =	vld [tilespmem:$0x7600]  }
0x1a4: {  	v2 =	vld [tilespmem:$0x9D80]  }
0x1a5: {  	v3 =	vld [tilespmem:$0xC500];
	_ =	sdelay $0x2  }
.Ltmp10:
0x1a6: {  	_ = 	snop;
	(pc) =	sbr.rel @p0 .LBB2_21-.Ltmp10, $3  }
0x1a7: {  	_ = 	snop  }
0x1a8: {  	v2 =	vmul.f32 v3, v2;
	_ =	sdelay $0x1  }
0x1a9: {  	[tilespmem:v1+s2+$0x0] =	vst.idx.add.f32.msk $0xffff, v2  }
0x1aa: {  	[tilespmem:s26], [sflag:$0x1] =	stream.linear.gather [hbm4b:s14+s2], $0x2710, $0x38;
	[tilespmem:$0xED00] =	vst v63  }
0x1ab: {  	_ =	swait.ge [sflag:s23], $0x2710  }
0x1ac: {  	[sflag:s23] =	ssyncset.done $0x0  }
0x1ad: {  	s1 =	simm.s32 $0x4F40;
	[sflag:s23] =	ssyncadd.s32 $0xFFFFD8F0  }
0x1ae: {  	v1 =	vld [tilespmem:s1+$0x30]  }
0x1af: {  	v2 =	vld [tilespmem:s1+$0xFFFFFFD0]  }
0x1b0: {  	s0 =	simm.s32 $0xC5C0;
	v3 =	vld [tilespmem:s1+$0xFFFFFFE0]  }
0x1b1: {  	v4 =	vld [tilespmem:s0+$0x30]  }
0x1b2: {  	v5 =	vld [tilespmem:s1+$0xFFFFFFF0]  }
0x1b3: {  	v6 =	vld [tilespmem:s1+$0x0]  }
0x1b4: {  	v7 =	vld [tilespmem:s1+$0x10]  }
0x1b5: {  	v8 =	vld [tilespmem:s1+$0x20]  }
0x1b6: {  	v63 =	vld [tilespmem:s0+$0xFFFFFFC0]  }
0x1b7: {  	v9 =	vld [tilespmem:s0+$0xFFFFFFD0]  }
0x1b8: {  	v10 =	vld [tilespmem:s0+$0xFFFFFFE0]  }
0x1b9: {  	v11 =	vld [tilespmem:s0+$0xFFFFFFF0]  }
0x1ba: {  	v12 =	vld [tilespmem:s0+$0x0]  }
0x1bb: {  	v13 =	vld [tilespmem:s0+$0x10]  }
0x1bc: {  	[tilespmem:v1+s28+$0x0] =	vst.idx.add.f32.msk $0xffff, v4  }
0x1bd: {  	v1 =	vld [tilespmem:s1+$0xFFFFFFC0]  }
0x1be: {  	v14 =	vld [tilespmem:s0+$0x20]  }
0x1bf: {  	[tilespmem:v2+s28+$0x0] =	vst.idx.add.f32.msk $0xffff, v9  }
0x1c0: {  	[tilespmem:v3+s28+$0x0] =	vst.idx.add.f32.msk $0xffff, v10  }
0x1c1: {  	[tilespmem:v5+s28+$0x0] =	vst.idx.add.f32.msk $0xffff, v11  }
0x1c2: {  	[tilespmem:v6+s28+$0x0] =	vst.idx.add.f32.msk $0xffff, v12  }
0x1c3: {  	[tilespmem:v7+s28+$0x0] =	vst.idx.add.f32.msk $0xffff, v13  }
0x1c4: {  	[tilespmem:v8+s28+$0x0] =	vst.idx.add.f32.msk $0xffff, v14  }
0x1c5: {  	s6 =	simm.s32 $0x4FC0;
	s1 =	simm.s32 $0x0;
	[tilespmem:v1+s28+$0x0] =	vst.idx.add.f32.msk $0xffff, v63  }
.LBB2_19:
0x1c6: {  	v1 =	vld [tilespmem:s6+$0x30];
	s1 =	sadd.s32 $0x8, s1  }
0x1c7: {  	v2 =	vld [tilespmem:s6+$0xFFFFFFD0];
	p1 =	slt.u32 s1, $0x268  }
0x1c8: {  	s0 =	sadd.s32 $0x80, s0;
	v3 =	vld [tilespmem:s6+$0xFFFFFFE0]  }
0x1c9: {  	v4 =	vld [tilespmem:s0+$0x30]  }
0x1ca: {  	v5 =	vld [tilespmem:s6+$0xFFFFFFF0]  }
0x1cb: {  	v6 =	vld [tilespmem:s6+$0x0]  }
0x1cc: {  	v7 =	vld [tilespmem:s6+$0x10]  }
0x1cd: {  	v8 =	vld [tilespmem:s6+$0x20]  }
0x1ce: {  	[tilespmem:v1+s28+$0x0] =	vst.idx.add.f32.msk $0xffff, v4  }
0x1cf: {  	v1 =	vld [tilespmem:s6+$0xFFFFFFC0]  }
0x1d0: {  	v4 =	vld [tilespmem:s0+$0xFFFFFFC0]  }
0x1d1: {  	v9 =	vld [tilespmem:s0+$0xFFFFFFD0]  }
0x1d2: {  	v10 =	vld [tilespmem:s0+$0xFFFFFFE0]  }
0x1d3: {  	v11 =	vld [tilespmem:s0+$0xFFFFFFF0]  }
0x1d4: {  	v12 =	vld [tilespmem:s0+$0x0]  }
0x1d5: {  	v13 =	vld [tilespmem:s0+$0x10]  }
0x1d6: {  	v14 =	vld [tilespmem:s0+$0x20]  }
0x1d7: {  	[tilespmem:v1+s28+$0x0] =	vst.idx.add.f32.msk $0xffff, v4  }
0x1d8: {  	[tilespmem:v2+s28+$0x0] =	vst.idx.add.f32.msk $0xffff, v9  }
.Ltmp11:
0x1d9: {  	[tilespmem:v3+s28+$0x0] =	vst.idx.add.f32.msk $0xffff, v10;
	(pc) =	sbr.rel @p1 .LBB2_19-.Ltmp11, $4  }
0x1da: {  	[tilespmem:v5+s28+$0x0] =	vst.idx.add.f32.msk $0xffff, v11  }
0x1db: {  	[tilespmem:v6+s28+$0x0] =	vst.idx.add.f32.msk $0xffff, v12  }
0x1dc: {  	[tilespmem:v7+s28+$0x0] =	vst.idx.add.f32.msk $0xffff, v13  }
0x1dd: {  	s6 =	sadd.s32 $0x80, s6;
	[tilespmem:v8+s28+$0x0] =	vst.idx.add.f32.msk $0xffff, v14  }
0x1de: {  	v1 =	vld [tilespmem:$0x7600];
	_ =	sdelay $0x2  }
0x1df: {  	v2 =	vld [tilespmem:$0xEC80];
	_ =	sdelay $0x4  }
0x1e0: {  	[tilespmem:v1+s28+$0x0] =	vst.idx.add.f32.msk $0xffff, v2  }
.LBB2_21:
0x1e1: {  	[tilespmem:s22], [sflag:$0x1] =	stream.linear.gather [hbm4b:s15+s2], $0xCD0, $0x38;
	[tilespmem:$0xED00] =	vst v63  }
0x1e2: {  	_ =	swait.ge [sflag:s23], $0xCD0  }
0x1e3: {  	[sflag:s23] =	ssyncset.done $0x0  }
0x1e4: {  	[sflag:s23] =	ssyncadd.s32 $0xFFFFF330  }
0x1e5: {  	[tilespmem:s24], [sflag:$0x1] =	stream.linear.gather [hbm4b:s16+s2], $0xCD0, $0x38;
	[tilespmem:$0xED00] =	vst v63  }
0x1e6: {  	_ =	swait.ge [sflag:s23], $0xCD0  }
0x1e7: {  	[sflag:s23] =	ssyncset.done $0x0  }
0x1e8: {  	[sflag:s23] =	ssyncadd.s32 $0xFFFFF330  }
0x1e9: {  	[tilespmem:s25], [sflag:$0x1] =	stream.linear.gather [hbm4b:s17+s2], $0xCD0, $0x38;
	[tilespmem:$0xED00] =	vst v63  }
0x1ea: {  	_ =	swait.ge [sflag:s23], $0xCD0  }
0x1eb: {  	[sflag:s23] =	ssyncset.done $0x0  }
0x1ec: {  	s0 =	simm.s32 $0x76C0;
	[sflag:s23] =	ssyncadd.s32 $0xFFFFF330  }
0x1ed: {  	s31 =	simm.s32 $0x4F40;
	v1 =	vld [tilespmem:s0+$0x30]  }
0x1ee: {  	s1 =	simm.s32 $0x9E40;
	v2 =	vld [tilespmem:s31+$0x30]  }
0x1ef: {  	v3 =	vld [tilespmem:s1+$0x30]  }
0x1f0: {  	v4 =	vld [tilespmem:s0+$0xFFFFFFD0]  }
0x1f1: {  	v5 =	vld [tilespmem:s1+$0xFFFFFFD0]  }
0x1f2: {  	v6 =	vld [tilespmem:s0+$0xFFFFFFE0]  }
0x1f3: {  	v7 =	vld [tilespmem:s0+$0x0]  }
0x1f4: {  	v8 =	vld [tilespmem:s31+$0xFFFFFFD0]  }
0x1f5: {  	v9 =	vld [tilespmem:s1+$0x0]  }
0x1f6: {  	v10 =	vld [tilespmem:s0+$0x10]  }
0x1f7: {  	v11 =	vld [tilespmem:s1+$0x10]  }
0x1f8: {  	v12 =	vld [tilespmem:s31+$0xFFFFFFE0]  }
0x1f9: {  	v13 =	vld [tilespmem:s0+$0x20]  }
0x1fa: {  	v58 =	vld [tilespmem:s1+$0x20]  }
0x1fb: {  	v14 =	vld [tilespmem:s31+$0xFFFFFFF0]  }
0x1fc: {  	v59 =	vld [tilespmem:s31+$0x0]  }
0x1fd: {  	v60 =	vld [tilespmem:s31+$0x10]  }
0x1fe: {  	v1 =	vmul.f32 v3, v1;
	v3 =	vld [tilespmem:s1+$0xFFFFFFE0]  }
0x1ff: {  	v61 =	vld [tilespmem:s31+$0x20]  }
0x200: {  	s30 =	simm.s32 $0x0;
	v62 =	vld [tilespmem:s1+$0xFFFFFFC0]  }
0x201: {  	[tilespmem:v2+s30+$0x0] =	vst.idx.add.f32.msk $0xffff, v1  }
0x202: {  	v4 =	vmul.f32 v5, v4;
	v1 =	vld [tilespmem:s0+$0xFFFFFFF0]  }
0x203: {  	v2 =	vld [tilespmem:s1+$0xFFFFFFF0];
	v3 =	vmul.f32 v3, v6  }
0x204: {  	[tilespmem:v8+s30+$0x0] =	vst.idx.add.f32.msk $0xffff, v4  }
0x205: {  	v7 =	vmul.f32 v9, v7;
	[tilespmem:v12+s30+$0x0] =	vst.idx.add.f32.msk $0xffff, v3  }
0x206: {  	v63 =	vmul.f32 v11, v10;
	v3 =	vld [tilespmem:s0+$0xFFFFFFC0]  }
0x207: {  	v5 =	vmul.f32 v58, v13;
	[tilespmem:v59+s30+$0x0] =	vst.idx.add.f32.msk $0xffff, v7  }
0x208: {  	[tilespmem:v60+s30+$0x0] =	vst.idx.add.f32.msk $0xffff, v63  }
0x209: {  	[tilespmem:v61+s30+$0x0] =	vst.idx.add.f32.msk $0xffff, v5;
	v1 =	vmul.f32 v2, v1  }
0x20a: {  	v2 =	vld [tilespmem:s31+$0xFFFFFFC0]  }
0x20b: {  	s6 =	simm.s32 $0x7740;
	s10 =	simm.s32 $0x0;
	s0 =	simm.s32 $0x0;
	[tilespmem:v14+s30+$0x0] =	vst.idx.add.f32.msk $0xffff, v1;
	v1 =	vmul.f32 v62, v3  }
.LBB2_22:
0x20c: {  	v3 =	vld [tilespmem:s6+$0x30];
	s31 =	sadd.s32 $0x80, s31  }
0x20d: {  	s0 =	sadd.s32 $0x8, s0;
	s1 =	sadd.s32 $0x80, s1;
	v4 =	vld [tilespmem:s31+$0x30]  }
0x20e: {  	p1 =	slt.u32 s0, $0xC0;
	v5 =	vld [tilespmem:s1+$0x30]  }
0x20f: {  	v6 =	vld [tilespmem:s6+$0xFFFFFFC0]  }
0x210: {  	v7 =	vld [tilespmem:s1+$0xFFFFFFC0]  }
0x211: {  	v8 =	vld [tilespmem:s6+$0xFFFFFFD0]  }
0x212: {  	v9 =	vld [tilespmem:s1+$0xFFFFFFD0]  }
0x213: {  	v10 =	vld [tilespmem:s6+$0xFFFFFFE0];
	v3 =	vmul.f32 v5, v3  }
0x214: {  	v5 =	vld [tilespmem:s1+$0xFFFFFFE0]  }
0x215: {  	v6 =	vmul.f32 v7, v6;
	[tilespmem:v4+s30+$0x0] =	vst.idx.add.f32.msk $0xffff, v3  }
0x216: {  	v3 =	vld [tilespmem:s6+$0xFFFFFFF0]  }
0x217: {  	v4 =	vmul.f32 v9, v8;
	v7 =	vld [tilespmem:s1+$0xFFFFFFF0]  }
0x218: {  	v8 =	vld [tilespmem:s6+$0x0]  }
0x219: {  	v5 =	vmul.f32 v5, v10;
	v9 =	vld [tilespmem:s1+$0x0]  }
0x21a: {  	v10 =	vld [tilespmem:s6+$0x10]  }
0x21b: {  	v11 =	vld [tilespmem:s1+$0x10]  }
0x21c: {  	v3 =	vmul.f32 v7, v3;
	v7 =	vld [tilespmem:s6+$0x20]  }
0x21d: {  	v12 =	vld [tilespmem:s1+$0x20]  }
0x21e: {  	v13 =	vld [tilespmem:s31+$0xFFFFFFD0];
	v8 =	vmul.f32 v9, v8  }
0x21f: {  	v9 =	vld [tilespmem:s31+$0xFFFFFFE0]  }
0x220: {  	v14 =	vld [tilespmem:s31+$0xFFFFFFF0];
	v10 =	vmul.f32 v11, v10  }
0x221: {  	v11 =	vld [tilespmem:s31+$0x0]  }
0x222: {  	v15 =	vld [tilespmem:s31+$0x10];
	v7 =	vmul.f32 v12, v7  }
0x223: {  	v12 =	vld [tilespmem:s31+$0x20]  }
0x224: {  	v16 =	vld [tilespmem:s31+$0xFFFFFFC0]  }
0x225: {  	[tilespmem:v2+s10+$0x0] =	vst.idx.add.f32.msk $0xffff, v1;
	v1 =	vmov v6;
	s10 =	smov.u32 s30  }
0x226: {  	[tilespmem:v13+s10+$0x0] =	vst.idx.add.f32.msk $0xffff, v4  }
.Ltmp12:
0x227: {  	[tilespmem:v9+s10+$0x0] =	vst.idx.add.f32.msk $0xffff, v5;
	(pc) =	sbr.rel @p1 .LBB2_22-.Ltmp12, $4  }
0x228: {  	[tilespmem:v14+s10+$0x0] =	vst.idx.add.f32.msk $0xffff, v3  }
0x229: {  	[tilespmem:v11+s10+$0x0] =	vst.idx.add.f32.msk $0xffff, v8;
	v2 =	vmov v16  }
0x22a: {  	[tilespmem:v15+s10+$0x0] =	vst.idx.add.f32.msk $0xffff, v10  }
0x22b: {  	s6 =	sadd.s32 $0x80, s6;
	[tilespmem:v12+s10+$0x0] =	vst.idx.add.f32.msk $0xffff, v7  }
0x22c: {  	_ =	sdelay $0x3  }
0x22d: {  	[tilespmem:v2+s10+$0x0] =	vst.idx.add.f32.msk $0xffff, v1  }
.LBB2_24:
0x22e: {  	s0 =	sshra.s32 s30, $0x2  }
0x22f: {  	v1 =	vld [tilespmem:s0+$0x5B80]  }
0x230: {  	v2 =	vld [tilespmem:s0+$0x8300]  }
0x231: {  	v3 =	vld [tilespmem:s0+$0xAA80];
	_ =	sdelay $0x1  }
0x232: {  	p1 =	sne.s32 s30, $0x100  }
.Ltmp13:
0x233: {  	_ = 	snop;
	(pc) =	sbr.rel @p1 .LBB2_24-.Ltmp13, $3  }
0x234: {  	_ = 	snop  }
0x235: {  	v2 =	vmul.f32 v3, v2;
	_ =	sdelay $0x1  }
0x236: {  	s30 =	sadd.s32 $0x40, s30;
	[tilespmem:v1+s2+$0x0] =	vst.idx.add.f32.msk $0xffff, v2  }
.Ltmp14:
0x237: {  	(pc) =	sbr.rel @p0 .LBB2_30-.Ltmp14, $2  }
0x238: {  	_ =	sdelay $0x2  }
0x239: {  	s0 =	simm.s32 $0x0;
	s1 =	smov.u32 s18  }
0x23a: {  	[tilespmem:s26], [sflag:$0x1] =	stream.linear.gather [hbm4b:s19+s2], $0xCD0, $0x38;
	[tilespmem:$0xED00] =	vst v63  }
0x23b: {  	_ =	swait.ge [sflag:s23], $0xCD0  }
0x23c: {  	[sflag:s23] =	ssyncset.done $0x0  }
0x23d: {  	s1 =	simm.s32 $0x4F40;
	[sflag:s23] =	ssyncadd.s32 $0xFFFFF330  }
0x23e: {  	v1 =	vld [tilespmem:s1+$0x30]  }
0x23f: {  	v2 =	vld [tilespmem:s1+$0xFFFFFFD0]  }
0x240: {  	s0 =	simm.s32 $0xC5C0;
	v3 =	vld [tilespmem:s1+$0xFFFFFFE0]  }
0x241: {  	v4 =	vld [tilespmem:s0+$0x30]  }
0x242: {  	v5 =	vld [tilespmem:s1+$0xFFFFFFF0]  }
0x243: {  	v6 =	vld [tilespmem:s1+$0x0]  }
0x244: {  	v7 =	vld [tilespmem:s1+$0x10]  }
0x245: {  	v8 =	vld [tilespmem:s1+$0x20]  }
0x246: {  	v63 =	vld [tilespmem:s0+$0xFFFFFFC0]  }
0x247: {  	v9 =	vld [tilespmem:s0+$0xFFFFFFD0]  }
0x248: {  	v10 =	vld [tilespmem:s0+$0xFFFFFFE0]  }
0x249: {  	v11 =	vld [tilespmem:s0+$0xFFFFFFF0]  }
0x24a: {  	v12 =	vld [tilespmem:s0+$0x0]  }
0x24b: {  	v13 =	vld [tilespmem:s0+$0x10]  }
0x24c: {  	[tilespmem:v1+s28+$0x0] =	vst.idx.add.f32.msk $0xffff, v4  }
0x24d: {  	v1 =	vld [tilespmem:s1+$0xFFFFFFC0]  }
0x24e: {  	v14 =	vld [tilespmem:s0+$0x20]  }
0x24f: {  	[tilespmem:v2+s28+$0x0] =	vst.idx.add.f32.msk $0xffff, v9  }
0x250: {  	[tilespmem:v3+s28+$0x0] =	vst.idx.add.f32.msk $0xffff, v10  }
0x251: {  	[tilespmem:v5+s28+$0x0] =	vst.idx.add.f32.msk $0xffff, v11  }
0x252: {  	[tilespmem:v6+s28+$0x0] =	vst.idx.add.f32.msk $0xffff, v12  }
0x253: {  	[tilespmem:v7+s28+$0x0] =	vst.idx.add.f32.msk $0xffff, v13  }
0x254: {  	[tilespmem:v8+s28+$0x0] =	vst.idx.add.f32.msk $0xffff, v14  }
0x255: {  	s6 =	simm.s32 $0x4FC0;
	s1 =	simm.s32 $0x0;
	[tilespmem:v1+s28+$0x0] =	vst.idx.add.f32.msk $0xffff, v63  }
.LBB2_27:
0x256: {  	v1 =	vld [tilespmem:s6+$0x30];
	s1 =	sadd.s32 $0x8, s1  }
0x257: {  	v2 =	vld [tilespmem:s6+$0xFFFFFFD0];
	p1 =	slt.u32 s1, $0xC0  }
0x258: {  	s0 =	sadd.s32 $0x80, s0;
	v3 =	vld [tilespmem:s6+$0xFFFFFFE0]  }
0x259: {  	v4 =	vld [tilespmem:s0+$0x30]  }
0x25a: {  	v5 =	vld [tilespmem:s6+$0xFFFFFFF0]  }
0x25b: {  	v6 =	vld [tilespmem:s6+$0x0]  }
0x25c: {  	v7 =	vld [tilespmem:s6+$0x10]  }
0x25d: {  	v8 =	vld [tilespmem:s6+$0x20]  }
0x25e: {  	s10 =	simm.s32 $0x0;
	[tilespmem:v1+s28+$0x0] =	vst.idx.add.f32.msk $0xffff, v4  }
0x25f: {  	v1 =	vld [tilespmem:s6+$0xFFFFFFC0]  }
0x260: {  	v4 =	vld [tilespmem:s0+$0xFFFFFFC0]  }
0x261: {  	v9 =	vld [tilespmem:s0+$0xFFFFFFD0]  }
0x262: {  	v10 =	vld [tilespmem:s0+$0xFFFFFFE0]  }
0x263: {  	v11 =	vld [tilespmem:s0+$0xFFFFFFF0]  }
0x264: {  	v12 =	vld [tilespmem:s0+$0x0]  }
0x265: {  	v13 =	vld [tilespmem:s0+$0x10]  }
0x266: {  	v14 =	vld [tilespmem:s0+$0x20]  }
0x267: {  	[tilespmem:v1+s28+$0x0] =	vst.idx.add.f32.msk $0xffff, v4  }
0x268: {  	[tilespmem:v2+s28+$0x0] =	vst.idx.add.f32.msk $0xffff, v9  }
.Ltmp15:
0x269: {  	[tilespmem:v3+s28+$0x0] =	vst.idx.add.f32.msk $0xffff, v10;
	(pc) =	sbr.rel @p1 .LBB2_27-.Ltmp15, $4  }
0x26a: {  	[tilespmem:v5+s28+$0x0] =	vst.idx.add.f32.msk $0xffff, v11  }
0x26b: {  	[tilespmem:v6+s28+$0x0] =	vst.idx.add.f32.msk $0xffff, v12  }
0x26c: {  	[tilespmem:v7+s28+$0x0] =	vst.idx.add.f32.msk $0xffff, v13  }
0x26d: {  	s6 =	sadd.s32 $0x80, s6;
	[tilespmem:v8+s28+$0x0] =	vst.idx.add.f32.msk $0xffff, v14  }
.LBB2_28:
0x26e: {  	s0 =	sshra.s32 s10, $0x2  }
0x26f: {  	v1 =	vld [tilespmem:s0+$0x5B80];
	_ =	sdelay $0x2  }
0x270: {  	p1 =	sne.s32 s10, $0x100;
	v2 =	vld [tilespmem:s0+$0xD200]  }
.Ltmp16:
0x271: {  	_ = 	snop;
	(pc) =	sbr.rel @p1 .LBB2_28-.Ltmp16, $2  }
0x272: {  	_ =	sdelay $0x2  }
0x273: {  	s10 =	sadd.s32 $0x40, s10;
	[tilespmem:v1+s28+$0x0] =	vst.idx.add.f32.msk $0xffff, v2  }
.Ltmp17:
0x274: {  	(pc) =	sbr.rel .LBB2_30-.Ltmp17, $4  }
0x275: {  	[hbm4b:s18+s2] =	stream.linear.scatter [tilespmem:s2], [sflag:$0x1], $0x2710, $0x38;
	[tilespmem:$0xED00] =	vst v63  }
0x276: {  	_ =	swait.ge [sflag:s23], $0x2710  }
0x277: {  	[sflag:s23] =	ssyncset.done $0x0  }
0x278: {  	s0 =	simm.s32 $0x2780;
	s1 =	smov.u32 s20;
	[sflag:s23] =	ssyncadd.s32 $0xFFFFD8F0  }
.LBB2_31:
0x279: {  	_ =	sfence.sel $0x180000  }
0x27a: {  	[bflag:$0x0] =	sbarrier.arrive $0xFFFF  }
0x27b: {  	_ =	strace $0x9000004D  }
0x27c: {  	s0 =	stileid.u32;
	[bflag:$0x2] =	sbarrier.arrive $0xFFFF  }
0x27d: {  	p0 =	sne.s32 s0, $0x0;
	s0 =	rddreg [dreg:$0x2]  }
0x27e: {  	s0 =	sadd.s32 @!p0 $0x100000, s0  }
0x27f: {  	[sflag:s0] =	ssyncadd.tile.s32 @!p0 $0x1;
	_ =	shalt  }
.Lfunc_end2:
_tile_overlayer_lowered:
.L_overlay_start_2:
0x280: {  	(tag) =	ssettag $0x2  }
0x281: {  	s0 =	rddreg [dreg:$0x0];
	s2 =	stileid.u32  }
0x282: {  	s1 =	rddreg [dreg:$0x1];
	p0 =	sne.s32 s2, $0x0  }
0x283: {  	s3 =	rddreg [dreg:$0x2];
	[bflag:$0x3] =	sbarrier.arrive $0xFFFF;
	s2 =	simm.s32 @!p0 $0x1C01  }
0x284: {  	[timem:s3], [sflag:s2] =	dma.local @!p0 [hbm:s0], s1  }
0x285: {  	s0 =	simm.s32 @!p0 $0x1  }
0x286: {  	_ =	swait.ge @!p0 [sflag:s0], s1  }
0x287: {  	s1 =	ssub.s32 @!p0 $0x0, s1;
	[sflag:s0] =	ssyncset.done @!p0 $0x0  }
0x288: {  	[sflag:s0] =	ssyncadd.s32 @!p0 s1  }
0x289: {  	[bflag:$0x3] =	sbarrier.arrive $0xFFFF  }
0x28a: {  	_ =	shalt  }

// kernel: kernel.16.cloned.1.call-start
scs
__scs_entry_jumppad:
0x0: {  	(pc) =	sbr.rel $0x88, $3  }
0x1: {  	(tag) =	ssettag $0x0;
	lr =	simm.s32 $0x1  }
0x2: {  	[smem:$0x3F92] =	sst lr;
	_ =	strace $0xD0000000  }
0x3: {  	_ = 	snop  }
0x4: {  	_ = 	snop  }
0x5: {  	_ = 	snop  }
0x6: {  	_ = 	snop  }
0x7: {  	_ = 	snop  }
__scs_overlays_trampoline_lowered:
0x8: {  	[smem:$0x3FA1] =	sst s0  }
0x9: {  	[smem:$0x3FA2] =	sst s1  }
0xa: {  	[smem:$0x3FA3] =	sst s2  }
0xb: {  	[smem:$0x3FA4] =	sst s3  }
0xc: {  	[smem:$0x3FA5] =	sst s4  }
0xd: {  	[smem:$0x3FA6] =	sst s5  }
0xe: {  	[smem:$0x3FA7] =	sst s6  }
0xf: {  	[smem:$0x3FA8] =	sst s7  }
0x10: {  	[smem:$0x3FA9] =	sst s8  }
0x11: {  	[smem:$0x3FAA] =	sst s9;
	s0 =	simm.s32 @!p0 $0x0  }
0x12: {  	s1 =	sld [smem:$0x3F90];
	s0 =	simm.s32 @p0 $0x1  }
0x13: {  	[smem:$0x3FAB] =	sst s0;
	s0 =	simm.s32 @!p1 $0x0  }
0x14: {  	s2 =	sld [smem:$0x3F8F];
	s0 =	simm.s32 @p1 $0x1  }
0x15: {  	[smem:$0x3FAC] =	sst s0;
	s0 =	simm.s32 @!p2 $0x0  }
0x16: {  	s3 =	sld [smem:$0x3FDB];
	s0 =	simm.s32 @p2 $0x1  }
0x17: {  	s4 =	simm.s32 $0x1BF5;
	[smem:$0x3FAE] =	sst s0  }
0x18: {  	s0 =	sld [smem:$0x3F91];
	_ =	swait.ge [sflag:s4], $0x0  }
0x19: {  	s7 =	sld [smem:$0x3F92]  }
0x1a: {  	s8 =	sadd.s32 $0xFFFFE003, lr  }
0x1b: {  	s9 =	sadd.s32 $0xFFFFFEF7, lr;
	s5 =	simm.s32 $0xFFFFFFFF;
	p2 =	slt.u32 s8, $0xFFFFF086  }
0x1c: {  	p1 =	slt.u32 s9, $0xF7A;
	s5 =	simm.s32 @!p2 $0x0  }
0x1d: {  	s5 =	simm.s32 @p1 $0x1;
	p0 =	seq.s32 s7, s2  }
0x1e: {  	s7 =	smul.u32 @!p0 $0xF7A, s2;
	p2 =	seq.s32 @!p0 s5, $0x0  }
0x1f: {  	s9 =	smul.u32 $0xF7A, s1;
	s8 =	simm.s32 @!p0 $0x1BF5;
	p2 =	por !p2, p0  }
0x20: {  	[sflag:s8] =	ssyncset.s32 @!p0 $0xFFFFF086;
	s6 =	sadd.s32 @!p0 s3, s7;
	s7 =	simm.s32 @!p0 $0x108  }
0x21: {  	s3 =	sadd.s32 s3, s9;
	s6 =	sadd.s32 @!p0 $0x88, s6;
	s7 =	simm.s32 @p2 $0x1082  }
0x22: {  	[simem:s7], [sflag:s8] =	dma.local @!p0 [hbm:s6], $0xF7A  }
0x23: {  	s9 =	sor.u32 $0xD0000000, s2;
	s6 =	simm.s32 $0x108;
	_ =	swait.ge @!p0 [sflag:s8], $0x0  }
0x24: {  	s3 =	sadd.s32 $0x88, s3;
	s6 =	simm.s32 @!p1 $0x1082;
	[sflag:s4] =	ssyncset.s32 $0xFFFFF086  }
0x25: {  	[simem:s6], [sflag:s4] =	dma.local [hbm:s3], $0xF7A  }
0x26: {  	[smem:$0x3F92] =	sst s1;
	(tag) =	ssettag s2;
	_ =	strace s9  }
0x27: {  	s1 =	sld [smem:$0x3FA2]  }
0x28: {  	s2 =	sld [smem:$0x3FA3]  }
0x29: {  	s4 =	sld [smem:$0x3FA5]  }
0x2a: {  	p0 =	seq.s32 s5, $0x0;
	s5 =	sld [smem:$0x3FA6]  }
0x2b: {  	s6 =	sld [smem:$0x3FA7]  }
0x2c: {  	s7 =	sld [smem:$0x3FA8]  }
0x2d: {  	s3 =	simm.s32 $0x108;
	s8 =	sld [smem:$0x3FA9]  }
0x2e: {  	s3 =	simm.s32 @!p0 $0x1082;
	s9 =	sld [smem:$0x3FAA]  }
0x2f: {  	lr =	sadd.s32 s0, s3;
	s0 =	sld [smem:$0x3FA1]  }
0x30: {  	s3 =	sld [smem:$0x3FA4]  }
0x31: {  	[smem:$0x3FAD] =	sst s10  }
0x32: {  	s10 =	sld [smem:$0x3FAB];
	_ =	sdelay $0x3  }
0x33: {  	p0 =	seq.s32 s10, $0x1;
	s10 =	sld [smem:$0x3FAD];
	_ =	sdelay $0x3  }
0x34: {  	[smem:$0x3FAD] =	sst s10  }
0x35: {  	s10 =	sld [smem:$0x3FAC];
	_ =	sdelay $0x3  }
0x36: {  	p1 =	seq.s32 s10, $0x1;
	s10 =	sld [smem:$0x3FAD];
	_ =	sdelay $0x3  }
0x37: {  	[smem:$0x3FAD] =	sst s10  }
0x38: {  	s10 =	sld [smem:$0x3FAE]  }
0x39: {  	_ = 	snop;
	(pc) =	sbr.ind lr, $3  }
0x3a: {  	_ = 	snop  }
0x3b: {  	_ = 	snop  }
0x3c: {  	p2 =	seq.s32 s10, $0x1;
	s10 =	sld [smem:$0x3FAD]  }
0x3d: {  	_ =	shalt  }
0x3e: {  	_ =	shalt  }
0x3f: {  	_ =	shalt  }
0x40: {  	_ =	shalt  }
0x41: {  	_ =	shalt  }
0x42: {  	_ =	shalt  }
0x43: {  	_ =	shalt  }
0x44: {  	_ =	shalt  }
0x45: {  	_ =	shalt  }
0x46: {  	_ =	shalt  }
0x47: {  	_ =	shalt  }
0x48: {  	_ =	shalt  }
0x49: {  	_ =	shalt  }
0x4a: {  	_ =	shalt  }
0x4b: {  	_ =	shalt  }
0x4c: {  	_ =	shalt  }
0x4d: {  	_ =	shalt  }
0x4e: {  	_ =	shalt  }
0x4f: {  	_ =	shalt  }
0x50: {  	_ =	shalt  }
0x51: {  	_ =	shalt  }
0x52: {  	_ =	shalt  }
0x53: {  	_ =	shalt  }
0x54: {  	_ =	shalt  }
0x55: {  	_ =	shalt  }
0x56: {  	_ =	shalt  }
0x57: {  	_ =	shalt  }
0x58: {  	_ =	shalt  }
0x59: {  	_ =	shalt  }
0x5a: {  	_ =	shalt  }
0x5b: {  	_ =	shalt  }
0x5c: {  	_ =	shalt  }
0x5d: {  	_ =	shalt  }
0x5e: {  	_ =	shalt  }
0x5f: {  	_ =	shalt  }
0x60: {  	_ =	shalt  }
0x61: {  	_ =	shalt  }
0x62: {  	_ =	shalt  }
0x63: {  	_ =	shalt  }
0x64: {  	_ =	shalt  }
0x65: {  	_ =	shalt  }
0x66: {  	_ =	shalt  }
0x67: {  	_ =	shalt  }
0x68: {  	_ =	shalt  }
0x69: {  	_ =	shalt  }
0x6a: {  	_ =	shalt  }
0x6b: {  	_ =	shalt  }
0x6c: {  	_ =	shalt  }
0x6d: {  	_ =	shalt  }
0x6e: {  	_ =	shalt  }
0x6f: {  	_ =	shalt  }
0x70: {  	_ =	shalt  }
0x71: {  	_ =	shalt  }
0x72: {  	_ =	shalt  }
0x73: {  	_ =	shalt  }
0x74: {  	_ =	shalt  }
0x75: {  	_ =	shalt  }
0x76: {  	_ =	shalt  }
0x77: {  	_ =	shalt  }
0x78: {  	_ =	shalt  }
0x79: {  	_ =	shalt  }
0x7a: {  	_ =	shalt  }
0x7b: {  	_ =	shalt  }
0x7c: {  	_ =	shalt  }
0x7d: {  	_ =	shalt  }
0x7e: {  	_ =	shalt  }
0x7f: {  	_ =	shalt  }
0x80: {  	_ =	shalt  }
0x81: {  	_ =	shalt  }
0x82: {  	_ =	shalt  }
0x83: {  	_ =	shalt  }
0x84: {  	_ =	shalt  }
0x85: {  	_ =	shalt  }
0x86: {  	_ =	shalt  }
0x87: {  	_ =	shalt  }
.Lfunc_end0:
.L_simem_size_0:
called_computation.2_lowered:
.L_overlay_start_0:
0x88: {  	s2 =	sld [smem:$0x3FD9]  }
0x89: {  	s3 =	sld [smem:$0x3FFE];
	_ =	sdelay $0x1  }
0x8a: {  	s1 =	srdreg.scid  }
0x8b: {  	s0 =	sand.u32 $0x1, s1  }
0x8c: {  	s15 =	sshll.u32 s0, $0xA;
	s2 =	sadd.s32 s3, s2  }
0x8d: {  	s2 =	sadd.s32 s2, s15  }
0x8e: {  	[smem:$0x3FB9] =	sst s2  }
0x8f: {  	_ = 	snop  }
0x90: {  	s2 =	sld [smem:$0x3FD0];
	_ =	sdelay $0x2  }
0x91: {  	s16 =	simm.s32 $0xB;
	s4 =	simm.s32 $0x10  }
0x92: {  	[smem:s4], [sflag:s16] =	dma.local [hbm:s2], $0x1  }
0x93: {  	_ =	swait.eq [sflag:s16], $0x1  }
0x94: {  	[sflag:s16] =	ssyncset.done $0x0  }
0x95: {  	[sflag:s16] =	ssyncadd.s32 $0xFFFFFFFF  }
0x96: {  	s17 =	sld [smem:$0x10];
	(tm) =	ssettm $0x1  }
0x97: {  	s18 =	sld [smem:$0x3FFB];
	_ =	sdelay $0x3  }
0x98: {  	_ =	strace s18  }
0x99: {  	s2 =	sld [smem:$0x3FFC];
	_ =	sdelay $0x3  }
0x9a: {  	_ =	strace s2  }
0x9b: {  	s2 =	sld [smem:$0x3FFD];
	_ =	sdelay $0x3  }
0x9c: {  	_ =	strace s2  }
0x9d: {  	_ =	strace $0x8FFFFFFF  }
0x9e: {  	s19 =	sld [smem:$0x3FDB];
	_ =	sdelay $0x1  }
0x9f: {  	s20 =	simm.s32 $_scs_section_size  }
0xa0: {  	s5 =	simm.s32 $_size__tile_overlayer_lowered;
	s6 =	simm.s32 $_tile_overlayer_lowered  }
0xa1: {  	s7 =	simm.s32 $0x1BFF;
	s21 =	sshll.u32 s6, $0x1;
	s4 =	sadd.s32 s20, s19  }
0xa2: {  	s22 =	simm.s32 $0x0;
	s5 =	sshll.u32 s5, $0x1;
	s6 =	sadd.s32 s21, s4  }
0xa3: {  	[timem:s22], [sflag:s7] =	dma.local [hbm:s6], s5  }
0xa4: {  	_ =	swait.ge [sflag:s7], s5  }
0xa5: {  	s5 =	ssub.s32 $0x0, s5;
	[sflag:s7] =	ssyncset.done $0x0  }
0xa6: {  	[sflag:s7] =	ssyncadd.s32 s5;
	_ =	sdelay $0x1  }
0xa7: {  	s23 =	simm.s32 $0x1B8B  }
0xa8: {  	_ =	swait.ge [sflag:s23], $0x1  }
0xa9: {  	[sflag:s23] =	ssyncset.done $0x0  }
0xaa: {  	[sflag:s23] =	ssyncadd.s32 $0xFFFFFFFF  }
0xab: {  	s5 =	sld [smem:$0x0]  }
0xac: {  	s6 =	sand.u32 $0xFFFFFFFE, s1  }
0xad: {  	p0 =	sne.s32 s1, s6  }
0xae: {  	s6 =	sshll.u32 @p0 s6, $0xE  }
0xaf: {  	s6 =	sadd.s32 @p0 $0x11B8D, s6;
	s7 =	sshll.u32 @p0 s5, $0x11  }
0xb0: {  	s6 =	sor.u32 @p0 s7, s6  }
0xb1: {  	[sflag:s6] =	ssyncadd.remote.s32 @p0 $0x1;
	_ =	sdelay $0x1  }
0xb2: {  	s6 =	simm.s32 @p0 $0x1B8D  }
0xb3: {  	_ =	swait.eq @p0 [sflag:s6], $0x1  }
0xb4: {  	[sflag:s6] =	ssyncadd.s32 @p0 $0xFFFFFFFF  }
0xb5: {  	s7 =	sshll.u32 @!p0 s1, $0xE  }
0xb6: {  	s7 =	sor.u32 @!p0 $0x4000, s7;
	s6 =	simm.s32 @!p0 $0x1B8D  }
0xb7: {  	s5 =	sshll.u32 @!p0 s5, $0x11;
	s7 =	sadd.s32 @!p0 $0x11B8D, s7;
	_ =	swait.eq @!p0 [sflag:s6], $0x1  }
0xb8: {  	s5 =	sor.u32 @!p0 s5, s7;
	[sflag:s6] =	ssyncadd.s32 @!p0 $0xFFFFFFFF  }
0xb9: {  	s25 =	simm.s32 $0x1B8E;
	s24 =	sld [smem:$0x3FFE];
	[sflag:s5] =	ssyncadd.remote.s32 @!p0 $0x1  }
0xba: {  	s26 =	simm.s32 $execute0_lowered;
	[smem:$0x3FD2] =	sst s25  }
0xbb: {  	s6 =	sshll.u32 s26, $0x1;
	_ =	strace $0x80000049;
	[dreg:$0x1] =	wrdreg $0xFFFFFFFF  }
0xbc: {  	s28 =	simm.s32 $_size_execute0_lowered;
	s4 =	sadd.s32 s4, s6;
	[dreg:$0x0] =	wrdreg $0x0  }
0xbd: {  	s6 =	sshll.u32 s28, $0x1;
	[dreg:$0x2] =	wrdreg s4  }
0xbe: {  	[dreg:$0x3] =	wrdreg s6  }
0xbf: {  	[dreg:$0x4] =	wrdreg $0xC0  }
0xc0: {  	_ =	task [dreg:s22], $0x5FFFF  }
0xc1: {  	[dreg:$0x1] =	wrdreg $0xFFFFFFFF  }
0xc2: {  	[dreg:$0x0] =	wrdreg $0x60  }
0xc3: {  	[dreg:$0x2] =	wrdreg s17  }
0xc4: {  	[dreg:$0x3] =	wrdreg s24  }
0xc5: {  	[dreg:$0x4] =	wrdreg $0xA  }
0xc6: {  	_ =	task.clear_ibuf [dreg:s22], $0x5FFFF;
	_ =	strace $0x90000049  }
0xc7: {  	s29 =	simm.s32 $0xA;
	_ =	strace $0x8000004B  }
0xc8: {  	_ =	swait.ge [sflag:s29], $0x1  }
0xc9: {  	[sflag:s29] =	ssyncadd.s32 $0xFFFFFFFF  }
0xca: {  	_ =	strace $0x9000004B  }
0xcb: {  	_ =	sfence  }
0xcc: {  	s30 =	sld [smem:$0x0];
	_ =	sdelay $0x2  }
0xcd: {  	s31 =	sshll.u32 s1, $0xD;
	s1 =	sshrl.u32 s1, $0x2  }
0xce: {  	s4 =	sand.u32 $0x4000, s31;
	s1 =	sadd.s32 s1, s30  }
0xcf: {  	s0 =	sor.u32 s4, s0;
	s1 =	sshll.u32 s1, $0x11  }
0xd0: {  	s0 =	sor.u32 s1, s0  }
0xd1: {  	s0 =	sadd.s32 $0x8F2B, s0  }
0xd2: {  	[sflag:s0] =	ssyncadd.remote.s32 $0x1  }
0xd3: {  	_ =	sfence.sel $0xFFFF  }
0xd4: {  	[dreg:$0x0] =	wrdreg $0xFFFFFFFF;
	(pc) =	sbr.abs _section_cstart, $3  }
0xd5: {  	[dreg:$0x1] =	wrdreg $0xFFFFFFFF  }
0xd6: {  	_ =	task.clear_ibuf [dreg:s22], $0x2FFFF;
	_ =	strace $0x9FFFFFFF  }
0xd7: {  	(tm) =	ssettm $0x7FFFFFFF  }
tec
execute0_lowered:
.L_overlay_start_1:
0x0: {  	(tag) =	ssettag $0x1  }
0x1: {  	s1 =	srdreg.scid  }
0x2: {  	s0 =	stileid.u32;
	s5 =	rddreg [dreg:$0x0]  }
0x3: {  	s11 =	rddreg [dreg:$0x1];
	s16 =	simm.s32 $0x1;
	s17 =	simm.s32 $0x2780  }
0x4: {  	s18 =	simm.s32 $0x4F00;
	s19 =	simm.s32 $0x7680;
	s20 =	simm.s32 $0x9E00  }
0x5: {  	s21 =	simm.s32 $0xC580;
	s22 =	simm.s32 $0xED00;
	s23 =	simm.s32 $0x0  }
0x6: {  	s1 =	sand.u32 $0x1, s1;
	s2 =	sshll.u32 s0, $0x1;
	s3 =	sadd.s32 $0x74C00, s11  }
0x7: {  	s4 =	sadd.s32 $0x75600, s11;
	s12 =	sadd.s32 $0x76000, s11;
	s6 =	sor.u32 s1, s2  }
0x8: {  	s13 =	sadd.s32 $0x86600, s11;
	s2 =	simm.s32 $0x0;
	s7 =	smul.u32 $0x4E2, s6  }
0x9: {  	s1 =	ssub.s32 $0x2, s1;
	[smem:$0x7FF] =	sst s2;
	s10 =	smul.u32 $0x4150, s6  }
0xa: {  	s14 =	sadd.s32 $0x96C00, s11;
	s9 =	sshrl.u32 s1, $0x1;
	_ =	strace $0x8000004A  }
0xb: {  	s1 =	ssub.s32 s1, s9;
	s8 =	sadd.s32 s7, s11;
	s15 =	sshrl.u32 s10, $0x3  }
0xc: {  	s5 =	sadd.s32 s5, s7;
	s6 =	sadd.s32 $0x6A00, s8;
	s7 =	sadd.s32 s12, s15  }
0xd: {  	s8 =	sadd.s32 s13, s15;
	s9 =	sadd.s32 s14, s15;
	s15 =	sadd.s32 $0x4E2, s15  }
0xe: {  	s10 =	sadd.s32 $0x750E2, s11;
	s11 =	sadd.s32 $0x75AE2, s11;
	s12 =	sadd.s32 s12, s15  }
0xf: {  	s13 =	sadd.s32 s13, s15;
	s14 =	sadd.s32 s14, s15;
	s15 =	smax.u32 s1, $0x1  }
.LBB2_1:
0x10: {  	[tilespmem:s2], [sflag:$0x1] =	stream.linear.gather [hbm4b:s5+s2], $0x2710, $0x38;
	[tilespmem:$0x11480] =	vst v63  }
0x11: {  	_ =	swait.ge [sflag:s16], $0x2710  }
0x12: {  	[sflag:s16] =	ssyncset.done $0x0  }
0x13: {  	[sflag:s16] =	ssyncadd.s32 $0xFFFFD8F0  }
0x14: {  	[tilespmem:s17], [sflag:$0x1] =	stream.linear.gather [hbm4b:s6+s2], $0x2710, $0x38;
	[tilespmem:$0x11480] =	vst v63  }
0x15: {  	_ =	swait.ge [sflag:s16], $0x2710  }
0x16: {  	[sflag:s16] =	ssyncset.done $0x0  }
0x17: {  	[sflag:s16] =	ssyncadd.s32 $0xFFFFD8F0  }
0x18: {  	[tilespmem:s18], [sflag:$0x1] =	stream.linear.gather [hbm4b:s3+s2], $0x2710, $0x38;
	[tilespmem:$0x11480] =	vst v63  }
0x19: {  	_ =	swait.ge [sflag:s16], $0x2710  }
0x1a: {  	[sflag:s16] =	ssyncset.done $0x0  }
0x1b: {  	[sflag:s16] =	ssyncadd.s32 $0xFFFFD8F0  }
0x1c: {  	[tilespmem:s19], [sflag:$0x1] =	stream.linear.gather [hbm4b:s4+s2], $0x2710, $0x38;
	[tilespmem:$0x11480] =	vst v63  }
0x1d: {  	_ =	swait.ge [sflag:s16], $0x2710  }
0x1e: {  	[sflag:s16] =	ssyncset.done $0x0  }
0x1f: {  	s1 =	simm.s32 $0x4F40;
	[sflag:s16] =	ssyncadd.s32 $0xFFFFD8F0  }
0x20: {  	v0 =	vld [tilespmem:s1+$0x30]  }
0x21: {  	v1 =	vld [tilespmem:s1+$0xFFFFFFD0]  }
0x22: {  	v2 =	vld [tilespmem:s1+$0xFFFFFFE0]  }
0x23: {  	v3 =	vld [tilespmem:s1+$0xFFFFFFF0]  }
0x24: {  	v4 =	vld [tilespmem:s1+$0x0]  }
0x25: {  	v5 =	vld [tilespmem:s1+$0x10]  }
0x26: {  	s24 =	simm.s32 $0x76C0;
	v6 =	vld [tilespmem:s1+$0x20]  }
0x27: {  	v7 =	vld [tilespmem:s24+$0x30]  }
0x28: {  	v8 =	vld [tilespmem:s1+$0xFFFFFFC0]  }
0x29: {  	v9 =	vld [tilespmem:s24+$0xFFFFFFC0]  }
0x2a: {  	v10 =	vld [tilespmem:s24+$0xFFFFFFD0]  }
0x2b: {  	v11 =	vld [tilespmem:s24+$0xFFFFFFE0]  }
0x2c: {  	v12 =	vld [tilespmem:s24+$0xFFFFFFF0]  }
0x2d: {  	v13 =	vld [tilespmem:s24+$0x0]  }
0x2e: {  	v0 =	vld.idx.msk [tilespmem:v0+s2+$0x0], $0xffff  }
0x2f: {  	v14 =	vld [tilespmem:s24+$0x10]  }
0x30: {  	v1 =	vld.idx.msk [tilespmem:v1+s2+$0x0], $0xffff  }
0x31: {  	v2 =	vld.idx.msk [tilespmem:v2+s2+$0x0], $0xffff  }
0x32: {  	s25 =	simm.s32 $0x9E40;
	v8 =	vld.idx.msk [tilespmem:v8+s2+$0x0], $0xffff  }
0x33: {  	v3 =	vld.idx.msk [tilespmem:v3+s2+$0x0], $0xffff;
	[tilespmem:s25+$0x30] =	vst v0  }
0x34: {  	v0 =	vld.idx.msk [tilespmem:v7+s2+$0x0], $0xffff  }
0x35: {  	v4 =	vld.idx.msk [tilespmem:v4+s2+$0x0], $0xffff  }
0x36: {  	v5 =	vld.idx.msk [tilespmem:v5+s2+$0x0], $0xffff;
	[tilespmem:s25+$0xFFFFFFD0] =	vst v1  }
0x37: {  	v6 =	vld.idx.msk [tilespmem:v6+s2+$0x0], $0xffff;
	[tilespmem:s25+$0xFFFFFFC0] =	vst v8  }
0x38: {  	s26 =	simm.s32 $0xC5C0;
	[tilespmem:s25+$0xFFFFFFE0] =	vst v2;
	v2 =	vld.idx.msk [tilespmem:v9+s2+$0x0], $0xffff  }
0x39: {  	[tilespmem:s26+$0x30] =	vst v0;
	v0 =	vld [tilespmem:s24+$0x20]  }
0x3a: {  	[tilespmem:s25+$0xFFFFFFF0] =	vst v3;
	v3 =	vld.idx.msk [tilespmem:v10+s2+$0x0], $0xffff  }
0x3b: {  	[tilespmem:s25+$0x0] =	vst v4;
	v4 =	vld.idx.msk [tilespmem:v11+s2+$0x0], $0xffff  }
0x3c: {  	[tilespmem:s25+$0x10] =	vst v5;
	v5 =	vld.idx.msk [tilespmem:v12+s2+$0x0], $0xffff  }
0x3d: {  	v1 =	vld.idx.msk [tilespmem:v7+s17+$0x0], $0xffff  }
0x3e: {  	[tilespmem:s25+$0x20] =	vst v6;
	v6 =	vld.idx.msk [tilespmem:v13+s2+$0x0], $0xffff  }
0x3f: {  	[tilespmem:s26+$0xFFFFFFD0] =	vst v3;
	v7 =	vld.idx.msk [tilespmem:v14+s2+$0x0], $0xffff  }
0x40: {  	[tilespmem:s26+$0xFFFFFFC0] =	vst v2;
	v2 =	vld.idx.msk [tilespmem:v10+s17+$0x0], $0xffff  }
0x41: {  	s28 =	simm.s32 $0xED40;
	[tilespmem:s26+$0xFFFFFFE0] =	vst v4;
	v8 =	vld.idx.msk [tilespmem:v0+s2+$0x0], $0xffff  }
0x42: {  	[tilespmem:s28+$0x30] =	vst v1;
	v1 =	vld.idx.msk [tilespmem:v9+s17+$0x0], $0xffff  }
0x43: {  	[tilespmem:s26+$0xFFFFFFF0] =	vst v5;
	v3 =	vld.idx.msk [tilespmem:v11+s17+$0x0], $0xffff  }
0x44: {  	v4 =	vld.idx.msk [tilespmem:v12+s17+$0x0], $0xffff;
	[tilespmem:s26+$0x0] =	vst v6  }
0x45: {  	v5 =	vld.idx.msk [tilespmem:v13+s17+$0x0], $0xffff;
	[tilespmem:s26+$0x10] =	vst v7  }
0x46: {  	s30 =	simm.s32 $0x0;
	s31 =	simm.s32 $0x4FC0;
	s29 =	simm.s32 $0xED40;
	v6 =	vld.idx.msk [tilespmem:v14+s17+$0x0], $0xffff;
	[tilespmem:s26+$0x20] =	vst v8  }
.LBB2_2:
0x47: {  	v7 =	vld [tilespmem:s31+$0x30];
	s30 =	sadd.s32 $0x8, s30;
	[tilespmem:s28+$0xFFFFFFC0] =	vst v1  }
0x48: {  	v1 =	vld [tilespmem:s31+$0xFFFFFFD0];
	p0 =	slt.u32 s30, $0x268;
	[tilespmem:s28+$0xFFFFFFD0] =	vst v2  }
0x49: {  	v2 =	vld [tilespmem:s31+$0xFFFFFFE0];
	[tilespmem:s28+$0xFFFFFFE0] =	vst v3  }
0x4a: {  	v3 =	vld [tilespmem:s31+$0xFFFFFFF0];
	[tilespmem:s28+$0xFFFFFFF0] =	vst v4  }
0x4b: {  	v4 =	vld [tilespmem:s31+$0x0];
	[tilespmem:s28+$0x0] =	vst v5  }
0x4c: {  	v5 =	vld [tilespmem:s31+$0x10];
	[tilespmem:s28+$0x10] =	vst v6  }
0x4d: {  	s24 =	sadd.s32 $0x80, s24;
	v6 =	vld [tilespmem:s31+$0x20]  }
0x4e: {  	v8 =	vld [tilespmem:s24+$0x30]  }
0x4f: {  	v7 =	vld.idx.msk [tilespmem:v7+s2+$0x0], $0xffff  }
0x50: {  	v9 =	vld [tilespmem:s31+$0xFFFFFFC0]  }
0x51: {  	v1 =	vld.idx.msk [tilespmem:v1+s2+$0x0], $0xffff  }
0x52: {  	v2 =	vld.idx.msk [tilespmem:v2+s2+$0x0], $0xffff  }
0x53: {  	v3 =	vld.idx.msk [tilespmem:v3+s2+$0x0], $0xffff  }
0x54: {  	s25 =	sadd.s32 $0x80, s25;
	v4 =	vld.idx.msk [tilespmem:v4+s2+$0x0], $0xffff  }
0x55: {  	v5 =	vld.idx.msk [tilespmem:v5+s2+$0x0], $0xffff;
	[tilespmem:s25+$0x30] =	vst v7  }
0x56: {  	v7 =	vld.idx.msk [tilespmem:v8+s2+$0x0], $0xffff  }
0x57: {  	v6 =	vld.idx.msk [tilespmem:v6+s2+$0x0], $0xffff  }
0x58: {  	v9 =	vld.idx.msk [tilespmem:v9+s2+$0x0], $0xffff  }
0x59: {  	v10 =	vld [tilespmem:s24+$0xFFFFFFC0]  }
0x5a: {  	v11 =	vld [tilespmem:s24+$0xFFFFFFD0];
	[tilespmem:s25+$0xFFFFFFD0] =	vst v1  }
0x5b: {  	s26 =	sadd.s32 $0x80, s26;
	v12 =	vld [tilespmem:s24+$0xFFFFFFE0];
	[tilespmem:s25+$0xFFFFFFE0] =	vst v2  }
0x5c: {  	v13 =	vld [tilespmem:s24+$0xFFFFFFF0];
	[tilespmem:s26+$0x30] =	vst v7  }
0x5d: {  	[tilespmem:s25+$0xFFFFFFF0] =	vst v3;
	v1 =	vld.idx.msk [tilespmem:v8+s17+$0x0], $0xffff  }
0x5e: {  	[tilespmem:s25+$0xFFFFFFC0] =	vst v9;
	v7 =	vld [tilespmem:s24+$0x0]  }
0x5f: {  	[tilespmem:s25+$0x0] =	vst v4;
	v8 =	vld [tilespmem:s24+$0x10]  }
0x60: {  	[tilespmem:s25+$0x10] =	vst v5;
	v2 =	vld [tilespmem:s24+$0x20]  }
0x61: {  	v3 =	vld.idx.msk [tilespmem:v10+s2+$0x0], $0xffff;
	[tilespmem:s25+$0x20] =	vst v6  }
0x62: {  	s28 =	sadd.s32 $0x80, s28;
	v4 =	vld.idx.msk [tilespmem:v11+s2+$0x0], $0xffff  }
0x63: {  	v5 =	vld.idx.msk [tilespmem:v12+s2+$0x0], $0xffff;
	[tilespmem:s28+$0x30] =	vst v1  }
0x64: {  	v6 =	vld.idx.msk [tilespmem:v13+s2+$0x0], $0xffff  }
0x65: {  	v9 =	vld.idx.msk [tilespmem:v0+s17+$0x0], $0xffff;
	v0 =	vmov v2  }
0x66: {  	v14 =	vld.idx.msk [tilespmem:v7+s2+$0x0], $0xffff  }
0x67: {  	[tilespmem:s26+$0xFFFFFFC0] =	vst v3;
	v15 =	vld.idx.msk [tilespmem:v8+s2+$0x0], $0xffff  }
0x68: {  	[tilespmem:s26+$0xFFFFFFD0] =	vst v4;
	v16 =	vld.idx.msk [tilespmem:v2+s2+$0x0], $0xffff  }
0x69: {  	v1 =	vld.idx.msk [tilespmem:v10+s17+$0x0], $0xffff;
	[tilespmem:s26+$0xFFFFFFE0] =	vst v5  }
.Ltmp0:
0x6a: {  	v2 =	vld.idx.msk [tilespmem:v11+s17+$0x0], $0xffff;
	[tilespmem:s26+$0xFFFFFFF0] =	vst v6;
	(pc) =	sbr.rel @p0 .LBB2_2-.Ltmp0, $4  }
0x6b: {  	v3 =	vld.idx.msk [tilespmem:v12+s17+$0x0], $0xffff;
	[tilespmem:s29+$0x20] =	vst v9;
	s29 =	smov.u32 s28  }
0x6c: {  	v4 =	vld.idx.msk [tilespmem:v13+s17+$0x0], $0xffff;
	[tilespmem:s26+$0x0] =	vst v14  }
0x6d: {  	v5 =	vld.idx.msk [tilespmem:v7+s17+$0x0], $0xffff;
	[tilespmem:s26+$0x10] =	vst v15  }
0x6e: {  	s31 =	sadd.s32 $0x80, s31;
	v6 =	vld.idx.msk [tilespmem:v8+s17+$0x0], $0xffff;
	[tilespmem:s26+$0x20] =	vst v16  }
0x6f: {  	_ =	sdelay $0x2  }
0x70: {  	[tilespmem:s28+$0xFFFFFFC0] =	vst v1  }
0x71: {  	[tilespmem:s28+$0xFFFFFFD0] =	vst v2;
	v0 =	vld.idx.msk [tilespmem:v0+s17+$0x0], $0xffff  }
0x72: {  	[tilespmem:s28+$0xFFFFFFE0] =	vst v3  }
0x73: {  	[tilespmem:s28+$0xFFFFFFF0] =	vst v4  }
0x74: {  	[tilespmem:s28+$0x0] =	vst v5  }
0x75: {  	[tilespmem:s28+$0x10] =	vst v6  }
0x76: {  	[tilespmem:s29+$0x20] =	vst v0  }
0x77: {  	v0 =	vld [tilespmem:$0x7600];
	_ =	sdelay $0x5  }
0x78: {  	v1 =	vld [tilespmem:$0x9D80];
	_ =	sdelay $0x1  }
0x79: {  	v0 =	vld.idx.msk [tilespmem:v0+s2+$0x0], $0xffff;
	_ =	sdelay $0x4  }
0x7a: {  	[tilespmem:$0xC500] =	vst v0  }
0x7b: {  	v0 =	vld.idx.msk [tilespmem:v1+s2+$0x0], $0xffff;
	_ =	sdelay $0x4  }
0x7c: {  	[tilespmem:$0xEC80] =	vst v0  }
0x7d: {  	v0 =	vld.idx.msk [tilespmem:v1+s17+$0x0], $0xffff;
	_ =	sdelay $0x4  }
0x7e: {  	[tilespmem:$0x11400] =	vst v0  }
0x7f: {  	[hbm4b:s7+s2] =	stream.linear.scatter [tilespmem:s20], [sflag:$0x1], $0x2710, $0x38;
	[tilespmem:$0x11480] =	vst v63  }
0x80: {  	_ =	swait.ge [sflag:s16], $0x2710  }
0x81: {  	[sflag:s16] =	ssyncset.done $0x0  }
0x82: {  	[sflag:s16] =	ssyncadd.s32 $0xFFFFD8F0  }
0x83: {  	[hbm4b:s8+s2] =	stream.linear.scatter [tilespmem:s21], [sflag:$0x1], $0x2710, $0x38;
	[tilespmem:$0x11480] =	vst v63  }
0x84: {  	_ =	swait.ge [sflag:s16], $0x2710  }
0x85: {  	[sflag:s16] =	ssyncset.done $0x0  }
0x86: {  	[sflag:s16] =	ssyncadd.s32 $0xFFFFD8F0  }
0x87: {  	[hbm4b:s9+s2] =	stream.linear.scatter [tilespmem:s22], [sflag:$0x1], $0x2710, $0x38;
	[tilespmem:$0x11480] =	vst v63  }
0x88: {  	_ =	swait.ge [sflag:s16], $0x2710  }
0x89: {  	[sflag:s16] =	ssyncset.done $0x0  }
0x8a: {  	[sflag:s16] =	ssyncadd.s32 $0xFFFFD8F0  }
0x8b: {  	[tilespmem:s18], [sflag:$0x1] =	stream.linear.gather [hbm4b:s10+s2], $0x1A40, $0x38;
	[tilespmem:$0x11480] =	vst v63  }
0x8c: {  	_ =	swait.ge [sflag:s16], $0x1A40  }
0x8d: {  	[sflag:s16] =	ssyncset.done $0x0  }
0x8e: {  	[sflag:s16] =	ssyncadd.s32 $0xFFFFE5C0  }
0x8f: {  	[tilespmem:s19], [sflag:$0x1] =	stream.linear.gather [hbm4b:s11+s2], $0x1A40, $0x38;
	[tilespmem:$0x11480] =	vst v63  }
0x90: {  	_ =	swait.ge [sflag:s16], $0x1A40  }
0x91: {  	[sflag:s16] =	ssyncset.done $0x0  }
0x92: {  	s1 =	simm.s32 $0x4F40;
	[sflag:s16] =	ssyncadd.s32 $0xFFFFE5C0  }
0x93: {  	v0 =	vld [tilespmem:s1+$0x30]  }
0x94: {  	v1 =	vld [tilespmem:s1+$0xFFFFFFD0]  }
0x95: {  	v2 =	vld [tilespmem:s1+$0xFFFFFFE0]  }
0x96: {  	v3 =	vld [tilespmem:s1+$0xFFFFFFF0]  }
0x97: {  	v4 =	vld [tilespmem:s1+$0x0]  }
0x98: {  	v5 =	vld [tilespmem:s1+$0x10]  }
0x99: {  	s25 =	simm.s32 $0x76C0;
	v6 =	vld [tilespmem:s1+$0x20]  }
0x9a: {  	v7 =	vld [tilespmem:s25+$0x30]  }
0x9b: {  	v8 =	vld [tilespmem:s1+$0xFFFFFFC0]  }
0x9c: {  	v9 =	vld [tilespmem:s25+$0xFFFFFFC0]  }
0x9d: {  	v10 =	vld [tilespmem:s25+$0xFFFFFFD0]  }
0x9e: {  	v11 =	vld [tilespmem:s25+$0xFFFFFFE0]  }
0x9f: {  	v12 =	vld [tilespmem:s25+$0xFFFFFFF0]  }
0xa0: {  	s24 =	simm.s32 $0x0;
	v13 =	vld [tilespmem:s25+$0x0]  }
0xa1: {  	v0 =	vld.idx.msk [tilespmem:v0+s24+$0x0], $0xffff  }
0xa2: {  	v14 =	vld [tilespmem:s25+$0x10]  }
0xa3: {  	v1 =	vld.idx.msk [tilespmem:v1+s24+$0x0], $0xffff  }
0xa4: {  	v2 =	vld.idx.msk [tilespmem:v2+s24+$0x0], $0xffff  }
0xa5: {  	s26 =	simm.s32 $0x9E40;
	v8 =	vld.idx.msk [tilespmem:v8+s24+$0x0], $0xffff  }
0xa6: {  	v3 =	vld.idx.msk [tilespmem:v3+s24+$0x0], $0xffff;
	[tilespmem:s26+$0x30] =	vst v0  }
0xa7: {  	v0 =	vld.idx.msk [tilespmem:v7+s24+$0x0], $0xffff  }
0xa8: {  	v4 =	vld.idx.msk [tilespmem:v4+s24+$0x0], $0xffff  }
0xa9: {  	v5 =	vld.idx.msk [tilespmem:v5+s24+$0x0], $0xffff;
	[tilespmem:s26+$0xFFFFFFD0] =	vst v1  }
0xaa: {  	v6 =	vld.idx.msk [tilespmem:v6+s24+$0x0], $0xffff;
	[tilespmem:s26+$0xFFFFFFC0] =	vst v8  }
0xab: {  	s28 =	simm.s32 $0xC5C0;
	[tilespmem:s26+$0xFFFFFFE0] =	vst v2;
	v2 =	vld.idx.msk [tilespmem:v9+s24+$0x0], $0xffff  }
0xac: {  	[tilespmem:s28+$0x30] =	vst v0;
	v0 =	vld [tilespmem:s25+$0x20]  }
0xad: {  	[tilespmem:s26+$0xFFFFFFF0] =	vst v3;
	v3 =	vld.idx.msk [tilespmem:v10+s24+$0x0], $0xffff  }
0xae: {  	[tilespmem:s26+$0x0] =	vst v4;
	v4 =	vld.idx.msk [tilespmem:v11+s24+$0x0], $0xffff  }
0xaf: {  	[tilespmem:s26+$0x10] =	vst v5;
	v5 =	vld.idx.msk [tilespmem:v12+s24+$0x0], $0xffff  }
0xb0: {  	v1 =	vld.idx.msk [tilespmem:v7+s17+$0x0], $0xffff  }
0xb1: {  	[tilespmem:s26+$0x20] =	vst v6;
	v6 =	vld.idx.msk [tilespmem:v13+s24+$0x0], $0xffff  }
0xb2: {  	[tilespmem:s28+$0xFFFFFFD0] =	vst v3;
	v7 =	vld.idx.msk [tilespmem:v14+s24+$0x0], $0xffff  }
0xb3: {  	[tilespmem:s28+$0xFFFFFFC0] =	vst v2;
	v2 =	vld.idx.msk [tilespmem:v10+s17+$0x0], $0xffff  }
0xb4: {  	s29 =	simm.s32 $0xED40;
	[tilespmem:s28+$0xFFFFFFE0] =	vst v4;
	v8 =	vld.idx.msk [tilespmem:v0+s24+$0x0], $0xffff  }
0xb5: {  	[tilespmem:s29+$0x30] =	vst v1;
	v1 =	vld.idx.msk [tilespmem:v9+s17+$0x0], $0xffff  }
0xb6: {  	[tilespmem:s28+$0xFFFFFFF0] =	vst v5;
	v3 =	vld.idx.msk [tilespmem:v11+s17+$0x0], $0xffff  }
0xb7: {  	v4 =	vld.idx.msk [tilespmem:v12+s17+$0x0], $0xffff;
	[tilespmem:s28+$0x0] =	vst v6  }
0xb8: {  	v5 =	vld.idx.msk [tilespmem:v13+s17+$0x0], $0xffff;
	[tilespmem:s28+$0x10] =	vst v7  }
0xb9: {  	s31 =	simm.s32 $0x0;
	s30 =	simm.s32 $0xED40;
	s1 =	simm.s32 $0x4FC0;
	v6 =	vld.idx.msk [tilespmem:v14+s17+$0x0], $0xffff;
	[tilespmem:s28+$0x20] =	vst v8  }
.LBB2_4:
0xba: {  	v7 =	vld [tilespmem:s1+$0x30];
	s31 =	sadd.s32 $0x8, s31;
	[tilespmem:s29+$0xFFFFFFC0] =	vst v1  }
0xbb: {  	v1 =	vld [tilespmem:s1+$0xFFFFFFD0];
	p0 =	slt.u32 s31, $0x198;
	[tilespmem:s29+$0xFFFFFFD0] =	vst v2  }
0xbc: {  	v2 =	vld [tilespmem:s1+$0xFFFFFFE0];
	[tilespmem:s29+$0xFFFFFFE0] =	vst v3  }
0xbd: {  	v3 =	vld [tilespmem:s1+$0xFFFFFFF0];
	[tilespmem:s29+$0xFFFFFFF0] =	vst v4  }
0xbe: {  	v4 =	vld [tilespmem:s1+$0x0];
	[tilespmem:s29+$0x0] =	vst v5  }
0xbf: {  	v5 =	vld [tilespmem:s1+$0x10];
	[tilespmem:s29+$0x10] =	vst v6  }
0xc0: {  	s25 =	sadd.s32 $0x80, s25;
	v6 =	vld [tilespmem:s1+$0x20]  }
0xc1: {  	v8 =	vld [tilespmem:s25+$0x30]  }
0xc2: {  	v7 =	vld.idx.msk [tilespmem:v7+s24+$0x0], $0xffff  }
0xc3: {  	v9 =	vld [tilespmem:s1+$0xFFFFFFC0]  }
0xc4: {  	v1 =	vld.idx.msk [tilespmem:v1+s24+$0x0], $0xffff  }
0xc5: {  	v2 =	vld.idx.msk [tilespmem:v2+s24+$0x0], $0xffff  }
0xc6: {  	v3 =	vld.idx.msk [tilespmem:v3+s24+$0x0], $0xffff  }
0xc7: {  	s26 =	sadd.s32 $0x80, s26;
	v4 =	vld.idx.msk [tilespmem:v4+s24+$0x0], $0xffff  }
0xc8: {  	v5 =	vld.idx.msk [tilespmem:v5+s24+$0x0], $0xffff;
	[tilespmem:s26+$0x30] =	vst v7  }
0xc9: {  	v7 =	vld.idx.msk [tilespmem:v8+s24+$0x0], $0xffff  }
0xca: {  	v6 =	vld.idx.msk [tilespmem:v6+s24+$0x0], $0xffff  }
0xcb: {  	v9 =	vld.idx.msk [tilespmem:v9+s24+$0x0], $0xffff  }
0xcc: {  	v10 =	vld [tilespmem:s25+$0xFFFFFFC0]  }
0xcd: {  	v11 =	vld [tilespmem:s25+$0xFFFFFFD0];
	[tilespmem:s26+$0xFFFFFFD0] =	vst v1  }
0xce: {  	s28 =	sadd.s32 $0x80, s28;
	v12 =	vld [tilespmem:s25+$0xFFFFFFE0];
	[tilespmem:s26+$0xFFFFFFE0] =	vst v2  }
0xcf: {  	v13 =	vld [tilespmem:s25+$0xFFFFFFF0];
	[tilespmem:s28+$0x30] =	vst v7  }
0xd0: {  	[tilespmem:s26+$0xFFFFFFF0] =	vst v3;
	v1 =	vld.idx.msk [tilespmem:v8+s17+$0x0], $0xffff  }
0xd1: {  	[tilespmem:s26+$0xFFFFFFC0] =	vst v9;
	v7 =	vld [tilespmem:s25+$0x0]  }
0xd2: {  	[tilespmem:s26+$0x0] =	vst v4;
	v8 =	vld [tilespmem:s25+$0x10]  }
0xd3: {  	[tilespmem:s26+$0x10] =	vst v5;
	v2 =	vld [tilespmem:s25+$0x20]  }
0xd4: {  	v3 =	vld.idx.msk [tilespmem:v10+s24+$0x0], $0xffff;
	[tilespmem:s26+$0x20] =	vst v6  }
0xd5: {  	s29 =	sadd.s32 $0x80, s29;
	v4 =	vld.idx.msk [tilespmem:v11+s24+$0x0], $0xffff  }
0xd6: {  	v5 =	vld.idx.msk [tilespmem:v12+s24+$0x0], $0xffff;
	[tilespmem:s29+$0x30] =	vst v1  }
0xd7: {  	v6 =	vld.idx.msk [tilespmem:v13+s24+$0x0], $0xffff  }
0xd8: {  	v9 =	vld.idx.msk [tilespmem:v0+s17+$0x0], $0xffff;
	v0 =	vmov v2  }
0xd9: {  	v14 =	vld.idx.msk [tilespmem:v7+s24+$0x0], $0xffff  }
0xda: {  	[tilespmem:s28+$0xFFFFFFC0] =	vst v3;
	v15 =	vld.idx.msk [tilespmem:v8+s24+$0x0], $0xffff  }
0xdb: {  	[tilespmem:s28+$0xFFFFFFD0] =	vst v4;
	v16 =	vld.idx.msk [tilespmem:v2+s24+$0x0], $0xffff  }
0xdc: {  	v1 =	vld.idx.msk [tilespmem:v10+s17+$0x0], $0xffff;
	[tilespmem:s28+$0xFFFFFFE0] =	vst v5  }
.Ltmp1:
0xdd: {  	v2 =	vld.idx.msk [tilespmem:v11+s17+$0x0], $0xffff;
	[tilespmem:s28+$0xFFFFFFF0] =	vst v6;
	(pc) =	sbr.rel @p0 .LBB2_4-.Ltmp1, $4  }
0xde: {  	v3 =	vld.idx.msk [tilespmem:v12+s17+$0x0], $0xffff;
	[tilespmem:s30+$0x20] =	vst v9;
	s30 =	smov.u32 s29  }
0xdf: {  	v4 =	vld.idx.msk [tilespmem:v13+s17+$0x0], $0xffff;
	[tilespmem:s28+$0x0] =	vst v14  }
0xe0: {  	v5 =	vld.idx.msk [tilespmem:v7+s17+$0x0], $0xffff;
	[tilespmem:s28+$0x10] =	vst v15  }
0xe1: {  	s1 =	sadd.s32 $0x80, s1;
	v6 =	vld.idx.msk [tilespmem:v8+s17+$0x0], $0xffff;
	[tilespmem:s28+$0x20] =	vst v16  }
0xe2: {  	_ =	sdelay $0x2  }
0xe3: {  	[tilespmem:s29+$0xFFFFFFC0] =	vst v1  }
0xe4: {  	[tilespmem:s29+$0xFFFFFFD0] =	vst v2;
	v0 =	vld.idx.msk [tilespmem:v0+s17+$0x0], $0xffff  }
0xe5: {  	[tilespmem:s29+$0xFFFFFFE0] =	vst v3  }
0xe6: {  	[tilespmem:s29+$0xFFFFFFF0] =	vst v4  }
0xe7: {  	[tilespmem:s29+$0x0] =	vst v5  }
0xe8: {  	[tilespmem:s29+$0x10] =	vst v6  }
0xe9: {  	[tilespmem:s30+$0x20] =	vst v0  }
.LBB2_6:
0xea: {  	s1 =	sshra.s32 s24, $0x2  }
0xeb: {  	v0 =	vld [tilespmem:s1+$0x6900];
	_ =	sdelay $0x5  }
0xec: {  	v1 =	vld [tilespmem:s1+$0x9080];
	_ =	sdelay $0x1  }
0xed: {  	v0 =	vld.idx.msk [tilespmem:v0+s2+$0x0], $0xffff;
	_ =	sdelay $0x4  }
0xee: {  	[tilespmem:s1+$0xB800] =	vst v0  }
0xef: {  	v0 =	vld.idx.msk [tilespmem:v1+s2+$0x0], $0xffff;
	_ =	sdelay $0x4  }
0xf0: {  	[tilespmem:s1+$0xDF80] =	vst v0  }
0xf1: {  	p0 =	sne.s32 s24, $0xC0;
	v0 =	vld.idx.msk [tilespmem:v1+s17+$0x0], $0xffff  }
.Ltmp2:
0xf2: {  	_ = 	snop;
	(pc) =	sbr.rel @p0 .LBB2_6-.Ltmp2, $2  }
0xf3: {  	_ =	sdelay $0x2  }
0xf4: {  	s24 =	sadd.s32 $0x40, s24;
	[tilespmem:s1+$0x10700] =	vst v0  }
0xf5: {  	[hbm4b:s12+s2] =	stream.linear.scatter [tilespmem:s20], [sflag:$0x1], $0x1A40, $0x38;
	[tilespmem:$0x11480] =	vst v63  }
0xf6: {  	_ =	swait.ge [sflag:s16], $0x1A40  }
0xf7: {  	[sflag:s16] =	ssyncset.done $0x0  }
0xf8: {  	[sflag:s16] =	ssyncadd.s32 $0xFFFFE5C0  }
0xf9: {  	[hbm4b:s13+s2] =	stream.linear.scatter [tilespmem:s21], [sflag:$0x1], $0x1A40, $0x38;
	[tilespmem:$0x11480] =	vst v63  }
0xfa: {  	s23 =	sadd.s32 $0x1, s23;
	_ =	swait.ge [sflag:s16], $0x1A40  }
0xfb: {  	p0 =	sne.s32 s23, s15;
	[sflag:s16] =	ssyncset.done $0x0  }
.Ltmp3:
0xfc: {  	[sflag:s16] =	ssyncadd.s32 $0xFFFFE5C0;
	(pc) =	sbr.rel @p0 .LBB2_1-.Ltmp3, $4  }
0xfd: {  	[hbm4b:s14+s2] =	stream.linear.scatter [tilespmem:s22], [sflag:$0x1], $0x1A40, $0x38;
	[tilespmem:$0x11480] =	vst v63  }
0xfe: {  	_ =	swait.ge [sflag:s16], $0x1A40  }
0xff: {  	[sflag:s16] =	ssyncset.done $0x0  }
0x100: {  	[sflag:s16] =	ssyncadd.s32 $0xFFFFE5C0  }
0x101: {  	_ =	sfence.sel $0x180000  }
0x102: {  	[bflag:$0x0] =	sbarrier.arrive $0xFFFF  }
0x103: {  	_ =	strace $0x9000004A  }
0x104: {  	[bflag:$0x2] =	sbarrier.arrive $0xFFFF  }
0x105: {  	p0 =	sne.s32 s0, $0x0;
	s0 =	rddreg [dreg:$0x2]  }
0x106: {  	s0 =	sadd.s32 @!p0 $0x100000, s0  }
0x107: {  	[sflag:s0] =	ssyncadd.tile.s32 @!p0 $0x1;
	_ =	shalt  }
.Lfunc_end2:
_tile_overlayer_lowered:
.L_overlay_start_2:
0x108: {  	(tag) =	ssettag $0x2  }
0x109: {  	s0 =	rddreg [dreg:$0x0];
	s2 =	stileid.u32  }
0x10a: {  	s1 =	rddreg [dreg:$0x1];
	p0 =	sne.s32 s2, $0x0  }
0x10b: {  	s3 =	rddreg [dreg:$0x2];
	[bflag:$0x3] =	sbarrier.arrive $0xFFFF;
	s2 =	simm.s32 @!p0 $0x1C01  }
0x10c: {  	[timem:s3], [sflag:s2] =	dma.local @!p0 [hbm:s0], s1  }
0x10d: {  	s0 =	simm.s32 @!p0 $0x1  }
0x10e: {  	_ =	swait.ge @!p0 [sflag:s0], s1  }
0x10f: {  	s1 =	ssub.s32 @!p0 $0x0, s1;
	[sflag:s0] =	ssyncset.done @!p0 $0x0  }
0x110: {  	[sflag:s0] =	ssyncadd.s32 @!p0 s1  }
0x111: {  	[bflag:$0x3] =	sbarrier.arrive $0xFFFF  }
0x112: {  	_ =	shalt  }

// kernel: kernel.19.cloned.1.call-start
scs
__scs_entry_jumppad:
0x0: {  	(pc) =	sbr.rel $0x88, $3  }
0x1: {  	(tag) =	ssettag $0x0;
	lr =	simm.s32 $0x1  }
0x2: {  	[smem:$0x3F92] =	sst lr;
	_ =	strace $0xD0000000  }
0x3: {  	_ = 	snop  }
0x4: {  	_ = 	snop  }
0x5: {  	_ = 	snop  }
0x6: {  	_ = 	snop  }
0x7: {  	_ = 	snop  }
__scs_overlays_trampoline_lowered:
0x8: {  	[smem:$0x3FA1] =	sst s0  }
0x9: {  	[smem:$0x3FA2] =	sst s1  }
0xa: {  	[smem:$0x3FA3] =	sst s2  }
0xb: {  	[smem:$0x3FA4] =	sst s3  }
0xc: {  	[smem:$0x3FA5] =	sst s4  }
0xd: {  	[smem:$0x3FA6] =	sst s5  }
0xe: {  	[smem:$0x3FA7] =	sst s6  }
0xf: {  	[smem:$0x3FA8] =	sst s7  }
0x10: {  	[smem:$0x3FA9] =	sst s8  }
0x11: {  	[smem:$0x3FAA] =	sst s9;
	s0 =	simm.s32 @!p0 $0x0  }
0x12: {  	s1 =	sld [smem:$0x3F90];
	s0 =	simm.s32 @p0 $0x1  }
0x13: {  	[smem:$0x3FAB] =	sst s0;
	s0 =	simm.s32 @!p1 $0x0  }
0x14: {  	s2 =	sld [smem:$0x3F8F];
	s0 =	simm.s32 @p1 $0x1  }
0x15: {  	[smem:$0x3FAC] =	sst s0;
	s0 =	simm.s32 @!p2 $0x0  }
0x16: {  	s3 =	sld [smem:$0x3FDB];
	s0 =	simm.s32 @p2 $0x1  }
0x17: {  	s4 =	simm.s32 $0x1BF5;
	[smem:$0x3FAE] =	sst s0  }
0x18: {  	s0 =	sld [smem:$0x3F91];
	_ =	swait.ge [sflag:s4], $0x0  }
0x19: {  	s7 =	sld [smem:$0x3F92]  }
0x1a: {  	s8 =	sadd.s32 $0xFFFFE003, lr  }
0x1b: {  	s9 =	sadd.s32 $0xFFFFFEF7, lr;
	s5 =	simm.s32 $0xFFFFFFFF;
	p2 =	slt.u32 s8, $0xFFFFF086  }
0x1c: {  	p1 =	slt.u32 s9, $0xF7A;
	s5 =	simm.s32 @!p2 $0x0  }
0x1d: {  	s5 =	simm.s32 @p1 $0x1;
	p0 =	seq.s32 s7, s2  }
0x1e: {  	s7 =	smul.u32 @!p0 $0xF7A, s2;
	p2 =	seq.s32 @!p0 s5, $0x0  }
0x1f: {  	s9 =	smul.u32 $0xF7A, s1;
	s8 =	simm.s32 @!p0 $0x1BF5;
	p2 =	por !p2, p0  }
0x20: {  	[sflag:s8] =	ssyncset.s32 @!p0 $0xFFFFF086;
	s6 =	sadd.s32 @!p0 s3, s7;
	s7 =	simm.s32 @!p0 $0x108  }
0x21: {  	s3 =	sadd.s32 s3, s9;
	s6 =	sadd.s32 @!p0 $0x88, s6;
	s7 =	simm.s32 @p2 $0x1082  }
0x22: {  	[simem:s7], [sflag:s8] =	dma.local @!p0 [hbm:s6], $0xF7A  }
0x23: {  	s9 =	sor.u32 $0xD0000000, s2;
	s6 =	simm.s32 $0x108;
	_ =	swait.ge @!p0 [sflag:s8], $0x0  }
0x24: {  	s3 =	sadd.s32 $0x88, s3;
	s6 =	simm.s32 @!p1 $0x1082;
	[sflag:s4] =	ssyncset.s32 $0xFFFFF086  }
0x25: {  	[simem:s6], [sflag:s4] =	dma.local [hbm:s3], $0xF7A  }
0x26: {  	[smem:$0x3F92] =	sst s1;
	(tag) =	ssettag s2;
	_ =	strace s9  }
0x27: {  	s1 =	sld [smem:$0x3FA2]  }
0x28: {  	s2 =	sld [smem:$0x3FA3]  }
0x29: {  	s4 =	sld [smem:$0x3FA5]  }
0x2a: {  	p0 =	seq.s32 s5, $0x0;
	s5 =	sld [smem:$0x3FA6]  }
0x2b: {  	s6 =	sld [smem:$0x3FA7]  }
0x2c: {  	s7 =	sld [smem:$0x3FA8]  }
0x2d: {  	s3 =	simm.s32 $0x108;
	s8 =	sld [smem:$0x3FA9]  }
0x2e: {  	s3 =	simm.s32 @!p0 $0x1082;
	s9 =	sld [smem:$0x3FAA]  }
0x2f: {  	lr =	sadd.s32 s0, s3;
	s0 =	sld [smem:$0x3FA1]  }
0x30: {  	s3 =	sld [smem:$0x3FA4]  }
0x31: {  	[smem:$0x3FAD] =	sst s10  }
0x32: {  	s10 =	sld [smem:$0x3FAB];
	_ =	sdelay $0x3  }
0x33: {  	p0 =	seq.s32 s10, $0x1;
	s10 =	sld [smem:$0x3FAD];
	_ =	sdelay $0x3  }
0x34: {  	[smem:$0x3FAD] =	sst s10  }
0x35: {  	s10 =	sld [smem:$0x3FAC];
	_ =	sdelay $0x3  }
0x36: {  	p1 =	seq.s32 s10, $0x1;
	s10 =	sld [smem:$0x3FAD];
	_ =	sdelay $0x3  }
0x37: {  	[smem:$0x3FAD] =	sst s10  }
0x38: {  	s10 =	sld [smem:$0x3FAE]  }
0x39: {  	_ = 	snop;
	(pc) =	sbr.ind lr, $3  }
0x3a: {  	_ = 	snop  }
0x3b: {  	_ = 	snop  }
0x3c: {  	p2 =	seq.s32 s10, $0x1;
	s10 =	sld [smem:$0x3FAD]  }
0x3d: {  	_ =	shalt  }
0x3e: {  	_ =	shalt  }
0x3f: {  	_ =	shalt  }
0x40: {  	_ =	shalt  }
0x41: {  	_ =	shalt  }
0x42: {  	_ =	shalt  }
0x43: {  	_ =	shalt  }
0x44: {  	_ =	shalt  }
0x45: {  	_ =	shalt  }
0x46: {  	_ =	shalt  }
0x47: {  	_ =	shalt  }
0x48: {  	_ =	shalt  }
0x49: {  	_ =	shalt  }
0x4a: {  	_ =	shalt  }
0x4b: {  	_ =	shalt  }
0x4c: {  	_ =	shalt  }
0x4d: {  	_ =	shalt  }
0x4e: {  	_ =	shalt  }
0x4f: {  	_ =	shalt  }
0x50: {  	_ =	shalt  }
0x51: {  	_ =	shalt  }
0x52: {  	_ =	shalt  }
0x53: {  	_ =	shalt  }
0x54: {  	_ =	shalt  }
0x55: {  	_ =	shalt  }
0x56: {  	_ =	shalt  }
0x57: {  	_ =	shalt  }
0x58: {  	_ =	shalt  }
0x59: {  	_ =	shalt  }
0x5a: {  	_ =	shalt  }
0x5b: {  	_ =	shalt  }
0x5c: {  	_ =	shalt  }
0x5d: {  	_ =	shalt  }
0x5e: {  	_ =	shalt  }
0x5f: {  	_ =	shalt  }
0x60: {  	_ =	shalt  }
0x61: {  	_ =	shalt  }
0x62: {  	_ =	shalt  }
0x63: {  	_ =	shalt  }
0x64: {  	_ =	shalt  }
0x65: {  	_ =	shalt  }
0x66: {  	_ =	shalt  }
0x67: {  	_ =	shalt  }
0x68: {  	_ =	shalt  }
0x69: {  	_ =	shalt  }
0x6a: {  	_ =	shalt  }
0x6b: {  	_ =	shalt  }
0x6c: {  	_ =	shalt  }
0x6d: {  	_ =	shalt  }
0x6e: {  	_ =	shalt  }
0x6f: {  	_ =	shalt  }
0x70: {  	_ =	shalt  }
0x71: {  	_ =	shalt  }
0x72: {  	_ =	shalt  }
0x73: {  	_ =	shalt  }
0x74: {  	_ =	shalt  }
0x75: {  	_ =	shalt  }
0x76: {  	_ =	shalt  }
0x77: {  	_ =	shalt  }
0x78: {  	_ =	shalt  }
0x79: {  	_ =	shalt  }
0x7a: {  	_ =	shalt  }
0x7b: {  	_ =	shalt  }
0x7c: {  	_ =	shalt  }
0x7d: {  	_ =	shalt  }
0x7e: {  	_ =	shalt  }
0x7f: {  	_ =	shalt  }
0x80: {  	_ =	shalt  }
0x81: {  	_ =	shalt  }
0x82: {  	_ =	shalt  }
0x83: {  	_ =	shalt  }
0x84: {  	_ =	shalt  }
0x85: {  	_ =	shalt  }
0x86: {  	_ =	shalt  }
0x87: {  	_ =	shalt  }
.Lfunc_end0:
.L_simem_size_0:
called_computation.3_lowered:
.L_overlay_start_0:
0x88: {  	s2 =	sld [smem:$0x3FD9]  }
0x89: {  	s3 =	sld [smem:$0x3FFE];
	_ =	sdelay $0x1  }
0x8a: {  	s1 =	srdreg.scid  }
0x8b: {  	s0 =	sand.u32 $0x1, s1  }
0x8c: {  	s15 =	sshll.u32 s0, $0xA;
	s2 =	sadd.s32 s3, s2  }
0x8d: {  	s2 =	sadd.s32 s2, s15  }
0x8e: {  	[smem:$0x3FB9] =	sst s2  }
0x8f: {  	_ = 	snop  }
0x90: {  	s2 =	sld [smem:$0x3FD0];
	_ =	sdelay $0x2  }
0x91: {  	s4 =	simm.s32 $0xB;
	s16 =	simm.s32 $0x10  }
0x92: {  	[smem:s16], [sflag:s4] =	dma.local [hbm:s2], $0x1  }
0x93: {  	_ =	swait.eq [sflag:s4], $0x1  }
0x94: {  	[sflag:s4] =	ssyncset.done $0x0  }
0x95: {  	s17 =	sld [smem:$0x10];
	[sflag:s4] =	ssyncadd.s32 $0xFFFFFFFF  }
0x96: {  	s18 =	sld [smem:$0x11];
	(tm) =	ssettm $0x1  }
0x97: {  	s19 =	sld [smem:$0x3FFB];
	_ =	sdelay $0x3  }
0x98: {  	_ =	strace s19  }
0x99: {  	s2 =	sld [smem:$0x3FFC];
	_ =	sdelay $0x3  }
0x9a: {  	_ =	strace s2  }
0x9b: {  	s2 =	sld [smem:$0x3FFD];
	_ =	sdelay $0x3  }
0x9c: {  	_ =	strace s2  }
0x9d: {  	_ =	strace $0x8FFFFFFF  }
0x9e: {  	s20 =	sld [smem:$0x3FDB];
	_ =	sdelay $0x1  }
0x9f: {  	s5 =	simm.s32 $_scs_section_size  }
0xa0: {  	s6 =	simm.s32 $_size__tile_overlayer_lowered;
	s7 =	simm.s32 $_tile_overlayer_lowered  }
0xa1: {  	s8 =	simm.s32 $0x1BFF;
	s21 =	sshll.u32 s7, $0x1;
	s5 =	sadd.s32 s5, s20  }
0xa2: {  	s22 =	simm.s32 $0x0;
	s6 =	sshll.u32 s6, $0x1;
	s7 =	sadd.s32 s21, s5  }
0xa3: {  	[timem:s22], [sflag:s8] =	dma.local [hbm:s7], s6  }
0xa4: {  	_ =	swait.ge [sflag:s8], s6  }
0xa5: {  	s6 =	ssub.s32 $0x0, s6;
	[sflag:s8] =	ssyncset.done $0x0  }
0xa6: {  	[sflag:s8] =	ssyncadd.s32 s6;
	_ =	sdelay $0x1  }
0xa7: {  	s23 =	simm.s32 $0x1B8B  }
0xa8: {  	_ =	swait.ge [sflag:s23], $0x1  }
0xa9: {  	[sflag:s23] =	ssyncset.done $0x0  }
0xaa: {  	[sflag:s23] =	ssyncadd.s32 $0xFFFFFFFF  }
0xab: {  	s6 =	sld [smem:$0x0]  }
0xac: {  	s7 =	sand.u32 $0xFFFFFFFE, s1  }
0xad: {  	p0 =	sne.s32 s1, s7  }
0xae: {  	s7 =	sshll.u32 @p0 s7, $0xE  }
0xaf: {  	s7 =	sadd.s32 @p0 $0x11B8D, s7;
	s8 =	sshll.u32 @p0 s6, $0x11  }
0xb0: {  	s7 =	sor.u32 @p0 s8, s7  }
0xb1: {  	[sflag:s7] =	ssyncadd.remote.s32 @p0 $0x1;
	_ =	sdelay $0x1  }
0xb2: {  	s7 =	simm.s32 @p0 $0x1B8D  }
0xb3: {  	_ =	swait.eq @p0 [sflag:s7], $0x1  }
0xb4: {  	[sflag:s7] =	ssyncadd.s32 @p0 $0xFFFFFFFF  }
0xb5: {  	s8 =	sshll.u32 @!p0 s1, $0xE  }
0xb6: {  	s8 =	sor.u32 @!p0 $0x4000, s8;
	s7 =	simm.s32 @!p0 $0x1B8D  }
0xb7: {  	s6 =	sshll.u32 @!p0 s6, $0x11;
	s8 =	sadd.s32 @!p0 $0x11B8D, s8;
	_ =	swait.eq @!p0 [sflag:s7], $0x1  }
0xb8: {  	s6 =	sor.u32 @!p0 s6, s8;
	[sflag:s7] =	ssyncadd.s32 @!p0 $0xFFFFFFFF  }
0xb9: {  	s25 =	simm.s32 $0x1B8E;
	s24 =	sld [smem:$0x3FFE];
	[sflag:s6] =	ssyncadd.remote.s32 @!p0 $0x1  }
0xba: {  	s26 =	simm.s32 $execute0_lowered;
	[smem:$0x3FD2] =	sst s25  }
0xbb: {  	s7 =	sshll.u32 s26, $0x1;
	_ =	strace $0x8000004F;
	[dreg:$0x1] =	wrdreg $0xFFFFFFFF  }
0xbc: {  	s28 =	simm.s32 $_size_execute0_lowered;
	s5 =	sadd.s32 s5, s7;
	[dreg:$0x0] =	wrdreg $0x0  }
0xbd: {  	s7 =	sshll.u32 s28, $0x1;
	[dreg:$0x2] =	wrdreg s5  }
0xbe: {  	[dreg:$0x3] =	wrdreg s7  }
0xbf: {  	[dreg:$0x4] =	wrdreg $0xC0  }
0xc0: {  	_ =	task [dreg:s22], $0x5FFFF  }
0xc1: {  	[dreg:$0x1] =	wrdreg $0xFFFFFFFF  }
0xc2: {  	[dreg:$0x0] =	wrdreg $0x60  }
0xc3: {  	[dreg:$0x2] =	wrdreg s18  }
0xc4: {  	[dreg:$0x3] =	wrdreg s24  }
0xc5: {  	[dreg:$0x4] =	wrdreg s17  }
0xc6: {  	[dreg:$0x5] =	wrdreg $0xA  }
0xc7: {  	_ =	task.clear_ibuf [dreg:s22], $0x6FFFF;
	_ =	strace $0x9000004F  }
0xc8: {  	s29 =	simm.s32 $0xA;
	_ =	strace $0x80000051  }
0xc9: {  	_ =	swait.ge [sflag:s29], $0x1  }
0xca: {  	[sflag:s29] =	ssyncadd.s32 $0xFFFFFFFF  }
0xcb: {  	_ =	strace $0x90000051  }
0xcc: {  	_ =	sfence  }
0xcd: {  	s30 =	sld [smem:$0x0];
	_ =	sdelay $0x2  }
0xce: {  	s31 =	sshll.u32 s1, $0xD;
	s1 =	sshrl.u32 s1, $0x2  }
0xcf: {  	s4 =	sand.u32 $0x4000, s31;
	s1 =	sadd.s32 s1, s30  }
0xd0: {  	s0 =	sor.u32 s4, s0;
	s1 =	sshll.u32 s1, $0x11  }
0xd1: {  	s0 =	sor.u32 s1, s0  }
0xd2: {  	s0 =	sadd.s32 $0x8F2B, s0  }
0xd3: {  	[sflag:s0] =	ssyncadd.remote.s32 $0x1  }
0xd4: {  	_ =	sfence.sel $0xFFFF  }
0xd5: {  	[dreg:$0x0] =	wrdreg $0xFFFFFFFF;
	(pc) =	sbr.abs _section_cstart, $3  }
0xd6: {  	[dreg:$0x1] =	wrdreg $0xFFFFFFFF  }
0xd7: {  	_ =	task.clear_ibuf [dreg:s22], $0x2FFFF;
	_ =	strace $0x9FFFFFFF  }
0xd8: {  	(tm) =	ssettm $0x7FFFFFFF  }
0xd9: {  	_ =	shalt  }
tec
execute0_lowered:
.L_overlay_start_1:
0x0: {  	(tag) =	ssettag $0x1  }
0x1: {  	s8 =	rddreg [dreg:$0x0]  }
0x2: {  	s7 =	rddreg [dreg:$0x1]  }
0x3: {  	s10 =	rddreg [dreg:$0x2]  }
0x4: {  	s0 =	rddreg [dreg:$0x3];
	s3 =	srdreg.scid  }
0x5: {  	s1 =	stileid.u32;
	s2 =	simm.s32 $0x0;
	s16 =	simm.s32 $0x7680  }
0x6: {  	s17 =	simm.s32 $0x9E00;
	s18 =	simm.s32 $0xC580;
	s19 =	simm.s32 $0x2780  }
0x7: {  	s20 =	simm.s32 $0x0;
	s4 =	sand.u32 $0x1, s3;
	s31 =	sshll.u32 s1, $0x1  }
0x8: {  	[smem:$0x7FF] =	sst s2;
	s12 =	sadd.s32 $0x6A00, s7;
	s5 =	sshrl.u32 s1, $0x2  }
0x9: {  	p0 =	sgt.u32 s1, $0x1;
	s3 =	sor.u32 s4, s31;
	s5 =	smul.u32 $0x4150, s5  }
0xa: {  	_ =	strace $0x80000050;
	s4 =	ssub.s32 $0x2, s4;
	s11 =	smul.u32 $0x4E2, s3  }
0xb: {  	s6 =	smul.u32 $0x4150, s3;
	s3 =	sadd.s32 $0x75600, s7;
	s9 =	sshrl.u32 s4, $0x1  }
0xc: {  	s15 =	ssub.s32 s4, s9;
	s5 =	sshrl.u32 s5, $0x3;
	s13 =	sadd.s32 s11, s7  }
.Ltmp0:
0xd: {  	s14 =	sshrl.u32 s6, $0x3;
	s5 =	sadd.s32 s12, s5;
	(pc) =	sbr.rel .LBB2_1-.Ltmp0, $4  }
0xe: {  	s7 =	sadd.s32 $0x75AE2, s7;
	s10 =	sadd.s32 s10, s11;
	s4 =	sadd.s32 s8, s14  }
0xf: {  	s6 =	sadd.s32 s12, s14;
	s14 =	sadd.s32 $0x4E2, s14;
	s9 =	sadd.s32 $0x4E2, s5  }
0x10: {  	s8 =	sadd.s32 s8, s14;
	s11 =	sadd.s32 s12, s14;
	s12 =	sadd.s32 $0x8C00, s13  }
0x11: {  	v0 =	vimm.f32 $0.0e+00;
	s13 =	smax.u32 s15, $0x1;
	s14 =	simm.s32 $0x4F00;
	s15 =	simm.s32 $0x1  }
.LBB2_18:
0x12: {  	s20 =	sadd.s32 $0x1, s20  }
0x13: {  	p1 =	sne.s32 s20, s13  }
.Ltmp1:
0x14: {  	_ = 	snop;
	(pc) =	sbr.rel @!p1 .LBB2_19-.Ltmp1, $4  }
0x15: {  	[hbm4b:s22+s2] =	stream.linear.scatter [tilespmem:s21], [sflag:$0x1], $0x2710, $0x38;
	[tilespmem:$0xED00] =	vst v63  }
0x16: {  	_ =	swait.ge [sflag:s15], $0x2710  }
0x17: {  	[sflag:s15] =	ssyncset.done $0x0  }
0x18: {  	[sflag:s15] =	ssyncadd.s32 $0xFFFFD8F0  }
.LBB2_1:
0x19: {  	s21 =	simm.s32 $0x40  }
0x1a: {  	[tilespmem:s21+$0x30] =	vst v0  }
0x1b: {  	[tilespmem:s21+$0xFFFFFFF0] =	vst v0  }
0x1c: {  	[tilespmem:s21+$0xFFFFFFC0] =	vst v0  }
0x1d: {  	[tilespmem:s21+$0xFFFFFFE0] =	vst v0  }
0x1e: {  	[tilespmem:s21+$0x10] =	vst v0  }
0x1f: {  	[tilespmem:s21+$0x20] =	vst v0  }
0x20: {  	[tilespmem:s21+$0x0] =	vst v0  }
0x21: {  	s22 =	simm.s32 $0x27C0;
	[tilespmem:s21+$0xFFFFFFD0] =	vst v0  }
0x22: {  	[tilespmem:s22+$0xFFFFFFC0] =	vst v0  }
0x23: {  	[tilespmem:s22+$0x30] =	vst v0  }
0x24: {  	[tilespmem:s22+$0x20] =	vst v0  }
0x25: {  	[tilespmem:s22+$0x10] =	vst v0  }
0x26: {  	[tilespmem:s22+$0xFFFFFFE0] =	vst v0  }
0x27: {  	[tilespmem:s22+$0x0] =	vst v0  }
0x28: {  	s23 =	simm.s32 $0x0;
	[tilespmem:s22+$0xFFFFFFF0] =	vst v0  }
.LBB2_2:
0x29: {  	s23 =	sadd.s32 $0x8, s23;
	[tilespmem:s22+$0xFFFFFFD0] =	vst v0;
	s21 =	sadd.s32 $0x80, s21;
	s22 =	sadd.s32 $0x80, s22  }
0x2a: {  	[tilespmem:s21+$0x30] =	vst v0;
	p1 =	slt.u32 s23, $0x268  }
0x2b: {  	[tilespmem:s21+$0xFFFFFFF0] =	vst v0  }
0x2c: {  	[tilespmem:s21+$0xFFFFFFC0] =	vst v0  }
0x2d: {  	[tilespmem:s22+$0xFFFFFFC0] =	vst v0  }
0x2e: {  	[tilespmem:s22+$0x30] =	vst v0  }
0x2f: {  	[tilespmem:s21+$0xFFFFFFE0] =	vst v0  }
0x30: {  	[tilespmem:s21+$0x10] =	vst v0  }
0x31: {  	[tilespmem:s21+$0x20] =	vst v0  }
0x32: {  	[tilespmem:s22+$0x20] =	vst v0  }
0x33: {  	[tilespmem:s22+$0x10] =	vst v0  }
.Ltmp2:
0x34: {  	[tilespmem:s22+$0xFFFFFFE0] =	vst v0;
	(pc) =	sbr.rel @p1 .LBB2_2-.Ltmp2, $4  }
0x35: {  	[tilespmem:s21+$0x0] =	vst v0  }
0x36: {  	[tilespmem:s22+$0x0] =	vst v0  }
0x37: {  	[tilespmem:s22+$0xFFFFFFF0] =	vst v0  }
0x38: {  	[tilespmem:s21+$0xFFFFFFD0] =	vst v0  }
0x39: {  	[tilespmem:s22+$0xFFFFFFD0] =	vst v0  }
0x3a: {  	[tilespmem:$0x2700] =	vst v0  }
0x3b: {  	[tilespmem:$0x4E80] =	vst v0  }
0x3c: {  	[tilespmem:s14], [sflag:$0x1] =	stream.linear.gather [hbm4b:s3+s2], $0x2710, $0x38;
	[tilespmem:$0xED00] =	vst v63  }
0x3d: {  	_ =	swait.ge [sflag:s15], $0x2710  }
0x3e: {  	[sflag:s15] =	ssyncset.done $0x0  }
0x3f: {  	[sflag:s15] =	ssyncadd.s32 $0xFFFFD8F0  }
0x40: {  	[tilespmem:s16], [sflag:$0x1] =	stream.linear.gather [hbm4b:s4+s2], $0x2710, $0x38;
	[tilespmem:$0xED00] =	vst v63  }
0x41: {  	_ =	swait.ge [sflag:s15], $0x2710  }
0x42: {  	[sflag:s15] =	ssyncset.done $0x0  }
0x43: {  	[sflag:s15] =	ssyncadd.s32 $0xFFFFD8F0  }
0x44: {  	[tilespmem:s17], [sflag:$0x1] =	stream.linear.gather [hbm4b:s5+s2], $0x2710, $0x38;
	[tilespmem:$0xED00] =	vst v63  }
0x45: {  	_ =	swait.ge [sflag:s15], $0x2710  }
0x46: {  	[sflag:s15] =	ssyncset.done $0x0  }
0x47: {  	s23 =	simm.s32 $0x76C0;
	[sflag:s15] =	ssyncadd.s32 $0xFFFFD8F0  }
0x48: {  	s21 =	simm.s32 $0x4F40;
	v1 =	vld [tilespmem:s23+$0x30]  }
0x49: {  	s22 =	simm.s32 $0x9E40;
	v2 =	vld [tilespmem:s21+$0x30]  }
0x4a: {  	v3 =	vld [tilespmem:s22+$0x30]  }
0x4b: {  	v4 =	vld [tilespmem:s23+$0xFFFFFFD0]  }
0x4c: {  	v5 =	vld [tilespmem:s22+$0xFFFFFFD0]  }
0x4d: {  	v6 =	vld [tilespmem:s23+$0xFFFFFFE0]  }
0x4e: {  	v7 =	vld [tilespmem:s23+$0x0]  }
0x4f: {  	v8 =	vld [tilespmem:s21+$0xFFFFFFD0]  }
0x50: {  	v9 =	vld [tilespmem:s22+$0x0]  }
0x51: {  	v10 =	vld [tilespmem:s23+$0x10]  }
0x52: {  	v11 =	vld [tilespmem:s22+$0x10]  }
0x53: {  	v12 =	vld [tilespmem:s21+$0xFFFFFFE0]  }
0x54: {  	v13 =	vld [tilespmem:s23+$0x20]  }
0x55: {  	v58 =	vld [tilespmem:s22+$0x20]  }
0x56: {  	v14 =	vld [tilespmem:s21+$0xFFFFFFF0]  }
0x57: {  	v59 =	vld [tilespmem:s21+$0x0]  }
0x58: {  	v60 =	vld [tilespmem:s21+$0x10]  }
0x59: {  	v1 =	vmul.f32 v3, v1;
	v3 =	vld [tilespmem:s22+$0xFFFFFFE0]  }
0x5a: {  	v61 =	vld [tilespmem:s21+$0x20]  }
0x5b: {  	v62 =	vld [tilespmem:s22+$0xFFFFFFC0]  }
0x5c: {  	[tilespmem:v2+s2+$0x0] =	vst.idx.add.f32.msk $0xffff, v1  }
0x5d: {  	v4 =	vmul.f32 v5, v4;
	v1 =	vld [tilespmem:s23+$0xFFFFFFF0]  }
0x5e: {  	v2 =	vld [tilespmem:s22+$0xFFFFFFF0];
	v3 =	vmul.f32 v3, v6  }
0x5f: {  	[tilespmem:v8+s2+$0x0] =	vst.idx.add.f32.msk $0xffff, v4  }
0x60: {  	v7 =	vmul.f32 v9, v7;
	[tilespmem:v12+s2+$0x0] =	vst.idx.add.f32.msk $0xffff, v3  }
0x61: {  	v63 =	vmul.f32 v11, v10;
	v3 =	vld [tilespmem:s23+$0xFFFFFFC0]  }
0x62: {  	v5 =	vmul.f32 v58, v13;
	[tilespmem:v59+s2+$0x0] =	vst.idx.add.f32.msk $0xffff, v7  }
0x63: {  	[tilespmem:v60+s2+$0x0] =	vst.idx.add.f32.msk $0xffff, v63  }
0x64: {  	[tilespmem:v61+s2+$0x0] =	vst.idx.add.f32.msk $0xffff, v5;
	v1 =	vmul.f32 v2, v1  }
0x65: {  	v2 =	vld [tilespmem:s21+$0xFFFFFFC0]  }
0x66: {  	s24 =	simm.s32 $0x7740;
	s23 =	simm.s32 $0x0;
	[tilespmem:v14+s2+$0x0] =	vst.idx.add.f32.msk $0xffff, v1;
	v1 =	vmul.f32 v62, v3  }
.LBB2_4:
0x67: {  	v3 =	vld [tilespmem:s24+$0x30];
	s21 =	sadd.s32 $0x80, s21  }
0x68: {  	s23 =	sadd.s32 $0x8, s23;
	s22 =	sadd.s32 $0x80, s22;
	v4 =	vld [tilespmem:s21+$0x30]  }
0x69: {  	p1 =	slt.u32 s23, $0x268;
	v5 =	vld [tilespmem:s22+$0x30]  }
0x6a: {  	v6 =	vld [tilespmem:s24+$0xFFFFFFC0]  }
0x6b: {  	v7 =	vld [tilespmem:s22+$0xFFFFFFC0]  }
0x6c: {  	v8 =	vld [tilespmem:s24+$0xFFFFFFD0]  }
0x6d: {  	v9 =	vld [tilespmem:s22+$0xFFFFFFD0]  }
0x6e: {  	v10 =	vld [tilespmem:s24+$0xFFFFFFE0];
	v3 =	vmul.f32 v5, v3  }
0x6f: {  	v5 =	vld [tilespmem:s22+$0xFFFFFFE0]  }
0x70: {  	v6 =	vmul.f32 v7, v6;
	[tilespmem:v4+s2+$0x0] =	vst.idx.add.f32.msk $0xffff, v3  }
0x71: {  	v3 =	vld [tilespmem:s24+$0xFFFFFFF0]  }
0x72: {  	v4 =	vmul.f32 v9, v8;
	v7 =	vld [tilespmem:s22+$0xFFFFFFF0]  }
0x73: {  	v8 =	vld [tilespmem:s24+$0x0]  }
0x74: {  	v5 =	vmul.f32 v5, v10;
	v9 =	vld [tilespmem:s22+$0x0]  }
0x75: {  	v10 =	vld [tilespmem:s24+$0x10]  }
0x76: {  	v11 =	vld [tilespmem:s22+$0x10]  }
0x77: {  	v3 =	vmul.f32 v7, v3;
	v7 =	vld [tilespmem:s24+$0x20]  }
0x78: {  	v12 =	vld [tilespmem:s22+$0x20]  }
0x79: {  	v13 =	vld [tilespmem:s21+$0xFFFFFFD0];
	v8 =	vmul.f32 v9, v8  }
0x7a: {  	v9 =	vld [tilespmem:s21+$0xFFFFFFE0]  }
0x7b: {  	v14 =	vld [tilespmem:s21+$0xFFFFFFF0];
	v10 =	vmul.f32 v11, v10  }
0x7c: {  	v11 =	vld [tilespmem:s21+$0x0]  }
0x7d: {  	v15 =	vld [tilespmem:s21+$0x10];
	v7 =	vmul.f32 v12, v7  }
0x7e: {  	v12 =	vld [tilespmem:s21+$0x20]  }
0x7f: {  	v16 =	vld [tilespmem:s21+$0xFFFFFFC0]  }
0x80: {  	[tilespmem:v2+s2+$0x0] =	vst.idx.add.f32.msk $0xffff, v1;
	v1 =	vmov v6  }
0x81: {  	[tilespmem:v13+s2+$0x0] =	vst.idx.add.f32.msk $0xffff, v4  }
.Ltmp3:
0x82: {  	[tilespmem:v9+s2+$0x0] =	vst.idx.add.f32.msk $0xffff, v5;
	(pc) =	sbr.rel @p1 .LBB2_4-.Ltmp3, $4  }
0x83: {  	[tilespmem:v14+s2+$0x0] =	vst.idx.add.f32.msk $0xffff, v3  }
0x84: {  	[tilespmem:v11+s2+$0x0] =	vst.idx.add.f32.msk $0xffff, v8;
	v2 =	vmov v16  }
0x85: {  	[tilespmem:v15+s2+$0x0] =	vst.idx.add.f32.msk $0xffff, v10  }
0x86: {  	s24 =	sadd.s32 $0x80, s24;
	[tilespmem:v12+s2+$0x0] =	vst.idx.add.f32.msk $0xffff, v7  }
0x87: {  	_ =	sdelay $0x3  }
0x88: {  	[tilespmem:v2+s2+$0x0] =	vst.idx.add.f32.msk $0xffff, v1  }
0x89: {  	v1 =	vld [tilespmem:$0x7600]  }
0x8a: {  	v2 =	vld [tilespmem:$0x9D80]  }
0x8b: {  	v3 =	vld [tilespmem:$0xC500];
	_ =	sdelay $0x2  }
.Ltmp4:
0x8c: {  	_ = 	snop;
	(pc) =	sbr.rel @p0 .LBB2_9-.Ltmp4, $3  }
0x8d: {  	_ = 	snop  }
0x8e: {  	v2 =	vmul.f32 v3, v2;
	_ =	sdelay $0x1  }
0x8f: {  	[tilespmem:v1+s2+$0x0] =	vst.idx.add.f32.msk $0xffff, v2  }
0x90: {  	[tilespmem:s18], [sflag:$0x1] =	stream.linear.gather [hbm4b:s6+s2], $0x2710, $0x38;
	[tilespmem:$0xED00] =	vst v63  }
0x91: {  	_ =	swait.ge [sflag:s15], $0x2710  }
0x92: {  	[sflag:s15] =	ssyncset.done $0x0  }
0x93: {  	s22 =	simm.s32 $0x4F40;
	[sflag:s15] =	ssyncadd.s32 $0xFFFFD8F0  }
0x94: {  	v1 =	vld [tilespmem:s22+$0x30]  }
0x95: {  	v2 =	vld [tilespmem:s22+$0xFFFFFFD0]  }
0x96: {  	s21 =	simm.s32 $0xC5C0;
	v3 =	vld [tilespmem:s22+$0xFFFFFFE0]  }
0x97: {  	v4 =	vld [tilespmem:s21+$0x30]  }
0x98: {  	v5 =	vld [tilespmem:s22+$0xFFFFFFF0]  }
0x99: {  	v6 =	vld [tilespmem:s22+$0x0]  }
0x9a: {  	v7 =	vld [tilespmem:s22+$0x10]  }
0x9b: {  	v8 =	vld [tilespmem:s22+$0x20]  }
0x9c: {  	v63 =	vld [tilespmem:s21+$0xFFFFFFC0]  }
0x9d: {  	v9 =	vld [tilespmem:s21+$0xFFFFFFD0]  }
0x9e: {  	v10 =	vld [tilespmem:s21+$0xFFFFFFE0]  }
0x9f: {  	v11 =	vld [tilespmem:s21+$0xFFFFFFF0]  }
0xa0: {  	v12 =	vld [tilespmem:s21+$0x0]  }
0xa1: {  	v13 =	vld [tilespmem:s21+$0x10]  }
0xa2: {  	[tilespmem:v1+s19+$0x0] =	vst.idx.add.f32.msk $0xffff, v4  }
0xa3: {  	v1 =	vld [tilespmem:s22+$0xFFFFFFC0]  }
0xa4: {  	v14 =	vld [tilespmem:s21+$0x20]  }
0xa5: {  	[tilespmem:v2+s19+$0x0] =	vst.idx.add.f32.msk $0xffff, v9  }
0xa6: {  	[tilespmem:v3+s19+$0x0] =	vst.idx.add.f32.msk $0xffff, v10  }
0xa7: {  	[tilespmem:v5+s19+$0x0] =	vst.idx.add.f32.msk $0xffff, v11  }
0xa8: {  	[tilespmem:v6+s19+$0x0] =	vst.idx.add.f32.msk $0xffff, v12  }
0xa9: {  	[tilespmem:v7+s19+$0x0] =	vst.idx.add.f32.msk $0xffff, v13  }
0xaa: {  	[tilespmem:v8+s19+$0x0] =	vst.idx.add.f32.msk $0xffff, v14  }
0xab: {  	s23 =	simm.s32 $0x4FC0;
	s22 =	simm.s32 $0x0;
	[tilespmem:v1+s19+$0x0] =	vst.idx.add.f32.msk $0xffff, v63  }
.LBB2_7:
0xac: {  	v1 =	vld [tilespmem:s23+$0x30];
	s22 =	sadd.s32 $0x8, s22  }
0xad: {  	v2 =	vld [tilespmem:s23+$0xFFFFFFD0];
	p1 =	slt.u32 s22, $0x268  }
0xae: {  	s21 =	sadd.s32 $0x80, s21;
	v3 =	vld [tilespmem:s23+$0xFFFFFFE0]  }
0xaf: {  	v4 =	vld [tilespmem:s21+$0x30]  }
0xb0: {  	v5 =	vld [tilespmem:s23+$0xFFFFFFF0]  }
0xb1: {  	v6 =	vld [tilespmem:s23+$0x0]  }
0xb2: {  	v7 =	vld [tilespmem:s23+$0x10]  }
0xb3: {  	v8 =	vld [tilespmem:s23+$0x20]  }
0xb4: {  	[tilespmem:v1+s19+$0x0] =	vst.idx.add.f32.msk $0xffff, v4  }
0xb5: {  	v1 =	vld [tilespmem:s23+$0xFFFFFFC0]  }
0xb6: {  	v4 =	vld [tilespmem:s21+$0xFFFFFFC0]  }
0xb7: {  	v9 =	vld [tilespmem:s21+$0xFFFFFFD0]  }
0xb8: {  	v10 =	vld [tilespmem:s21+$0xFFFFFFE0]  }
0xb9: {  	v11 =	vld [tilespmem:s21+$0xFFFFFFF0]  }
0xba: {  	v12 =	vld [tilespmem:s21+$0x0]  }
0xbb: {  	v13 =	vld [tilespmem:s21+$0x10]  }
0xbc: {  	v14 =	vld [tilespmem:s21+$0x20]  }
0xbd: {  	[tilespmem:v1+s19+$0x0] =	vst.idx.add.f32.msk $0xffff, v4  }
0xbe: {  	[tilespmem:v2+s19+$0x0] =	vst.idx.add.f32.msk $0xffff, v9  }
.Ltmp5:
0xbf: {  	[tilespmem:v3+s19+$0x0] =	vst.idx.add.f32.msk $0xffff, v10;
	(pc) =	sbr.rel @p1 .LBB2_7-.Ltmp5, $4  }
0xc0: {  	[tilespmem:v5+s19+$0x0] =	vst.idx.add.f32.msk $0xffff, v11  }
0xc1: {  	[tilespmem:v6+s19+$0x0] =	vst.idx.add.f32.msk $0xffff, v12  }
0xc2: {  	[tilespmem:v7+s19+$0x0] =	vst.idx.add.f32.msk $0xffff, v13  }
0xc3: {  	s23 =	sadd.s32 $0x80, s23;
	[tilespmem:v8+s19+$0x0] =	vst.idx.add.f32.msk $0xffff, v14  }
0xc4: {  	v1 =	vld [tilespmem:$0x7600];
	_ =	sdelay $0x2  }
0xc5: {  	v2 =	vld [tilespmem:$0xEC80];
	_ =	sdelay $0x4  }
0xc6: {  	[tilespmem:v1+s19+$0x0] =	vst.idx.add.f32.msk $0xffff, v2  }
.LBB2_9:
0xc7: {  	[tilespmem:s14], [sflag:$0x1] =	stream.linear.gather [hbm4b:s7+s2], $0x1A40, $0x38;
	[tilespmem:$0xED00] =	vst v63  }
0xc8: {  	_ =	swait.ge [sflag:s15], $0x1A40  }
0xc9: {  	[sflag:s15] =	ssyncset.done $0x0  }
0xca: {  	[sflag:s15] =	ssyncadd.s32 $0xFFFFE5C0  }
0xcb: {  	[tilespmem:s16], [sflag:$0x1] =	stream.linear.gather [hbm4b:s8+s2], $0x1A40, $0x38;
	[tilespmem:$0xED00] =	vst v63  }
0xcc: {  	_ =	swait.ge [sflag:s15], $0x1A40  }
0xcd: {  	[sflag:s15] =	ssyncset.done $0x0  }
0xce: {  	[sflag:s15] =	ssyncadd.s32 $0xFFFFE5C0  }
0xcf: {  	[tilespmem:s17], [sflag:$0x1] =	stream.linear.gather [hbm4b:s9+s2], $0x1A40, $0x38;
	[tilespmem:$0xED00] =	vst v63  }
0xd0: {  	_ =	swait.ge [sflag:s15], $0x1A40  }
0xd1: {  	[sflag:s15] =	ssyncset.done $0x0  }
0xd2: {  	s24 =	simm.s32 $0x76C0;
	[sflag:s15] =	ssyncadd.s32 $0xFFFFE5C0  }
0xd3: {  	s22 =	simm.s32 $0x4F40;
	v1 =	vld [tilespmem:s24+$0x30]  }
0xd4: {  	s23 =	simm.s32 $0x9E40;
	v2 =	vld [tilespmem:s22+$0x30]  }
0xd5: {  	v3 =	vld [tilespmem:s23+$0x30]  }
0xd6: {  	v4 =	vld [tilespmem:s24+$0xFFFFFFD0]  }
0xd7: {  	v5 =	vld [tilespmem:s23+$0xFFFFFFD0]  }
0xd8: {  	v6 =	vld [tilespmem:s24+$0xFFFFFFE0]  }
0xd9: {  	v7 =	vld [tilespmem:s24+$0x0]  }
0xda: {  	v8 =	vld [tilespmem:s22+$0xFFFFFFD0]  }
0xdb: {  	v9 =	vld [tilespmem:s23+$0x0]  }
0xdc: {  	v10 =	vld [tilespmem:s24+$0x10]  }
0xdd: {  	v11 =	vld [tilespmem:s23+$0x10]  }
0xde: {  	v12 =	vld [tilespmem:s22+$0xFFFFFFE0]  }
0xdf: {  	v13 =	vld [tilespmem:s24+$0x20]  }
0xe0: {  	v58 =	vld [tilespmem:s23+$0x20]  }
0xe1: {  	v14 =	vld [tilespmem:s22+$0xFFFFFFF0]  }
0xe2: {  	v59 =	vld [tilespmem:s22+$0x0]  }
0xe3: {  	v60 =	vld [tilespmem:s22+$0x10]  }
0xe4: {  	v1 =	vmul.f32 v3, v1;
	v3 =	vld [tilespmem:s23+$0xFFFFFFE0]  }
0xe5: {  	v61 =	vld [tilespmem:s22+$0x20]  }
0xe6: {  	s21 =	simm.s32 $0x0;
	v62 =	vld [tilespmem:s23+$0xFFFFFFC0]  }
0xe7: {  	[tilespmem:v2+s21+$0x0] =	vst.idx.add.f32.msk $0xffff, v1  }
0xe8: {  	v4 =	vmul.f32 v5, v4;
	v1 =	vld [tilespmem:s24+$0xFFFFFFF0]  }
0xe9: {  	v2 =	vld [tilespmem:s23+$0xFFFFFFF0];
	v3 =	vmul.f32 v3, v6  }
0xea: {  	[tilespmem:v8+s21+$0x0] =	vst.idx.add.f32.msk $0xffff, v4  }
0xeb: {  	v7 =	vmul.f32 v9, v7;
	[tilespmem:v12+s21+$0x0] =	vst.idx.add.f32.msk $0xffff, v3  }
0xec: {  	v63 =	vmul.f32 v11, v10;
	v3 =	vld [tilespmem:s24+$0xFFFFFFC0]  }
0xed: {  	v5 =	vmul.f32 v58, v13;
	[tilespmem:v59+s21+$0x0] =	vst.idx.add.f32.msk $0xffff, v7  }
0xee: {  	[tilespmem:v60+s21+$0x0] =	vst.idx.add.f32.msk $0xffff, v63  }
0xef: {  	[tilespmem:v61+s21+$0x0] =	vst.idx.add.f32.msk $0xffff, v5;
	v1 =	vmul.f32 v2, v1  }
0xf0: {  	v2 =	vld [tilespmem:s22+$0xFFFFFFC0]  }
0xf1: {  	s25 =	simm.s32 $0x7740;
	s26 =	simm.s32 $0x0;
	s24 =	simm.s32 $0x0;
	[tilespmem:v14+s21+$0x0] =	vst.idx.add.f32.msk $0xffff, v1;
	v1 =	vmul.f32 v62, v3  }
.LBB2_10:
0xf2: {  	v3 =	vld [tilespmem:s25+$0x30];
	s22 =	sadd.s32 $0x80, s22  }
0xf3: {  	s24 =	sadd.s32 $0x8, s24;
	s23 =	sadd.s32 $0x80, s23;
	v4 =	vld [tilespmem:s22+$0x30]  }
0xf4: {  	p1 =	slt.u32 s24, $0x198;
	v5 =	vld [tilespmem:s23+$0x30]  }
0xf5: {  	v6 =	vld [tilespmem:s25+$0xFFFFFFC0]  }
0xf6: {  	v7 =	vld [tilespmem:s23+$0xFFFFFFC0]  }
0xf7: {  	v8 =	vld [tilespmem:s25+$0xFFFFFFD0]  }
0xf8: {  	v9 =	vld [tilespmem:s23+$0xFFFFFFD0]  }
0xf9: {  	v10 =	vld [tilespmem:s25+$0xFFFFFFE0];
	v3 =	vmul.f32 v5, v3  }
0xfa: {  	v5 =	vld [tilespmem:s23+$0xFFFFFFE0]  }
0xfb: {  	v6 =	vmul.f32 v7, v6;
	[tilespmem:v4+s21+$0x0] =	vst.idx.add.f32.msk $0xffff, v3  }
0xfc: {  	v3 =	vld [tilespmem:s25+$0xFFFFFFF0]  }
0xfd: {  	v4 =	vmul.f32 v9, v8;
	v7 =	vld [tilespmem:s23+$0xFFFFFFF0]  }
0xfe: {  	v8 =	vld [tilespmem:s25+$0x0]  }
0xff: {  	v5 =	vmul.f32 v5, v10;
	v9 =	vld [tilespmem:s23+$0x0]  }
0x100: {  	v10 =	vld [tilespmem:s25+$0x10]  }
0x101: {  	v11 =	vld [tilespmem:s23+$0x10]  }
0x102: {  	v3 =	vmul.f32 v7, v3;
	v7 =	vld [tilespmem:s25+$0x20]  }
0x103: {  	v12 =	vld [tilespmem:s23+$0x20]  }
0x104: {  	v13 =	vld [tilespmem:s22+$0xFFFFFFD0];
	v8 =	vmul.f32 v9, v8  }
0x105: {  	v9 =	vld [tilespmem:s22+$0xFFFFFFE0]  }
0x106: {  	v14 =	vld [tilespmem:s22+$0xFFFFFFF0];
	v10 =	vmul.f32 v11, v10  }
0x107: {  	v11 =	vld [tilespmem:s22+$0x0]  }
0x108: {  	v15 =	vld [tilespmem:s22+$0x10];
	v7 =	vmul.f32 v12, v7  }
0x109: {  	v12 =	vld [tilespmem:s22+$0x20]  }
0x10a: {  	v16 =	vld [tilespmem:s22+$0xFFFFFFC0]  }
0x10b: {  	[tilespmem:v2+s26+$0x0] =	vst.idx.add.f32.msk $0xffff, v1;
	v1 =	vmov v6;
	s26 =	smov.u32 s21  }
0x10c: {  	[tilespmem:v13+s26+$0x0] =	vst.idx.add.f32.msk $0xffff, v4  }
.Ltmp6:
0x10d: {  	[tilespmem:v9+s26+$0x0] =	vst.idx.add.f32.msk $0xffff, v5;
	(pc) =	sbr.rel @p1 .LBB2_10-.Ltmp6, $4  }
0x10e: {  	[tilespmem:v14+s26+$0x0] =	vst.idx.add.f32.msk $0xffff, v3  }
0x10f: {  	[tilespmem:v11+s26+$0x0] =	vst.idx.add.f32.msk $0xffff, v8;
	v2 =	vmov v16  }
0x110: {  	[tilespmem:v15+s26+$0x0] =	vst.idx.add.f32.msk $0xffff, v10  }
0x111: {  	s25 =	sadd.s32 $0x80, s25;
	[tilespmem:v12+s26+$0x0] =	vst.idx.add.f32.msk $0xffff, v7  }
0x112: {  	_ =	sdelay $0x3  }
0x113: {  	[tilespmem:v2+s26+$0x0] =	vst.idx.add.f32.msk $0xffff, v1  }
.LBB2_12:
0x114: {  	s22 =	sshra.s32 s21, $0x2  }
0x115: {  	v1 =	vld [tilespmem:s22+$0x6900]  }
0x116: {  	v2 =	vld [tilespmem:s22+$0x9080]  }
0x117: {  	v3 =	vld [tilespmem:s22+$0xB800];
	_ =	sdelay $0x1  }
0x118: {  	p1 =	sne.s32 s21, $0xC0  }
.Ltmp7:
0x119: {  	_ = 	snop;
	(pc) =	sbr.rel @p1 .LBB2_12-.Ltmp7, $3  }
0x11a: {  	_ = 	snop  }
0x11b: {  	v2 =	vmul.f32 v3, v2;
	_ =	sdelay $0x1  }
0x11c: {  	s21 =	sadd.s32 $0x40, s21;
	[tilespmem:v1+s2+$0x0] =	vst.idx.add.f32.msk $0xffff, v2  }
.Ltmp8:
0x11d: {  	(pc) =	sbr.rel @p0 .LBB2_18-.Ltmp8, $2  }
0x11e: {  	_ =	sdelay $0x2  }
0x11f: {  	s21 =	simm.s32 $0x0;
	s22 =	smov.u32 s10  }
0x120: {  	[tilespmem:s18], [sflag:$0x1] =	stream.linear.gather [hbm4b:s11+s2], $0x1A40, $0x38;
	[tilespmem:$0xED00] =	vst v63  }
0x121: {  	_ =	swait.ge [sflag:s15], $0x1A40  }
0x122: {  	[sflag:s15] =	ssyncset.done $0x0  }
0x123: {  	s22 =	simm.s32 $0x4F40;
	[sflag:s15] =	ssyncadd.s32 $0xFFFFE5C0  }
0x124: {  	v1 =	vld [tilespmem:s22+$0x30]  }
0x125: {  	v2 =	vld [tilespmem:s22+$0xFFFFFFD0]  }
0x126: {  	s21 =	simm.s32 $0xC5C0;
	v3 =	vld [tilespmem:s22+$0xFFFFFFE0]  }
0x127: {  	v4 =	vld [tilespmem:s21+$0x30]  }
0x128: {  	v5 =	vld [tilespmem:s22+$0xFFFFFFF0]  }
0x129: {  	v6 =	vld [tilespmem:s22+$0x0]  }
0x12a: {  	v7 =	vld [tilespmem:s22+$0x10]  }
0x12b: {  	v8 =	vld [tilespmem:s22+$0x20]  }
0x12c: {  	v63 =	vld [tilespmem:s21+$0xFFFFFFC0]  }
0x12d: {  	v9 =	vld [tilespmem:s21+$0xFFFFFFD0]  }
0x12e: {  	v10 =	vld [tilespmem:s21+$0xFFFFFFE0]  }
0x12f: {  	v11 =	vld [tilespmem:s21+$0xFFFFFFF0]  }
0x130: {  	v12 =	vld [tilespmem:s21+$0x0]  }
0x131: {  	v13 =	vld [tilespmem:s21+$0x10]  }
0x132: {  	[tilespmem:v1+s19+$0x0] =	vst.idx.add.f32.msk $0xffff, v4  }
0x133: {  	v1 =	vld [tilespmem:s22+$0xFFFFFFC0]  }
0x134: {  	v14 =	vld [tilespmem:s21+$0x20]  }
0x135: {  	[tilespmem:v2+s19+$0x0] =	vst.idx.add.f32.msk $0xffff, v9  }
0x136: {  	[tilespmem:v3+s19+$0x0] =	vst.idx.add.f32.msk $0xffff, v10  }
0x137: {  	[tilespmem:v5+s19+$0x0] =	vst.idx.add.f32.msk $0xffff, v11  }
0x138: {  	[tilespmem:v6+s19+$0x0] =	vst.idx.add.f32.msk $0xffff, v12  }
0x139: {  	[tilespmem:v7+s19+$0x0] =	vst.idx.add.f32.msk $0xffff, v13  }
0x13a: {  	[tilespmem:v8+s19+$0x0] =	vst.idx.add.f32.msk $0xffff, v14  }
0x13b: {  	s23 =	simm.s32 $0x4FC0;
	s22 =	simm.s32 $0x0;
	[tilespmem:v1+s19+$0x0] =	vst.idx.add.f32.msk $0xffff, v63  }
.LBB2_15:
0x13c: {  	v1 =	vld [tilespmem:s23+$0x30];
	s22 =	sadd.s32 $0x8, s22  }
0x13d: {  	v2 =	vld [tilespmem:s23+$0xFFFFFFD0];
	p1 =	slt.u32 s22, $0x198  }
0x13e: {  	s21 =	sadd.s32 $0x80, s21;
	v3 =	vld [tilespmem:s23+$0xFFFFFFE0]  }
0x13f: {  	v4 =	vld [tilespmem:s21+$0x30]  }
0x140: {  	v5 =	vld [tilespmem:s23+$0xFFFFFFF0]  }
0x141: {  	v6 =	vld [tilespmem:s23+$0x0]  }
0x142: {  	v7 =	vld [tilespmem:s23+$0x10]  }
0x143: {  	v8 =	vld [tilespmem:s23+$0x20]  }
0x144: {  	s24 =	simm.s32 $0x0;
	[tilespmem:v1+s19+$0x0] =	vst.idx.add.f32.msk $0xffff, v4  }
0x145: {  	v1 =	vld [tilespmem:s23+$0xFFFFFFC0]  }
0x146: {  	v4 =	vld [tilespmem:s21+$0xFFFFFFC0]  }
0x147: {  	v9 =	vld [tilespmem:s21+$0xFFFFFFD0]  }
0x148: {  	v10 =	vld [tilespmem:s21+$0xFFFFFFE0]  }
0x149: {  	v11 =	vld [tilespmem:s21+$0xFFFFFFF0]  }
0x14a: {  	v12 =	vld [tilespmem:s21+$0x0]  }
0x14b: {  	v13 =	vld [tilespmem:s21+$0x10]  }
0x14c: {  	v14 =	vld [tilespmem:s21+$0x20]  }
0x14d: {  	[tilespmem:v1+s19+$0x0] =	vst.idx.add.f32.msk $0xffff, v4  }
0x14e: {  	[tilespmem:v2+s19+$0x0] =	vst.idx.add.f32.msk $0xffff, v9  }
.Ltmp9:
0x14f: {  	[tilespmem:v3+s19+$0x0] =	vst.idx.add.f32.msk $0xffff, v10;
	(pc) =	sbr.rel @p1 .LBB2_15-.Ltmp9, $4  }
0x150: {  	[tilespmem:v5+s19+$0x0] =	vst.idx.add.f32.msk $0xffff, v11  }
0x151: {  	[tilespmem:v6+s19+$0x0] =	vst.idx.add.f32.msk $0xffff, v12  }
0x152: {  	[tilespmem:v7+s19+$0x0] =	vst.idx.add.f32.msk $0xffff, v13  }
0x153: {  	s23 =	sadd.s32 $0x80, s23;
	[tilespmem:v8+s19+$0x0] =	vst.idx.add.f32.msk $0xffff, v14  }
.LBB2_16:
0x154: {  	s21 =	sshra.s32 s24, $0x2  }
0x155: {  	v1 =	vld [tilespmem:s21+$0x6900];
	_ =	sdelay $0x2  }
0x156: {  	p1 =	sne.s32 s24, $0xC0;
	v2 =	vld [tilespmem:s21+$0xDF80]  }
.Ltmp10:
0x157: {  	_ = 	snop;
	(pc) =	sbr.rel @p1 .LBB2_16-.Ltmp10, $2  }
0x158: {  	_ =	sdelay $0x2  }
0x159: {  	s24 =	sadd.s32 $0x40, s24;
	[tilespmem:v1+s19+$0x0] =	vst.idx.add.f32.msk $0xffff, v2  }
.Ltmp11:
0x15a: {  	(pc) =	sbr.rel .LBB2_18-.Ltmp11, $4  }
0x15b: {  	[hbm4b:s10+s2] =	stream.linear.scatter [tilespmem:s2], [sflag:$0x1], $0x2710, $0x38;
	[tilespmem:$0xED00] =	vst v63  }
0x15c: {  	_ =	swait.ge [sflag:s15], $0x2710  }
0x15d: {  	[sflag:s15] =	ssyncset.done $0x0  }
0x15e: {  	s21 =	simm.s32 $0x2780;
	s22 =	smov.u32 s12;
	[sflag:s15] =	ssyncadd.s32 $0xFFFFD8F0  }
.LBB2_19:
0x15f: {  	_ =	sfence.sel $0x180000  }
0x160: {  	[bflag:$0x0] =	sbarrier.arrive $0xFFFF  }
0x161: {  	p0 =	sne.s32 s1, $0x0;
	_ =	strace $0x90000050  }
0x162: {  	s0 =	sadd.s32 @!p0 $0x100000, s0;
	[bflag:$0x2] =	sbarrier.arrive $0xFFFF  }
0x163: {  	[sflag:s0] =	ssyncadd.tile.s32 @!p0 $0x1;
	_ =	shalt  }
.Lfunc_end2:
_tile_overlayer_lowered:
.L_overlay_start_2:
0x164: {  	(tag) =	ssettag $0x2  }
0x165: {  	s0 =	rddreg [dreg:$0x0];
	s2 =	stileid.u32  }
0x166: {  	s1 =	rddreg [dreg:$0x1];
	p0 =	sne.s32 s2, $0x0  }
0x167: {  	s3 =	rddreg [dreg:$0x2];
	[bflag:$0x3] =	sbarrier.arrive $0xFFFF;
	s2 =	simm.s32 @!p0 $0x1C01  }
0x168: {  	[timem:s3], [sflag:s2] =	dma.local @!p0 [hbm:s0], s1  }
0x169: {  	s0 =	simm.s32 @!p0 $0x1  }
0x16a: {  	_ =	swait.ge @!p0 [sflag:s0], s1  }
0x16b: {  	s1 =	ssub.s32 @!p0 $0x0, s1;
	[sflag:s0] =	ssyncset.done @!p0 $0x0  }
0x16c: {  	[sflag:s0] =	ssyncadd.s32 @!p0 s1  }
0x16d: {  	[bflag:$0x3] =	sbarrier.arrive $0xFFFF  }
0x16e: {  	_ =	shalt  }

// kernel: kernel.22.cloned.1.call-start
scs
__scs_entry_jumppad:
0x0: {  	(pc) =	sbr.rel $0x88, $3  }
0x1: {  	(tag) =	ssettag $0x0;
	lr =	simm.s32 $0x1  }
0x2: {  	[smem:$0x3F92] =	sst lr;
	_ =	strace $0xD0000000  }
0x3: {  	_ = 	snop  }
0x4: {  	_ = 	snop  }
0x5: {  	_ = 	snop  }
0x6: {  	_ = 	snop  }
0x7: {  	_ = 	snop  }
__scs_overlays_trampoline_lowered:
0x8: {  	[smem:$0x3FA1] =	sst s0  }
0x9: {  	[smem:$0x3FA2] =	sst s1  }
0xa: {  	[smem:$0x3FA3] =	sst s2  }
0xb: {  	[smem:$0x3FA4] =	sst s3  }
0xc: {  	[smem:$0x3FA5] =	sst s4  }
0xd: {  	[smem:$0x3FA6] =	sst s5  }
0xe: {  	[smem:$0x3FA7] =	sst s6  }
0xf: {  	[smem:$0x3FA8] =	sst s7  }
0x10: {  	[smem:$0x3FA9] =	sst s8  }
0x11: {  	[smem:$0x3FAA] =	sst s9;
	s0 =	simm.s32 @!p0 $0x0  }
0x12: {  	s1 =	sld [smem:$0x3F90];
	s0 =	simm.s32 @p0 $0x1  }
0x13: {  	[smem:$0x3FAB] =	sst s0;
	s0 =	simm.s32 @!p1 $0x0  }
0x14: {  	s2 =	sld [smem:$0x3F8F];
	s0 =	simm.s32 @p1 $0x1  }
0x15: {  	[smem:$0x3FAC] =	sst s0;
	s0 =	simm.s32 @!p2 $0x0  }
0x16: {  	s3 =	sld [smem:$0x3FDB];
	s0 =	simm.s32 @p2 $0x1  }
0x17: {  	s4 =	simm.s32 $0x1BF5;
	[smem:$0x3FAE] =	sst s0  }
0x18: {  	s0 =	sld [smem:$0x3F91];
	_ =	swait.ge [sflag:s4], $0x0  }
0x19: {  	s7 =	sld [smem:$0x3F92]  }
0x1a: {  	s8 =	sadd.s32 $0xFFFFE003, lr  }
0x1b: {  	s9 =	sadd.s32 $0xFFFFFEF7, lr;
	s5 =	simm.s32 $0xFFFFFFFF;
	p2 =	slt.u32 s8, $0xFFFFF086  }
0x1c: {  	p1 =	slt.u32 s9, $0xF7A;
	s5 =	simm.s32 @!p2 $0x0  }
0x1d: {  	s5 =	simm.s32 @p1 $0x1;
	p0 =	seq.s32 s7, s2  }
0x1e: {  	s7 =	smul.u32 @!p0 $0xF7A, s2;
	p2 =	seq.s32 @!p0 s5, $0x0  }
0x1f: {  	s9 =	smul.u32 $0xF7A, s1;
	s8 =	simm.s32 @!p0 $0x1BF5;
	p2 =	por !p2, p0  }
0x20: {  	[sflag:s8] =	ssyncset.s32 @!p0 $0xFFFFF086;
	s6 =	sadd.s32 @!p0 s3, s7;
	s7 =	simm.s32 @!p0 $0x108  }
0x21: {  	s3 =	sadd.s32 s3, s9;
	s6 =	sadd.s32 @!p0 $0x88, s6;
	s7 =	simm.s32 @p2 $0x1082  }
0x22: {  	[simem:s7], [sflag:s8] =	dma.local @!p0 [hbm:s6], $0xF7A  }
0x23: {  	s9 =	sor.u32 $0xD0000000, s2;
	s6 =	simm.s32 $0x108;
	_ =	swait.ge @!p0 [sflag:s8], $0x0  }
0x24: {  	s3 =	sadd.s32 $0x88, s3;
	s6 =	simm.s32 @!p1 $0x1082;
	[sflag:s4] =	ssyncset.s32 $0xFFFFF086  }
0x25: {  	[simem:s6], [sflag:s4] =	dma.local [hbm:s3], $0xF7A  }
0x26: {  	[smem:$0x3F92] =	sst s1;
	(tag) =	ssettag s2;
	_ =	strace s9  }
0x27: {  	s1 =	sld [smem:$0x3FA2]  }
0x28: {  	s2 =	sld [smem:$0x3FA3]  }
0x29: {  	s4 =	sld [smem:$0x3FA5]  }
0x2a: {  	p0 =	seq.s32 s5, $0x0;
	s5 =	sld [smem:$0x3FA6]  }
0x2b: {  	s6 =	sld [smem:$0x3FA7]  }
0x2c: {  	s7 =	sld [smem:$0x3FA8]  }
0x2d: {  	s3 =	simm.s32 $0x108;
	s8 =	sld [smem:$0x3FA9]  }
0x2e: {  	s3 =	simm.s32 @!p0 $0x1082;
	s9 =	sld [smem:$0x3FAA]  }
0x2f: {  	lr =	sadd.s32 s0, s3;
	s0 =	sld [smem:$0x3FA1]  }
0x30: {  	s3 =	sld [smem:$0x3FA4]  }
0x31: {  	[smem:$0x3FAD] =	sst s10  }
0x32: {  	s10 =	sld [smem:$0x3FAB];
	_ =	sdelay $0x3  }
0x33: {  	p0 =	seq.s32 s10, $0x1;
	s10 =	sld [smem:$0x3FAD];
	_ =	sdelay $0x3  }
0x34: {  	[smem:$0x3FAD] =	sst s10  }
0x35: {  	s10 =	sld [smem:$0x3FAC];
	_ =	sdelay $0x3  }
0x36: {  	p1 =	seq.s32 s10, $0x1;
	s10 =	sld [smem:$0x3FAD];
	_ =	sdelay $0x3  }
0x37: {  	[smem:$0x3FAD] =	sst s10  }
0x38: {  	s10 =	sld [smem:$0x3FAE]  }
0x39: {  	_ = 	snop;
	(pc) =	sbr.ind lr, $3  }
0x3a: {  	_ = 	snop  }
0x3b: {  	_ = 	snop  }
0x3c: {  	p2 =	seq.s32 s10, $0x1;
	s10 =	sld [smem:$0x3FAD]  }
0x3d: {  	_ =	shalt  }
0x3e: {  	_ =	shalt  }
0x3f: {  	_ =	shalt  }
0x40: {  	_ =	shalt  }
0x41: {  	_ =	shalt  }
0x42: {  	_ =	shalt  }
0x43: {  	_ =	shalt  }
0x44: {  	_ =	shalt  }
0x45: {  	_ =	shalt  }
0x46: {  	_ =	shalt  }
0x47: {  	_ =	shalt  }
0x48: {  	_ =	shalt  }
0x49: {  	_ =	shalt  }
0x4a: {  	_ =	shalt  }
0x4b: {  	_ =	shalt  }
0x4c: {  	_ =	shalt  }
0x4d: {  	_ =	shalt  }
0x4e: {  	_ =	shalt  }
0x4f: {  	_ =	shalt  }
0x50: {  	_ =	shalt  }
0x51: {  	_ =	shalt  }
0x52: {  	_ =	shalt  }
0x53: {  	_ =	shalt  }
0x54: {  	_ =	shalt  }
0x55: {  	_ =	shalt  }
0x56: {  	_ =	shalt  }
0x57: {  	_ =	shalt  }
0x58: {  	_ =	shalt  }
0x59: {  	_ =	shalt  }
0x5a: {  	_ =	shalt  }
0x5b: {  	_ =	shalt  }
0x5c: {  	_ =	shalt  }
0x5d: {  	_ =	shalt  }
0x5e: {  	_ =	shalt  }
0x5f: {  	_ =	shalt  }
0x60: {  	_ =	shalt  }
0x61: {  	_ =	shalt  }
0x62: {  	_ =	shalt  }
0x63: {  	_ =	shalt  }
0x64: {  	_ =	shalt  }
0x65: {  	_ =	shalt  }
0x66: {  	_ =	shalt  }
0x67: {  	_ =	shalt  }
0x68: {  	_ =	shalt  }
0x69: {  	_ =	shalt  }
0x6a: {  	_ =	shalt  }
0x6b: {  	_ =	shalt  }
0x6c: {  	_ =	shalt  }
0x6d: {  	_ =	shalt  }
0x6e: {  	_ =	shalt  }
0x6f: {  	_ =	shalt  }
0x70: {  	_ =	shalt  }
0x71: {  	_ =	shalt  }
0x72: {  	_ =	shalt  }
0x73: {  	_ =	shalt  }
0x74: {  	_ =	shalt  }
0x75: {  	_ =	shalt  }
0x76: {  	_ =	shalt  }
0x77: {  	_ =	shalt  }
0x78: {  	_ =	shalt  }
0x79: {  	_ =	shalt  }
0x7a: {  	_ =	shalt  }
0x7b: {  	_ =	shalt  }
0x7c: {  	_ =	shalt  }
0x7d: {  	_ =	shalt  }
0x7e: {  	_ =	shalt  }
0x7f: {  	_ =	shalt  }
0x80: {  	_ =	shalt  }
0x81: {  	_ =	shalt  }
0x82: {  	_ =	shalt  }
0x83: {  	_ =	shalt  }
0x84: {  	_ =	shalt  }
0x85: {  	_ =	shalt  }
0x86: {  	_ =	shalt  }
0x87: {  	_ =	shalt  }
.Lfunc_end0:
.L_simem_size_0:
called_computation.4_lowered:
.L_overlay_start_0:
0x88: {  	s2 =	sld [smem:$0x3FD9]  }
0x89: {  	s3 =	sld [smem:$0x3FFE];
	_ =	sdelay $0x1  }
0x8a: {  	s1 =	srdreg.scid  }
0x8b: {  	s0 =	sand.u32 $0x1, s1  }
0x8c: {  	s14 =	sshll.u32 s0, $0xA;
	s2 =	sadd.s32 s3, s2  }
0x8d: {  	s2 =	sadd.s32 s2, s14  }
0x8e: {  	[smem:$0x3FB9] =	sst s2  }
0x8f: {  	_ = 	snop  }
0x90: {  	s2 =	sld [smem:$0x3FD0];
	_ =	sdelay $0x2  }
0x91: {  	s15 =	simm.s32 $0xB;
	s4 =	simm.s32 $0x10  }
0x92: {  	[smem:s4], [sflag:s15] =	dma.local [hbm:s2], $0x1  }
0x93: {  	_ =	swait.eq [sflag:s15], $0x1  }
0x94: {  	[sflag:s15] =	ssyncset.done $0x0  }
0x95: {  	[sflag:s15] =	ssyncadd.s32 $0xFFFFFFFF  }
0x96: {  	s16 =	sld [smem:$0x12];
	(tm) =	ssettm $0x1  }
0x97: {  	s17 =	sld [smem:$0x3FFB];
	_ =	sdelay $0x3  }
0x98: {  	_ =	strace s17  }
0x99: {  	s3 =	sld [smem:$0x3FFC];
	_ =	sdelay $0x3  }
0x9a: {  	_ =	strace s3  }
0x9b: {  	s3 =	sld [smem:$0x3FFD];
	_ =	sdelay $0x3  }
0x9c: {  	_ =	strace s3  }
0x9d: {  	_ =	strace $0x8FFFFFFF  }
0x9e: {  	s18 =	sld [smem:$0x3FDB];
	_ =	sdelay $0x1  }
0x9f: {  	s19 =	simm.s32 $_scs_section_size  }
0xa0: {  	s5 =	simm.s32 $_size__tile_overlayer_lowered;
	s6 =	simm.s32 $_tile_overlayer_lowered  }
0xa1: {  	s22 =	simm.s32 $0x1BFF;
	s21 =	sshll.u32 s6, $0x1;
	s3 =	sadd.s32 s19, s18  }
0xa2: {  	s7 =	simm.s32 $0x0;
	s20 =	sshll.u32 s5, $0x1;
	s5 =	sadd.s32 s21, s3  }
0xa3: {  	[timem:s7], [sflag:s22] =	dma.local [hbm:s5], s20  }
0xa4: {  	_ =	swait.ge [sflag:s22], s20  }
0xa5: {  	s4 =	ssub.s32 $0x0, s20;
	[sflag:s22] =	ssyncset.done $0x0  }
0xa6: {  	[sflag:s22] =	ssyncadd.s32 s4;
	_ =	sdelay $0x1  }
0xa7: {  	s23 =	simm.s32 $0x1B8B  }
0xa8: {  	_ =	swait.ge [sflag:s23], $0x1  }
0xa9: {  	[sflag:s23] =	ssyncset.done $0x0  }
0xaa: {  	s25 =	simm.s32 $0x1B8E;
	s24 =	sld [smem:$0x3FFE];
	[sflag:s23] =	ssyncadd.s32 $0xFFFFFFFF  }
0xab: {  	s26 =	simm.s32 $execute0_lowered;
	[smem:$0x3FD2] =	sst s25  }
0xac: {  	s5 =	sshll.u32 s26, $0x1;
	_ =	strace $0x80000052;
	[dreg:$0x1] =	wrdreg $0xFFFFFFFF  }
0xad: {  	s28 =	simm.s32 $_size_execute0_lowered;
	s3 =	sadd.s32 s3, s5;
	[dreg:$0x0] =	wrdreg $0x0  }
0xae: {  	s5 =	sshll.u32 s28, $0x1;
	[dreg:$0x2] =	wrdreg s3  }
0xaf: {  	[dreg:$0x3] =	wrdreg s5  }
0xb0: {  	[dreg:$0x4] =	wrdreg $0xC0  }
0xb1: {  	_ =	task [dreg:s7], $0x5FFFF  }
0xb2: {  	[dreg:$0x1] =	wrdreg $0xFFFFFFFF  }
0xb3: {  	[dreg:$0x0] =	wrdreg $0x60  }
0xb4: {  	[dreg:$0x2] =	wrdreg s24  }
0xb5: {  	[dreg:$0x3] =	wrdreg s16  }
0xb6: {  	[dreg:$0x4] =	wrdreg $0x9  }
0xb7: {  	_ =	task.clear_ibuf [dreg:s7], $0x5FFFF;
	_ =	strace $0x90000052  }
0xb8: {  	s29 =	simm.s32 $0x9;
	_ =	strace $0x80000054  }
0xb9: {  	_ =	swait.ge [sflag:s29], $0x1  }
0xba: {  	[sflag:s29] =	ssyncadd.s32 $0xFFFFFFFF  }
0xbb: {  	_ =	strace $0x90000054  }
0xbc: {  	_ =	sfence  }
0xbd: {  	s30 =	sld [smem:$0x0];
	_ =	sdelay $0x2  }
0xbe: {  	s31 =	sshll.u32 s1, $0xD;
	s1 =	sshrl.u32 s1, $0x2  }
0xbf: {  	s3 =	sand.u32 $0x4000, s31;
	s1 =	sadd.s32 s1, s30  }
0xc0: {  	s0 =	sor.u32 s3, s0;
	s1 =	sshll.u32 s1, $0x11  }
0xc1: {  	s0 =	sor.u32 s1, s0  }
0xc2: {  	s0 =	sadd.s32 $0x8F2B, s0  }
0xc3: {  	[sflag:s0] =	ssyncadd.remote.s32 $0x1  }
0xc4: {  	_ =	sfence.sel $0xFFFF  }
0xc5: {  	[dreg:$0x0] =	wrdreg $0xFFFFFFFF;
	(pc) =	sbr.abs _section_cstart, $3  }
0xc6: {  	[dreg:$0x1] =	wrdreg $0xFFFFFFFF  }
0xc7: {  	_ =	task.clear_ibuf [dreg:s7], $0x2FFFF;
	_ =	strace $0x9FFFFFFF  }
0xc8: {  	(tm) =	ssettm $0x7FFFFFFF  }
0xc9: {  	_ =	shalt  }
tec
execute0_lowered:
.L_overlay_start_1:
0x0: {  	(tag) =	ssettag $0x1  }
0x1: {  	s3 =	rddreg [dreg:$0x0]  }
0x2: {  	s4 =	rddreg [dreg:$0x1]  }
0x3: {  	s1 =	stileid.u32;
	s0 =	rddreg [dreg:$0x2]  }
0x4: {  	s2 =	srdreg.scid;
	s10 =	simm.s32 $0x4000;
	s11 =	simm.s32 $0x5880  }
0x5: {  	s12 =	simm.s32 $0x0;
	s5 =	sshll.u32 s1, $0x1;
	s6 =	sshrl.u32 s1, $0x1  }
0x6: {  	s7 =	sand.u32 $0x1, s2;
	s2 =	simm.s32 $0x0;
	s5 =	sand.u32 $0x2, s5  }
0x7: {  	s6 =	smul.u32 $0x1870, s6;
	[smem:$0x7FF] =	sst s2;
	s5 =	sor.u32 s7, s5  }
0x8: {  	_ =	strace $0x80000053;
	s7 =	ssub.s32 $0x2, s7;
	s8 =	smul.u32 $0xC380, s5  }
0x9: {  	s9 =	sshrl.u32 s6, $0x3;
	s5 =	smul.u32 $0x4E2, s5;
	s31 =	sshrl.u32 s7, $0x1  }
0xa: {  	s30 =	sadd.s32 s9, s3;
	s7 =	ssub.s32 s7, s31;
	s6 =	sadd.s32 s6, s8  }
0xb: {  	s9 =	simm.s32 $0x2780;
	s7 =	smax.u32 s7, $0x1;
	s6 =	sshrl.u32 s6, $0x3  }
0xc: {  	s8 =	simm.s32 $0x1;
	s6 =	sadd.s32 s6, s3;
	s3 =	sadd.s32 s4, s5  }
0xd: {  	s4 =	sadd.s32 $0xA000, s30;
	s5 =	sadd.s32 $0x61E00, s6;
	s6 =	sadd.s32 $0x32200, s6  }
.LBB2_1:
0xe: {  	[tilespmem:s2], [sflag:$0x1] =	stream.linear.gather [hbm4b:s3+s2], $0x2710, $0x38;
	[tilespmem:$0x7100] =	vst v63  }
0xf: {  	_ =	swait.ge [sflag:s8], $0x2710  }
0x10: {  	[sflag:s8] =	ssyncset.done $0x0  }
0x11: {  	[sflag:s8] =	ssyncadd.s32 $0xFFFFD8F0  }
0x12: {  	[tilespmem:s9], [sflag:$0x1] =	stream.linear.gather [hbm4b:s4+s2], $0x1870, $0x38;
	[tilespmem:$0x7100] =	vst v63  }
0x13: {  	_ =	swait.ge [sflag:s8], $0x1870  }
0x14: {  	[sflag:s8] =	ssyncset.done $0x0  }
0x15: {  	[sflag:s8] =	ssyncadd.s32 $0xFFFFE790  }
0x16: {  	[tilespmem:s10], [sflag:$0x1] =	stream.linear.gather [hbm4b:s5+s2], $0x1870, $0x38;
	[tilespmem:$0x7100] =	vst v63  }
0x17: {  	_ =	swait.ge [sflag:s8], $0x1870  }
0x18: {  	[sflag:s8] =	ssyncset.done $0x0  }
0x19: {  	s13 =	simm.s32 $0x27C0;
	[sflag:s8] =	ssyncadd.s32 $0xFFFFE790  }
0x1a: {  	v0 =	vld [tilespmem:s13+$0x30]  }
0x1b: {  	v1 =	vld [tilespmem:s13+$0xFFFFFFD0]  }
0x1c: {  	v2 =	vld [tilespmem:s13+$0xFFFFFFE0]  }
0x1d: {  	v3 =	vld [tilespmem:s13+$0xFFFFFFF0]  }
0x1e: {  	v4 =	vld [tilespmem:s13+$0x0]  }
0x1f: {  	v5 =	vld [tilespmem:s13+$0x10]  }
0x20: {  	v6 =	vld [tilespmem:s13+$0x20]  }
0x21: {  	s14 =	simm.s32 $0x4040;
	v7 =	vld [tilespmem:s13+$0xFFFFFFC0]  }
0x22: {  	v8 =	vld [tilespmem:s14+$0x30]  }
0x23: {  	v9 =	vld [tilespmem:s14+$0xFFFFFFC0]  }
0x24: {  	s31 =	simm.s32 $0x2840;
	v10 =	vld [tilespmem:s14+$0xFFFFFFD0]  }
0x25: {  	v11 =	vld [tilespmem:s31+$0x30]  }
0x26: {  	v12 =	vld [tilespmem:s31+$0xFFFFFFD0]  }
0x27: {  	v13 =	vld [tilespmem:s31+$0xFFFFFFE0]  }
0x28: {  	v0 =	vld.idx.msk [tilespmem:v0+s2+$0x0], $0xffff  }
0x29: {  	v1 =	vld.idx.msk [tilespmem:v1+s2+$0x0], $0xffff  }
0x2a: {  	v2 =	vld.idx.msk [tilespmem:v2+s2+$0x0], $0xffff  }
0x2b: {  	v3 =	vld.idx.msk [tilespmem:v3+s2+$0x0], $0xffff  }
0x2c: {  	v4 =	vld.idx.msk [tilespmem:v4+s2+$0x0], $0xffff  }
0x2d: {  	v5 =	vld.idx.msk [tilespmem:v5+s2+$0x0], $0xffff  }
0x2e: {  	v6 =	vld.idx.msk [tilespmem:v6+s2+$0x0], $0xffff;
	v0 =	vadd.f32 $9.999999710e-10, v0  }
0x2f: {  	v7 =	vld.idx.msk [tilespmem:v7+s2+$0x0], $0xffff;
	v1 =	vadd.f32 $9.999999710e-10, v1  }
0x30: {  	v2 =	vadd.f32 $9.999999710e-10, v2;
	(erf) = vrcp.f32 v0;
	v0 =	vld [tilespmem:s31+$0xFFFFFFF0]  }
0x31: {  	v3 =	vadd.f32 $9.999999710e-10, v3;
	(erf) = vrcp.f32 v1;
	v1 =	vld [tilespmem:s31+$0x0]  }
0x32: {  	v4 =	vadd.f32 $9.999999710e-10, v4;
	(erf) = vrcp.f32 v2;
	v2 =	vld [tilespmem:s31+$0x10]  }
0x33: {  	v5 =	vadd.f32 $9.999999710e-10, v5;
	(erf) = vrcp.f32 v3;
	v3 =	vld [tilespmem:s31+$0x20]  }
0x34: {  	v6 =	vadd.f32 $9.999999710e-10, v6;
	(erf) = vrcp.f32 v4;
	v4 =	vld [tilespmem:s31+$0xFFFFFFC0]  }
0x35: {  	v7 =	vadd.f32 $9.999999710e-10, v7;
	(erf) = vrcp.f32 v5;
	v5 =	vld.idx.msk [tilespmem:v11+s2+$0x0], $0xffff  }
0x36: {  	(erf) = vrcp.f32 v6;
	v6 =	vld.idx.msk [tilespmem:v12+s2+$0x0], $0xffff  }
0x37: {  	(erf) = vrcp.f32 v7;
	v7 =	vld.idx.msk [tilespmem:v13+s2+$0x0], $0xffff  }
0x38: {  	v0 =	vld.idx.msk [tilespmem:v0+s2+$0x0], $0xffff  }
0x39: {  	v11 =	vpop (erf);
	v61 =	vld.idx.msk [tilespmem:v1+s2+$0x0], $0xffff  }
0x3a: {  	v62 =	vpop (erf);
	v2 =	vld.idx.msk [tilespmem:v2+s2+$0x0], $0xffff;
	v1 =	vadd.f32 $9.999999710e-10, v5  }
0x3b: {  	v14 =	vpop (erf);
	v3 =	vld.idx.msk [tilespmem:v3+s2+$0x0], $0xffff  }
0x3c: {  	v15 =	vpop (erf);
	v5 =	vld.idx.msk [tilespmem:v4+s2+$0x0], $0xffff;
	v4 =	vadd.f32 $9.999999710e-10, v6  }
0x3d: {  	v6 =	vadd.f32 $9.999999710e-10, v7;
	(erf) = vrcp.f32 v1;
	v7 =	vld [tilespmem:s14+$0xFFFFFFE0];
	v16 =	vpop (erf)  }
0x3e: {  	v18 =	vld [tilespmem:s14+$0xFFFFFFF0];
	v17 =	vadd.f32 $9.999999710e-10, v0;
	v1 =	vpop (erf);
	(erf) = vrcp.f32 v4  }
0x3f: {  	v63 =	vld [tilespmem:s14+$0x0];
	v8 =	vmul.f32 v11, v8;
	v11 =	vadd.f32 $9.999999710e-10, v61;
	v0 =	vpop (erf);
	(erf) = vrcp.f32 v6  }
0x40: {  	s13 =	simm.s32 $0x58C0;
	v4 =	vld [tilespmem:s14+$0x10];
	v6 =	vmul.f32 v62, v10;
	v2 =	vadd.f32 $9.999999710e-10, v2;
	v10 =	vpop (erf);
	(erf) = vrcp.f32 v17  }
0x41: {  	[tilespmem:s13+$0x30] =	vst v8;
	v8 =	vmul.f32 v10, v9;
	v9 =	vadd.f32 $9.999999710e-10, v3;
	(erf) = vrcp.f32 v11;
	v3 =	vld [tilespmem:s14+$0x20];
	s14 =	simm.s32 $0x40C0  }
0x42: {  	[tilespmem:s13+$0xFFFFFFD0] =	vst v6;
	v10 =	vadd.f32 $9.999999710e-10, v5;
	v11 =	vmul.f32 v14, v7;
	v5 =	vld [tilespmem:s14+$0x30];
	(erf) = vrcp.f32 v2  }
0x43: {  	v7 =	vmul.f32 v15, v18;
	v2 =	vld [tilespmem:s14+$0xFFFFFFC0];
	[tilespmem:s13+$0xFFFFFFC0] =	vst v8;
	(erf) = vrcp.f32 v9  }
0x44: {  	s16 =	simm.s32 $0x8;
	s17 =	simm.s32 $0x28C0;
	v6 =	vld [tilespmem:s14+$0xFFFFFFD0];
	[tilespmem:s13+$0xFFFFFFE0] =	vst v11;
	v8 =	vmul.f32 v16, v63;
	(erf) = vrcp.f32 v10  }
.LBB2_2:
0x45: {  	v9 =	vld [tilespmem:s17+$0x30];
	s16 =	sadd.s32 $0x8, s16;
	[tilespmem:s13+$0xFFFFFFF0] =	vst v7;
	v1 =	vmul.f32 v1, v4  }
0x46: {  	v4 =	vld [tilespmem:s17+$0xFFFFFFD0];
	p0 =	slt.u32 s16, $0x178;
	v7 =	vpop (erf);
	[tilespmem:s13+$0x0] =	vst v8;
	v0 =	vmul.f32 v0, v3  }
0x47: {  	v3 =	vld [tilespmem:s17+$0xFFFFFFE0];
	v5 =	vmul.f32 v7, v5;
	v7 =	vpop (erf);
	[tilespmem:s13+$0x10] =	vst v1  }
0x48: {  	v8 =	vld [tilespmem:s17+$0xFFFFFFF0];
	v10 =	vpop (erf);
	[tilespmem:s13+$0x20] =	vst v0;
	s13 =	sadd.s32 $0x80, s13  }
0x49: {  	v11 =	vld [tilespmem:s17+$0x0];
	v14 =	vmul.f32 v7, v6;
	[tilespmem:s13+$0x30] =	vst v5;
	v6 =	vpop (erf)  }
0x4a: {  	v5 =	vld [tilespmem:s17+$0x10];
	v12 =	vpop (erf)  }
0x4b: {  	v7 =	vld [tilespmem:s17+$0x20];
	[tilespmem:s13+$0xFFFFFFD0] =	vst v14;
	v1 =	vpop (erf)  }
0x4c: {  	s15 =	simm.s32 $0x0;
	v13 =	vld [tilespmem:s17+$0xFFFFFFC0];
	v0 =	vpop (erf)  }
0x4d: {  	v9 =	vld.idx.msk [tilespmem:v9+s15+$0x0], $0xffff;
	v14 =	vpop (erf)  }
0x4e: {  	v4 =	vld.idx.msk [tilespmem:v4+s15+$0x0], $0xffff;
	v2 =	vmul.f32 v14, v2  }
0x4f: {  	v3 =	vld.idx.msk [tilespmem:v3+s15+$0x0], $0xffff  }
0x50: {  	v8 =	vld.idx.msk [tilespmem:v8+s15+$0x0], $0xffff;
	[tilespmem:s13+$0xFFFFFFC0] =	vst v2  }
0x51: {  	v2 =	vld.idx.msk [tilespmem:v11+s15+$0x0], $0xffff  }
0x52: {  	v5 =	vld.idx.msk [tilespmem:v5+s15+$0x0], $0xffff  }
0x53: {  	v9 =	vadd.f32 $9.999999710e-10, v9;
	v7 =	vld.idx.msk [tilespmem:v7+s15+$0x0], $0xffff  }
0x54: {  	v4 =	vadd.f32 $9.999999710e-10, v4;
	v11 =	vld.idx.msk [tilespmem:v13+s15+$0x0], $0xffff  }
0x55: {  	v3 =	vadd.f32 $9.999999710e-10, v3;
	(erf) = vrcp.f32 v9;
	v9 =	vld [tilespmem:s14+$0xFFFFFFE0]  }
0x56: {  	v8 =	vadd.f32 $9.999999710e-10, v8;
	(erf) = vrcp.f32 v4;
	v13 =	vld [tilespmem:s14+$0xFFFFFFF0]  }
0x57: {  	v2 =	vadd.f32 $9.999999710e-10, v2;
	(erf) = vrcp.f32 v3;
	v14 =	vld [tilespmem:s14+$0x0]  }
.Ltmp0:
0x58: {  	v15 =	vadd.f32 $9.999999710e-10, v5;
	(erf) = vrcp.f32 v8;
	v4 =	vld [tilespmem:s14+$0x10];
	(pc) =	sbr.rel @p0 .LBB2_2-.Ltmp0, $4  }
0x59: {  	v7 =	vadd.f32 $9.999999710e-10, v7;
	(erf) = vrcp.f32 v2;
	v3 =	vld [tilespmem:s14+$0x20];
	s14 =	sadd.s32 $0x80, s14  }
0x5a: {  	v8 =	vadd.f32 $9.999999710e-10, v11;
	v5 =	vld [tilespmem:s14+$0x30];
	(erf) = vrcp.f32 v15;
	v9 =	vmul.f32 v10, v9  }
0x5b: {  	v2 =	vld [tilespmem:s14+$0xFFFFFFC0];
	(erf) = vrcp.f32 v7;
	v7 =	vmul.f32 v6, v13  }
0x5c: {  	s17 =	sadd.s32 $0x80, s17;
	v6 =	vld [tilespmem:s14+$0xFFFFFFD0];
	(erf) = vrcp.f32 v8;
	[tilespmem:s13+$0xFFFFFFE0] =	vst v9;
	v8 =	vmul.f32 v12, v14  }
0x5d: {  	v50 =	vld [tilespmem:s14+$0xFFFFFFE0]  }
0x5e: {  	[tilespmem:s13+$0xFFFFFFF0] =	vst v7;
	v1 =	vmul.f32 v1, v4;
	v52 =	vld [tilespmem:s14+$0xFFFFFFF0]  }
0x5f: {  	v54 =	vld [tilespmem:s14+$0x0];
	v9 =	vpop (erf);
	[tilespmem:s13+$0x0] =	vst v8;
	v0 =	vmul.f32 v0, v3  }
0x60: {  	v57 =	vld [tilespmem:s14+$0x10];
	v10 =	vpop (erf);
	v5 =	vmul.f32 v9, v5;
	[tilespmem:s13+$0x10] =	vst v1  }
0x61: {  	s31 =	sadd.s32 $0x80, s13;
	v58 =	vld [tilespmem:s14+$0x20];
	v11 =	vpop (erf);
	[tilespmem:s13+$0x20] =	vst v0;
	v55 =	vmul.f32 v10, v6  }
0x62: {  	v12 =	vpop (erf);
	[tilespmem:s31+$0x30] =	vst v5;
	v59 =	vmul.f32 v11, v50  }
0x63: {  	v49 =	vpop (erf);
	v60 =	vmul.f32 v12, v52;
	[tilespmem:s31+$0xFFFFFFD0] =	vst v55  }
0x64: {  	v51 =	vpop (erf);
	v61 =	vmul.f32 v49, v54;
	[tilespmem:s31+$0xFFFFFFE0] =	vst v59  }
0x65: {  	v53 =	vpop (erf);
	[tilespmem:s31+$0xFFFFFFF0] =	vst v60;
	v62 =	vmul.f32 v51, v57  }
0x66: {  	v56 =	vpop (erf);
	[tilespmem:s31+$0x0] =	vst v61;
	v63 =	vmul.f32 v53, v58  }
0x67: {  	v2 =	vmul.f32 v56, v2;
	[tilespmem:s31+$0x10] =	vst v62  }
0x68: {  	[tilespmem:s31+$0x20] =	vst v63  }
0x69: {  	[tilespmem:s31+$0xFFFFFFC0] =	vst v2  }
.LBB2_4:
0x6a: {  	s13 =	sshra.s32 s15, $0x2  }
0x6b: {  	v0 =	vld [tilespmem:s13+$0x3F80];
	_ =	sdelay $0x7  }
0x6c: {  	v0 =	vld.idx.msk [tilespmem:v0+s2+$0x0], $0xffff;
	_ =	sdelay $0x4  }
0x6d: {  	v0 =	vadd.f32 $9.999999710e-10, v0;
	_ =	sdelay $0x1  }
0x6e: {  	(erf) = vrcp.f32 v0;
	_ =	sdelay $0x4  }
0x6f: {  	v63 =	vld [tilespmem:s13+$0x5800];
	_ =	sdelay $0x1  }
0x70: {  	p0 =	sne.s32 s15, $0x180  }
.Ltmp1:
0x71: {  	_ = 	snop;
	(pc) =	sbr.rel @p0 .LBB2_4-.Ltmp1, $3  }
0x72: {  	v1 =	vpop (erf)  }
0x73: {  	v0 =	vmul.f32 v1, v63;
	_ =	sdelay $0x1  }
0x74: {  	s15 =	sadd.s32 $0x40, s15;
	[tilespmem:s13+$0x7080] =	vst v0  }
0x75: {  	s12 =	sadd.s32 $0x1, s12  }
0x76: {  	p0 =	sne.s32 s12, s7  }
.Ltmp2:
0x77: {  	_ = 	snop;
	(pc) =	sbr.rel @p0 .LBB2_1-.Ltmp2, $4  }
0x78: {  	[hbm4b:s6+s2] =	stream.linear.scatter [tilespmem:s11], [sflag:$0x1], $0x1870, $0x38;
	[tilespmem:$0x7100] =	vst v63  }
0x79: {  	_ =	swait.ge [sflag:s8], $0x1870  }
0x7a: {  	[sflag:s8] =	ssyncset.done $0x0  }
0x7b: {  	[sflag:s8] =	ssyncadd.s32 $0xFFFFE790  }
0x7c: {  	_ =	sfence.sel $0x180000  }
0x7d: {  	[bflag:$0x0] =	sbarrier.arrive $0xFFFF  }
0x7e: {  	p0 =	sne.s32 s1, $0x0;
	_ =	strace $0x90000053  }
0x7f: {  	s0 =	sadd.s32 @!p0 $0x100000, s0;
	[bflag:$0x2] =	sbarrier.arrive $0xFFFF  }
0x80: {  	[sflag:s0] =	ssyncadd.tile.s32 @!p0 $0x1;
	_ =	shalt  }
.Lfunc_end2:
_tile_overlayer_lowered:
.L_overlay_start_2:
0x81: {  	(tag) =	ssettag $0x2  }
0x82: {  	s0 =	rddreg [dreg:$0x0];
	s2 =	stileid.u32  }
0x83: {  	s1 =	rddreg [dreg:$0x1];
	p0 =	sne.s32 s2, $0x0  }
0x84: {  	s3 =	rddreg [dreg:$0x2];
	[bflag:$0x3] =	sbarrier.arrive $0xFFFF;
	s2 =	simm.s32 @!p0 $0x1C01  }
0x85: {  	[timem:s3], [sflag:s2] =	dma.local @!p0 [hbm:s0], s1  }
0x86: {  	s0 =	simm.s32 @!p0 $0x1  }
0x87: {  	_ =	swait.ge @!p0 [sflag:s0], s1  }
0x88: {  	s1 =	ssub.s32 @!p0 $0x0, s1;
	[sflag:s0] =	ssyncset.done @!p0 $0x0  }
0x89: {  	[sflag:s0] =	ssyncadd.s32 @!p0 s1  }
0x8a: {  	[bflag:$0x3] =	sbarrier.arrive $0xFFFF  }
0x8b: {  	_ =	shalt  }

</sc_bundles>
